<compile_context>
chip_gen: v7x
topology: tpu7x:2x2x1
jax: 0.10.2.dev20260603
libtpu: 0.0.44.dev20260713+nightly
codegen_flags: <defaults>
</compile_context>

<pallas_src>
import jax
import jax.numpy as jnp
from jax import lax
from jax.experimental import pallas as pl
from jax.experimental.pallas import tpu as pltpu
from jax.experimental.pallas import tpu_sc as plsc

B, T, D, E = 32, 4096, 768, 64
K = 64
KEV = 32
NV = T // 16
SIGN = -2**31
BB = 4


def _unrolled_fori(n, unroll, body, carry):
    def outer(o, c):
        for u in range(unroll):
            c = body(o * unroll + u, c)
        return c
    return lax.fori_loop(0, n // unroll, outer, carry)


def _sc_body(ev_hbm, seq_hbm, tt_hbm,
             times_hbm, gseq_hbm, gte_hbm,
             raw_v, keys_v, comp_v, chosen_v, idxf_v,
             row_seq, row_te, sem1, sem2, sem3):
    w = lax.axis_index("s") * 2 + lax.axis_index("c")

    pltpu.sync_copy(ev_hbm.at[w], raw_v)

    def kt_body(i, car):
        m1, m2 = car
        v = raw_v[pl.ds(i * 16, 16)]
        bits = lax.bitcast_convert_type(v, jnp.int32)
        ks = jnp.where(bits >= 0, bits, bits ^ jnp.int32(0x7FFFFFFF))
        keys_v[pl.ds(i * 16, 16)] = ks
        return jnp.maximum(m1, ks), jnp.maximum(m2, jnp.minimum(m1, ks))

    sentinel = jnp.full((16,), SIGN, jnp.int32)
    m1, m2 = _unrolled_fori(NV, 16, kt_body, (sentinel, sentinel))
    thr_lb = jnp.min(m2)

    def cp_body(i, selc):
        ks = keys_v[pl.ds(i * 16, 16)]
        m = ks >= thr_lb
        mi = m.astype(jnp.int32)
        rank = selc + plsc.cumsum(mi) - mi
        plsc.store_scatter(comp_v, [rank], ks, mask=m)
        return selc + plsc.all_reduce_population_count(m)

    selc = _unrolled_fori(NV, 8, cp_body, jnp.zeros((16,), jnp.int32))
    csize = jnp.max(selc)
    nv2 = (csize + 15) // 16

    def count_subset(pred):
        def cnt(i, acc):
            ks = comp_v[pl.ds(i * 16, 16)]
            lanes_ok = (lax.iota(jnp.int32, 16) + i * 16) < csize
            return acc + (pred(ks) & lanes_ok).astype(jnp.int32)
        return jnp.sum(lax.fori_loop(0, nv2, cnt, jnp.zeros((16,), jnp.int32)))

    def bit_body(bi, prefix_b):
        cand_b = prefix_b | (jnp.int32(1) << (31 - bi))
        cand_s = cand_b ^ SIGN
        cnt = count_subset(lambda ks: ks >= cand_s)
        return jnp.where(cnt >= KEV, cand_b, prefix_b)

    prefix_b = lax.fori_loop(0, 32, bit_body, jnp.int32(0))
    thr = prefix_b ^ SIGN
    cnt_gt = count_subset(lambda ks: ks > thr)
    need = KEV - cnt_gt

    def fin_body(i, carries):
        selc, eqc = carries
        ks = keys_v[pl.ds(i * 16, 16)]
        t = lax.iota(jnp.int32, 16) + i * 16
        eq = ks == thr
        eqi = eq.astype(jnp.int32)
        eq_rank = eqc + plsc.cumsum(eqi) - eqi
        sel = (ks > thr) | (eq & (eq_rank < need))
        m = sel | (lax.rem(t, 65) == 0)
        mi = m.astype(jnp.int32)
        rank = selc + plsc.cumsum(mi) - mi
        plsc.store_scatter(chosen_v, [rank], t, mask=m & (rank < K))
        return (selc + plsc.all_reduce_population_count(m),
                eqc + plsc.all_reduce_population_count(eq))

    z16 = jnp.zeros((16,), jnp.int32)
    _unrolled_fori(NV, 8, fin_body, (z16, z16))

    pltpu.sync_copy(chosen_v, times_hbm.at[pl.ds(w * K, K)])
    for j in range(K // 16):
        idxf_v[pl.ds(j * 16, 16)] = chosen_v[pl.ds(j * 16, 16)] + w * T

    a_seq = pltpu.async_copy(seq_hbm.at[idxf_v], row_seq, sem1)
    a_tt = pltpu.async_copy(tt_hbm.at[chosen_v], row_te, sem2)
    a_seq.wait()
    w_seq = pltpu.async_copy(row_seq, gseq_hbm.at[w], sem3)
    a_tt.wait()
    w_te = pltpu.async_copy(row_te, gte_hbm.at[w], sem1)
    w_seq.wait()
    w_te.wait()


def _sc_select_gather(event_scores, seq2, time_table):
    return pl.kernel(
        _sc_body,
        out_type=(
            jax.ShapeDtypeStruct((B * K,), jnp.int32),
            jax.ShapeDtypeStruct((B, K, D), jnp.float32),
            jax.ShapeDtypeStruct((B, K, D), jnp.float32),
        ),
        mesh=plsc.VectorSubcoreMesh(core_axis_name="c", subcore_axis_name="s",
                                    num_cores=2, num_subcores=16),
        compiler_params=pltpu.CompilerParams(needs_layout_passes=False),
        scratch_types=[
            pltpu.VMEM((T,), jnp.float32),
            pltpu.VMEM((T,), jnp.int32),
            pltpu.VMEM((T,), jnp.int32),
            pltpu.VMEM((K,), jnp.int32),
            pltpu.VMEM((K,), jnp.int32),
            pltpu.VMEM((K, D), jnp.float32),
            pltpu.VMEM((K, D), jnp.float32),
            pltpu.SemaphoreType.DMA,
            pltpu.SemaphoreType.DMA,
            pltpu.SemaphoreType.DMA,
        ],
    )(event_scores, seq2, time_table)


def _tc_body(times_ref, gseq_ref, hl_ref, gte_ref, wt_ref, b_ref,
             out_ref, hold_ref, hl_scr):
    g = pl.program_id(0)
    for j in range(BB):
        for r in range(K):
            idx = times_ref[g * BB * K + j * K + r]
            hl_scr[pl.ds(j * K + r, 1), :] = hl_ref[j, pl.ds(idx, 1), :]
    hl = hl_scr[...]
    hold_ref[...] = hl.reshape(BB, K, E)
    mx = jnp.max(hl, axis=-1, keepdims=True)
    ex = jnp.exp(hl - mx)
    sm = ex / jnp.sum(ex, axis=-1, keepdims=True)
    x = gseq_ref[...].reshape(BB * K, D)
    acc = jnp.dot(x, wt_ref[:D], preferred_element_type=jnp.float32)
    acc = acc + jnp.dot(sm, wt_ref[D:], preferred_element_type=jnp.float32)
    acc = acc + b_ref[...] + gte_ref[...].reshape(BB * K, D)
    out_ref[...] = acc.reshape(BB, K, D)


def _tc_project(times1, gseq, hl, gte, WT, b2):
    return pl.pallas_call(
        _tc_body,
        grid=(B // BB,),
        in_specs=[
            pl.BlockSpec(memory_space=pltpu.SMEM),
            pl.BlockSpec((BB, K, D), lambda b: (b, 0, 0)),
            pl.BlockSpec((BB, T, E), lambda b: (b, 0, 0)),
            pl.BlockSpec((BB, K, D), lambda b: (b, 0, 0)),
            pl.BlockSpec((D + E, D), lambda b: (0, 0)),
            pl.BlockSpec((1, D), lambda b: (0, 0)),
        ],
        out_specs=(
            pl.BlockSpec((BB, K, D), lambda b: (b, 0, 0)),
            pl.BlockSpec((BB, K, E), lambda b: (b, 0, 0)),
        ),
        out_shape=(
            jax.ShapeDtypeStruct((B, K, D), jnp.float32),
            jax.ShapeDtypeStruct((B, K, E), jnp.float32),
        ),
        scratch_shapes=[pltpu.VMEM((BB * K, E), jnp.float32)],
    )(times1, gseq, hl, gte, WT, b2)


def kernel(sequence, holder_logits, event_scores, W, b_lin, time_table):
    seq2 = sequence.reshape(B * T, D)
    times1, gseq, gte = _sc_select_gather(event_scores, seq2, time_table)
    entries, holders = _tc_project(times1, gseq, holder_logits, gte, W.T,
                                   b_lin.reshape(1, D))
    mask = jnp.ones((B, K), jnp.bool_)
    return entries, mask, times1.reshape(B, K), holders

# --- scband reference (transcript-rebuilt; emitter-appended) ---
"""Pipeline reference for scband-state-checkpoint-bank-369367187862 (READ-ONLY COPY).

The authoritative reference and input builder live on the scoring server;
editing this copy changes nothing except your own understanding.
"""

import jax, jax.numpy as jnp
import numpy as np

B, T, D, E = 32, 4096, 768, 64
K_CKPT = 64
MAX_TIME = 4096


def setup_inputs(seed: int = 0) -> dict:
    key = jax.random.key(seed)
    ks = jax.random.split(key, 6)
    sequence = jax.random.normal(ks[0], (B, T, D), dtype=jnp.float32)
    holder_logits = jax.random.normal(ks[1], (B, T, E), dtype=jnp.float32)
    event_scores = jax.random.normal(ks[2], (B, T), dtype=jnp.float32)
    # entry_proj: Linear(d_model + n_entities -> d_model), torch weight layout [out, in]
    W = jax.random.normal(ks[3], (D, D + E), dtype=jnp.float32) * (1.0 / np.sqrt(D + E))
    b_lin = jax.random.normal(ks[4], (D,), dtype=jnp.float32) * 0.01
    # time_embed: Embedding(max_time_embeddings, d_model)
    time_table = jax.random.normal(ks[5], (MAX_TIME, D), dtype=jnp.float32) * 0.02
    return {"sequence": sequence, "holder_logits": holder_logits,
            "event_scores": event_scores, "W": W, "b_lin": b_lin,
            "time_table": time_table}


def _checkpoint_one(seq_b, hl_b, ev_b, W, b_lin, time_table):
    # K = min(n_checkpoints, max(1, T))
    K = min(K_CKPT, max(1, T))
    k_ev = min(max(1, K // 2), T)
    # uniform fallback indices: linspace(0, T-1, K).long()
    uniform_idx = jnp.linspace(0.0, float(max(T - 1, 0)), K).astype(jnp.int32)
    # top-k event indices (largest scores, sorted by score like torch.topk)
    _, ev_idx = jax.lax.top_k(ev_b, k_ev)
    cat = jnp.concatenate([ev_idx.astype(jnp.int32), uniform_idx])
    L = cat.shape[0]
    # emulate torch.unique(sorted=True) with fixed shapes
    s = jnp.sort(cat)
    is_new = jnp.concatenate([jnp.ones((1,), dtype=bool), s[1:] != s[:-1]])
    num_unique = jnp.sum(is_new.astype(jnp.int32))
    rank = jnp.cumsum(is_new.astype(jnp.int32)) - 1
    # compact sorted-unique values to the front (duplicates overwrite same slot with same value)
    compact = jnp.zeros((L,), jnp.int32).at[rank].set(s)
    chosen = compact[:K]  # chosen[:K] truncation from torch code
    n = jnp.minimum(num_unique, K)
    pos = jnp.arange(K)
    valid = pos < n
    # raw = cat([state_seq[b, chosen], softmax(holder_logits[b, chosen])], -1)
    sm = jax.nn.softmax(hl_b[chosen], axis=-1)
    raw = jnp.concatenate([seq_b[chosen], sm], axis=-1)
    te = time_table[jnp.clip(chosen, 0, MAX_TIME - 1)]
    cur = raw @ W.T + b_lin + te
    entries = jnp.where(valid[:, None], cur, 0.0)
    holders = jnp.where(valid[:, None], hl_b[chosen], 0.0)
    times = jnp.where(valid, chosen, 0).astype(jnp.int32)
    return entries, valid, times, holders


def reference(sequence, holder_logits, event_scores, W, b_lin, time_table):
    f = jax.vmap(_checkpoint_one, in_axes=(0, 0, 0, None, None, None))
    entries, mask, times, holders = f(sequence, holder_logits, event_scores, W, b_lin, time_table)
    return entries, mask, times, holders

if __name__ == "__main__":
    import jax
    _d = setup_inputs()
    print(jax.jit(kernel)(*tuple(_d.values())))

</pallas_src>

<mosaic_0001>
#map = affine_map<(d0, d1) -> (0, 0)>
#map1 = affine_map<(d0, d1) -> (0)>
#map2 = affine_map<(d0, d1) -> (0, 0, 0)>
module attributes {stable_mosaic.version = 14 : i64} {
  func.func @_sc_body(%arg0: i32, %arg1: i32, %arg2: memref<32x4096xf32, #tpu.memory_space<hbm>>, %arg3: memref<131072x768xf32, #tpu.memory_space<hbm>>, %arg4: memref<4096x768xf32, #tpu.memory_space<hbm>>, %arg5: memref<2048xi32, #tpu.memory_space<hbm>>, %arg6: memref<32x64x768xf32, #tpu.memory_space<hbm>>, %arg7: memref<32x64x768xf32, #tpu.memory_space<hbm>>, %arg8: memref<4096xf32, #tpu.memory_space<vmem>>, %arg9: memref<4096xi32, #tpu.memory_space<vmem>>, %arg10: memref<4096xi32, #tpu.memory_space<vmem>>, %arg11: memref<64xi32, #tpu.memory_space<vmem>>, %arg12: memref<64xi32, #tpu.memory_space<vmem>>, %arg13: memref<64x768xf32, #tpu.memory_space<vmem>>, %arg14: memref<64x768xf32, #tpu.memory_space<vmem>>, %arg15: memref<!tpu.dma_semaphore, #tpu.memory_space<semaphore_mem>>, %arg16: memref<!tpu.dma_semaphore, #tpu.memory_space<semaphore_mem>>, %arg17: memref<!tpu.dma_semaphore, #tpu.memory_space<semaphore_mem>>) attributes {dimension_semantics = [#tpu.dimension_semantics<core_parallel>, #tpu.dimension_semantics<subcore_parallel>], iteration_bounds = array<i64: 2, 16>, scalar_prefetch = 0 : i64, scratch_operands = 10 : i64, tpu.core_type = #tpu.core_type<sc_vector_subcore>, window_params = [{transform_indices = #map}, {transform_indices = #map}, {transform_indices = #map}, {transform_indices = #map1}, {transform_indices = #map2}, {transform_indices = #map2}]} {
    %mul3A = arith.constant 2 : i32
    %mul3A_0 = arith.muli %arg1, %mul3A : i32
    %add3A = arith.addi %mul3A_0, %arg0 : i32
    "tpu.region"() ({
      %run_scoped3A = tpu.sem_alloc : memref<!tpu.dma_semaphore, #tpu.memory_space<semaphore_mem>>
      %dma_start3A_154 = arith.constant 0 : i32
      %dma_start3A_155 = tpu.memref_slice %arg2[%add3A, %dma_start3A_154] : memref<32x4096xf32, #tpu.memory_space<hbm>> -> memref<1x4096xf32, #tpu.memory_space<hbm>>
      %dma_start3A_156 = tpu.memref_squeeze %dma_start3A_155 : memref<1x4096xf32, #tpu.memory_space<hbm>> -> memref<4096xf32, #tpu.memory_space<hbm>>
      %dma_start3A_157 = arith.constant 0 : i32
      %dma_start3A_158 = tpu.memref_slice %arg2[%add3A, %dma_start3A_157] : memref<32x4096xf32, #tpu.memory_space<hbm>> -> memref<1x4096xf32, #tpu.memory_space<hbm>>
      %dma_start3A_159 = tpu.memref_squeeze %dma_start3A_158 : memref<1x4096xf32, #tpu.memory_space<hbm>> -> memref<4096xf32, #tpu.memory_space<hbm>>
      tpu.enqueue_dma source(%dma_start3A_159 : memref<4096xf32, #tpu.memory_space<hbm>>) target(%arg8 : memref<4096xf32, #tpu.memory_space<vmem>>) target_semaphore(%run_scoped3A : memref<!tpu.dma_semaphore, #tpu.memory_space<semaphore_mem>>)
      %dma_wait3A_160 = arith.constant 0 : i32
      %dma_wait3A_161 = tpu.memref_slice %arg2[%add3A, %dma_wait3A_160] : memref<32x4096xf32, #tpu.memory_space<hbm>> -> memref<1x4096xf32, #tpu.memory_space<hbm>>
      %dma_wait3A_162 = tpu.memref_squeeze %dma_wait3A_161 : memref<1x4096xf32, #tpu.memory_space<hbm>> -> memref<4096xf32, #tpu.memory_space<hbm>>
      %dma_wait3A_163 = arith.constant 0 : i32
      %dma_wait3A_164 = tpu.memref_slice %arg2[%add3A, %dma_wait3A_163] : memref<32x4096xf32, #tpu.memory_space<hbm>> -> memref<1x4096xf32, #tpu.memory_space<hbm>>
      %dma_wait3A_165 = tpu.memref_squeeze %dma_wait3A_164 : memref<1x4096xf32, #tpu.memory_space<hbm>> -> memref<4096xf32, #tpu.memory_space<hbm>>
      tpu.wait_dma2 semaphore(%run_scoped3A : memref<!tpu.dma_semaphore, #tpu.memory_space<semaphore_mem>>) src(%dma_wait3A_165 : memref<4096xf32, #tpu.memory_space<hbm>>) dst(%arg8 : memref<4096xf32, #tpu.memory_space<vmem>>)
      tpu.yield
    }) : () -> ()
    %broadcast_in_dim3A = arith.constant -2147483648 : i32
    %broadcast_in_dim3A_1 = vector.broadcast %broadcast_in_dim3A : i32 to vector<16xi32>
    %scan3A = arith.constant 0 : i32
    %scan3A_2 = arith.constant 16 : i32
    %scan3A_3 = arith.addi %scan3A, %scan3A_2 : i32
    %scan3A_4 = arith.constant 1 : i32
    %scan3A_5:2 = scf.for %scan3A_154 = %scan3A to %scan3A_3 step %scan3A_4 iter_args(%scan3A_155 = %broadcast_in_dim3A_1, %scan3A_156 = %broadcast_in_dim3A_1) -> (vector<16xi32>, vector<16xi32>)  : i32 {
      %mul3A_157 = arith.constant 16 : i32
      %mul3A_158 = arith.muli %scan3A_154, %mul3A_157 : i32
      %add3A_159 = arith.constant 0 : i32
      %add3A_160 = arith.addi %mul3A_158, %add3A_159 : i32
      %mul3A_161 = arith.constant 16 : i32
      %mul3A_162 = arith.muli %add3A_160, %mul3A_161 : i32
      %get3A_163 = arith.index_cast %mul3A_162 : i32 to index
      %get3A_164 = tpu.vector_load %arg8[%get3A_163] {strides = array<i32>} : memref<4096xf32, #tpu.memory_space<vmem>>, vector<16xf32>,
      %bitcast_convert_type3A = tpu.bitcast %get3A_164 : vector<16xf32> -> vector<16xi32>
      %ge3A = arith.constant 0 : i32
      %ge3A_165 = vector.broadcast %ge3A : i32 to vector<16xi32>
      %ge3A_166 = arith.cmpi sge, %bitcast_convert_type3A, %ge3A_165 : vector<16xi32>
      %xor3A_167 = arith.constant 2147483647 : i32
      %xor3A_168 = vector.broadcast %xor3A_167 : i32 to vector<16xi32>
      %xor3A_169 = arith.xori %bitcast_convert_type3A, %xor3A_168 : vector<16xi32>
      %select_n3A_170 = arith.select %ge3A_166, %bitcast_convert_type3A, %xor3A_169 : vector<16xi1>, vector<16xi32>
      %mul3A_171 = arith.constant 16 : i32
      %mul3A_172 = arith.muli %add3A_160, %mul3A_171 : i32
      %swap3A_173 = arith.index_cast %mul3A_172 : i32 to index
      %swap3A_174 = tpu.vector_load %arg9[%swap3A_173] {strides = array<i32>} : memref<4096xi32, #tpu.memory_space<vmem>>, vector<16xi32>,
      tpu.vector_store %arg9[%swap3A_173], %select_n3A_170 {strides = array<i32>} : memref<4096xi32, #tpu.memory_space<vmem>>, vector<16xi32>,
      %max3A = arith.maxsi %scan3A_155, %select_n3A_170 : vector<16xi32>
      %min3A = arith.minsi %scan3A_155, %select_n3A_170 : vector<16xi32>
      %max3A_175 = arith.maxsi %scan3A_156, %min3A : vector<16xi32>
      %mul3A_176 = arith.constant 16 : i32
      %mul3A_177 = arith.muli %scan3A_154, %mul3A_176 : i32
      %add3A_178 = arith.constant 1 : i32
      %add3A_179 = arith.addi %mul3A_177, %add3A_178 : i32
      %mul3A_180 = arith.constant 16 : i32
      %mul3A_181 = arith.muli %add3A_179, %mul3A_180 : i32
      %get3A_182 = arith.index_cast %mul3A_181 : i32 to index
      %get3A_183 = tpu.vector_load %arg8[%get3A_182] {strides = array<i32>} : memref<4096xf32, #tpu.memory_space<vmem>>, vector<16xf32>,
      %bitcast_convert_type3A_184 = tpu.bitcast %get3A_183 : vector<16xf32> -> vector<16xi32>
      %ge3A_185 = arith.constant 0 : i32
      %ge3A_186 = vector.broadcast %ge3A_185 : i32 to vector<16xi32>
      %ge3A_187 = arith.cmpi sge, %bitcast_convert_type3A_184, %ge3A_186 : vector<16xi32>
      %xor3A_188 = arith.constant 2147483647 : i32
      %xor3A_189 = vector.broadcast %xor3A_188 : i32 to vector<16xi32>
      %xor3A_190 = arith.xori %bitcast_convert_type3A_184, %xor3A_189 : vector<16xi32>
      %select_n3A_191 = arith.select %ge3A_187, %bitcast_convert_type3A_184, %xor3A_190 : vector<16xi1>, vector<16xi32>
      %mul3A_192 = arith.constant 16 : i32
      %mul3A_193 = arith.muli %add3A_179, %mul3A_192 : i32
      %swap3A_194 = arith.index_cast %mul3A_193 : i32 to index
      %swap3A_195 = tpu.vector_load %arg9[%swap3A_194] {strides = array<i32>} : memref<4096xi32, #tpu.memory_space<vmem>>, vector<16xi32>,
      tpu.vector_store %arg9[%swap3A_194], %select_n3A_191 {strides = array<i32>} : memref<4096xi32, #tpu.memory_space<vmem>>, vector<16xi32>,
      %max3A_196 = arith.maxsi %max3A, %select_n3A_191 : vector<16xi32>
      %min3A_197 = arith.minsi %max3A, %select_n3A_191 : vector<16xi32>
      %max3A_198 = arith.maxsi %max3A_175, %min3A_197 : vector<16xi32>
      %mul3A_199 = arith.constant 16 : i32
      %mul3A_200 = arith.muli %scan3A_154, %mul3A_199 : i32
      %add3A_201 = arith.constant 2 : i32
      %add3A_202 = arith.addi %mul3A_200, %add3A_201 : i32
      %mul3A_203 = arith.constant 16 : i32
      %mul3A_204 = arith.muli %add3A_202, %mul3A_203 : i32
      %get3A_205 = arith.index_cast %mul3A_204 : i32 to index
      %get3A_206 = tpu.vector_load %arg8[%get3A_205] {strides = array<i32>} : memref<4096xf32, #tpu.memory_space<vmem>>, vector<16xf32>,
      %bitcast_convert_type3A_207 = tpu.bitcast %get3A_206 : vector<16xf32> -> vector<16xi32>
      %ge3A_208 = arith.constant 0 : i32
      %ge3A_209 = vector.broadcast %ge3A_208 : i32 to vector<16xi32>
      %ge3A_210 = arith.cmpi sge, %bitcast_convert_type3A_207, %ge3A_209 : vector<16xi32>
      %xor3A_211 = arith.constant 2147483647 : i32
      %xor3A_212 = vector.broadcast %xor3A_211 : i32 to vector<16xi32>
      %xor3A_213 = arith.xori %bitcast_convert_type3A_207, %xor3A_212 : vector<16xi32>
      %select_n3A_214 = arith.select %ge3A_210, %bitcast_convert_type3A_207, %xor3A_213 : vector<16xi1>, vector<16xi32>
      %mul3A_215 = arith.constant 16 : i32
      %mul3A_216 = arith.muli %add3A_202, %mul3A_215 : i32
      %swap3A_217 = arith.index_cast %mul3A_216 : i32 to index
      %swap3A_218 = tpu.vector_load %arg9[%swap3A_217] {strides = array<i32>} : memref<4096xi32, #tpu.memory_space<vmem>>, vector<16xi32>,
      tpu.vector_store %arg9[%swap3A_217], %select_n3A_214 {strides = array<i32>} : memref<4096xi32, #tpu.memory_space<vmem>>, vector<16xi32>,
      %max3A_219 = arith.maxsi %max3A_196, %select_n3A_214 : vector<16xi32>
      %min3A_220 = arith.minsi %max3A_196, %select_n3A_214 : vector<16xi32>
      %max3A_221 = arith.maxsi %max3A_198, %min3A_220 : vector<16xi32>
      %mul3A_222 = arith.constant 16 : i32
      %mul3A_223 = arith.muli %scan3A_154, %mul3A_222 : i32
      %add3A_224 = arith.constant 3 : i32
      %add3A_225 = arith.addi %mul3A_223, %add3A_224 : i32
      %mul3A_226 = arith.constant 16 : i32
      %mul3A_227 = arith.muli %add3A_225, %mul3A_226 : i32
      %get3A_228 = arith.index_cast %mul3A_227 : i32 to index
      %get3A_229 = tpu.vector_load %arg8[%get3A_228] {strides = array<i32>} : memref<4096xf32, #tpu.memory_space<vmem>>, vector<16xf32>,
      %bitcast_convert_type3A_230 = tpu.bitcast %get3A_229 : vector<16xf32> -> vector<16xi32>
      %ge3A_231 = arith.constant 0 : i32
      %ge3A_232 = vector.broadcast %ge3A_231 : i32 to vector<16xi32>
      %ge3A_233 = arith.cmpi sge, %bitcast_convert_type3A_230, %ge3A_232 : vector<16xi32>
      %xor3A_234 = arith.constant 2147483647 : i32
      %xor3A_235 = vector.broadcast %xor3A_234 : i32 to vector<16xi32>
      %xor3A_236 = arith.xori %bitcast_convert_type3A_230, %xor3A_235 : vector<16xi32>
      %select_n3A_237 = arith.select %ge3A_233, %bitcast_convert_type3A_230, %xor3A_236 : vector<16xi1>, vector<16xi32>
      %mul3A_238 = arith.constant 16 : i32
      %mul3A_239 = arith.muli %add3A_225, %mul3A_238 : i32
      %swap3A_240 = arith.index_cast %mul3A_239 : i32 to index
      %swap3A_241 = tpu.vector_load %arg9[%swap3A_240] {strides = array<i32>} : memref<4096xi32, #tpu.memory_space<vmem>>, vector<16xi32>,
      tpu.vector_store %arg9[%swap3A_240], %select_n3A_237 {strides = array<i32>} : memref<4096xi32, #tpu.memory_space<vmem>>, vector<16xi32>,
      %max3A_242 = arith.maxsi %max3A_219, %select_n3A_237 : vector<16xi32>
      %min3A_243 = arith.minsi %max3A_219, %select_n3A_237 : vector<16xi32>
      %max3A_244 = arith.maxsi %max3A_221, %min3A_243 : vector<16xi32>
      %mul3A_245 = arith.constant 16 : i32
      %mul3A_246 = arith.muli %scan3A_154, %mul3A_245 : i32
      %add3A_247 = arith.constant 4 : i32
      %add3A_248 = arith.addi %mul3A_246, %add3A_247 : i32
      %mul3A_249 = arith.constant 16 : i32
      %mul3A_250 = arith.muli %add3A_248, %mul3A_249 : i32
      %get3A_251 = arith.index_cast %mul3A_250 : i32 to index
      %get3A_252 = tpu.vector_load %arg8[%get3A_251] {strides = array<i32>} : memref<4096xf32, #tpu.memory_space<vmem>>, vector<16xf32>,
      %bitcast_convert_type3A_253 = tpu.bitcast %get3A_252 : vector<16xf32> -> vector<16xi32>
      %ge3A_254 = arith.constant 0 : i32
      %ge3A_255 = vector.broadcast %ge3A_254 : i32 to vector<16xi32>
      %ge3A_256 = arith.cmpi sge, %bitcast_convert_type3A_253, %ge3A_255 : vector<16xi32>
      %xor3A_257 = arith.constant 2147483647 : i32
      %xor3A_258 = vector.broadcast %xor3A_257 : i32 to vector<16xi32>
      %xor3A_259 = arith.xori %bitcast_convert_type3A_253, %xor3A_258 : vector<16xi32>
      %select_n3A_260 = arith.select %ge3A_256, %bitcast_convert_type3A_253, %xor3A_259 : vector<16xi1>, vector<16xi32>
      %mul3A_261 = arith.constant 16 : i32
      %mul3A_262 = arith.muli %add3A_248, %mul3A_261 : i32
      %swap3A_263 = arith.index_cast %mul3A_262 : i32 to index
      %swap3A_264 = tpu.vector_load %arg9[%swap3A_263] {strides = array<i32>} : memref<4096xi32, #tpu.memory_space<vmem>>, vector<16xi32>,
      tpu.vector_store %arg9[%swap3A_263], %select_n3A_260 {strides = array<i32>} : memref<4096xi32, #tpu.memory_space<vmem>>, vector<16xi32>,
      %max3A_265 = arith.maxsi %max3A_242, %select_n3A_260 : vector<16xi32>
      %min3A_266 = arith.minsi %max3A_242, %select_n3A_260 : vector<16xi32>
      %max3A_267 = arith.maxsi %max3A_244, %min3A_266 : vector<16xi32>
      %mul3A_268 = arith.constant 16 : i32
      %mul3A_269 = arith.muli %scan3A_154, %mul3A_268 : i32
      %add3A_270 = arith.constant 5 : i32
      %add3A_271 = arith.addi %mul3A_269, %add3A_270 : i32
      %mul3A_272 = arith.constant 16 : i32
      %mul3A_273 = arith.muli %add3A_271, %mul3A_272 : i32
      %get3A_274 = arith.index_cast %mul3A_273 : i32 to index
      %get3A_275 = tpu.vector_load %arg8[%get3A_274] {strides = array<i32>} : memref<4096xf32, #tpu.memory_space<vmem>>, vector<16xf32>,
      %bitcast_convert_type3A_276 = tpu.bitcast %get3A_275 : vector<16xf32> -> vector<16xi32>
      %ge3A_277 = arith.constant 0 : i32
      %ge3A_278 = vector.broadcast %ge3A_277 : i32 to vector<16xi32>
      %ge3A_279 = arith.cmpi sge, %bitcast_convert_type3A_276, %ge3A_278 : vector<16xi32>
      %xor3A_280 = arith.constant 2147483647 : i32
      %xor3A_281 = vector.broadcast %xor3A_280 : i32 to vector<16xi32>
      %xor3A_282 = arith.xori %bitcast_convert_type3A_276, %xor3A_281 : vector<16xi32>
      %select_n3A_283 = arith.select %ge3A_279, %bitcast_convert_type3A_276, %xor3A_282 : vector<16xi1>, vector<16xi32>
      %mul3A_284 = arith.constant 16 : i32
      %mul3A_285 = arith.muli %add3A_271, %mul3A_284 : i32
      %swap3A_286 = arith.index_cast %mul3A_285 : i32 to index
      %swap3A_287 = tpu.vector_load %arg9[%swap3A_286] {strides = array<i32>} : memref<4096xi32, #tpu.memory_space<vmem>>, vector<16xi32>,
      tpu.vector_store %arg9[%swap3A_286], %select_n3A_283 {strides = array<i32>} : memref<4096xi32, #tpu.memory_space<vmem>>, vector<16xi32>,
      %max3A_288 = arith.maxsi %max3A_265, %select_n3A_283 : vector<16xi32>
      %min3A_289 = arith.minsi %max3A_265, %select_n3A_283 : vector<16xi32>
      %max3A_290 = arith.maxsi %max3A_267, %min3A_289 : vector<16xi32>
      %mul3A_291 = arith.constant 16 : i32
      %mul3A_292 = arith.muli %scan3A_154, %mul3A_291 : i32
      %add3A_293 = arith.constant 6 : i32
      %add3A_294 = arith.addi %mul3A_292, %add3A_293 : i32
      %mul3A_295 = arith.constant 16 : i32
      %mul3A_296 = arith.muli %add3A_294, %mul3A_295 : i32
      %get3A_297 = arith.index_cast %mul3A_296 : i32 to index
      %get3A_298 = tpu.vector_load %arg8[%get3A_297] {strides = array<i32>} : memref<4096xf32, #tpu.memory_space<vmem>>, vector<16xf32>,
      %bitcast_convert_type3A_299 = tpu.bitcast %get3A_298 : vector<16xf32> -> vector<16xi32>
      %ge3A_300 = arith.constant 0 : i32
      %ge3A_301 = vector.broadcast %ge3A_300 : i32 to vector<16xi32>
      %ge3A_302 = arith.cmpi sge, %bitcast_convert_type3A_299, %ge3A_301 : vector<16xi32>
      %xor3A_303 = arith.constant 2147483647 : i32
      %xor3A_304 = vector.broadcast %xor3A_303 : i32 to vector<16xi32>
      %xor3A_305 = arith.xori %bitcast_convert_type3A_299, %xor3A_304 : vector<16xi32>
      %select_n3A_306 = arith.select %ge3A_302, %bitcast_convert_type3A_299, %xor3A_305 : vector<16xi1>, vector<16xi32>
      %mul3A_307 = arith.constant 16 : i32
      %mul3A_308 = arith.muli %add3A_294, %mul3A_307 : i32
      %swap3A_309 = arith.index_cast %mul3A_308 : i32 to index
      %swap3A_310 = tpu.vector_load %arg9[%swap3A_309] {strides = array<i32>} : memref<4096xi32, #tpu.memory_space<vmem>>, vector<16xi32>,
      tpu.vector_store %arg9[%swap3A_309], %select_n3A_306 {strides = array<i32>} : memref<4096xi32, #tpu.memory_space<vmem>>, vector<16xi32>,
      %max3A_311 = arith.maxsi %max3A_288, %select_n3A_306 : vector<16xi32>
      %min3A_312 = arith.minsi %max3A_288, %select_n3A_306 : vector<16xi32>
      %max3A_313 = arith.maxsi %max3A_290, %min3A_312 : vector<16xi32>
      %mul3A_314 = arith.constant 16 : i32
      %mul3A_315 = arith.muli %scan3A_154, %mul3A_314 : i32
      %add3A_316 = arith.constant 7 : i32
      %add3A_317 = arith.addi %mul3A_315, %add3A_316 : i32
      %mul3A_318 = arith.constant 16 : i32
      %mul3A_319 = arith.muli %add3A_317, %mul3A_318 : i32
      %get3A_320 = arith.index_cast %mul3A_319 : i32 to index
      %get3A_321 = tpu.vector_load %arg8[%get3A_320] {strides = array<i32>} : memref<4096xf32, #tpu.memory_space<vmem>>, vector<16xf32>,
      %bitcast_convert_type3A_322 = tpu.bitcast %get3A_321 : vector<16xf32> -> vector<16xi32>
      %ge3A_323 = arith.constant 0 : i32
      %ge3A_324 = vector.broadcast %ge3A_323 : i32 to vector<16xi32>
      %ge3A_325 = arith.cmpi sge, %bitcast_convert_type3A_322, %ge3A_324 : vector<16xi32>
      %xor3A_326 = arith.constant 2147483647 : i32
      %xor3A_327 = vector.broadcast %xor3A_326 : i32 to vector<16xi32>
      %xor3A_328 = arith.xori %bitcast_convert_type3A_322, %xor3A_327 : vector<16xi32>
      %select_n3A_329 = arith.select %ge3A_325, %bitcast_convert_type3A_322, %xor3A_328 : vector<16xi1>, vector<16xi32>
      %mul3A_330 = arith.constant 16 : i32
      %mul3A_331 = arith.muli %add3A_317, %mul3A_330 : i32
      %swap3A_332 = arith.index_cast %mul3A_331 : i32 to index
      %swap3A_333 = tpu.vector_load %arg9[%swap3A_332] {strides = array<i32>} : memref<4096xi32, #tpu.memory_space<vmem>>, vector<16xi32>,
      tpu.vector_store %arg9[%swap3A_332], %select_n3A_329 {strides = array<i32>} : memref<4096xi32, #tpu.memory_space<vmem>>, vector<16xi32>,
      %max3A_334 = arith.maxsi %max3A_311, %select_n3A_329 : vector<16xi32>
      %min3A_335 = arith.minsi %max3A_311, %select_n3A_329 : vector<16xi32>
      %max3A_336 = arith.maxsi %max3A_313, %min3A_335 : vector<16xi32>
      %mul3A_337 = arith.constant 16 : i32
      %mul3A_338 = arith.muli %scan3A_154, %mul3A_337 : i32
      %add3A_339 = arith.constant 8 : i32
      %add3A_340 = arith.addi %mul3A_338, %add3A_339 : i32
      %mul3A_341 = arith.constant 16 : i32
      %mul3A_342 = arith.muli %add3A_340, %mul3A_341 : i32
      %get3A_343 = arith.index_cast %mul3A_342 : i32 to index
      %get3A_344 = tpu.vector_load %arg8[%get3A_343] {strides = array<i32>} : memref<4096xf32, #tpu.memory_space<vmem>>, vector<16xf32>,
      %bitcast_convert_type3A_345 = tpu.bitcast %get3A_344 : vector<16xf32> -> vector<16xi32>
      %ge3A_346 = arith.constant 0 : i32
      %ge3A_347 = vector.broadcast %ge3A_346 : i32 to vector<16xi32>
      %ge3A_348 = arith.cmpi sge, %bitcast_convert_type3A_345, %ge3A_347 : vector<16xi32>
      %xor3A_349 = arith.constant 2147483647 : i32
      %xor3A_350 = vector.broadcast %xor3A_349 : i32 to vector<16xi32>
      %xor3A_351 = arith.xori %bitcast_convert_type3A_345, %xor3A_350 : vector<16xi32>
      %select_n3A_352 = arith.select %ge3A_348, %bitcast_convert_type3A_345, %xor3A_351 : vector<16xi1>, vector<16xi32>
      %mul3A_353 = arith.constant 16 : i32
      %mul3A_354 = arith.muli %add3A_340, %mul3A_353 : i32
      %swap3A_355 = arith.index_cast %mul3A_354 : i32 to index
      %swap3A_356 = tpu.vector_load %arg9[%swap3A_355] {strides = array<i32>} : memref<4096xi32, #tpu.memory_space<vmem>>, vector<16xi32>,
      tpu.vector_store %arg9[%swap3A_355], %select_n3A_352 {strides = array<i32>} : memref<4096xi32, #tpu.memory_space<vmem>>, vector<16xi32>,
      %max3A_357 = arith.maxsi %max3A_334, %select_n3A_352 : vector<16xi32>
      %min3A_358 = arith.minsi %max3A_334, %select_n3A_352 : vector<16xi32>
      %max3A_359 = arith.maxsi %max3A_336, %min3A_358 : vector<16xi32>
      %mul3A_360 = arith.constant 16 : i32
      %mul3A_361 = arith.muli %scan3A_154, %mul3A_360 : i32
      %add3A_362 = arith.constant 9 : i32
      %add3A_363 = arith.addi %mul3A_361, %add3A_362 : i32
      %mul3A_364 = arith.constant 16 : i32
      %mul3A_365 = arith.muli %add3A_363, %mul3A_364 : i32
      %get3A_366 = arith.index_cast %mul3A_365 : i32 to index
      %get3A_367 = tpu.vector_load %arg8[%get3A_366] {strides = array<i32>} : memref<4096xf32, #tpu.memory_space<vmem>>, vector<16xf32>,
      %bitcast_convert_type3A_368 = tpu.bitcast %get3A_367 : vector<16xf32> -> vector<16xi32>
      %ge3A_369 = arith.constant 0 : i32
      %ge3A_370 = vector.broadcast %ge3A_369 : i32 to vector<16xi32>
      %ge3A_371 = arith.cmpi sge, %bitcast_convert_type3A_368, %ge3A_370 : vector<16xi32>
      %xor3A_372 = arith.constant 2147483647 : i32
      %xor3A_373 = vector.broadcast %xor3A_372 : i32 to vector<16xi32>
      %xor3A_374 = arith.xori %bitcast_convert_type3A_368, %xor3A_373 : vector<16xi32>
      %select_n3A_375 = arith.select %ge3A_371, %bitcast_convert_type3A_368, %xor3A_374 : vector<16xi1>, vector<16xi32>
      %mul3A_376 = arith.constant 16 : i32
      %mul3A_377 = arith.muli %add3A_363, %mul3A_376 : i32
      %swap3A_378 = arith.index_cast %mul3A_377 : i32 to index
      %swap3A_379 = tpu.vector_load %arg9[%swap3A_378] {strides = array<i32>} : memref<4096xi32, #tpu.memory_space<vmem>>, vector<16xi32>,
      tpu.vector_store %arg9[%swap3A_378], %select_n3A_375 {strides = array<i32>} : memref<4096xi32, #tpu.memory_space<vmem>>, vector<16xi32>,
      %max3A_380 = arith.maxsi %max3A_357, %select_n3A_375 : vector<16xi32>
      %min3A_381 = arith.minsi %max3A_357, %select_n3A_375 : vector<16xi32>
      %max3A_382 = arith.maxsi %max3A_359, %min3A_381 : vector<16xi32>
      %mul3A_383 = arith.constant 16 : i32
      %mul3A_384 = arith.muli %scan3A_154, %mul3A_383 : i32
      %add3A_385 = arith.constant 10 : i32
      %add3A_386 = arith.addi %mul3A_384, %add3A_385 : i32
      %mul3A_387 = arith.constant 16 : i32
      %mul3A_388 = arith.muli %add3A_386, %mul3A_387 : i32
      %get3A_389 = arith.index_cast %mul3A_388 : i32 to index
      %get3A_390 = tpu.vector_load %arg8[%get3A_389] {strides = array<i32>} : memref<4096xf32, #tpu.memory_space<vmem>>, vector<16xf32>,
      %bitcast_convert_type3A_391 = tpu.bitcast %get3A_390 : vector<16xf32> -> vector<16xi32>
      %ge3A_392 = arith.constant 0 : i32
      %ge3A_393 = vector.broadcast %ge3A_392 : i32 to vector<16xi32>
      %ge3A_394 = arith.cmpi sge, %bitcast_convert_type3A_391, %ge3A_393 : vector<16xi32>
      %xor3A_395 = arith.constant 2147483647 : i32
      %xor3A_396 = vector.broadcast %xor3A_395 : i32 to vector<16xi32>
      %xor3A_397 = arith.xori %bitcast_convert_type3A_391, %xor3A_396 : vector<16xi32>
      %select_n3A_398 = arith.select %ge3A_394, %bitcast_convert_type3A_391, %xor3A_397 : vector<16xi1>, vector<16xi32>
      %mul3A_399 = arith.constant 16 : i32
      %mul3A_400 = arith.muli %add3A_386, %mul3A_399 : i32
      %swap3A_401 = arith.index_cast %mul3A_400 : i32 to index
      %swap3A_402 = tpu.vector_load %arg9[%swap3A_401] {strides = array<i32>} : memref<4096xi32, #tpu.memory_space<vmem>>, vector<16xi32>,
      tpu.vector_store %arg9[%swap3A_401], %select_n3A_398 {strides = array<i32>} : memref<4096xi32, #tpu.memory_space<vmem>>, vector<16xi32>,
      %max3A_403 = arith.maxsi %max3A_380, %select_n3A_398 : vector<16xi32>
      %min3A_404 = arith.minsi %max3A_380, %select_n3A_398 : vector<16xi32>
      %max3A_405 = arith.maxsi %max3A_382, %min3A_404 : vector<16xi32>
      %mul3A_406 = arith.constant 16 : i32
      %mul3A_407 = arith.muli %scan3A_154, %mul3A_406 : i32
      %add3A_408 = arith.constant 11 : i32
      %add3A_409 = arith.addi %mul3A_407, %add3A_408 : i32
      %mul3A_410 = arith.constant 16 : i32
      %mul3A_411 = arith.muli %add3A_409, %mul3A_410 : i32
      %get3A_412 = arith.index_cast %mul3A_411 : i32 to index
      %get3A_413 = tpu.vector_load %arg8[%get3A_412] {strides = array<i32>} : memref<4096xf32, #tpu.memory_space<vmem>>, vector<16xf32>,
      %bitcast_convert_type3A_414 = tpu.bitcast %get3A_413 : vector<16xf32> -> vector<16xi32>
      %ge3A_415 = arith.constant 0 : i32
      %ge3A_416 = vector.broadcast %ge3A_415 : i32 to vector<16xi32>
      %ge3A_417 = arith.cmpi sge, %bitcast_convert_type3A_414, %ge3A_416 : vector<16xi32>
      %xor3A_418 = arith.constant 2147483647 : i32
      %xor3A_419 = vector.broadcast %xor3A_418 : i32 to vector<16xi32>
      %xor3A_420 = arith.xori %bitcast_convert_type3A_414, %xor3A_419 : vector<16xi32>
      %select_n3A_421 = arith.select %ge3A_417, %bitcast_convert_type3A_414, %xor3A_420 : vector<16xi1>, vector<16xi32>
      %mul3A_422 = arith.constant 16 : i32
      %mul3A_423 = arith.muli %add3A_409, %mul3A_422 : i32
      %swap3A_424 = arith.index_cast %mul3A_423 : i32 to index
      %swap3A_425 = tpu.vector_load %arg9[%swap3A_424] {strides = array<i32>} : memref<4096xi32, #tpu.memory_space<vmem>>, vector<16xi32>,
      tpu.vector_store %arg9[%swap3A_424], %select_n3A_421 {strides = array<i32>} : memref<4096xi32, #tpu.memory_space<vmem>>, vector<16xi32>,
      %max3A_426 = arith.maxsi %max3A_403, %select_n3A_421 : vector<16xi32>
      %min3A_427 = arith.minsi %max3A_403, %select_n3A_421 : vector<16xi32>
      %max3A_428 = arith.maxsi %max3A_405, %min3A_427 : vector<16xi32>
      %mul3A_429 = arith.constant 16 : i32
      %mul3A_430 = arith.muli %scan3A_154, %mul3A_429 : i32
      %add3A_431 = arith.constant 12 : i32
      %add3A_432 = arith.addi %mul3A_430, %add3A_431 : i32
      %mul3A_433 = arith.constant 16 : i32
      %mul3A_434 = arith.muli %add3A_432, %mul3A_433 : i32
      %get3A_435 = arith.index_cast %mul3A_434 : i32 to index
      %get3A_436 = tpu.vector_load %arg8[%get3A_435] {strides = array<i32>} : memref<4096xf32, #tpu.memory_space<vmem>>, vector<16xf32>,
      %bitcast_convert_type3A_437 = tpu.bitcast %get3A_436 : vector<16xf32> -> vector<16xi32>
      %ge3A_438 = arith.constant 0 : i32
      %ge3A_439 = vector.broadcast %ge3A_438 : i32 to vector<16xi32>
      %ge3A_440 = arith.cmpi sge, %bitcast_convert_type3A_437, %ge3A_439 : vector<16xi32>
      %xor3A_441 = arith.constant 2147483647 : i32
      %xor3A_442 = vector.broadcast %xor3A_441 : i32 to vector<16xi32>
      %xor3A_443 = arith.xori %bitcast_convert_type3A_437, %xor3A_442 : vector<16xi32>
      %select_n3A_444 = arith.select %ge3A_440, %bitcast_convert_type3A_437, %xor3A_443 : vector<16xi1>, vector<16xi32>
      %mul3A_445 = arith.constant 16 : i32
      %mul3A_446 = arith.muli %add3A_432, %mul3A_445 : i32
      %swap3A_447 = arith.index_cast %mul3A_446 : i32 to index
      %swap3A_448 = tpu.vector_load %arg9[%swap3A_447] {strides = array<i32>} : memref<4096xi32, #tpu.memory_space<vmem>>, vector<16xi32>,
      tpu.vector_store %arg9[%swap3A_447], %select_n3A_444 {strides = array<i32>} : memref<4096xi32, #tpu.memory_space<vmem>>, vector<16xi32>,
      %max3A_449 = arith.maxsi %max3A_426, %select_n3A_444 : vector<16xi32>
      %min3A_450 = arith.minsi %max3A_426, %select_n3A_444 : vector<16xi32>
      %max3A_451 = arith.maxsi %max3A_428, %min3A_450 : vector<16xi32>
      %mul3A_452 = arith.constant 16 : i32
      %mul3A_453 = arith.muli %scan3A_154, %mul3A_452 : i32
      %add3A_454 = arith.constant 13 : i32
      %add3A_455 = arith.addi %mul3A_453, %add3A_454 : i32
      %mul3A_456 = arith.constant 16 : i32
      %mul3A_457 = arith.muli %add3A_455, %mul3A_456 : i32
      %get3A_458 = arith.index_cast %mul3A_457 : i32 to index
      %get3A_459 = tpu.vector_load %arg8[%get3A_458] {strides = array<i32>} : memref<4096xf32, #tpu.memory_space<vmem>>, vector<16xf32>,
      %bitcast_convert_type3A_460 = tpu.bitcast %get3A_459 : vector<16xf32> -> vector<16xi32>
      %ge3A_461 = arith.constant 0 : i32
      %ge3A_462 = vector.broadcast %ge3A_461 : i32 to vector<16xi32>
      %ge3A_463 = arith.cmpi sge, %bitcast_convert_type3A_460, %ge3A_462 : vector<16xi32>
      %xor3A_464 = arith.constant 2147483647 : i32
      %xor3A_465 = vector.broadcast %xor3A_464 : i32 to vector<16xi32>
      %xor3A_466 = arith.xori %bitcast_convert_type3A_460, %xor3A_465 : vector<16xi32>
      %select_n3A_467 = arith.select %ge3A_463, %bitcast_convert_type3A_460, %xor3A_466 : vector<16xi1>, vector<16xi32>
      %mul3A_468 = arith.constant 16 : i32
      %mul3A_469 = arith.muli %add3A_455, %mul3A_468 : i32
      %swap3A_470 = arith.index_cast %mul3A_469 : i32 to index
      %swap3A_471 = tpu.vector_load %arg9[%swap3A_470] {strides = array<i32>} : memref<4096xi32, #tpu.memory_space<vmem>>, vector<16xi32>,
      tpu.vector_store %arg9[%swap3A_470], %select_n3A_467 {strides = array<i32>} : memref<4096xi32, #tpu.memory_space<vmem>>, vector<16xi32>,
      %max3A_472 = arith.maxsi %max3A_449, %select_n3A_467 : vector<16xi32>
      %min3A_473 = arith.minsi %max3A_449, %select_n3A_467 : vector<16xi32>
      %max3A_474 = arith.maxsi %max3A_451, %min3A_473 : vector<16xi32>
      %mul3A_475 = arith.constant 16 : i32
      %mul3A_476 = arith.muli %scan3A_154, %mul3A_475 : i32
      %add3A_477 = arith.constant 14 : i32
      %add3A_478 = arith.addi %mul3A_476, %add3A_477 : i32
      %mul3A_479 = arith.constant 16 : i32
      %mul3A_480 = arith.muli %add3A_478, %mul3A_479 : i32
      %get3A_481 = arith.index_cast %mul3A_480 : i32 to index
      %get3A_482 = tpu.vector_load %arg8[%get3A_481] {strides = array<i32>} : memref<4096xf32, #tpu.memory_space<vmem>>, vector<16xf32>,
      %bitcast_convert_type3A_483 = tpu.bitcast %get3A_482 : vector<16xf32> -> vector<16xi32>
      %ge3A_484 = arith.constant 0 : i32
      %ge3A_485 = vector.broadcast %ge3A_484 : i32 to vector<16xi32>
      %ge3A_486 = arith.cmpi sge, %bitcast_convert_type3A_483, %ge3A_485 : vector<16xi32>
      %xor3A_487 = arith.constant 2147483647 : i32
      %xor3A_488 = vector.broadcast %xor3A_487 : i32 to vector<16xi32>
      %xor3A_489 = arith.xori %bitcast_convert_type3A_483, %xor3A_488 : vector<16xi32>
      %select_n3A_490 = arith.select %ge3A_486, %bitcast_convert_type3A_483, %xor3A_489 : vector<16xi1>, vector<16xi32>
      %mul3A_491 = arith.constant 16 : i32
      %mul3A_492 = arith.muli %add3A_478, %mul3A_491 : i32
      %swap3A_493 = arith.index_cast %mul3A_492 : i32 to index
      %swap3A_494 = tpu.vector_load %arg9[%swap3A_493] {strides = array<i32>} : memref<4096xi32, #tpu.memory_space<vmem>>, vector<16xi32>,
      tpu.vector_store %arg9[%swap3A_493], %select_n3A_490 {strides = array<i32>} : memref<4096xi32, #tpu.memory_space<vmem>>, vector<16xi32>,
      %max3A_495 = arith.maxsi %max3A_472, %select_n3A_490 : vector<16xi32>
      %min3A_496 = arith.minsi %max3A_472, %select_n3A_490 : vector<16xi32>
      %max3A_497 = arith.maxsi %max3A_474, %min3A_496 : vector<16xi32>
      %mul3A_498 = arith.constant 16 : i32
      %mul3A_499 = arith.muli %scan3A_154, %mul3A_498 : i32
      %add3A_500 = arith.constant 15 : i32
      %add3A_501 = arith.addi %mul3A_499, %add3A_500 : i32
      %mul3A_502 = arith.constant 16 : i32
      %mul3A_503 = arith.muli %add3A_501, %mul3A_502 : i32
      %get3A_504 = arith.index_cast %mul3A_503 : i32 to index
      %get3A_505 = tpu.vector_load %arg8[%get3A_504] {strides = array<i32>} : memref<4096xf32, #tpu.memory_space<vmem>>, vector<16xf32>,
      %bitcast_convert_type3A_506 = tpu.bitcast %get3A_505 : vector<16xf32> -> vector<16xi32>
      %ge3A_507 = arith.constant 0 : i32
      %ge3A_508 = vector.broadcast %ge3A_507 : i32 to vector<16xi32>
      %ge3A_509 = arith.cmpi sge, %bitcast_convert_type3A_506, %ge3A_508 : vector<16xi32>
      %xor3A_510 = arith.constant 2147483647 : i32
      %xor3A_511 = vector.broadcast %xor3A_510 : i32 to vector<16xi32>
      %xor3A_512 = arith.xori %bitcast_convert_type3A_506, %xor3A_511 : vector<16xi32>
      %select_n3A_513 = arith.select %ge3A_509, %bitcast_convert_type3A_506, %xor3A_512 : vector<16xi1>, vector<16xi32>
      %mul3A_514 = arith.constant 16 : i32
      %mul3A_515 = arith.muli %add3A_501, %mul3A_514 : i32
      %swap3A_516 = arith.index_cast %mul3A_515 : i32 to index
      %swap3A_517 = tpu.vector_load %arg9[%swap3A_516] {strides = array<i32>} : memref<4096xi32, #tpu.memory_space<vmem>>, vector<16xi32>,
      tpu.vector_store %arg9[%swap3A_516], %select_n3A_513 {strides = array<i32>} : memref<4096xi32, #tpu.memory_space<vmem>>, vector<16xi32>,
      %max3A_518 = arith.maxsi %max3A_495, %select_n3A_513 : vector<16xi32>
      %min3A_519 = arith.minsi %max3A_495, %select_n3A_513 : vector<16xi32>
      %max3A_520 = arith.maxsi %max3A_497, %min3A_519 : vector<16xi32>
      scf.yield %max3A_518, %max3A_520 : vector<16xi32>, vector<16xi32>
    }
    %scan3A_6 = arith.constant 16 : i32
    %reduce_min3A = arith.constant true
    %reduce_min3A_7 = vector.broadcast %reduce_min3A : i1 to vector<16xi1>
    %reduce_min3A_8 = arith.constant -2147483648 : i32
    %reduce_min3A_9 = vector.broadcast %reduce_min3A_8 : i32 to vector<16xi32>
    %reduce_min3A_10 = arith.xori %scan3A_5#1, %reduce_min3A_9 : vector<16xi32>
    %reduce_min3A_11 = tpu.scan <min>, %reduce_min3A_10 masked %reduce_min3A_7 : vector<16xi32>, vector<16xi1> -> vector<16xi32>
    %reduce_min3A_12 = arith.xori %reduce_min3A_11, %reduce_min3A_9 : vector<16xi32>
    %reduce_min3A_13 = vector.extract %reduce_min3A_12[15] : i32 from vector<16xi32>
    %broadcast_in_dim3A_14 = arith.constant 0 : i32
    %broadcast_in_dim3A_15 = vector.broadcast %broadcast_in_dim3A_14 : i32 to vector<16xi32>
    %scan3A_16 = arith.constant 0 : i32
    %scan3A_17 = arith.constant 32 : i32
    %scan3A_18 = arith.addi %scan3A_16, %scan3A_17 : i32
    %scan3A_19 = arith.constant 1 : i32
    %scan3A_20 = scf.for %scan3A_154 = %scan3A_16 to %scan3A_18 step %scan3A_19 iter_args(%scan3A_155 = %broadcast_in_dim3A_15) -> (vector<16xi32>)  : i32 {
      %mul3A_156 = arith.constant 8 : i32
      %mul3A_157 = arith.muli %scan3A_154, %mul3A_156 : i32
      %add3A_158 = arith.constant 0 : i32
      %add3A_159 = arith.addi %mul3A_157, %add3A_158 : i32
      %mul3A_160 = arith.constant 16 : i32
      %mul3A_161 = arith.muli %add3A_159, %mul3A_160 : i32
      %get3A_162 = arith.index_cast %mul3A_161 : i32 to index
      %get3A_163 = tpu.vector_load %arg9[%get3A_162] {strides = array<i32>} : memref<4096xi32, #tpu.memory_space<vmem>>, vector<16xi32>,
      %ge3A = vector.broadcast %reduce_min3A_13 : i32 to vector<16xi32>
      %ge3A_164 = arith.cmpi sge, %get3A_163, %ge3A : vector<16xi32>
      %convert_element_type3A = arith.extui %ge3A_164 : vector<16xi1> to vector<16xi32>
      %broadcast_in_dim3A_165 = arith.constant true
      %broadcast_in_dim3A_166 = vector.broadcast %broadcast_in_dim3A_165 : i1 to vector<16xi1>
      %masked_cumsum3A = tpu.scan <sum>, %convert_element_type3A masked %broadcast_in_dim3A_166 : vector<16xi32>, vector<16xi1> -> vector<16xi32>
      %add3A_167 = arith.addi %scan3A_155, %masked_cumsum3A : vector<16xi32>
      %sub3A_168 = arith.subi %add3A_167, %convert_element_type3A : vector<16xi32>
      tpu.vector_store_idx %arg10[%sub3A_168], %get3A_163 masked %ge3A_164 : memref<4096xi32, #tpu.memory_space<vmem>>[vector<16xi32>], vector<16xi32>, vector<16xi1>
      %all_reduce_population_count3A = tpu.all_reduce %ge3A_164 {dim = 0 : i64, kind = #tpu.reduction_kind<sum>} : vector<16xi1> -> vector<16xi32>
      %add3A_169 = arith.addi %scan3A_155, %all_reduce_population_count3A : vector<16xi32>
      %mul3A_170 = arith.constant 8 : i32
      %mul3A_171 = arith.muli %scan3A_154, %mul3A_170 : i32
      %add3A_172 = arith.constant 1 : i32
      %add3A_173 = arith.addi %mul3A_171, %add3A_172 : i32
      %mul3A_174 = arith.constant 16 : i32
      %mul3A_175 = arith.muli %add3A_173, %mul3A_174 : i32
      %get3A_176 = arith.index_cast %mul3A_175 : i32 to index
      %get3A_177 = tpu.vector_load %arg9[%get3A_176] {strides = array<i32>} : memref<4096xi32, #tpu.memory_space<vmem>>, vector<16xi32>,
      %ge3A_178 = vector.broadcast %reduce_min3A_13 : i32 to vector<16xi32>
      %ge3A_179 = arith.cmpi sge, %get3A_177, %ge3A_178 : vector<16xi32>
      %convert_element_type3A_180 = arith.extui %ge3A_179 : vector<16xi1> to vector<16xi32>
      %broadcast_in_dim3A_181 = arith.constant true
      %broadcast_in_dim3A_182 = vector.broadcast %broadcast_in_dim3A_181 : i1 to vector<16xi1>
      %masked_cumsum3A_183 = tpu.scan <sum>, %convert_element_type3A_180 masked %broadcast_in_dim3A_182 : vector<16xi32>, vector<16xi1> -> vector<16xi32>
      %add3A_184 = arith.addi %add3A_169, %masked_cumsum3A_183 : vector<16xi32>
      %sub3A_185 = arith.subi %add3A_184, %convert_element_type3A_180 : vector<16xi32>
      tpu.vector_store_idx %arg10[%sub3A_185], %get3A_177 masked %ge3A_179 : memref<4096xi32, #tpu.memory_space<vmem>>[vector<16xi32>], vector<16xi32>, vector<16xi1>
      %all_reduce_population_count3A_186 = tpu.all_reduce %ge3A_179 {dim = 0 : i64, kind = #tpu.reduction_kind<sum>} : vector<16xi1> -> vector<16xi32>
      %add3A_187 = arith.addi %add3A_169, %all_reduce_population_count3A_186 : vector<16xi32>
      %mul3A_188 = arith.constant 8 : i32
      %mul3A_189 = arith.muli %scan3A_154, %mul3A_188 : i32
      %add3A_190 = arith.constant 2 : i32
      %add3A_191 = arith.addi %mul3A_189, %add3A_190 : i32
      %mul3A_192 = arith.constant 16 : i32
      %mul3A_193 = arith.muli %add3A_191, %mul3A_192 : i32
      %get3A_194 = arith.index_cast %mul3A_193 : i32 to index
      %get3A_195 = tpu.vector_load %arg9[%get3A_194] {strides = array<i32>} : memref<4096xi32, #tpu.memory_space<vmem>>, vector<16xi32>,
      %ge3A_196 = vector.broadcast %reduce_min3A_13 : i32 to vector<16xi32>
      %ge3A_197 = arith.cmpi sge, %get3A_195, %ge3A_196 : vector<16xi32>
      %convert_element_type3A_198 = arith.extui %ge3A_197 : vector<16xi1> to vector<16xi32>
      %broadcast_in_dim3A_199 = arith.constant true
      %broadcast_in_dim3A_200 = vector.broadcast %broadcast_in_dim3A_199 : i1 to vector<16xi1>
      %masked_cumsum3A_201 = tpu.scan <sum>, %convert_element_type3A_198 masked %broadcast_in_dim3A_200 : vector<16xi32>, vector<16xi1> -> vector<16xi32>
      %add3A_202 = arith.addi %add3A_187, %masked_cumsum3A_201 : vector<16xi32>
      %sub3A_203 = arith.subi %add3A_202, %convert_element_type3A_198 : vector<16xi32>
      tpu.vector_store_idx %arg10[%sub3A_203], %get3A_195 masked %ge3A_197 : memref<4096xi32, #tpu.memory_space<vmem>>[vector<16xi32>], vector<16xi32>, vector<16xi1>
      %all_reduce_population_count3A_204 = tpu.all_reduce %ge3A_197 {dim = 0 : i64, kind = #tpu.reduction_kind<sum>} : vector<16xi1> -> vector<16xi32>
      %add3A_205 = arith.addi %add3A_187, %all_reduce_population_count3A_204 : vector<16xi32>
      %mul3A_206 = arith.constant 8 : i32
      %mul3A_207 = arith.muli %scan3A_154, %mul3A_206 : i32
      %add3A_208 = arith.constant 3 : i32
      %add3A_209 = arith.addi %mul3A_207, %add3A_208 : i32
      %mul3A_210 = arith.constant 16 : i32
      %mul3A_211 = arith.muli %add3A_209, %mul3A_210 : i32
      %get3A_212 = arith.index_cast %mul3A_211 : i32 to index
      %get3A_213 = tpu.vector_load %arg9[%get3A_212] {strides = array<i32>} : memref<4096xi32, #tpu.memory_space<vmem>>, vector<16xi32>,
      %ge3A_214 = vector.broadcast %reduce_min3A_13 : i32 to vector<16xi32>
      %ge3A_215 = arith.cmpi sge, %get3A_213, %ge3A_214 : vector<16xi32>
      %convert_element_type3A_216 = arith.extui %ge3A_215 : vector<16xi1> to vector<16xi32>
      %broadcast_in_dim3A_217 = arith.constant true
      %broadcast_in_dim3A_218 = vector.broadcast %broadcast_in_dim3A_217 : i1 to vector<16xi1>
      %masked_cumsum3A_219 = tpu.scan <sum>, %convert_element_type3A_216 masked %broadcast_in_dim3A_218 : vector<16xi32>, vector<16xi1> -> vector<16xi32>
      %add3A_220 = arith.addi %add3A_205, %masked_cumsum3A_219 : vector<16xi32>
      %sub3A_221 = arith.subi %add3A_220, %convert_element_type3A_216 : vector<16xi32>
      tpu.vector_store_idx %arg10[%sub3A_221], %get3A_213 masked %ge3A_215 : memref<4096xi32, #tpu.memory_space<vmem>>[vector<16xi32>], vector<16xi32>, vector<16xi1>
      %all_reduce_population_count3A_222 = tpu.all_reduce %ge3A_215 {dim = 0 : i64, kind = #tpu.reduction_kind<sum>} : vector<16xi1> -> vector<16xi32>
      %add3A_223 = arith.addi %add3A_205, %all_reduce_population_count3A_222 : vector<16xi32>
      %mul3A_224 = arith.constant 8 : i32
      %mul3A_225 = arith.muli %scan3A_154, %mul3A_224 : i32
      %add3A_226 = arith.constant 4 : i32
      %add3A_227 = arith.addi %mul3A_225, %add3A_226 : i32
      %mul3A_228 = arith.constant 16 : i32
      %mul3A_229 = arith.muli %add3A_227, %mul3A_228 : i32
      %get3A_230 = arith.index_cast %mul3A_229 : i32 to index
      %get3A_231 = tpu.vector_load %arg9[%get3A_230] {strides = array<i32>} : memref<4096xi32, #tpu.memory_space<vmem>>, vector<16xi32>,
      %ge3A_232 = vector.broadcast %reduce_min3A_13 : i32 to vector<16xi32>
      %ge3A_233 = arith.cmpi sge, %get3A_231, %ge3A_232 : vector<16xi32>
      %convert_element_type3A_234 = arith.extui %ge3A_233 : vector<16xi1> to vector<16xi32>
      %broadcast_in_dim3A_235 = arith.constant true
      %broadcast_in_dim3A_236 = vector.broadcast %broadcast_in_dim3A_235 : i1 to vector<16xi1>
      %masked_cumsum3A_237 = tpu.scan <sum>, %convert_element_type3A_234 masked %broadcast_in_dim3A_236 : vector<16xi32>, vector<16xi1> -> vector<16xi32>
      %add3A_238 = arith.addi %add3A_223, %masked_cumsum3A_237 : vector<16xi32>
      %sub3A_239 = arith.subi %add3A_238, %convert_element_type3A_234 : vector<16xi32>
      tpu.vector_store_idx %arg10[%sub3A_239], %get3A_231 masked %ge3A_233 : memref<4096xi32, #tpu.memory_space<vmem>>[vector<16xi32>], vector<16xi32>, vector<16xi1>
      %all_reduce_population_count3A_240 = tpu.all_reduce %ge3A_233 {dim = 0 : i64, kind = #tpu.reduction_kind<sum>} : vector<16xi1> -> vector<16xi32>
      %add3A_241 = arith.addi %add3A_223, %all_reduce_population_count3A_240 : vector<16xi32>
      %mul3A_242 = arith.constant 8 : i32
      %mul3A_243 = arith.muli %scan3A_154, %mul3A_242 : i32
      %add3A_244 = arith.constant 5 : i32
      %add3A_245 = arith.addi %mul3A_243, %add3A_244 : i32
      %mul3A_246 = arith.constant 16 : i32
      %mul3A_247 = arith.muli %add3A_245, %mul3A_246 : i32
      %get3A_248 = arith.index_cast %mul3A_247 : i32 to index
      %get3A_249 = tpu.vector_load %arg9[%get3A_248] {strides = array<i32>} : memref<4096xi32, #tpu.memory_space<vmem>>, vector<16xi32>,
      %ge3A_250 = vector.broadcast %reduce_min3A_13 : i32 to vector<16xi32>
      %ge3A_251 = arith.cmpi sge, %get3A_249, %ge3A_250 : vector<16xi32>
      %convert_element_type3A_252 = arith.extui %ge3A_251 : vector<16xi1> to vector<16xi32>
      %broadcast_in_dim3A_253 = arith.constant true
      %broadcast_in_dim3A_254 = vector.broadcast %broadcast_in_dim3A_253 : i1 to vector<16xi1>
      %masked_cumsum3A_255 = tpu.scan <sum>, %convert_element_type3A_252 masked %broadcast_in_dim3A_254 : vector<16xi32>, vector<16xi1> -> vector<16xi32>
      %add3A_256 = arith.addi %add3A_241, %masked_cumsum3A_255 : vector<16xi32>
      %sub3A_257 = arith.subi %add3A_256, %convert_element_type3A_252 : vector<16xi32>
      tpu.vector_store_idx %arg10[%sub3A_257], %get3A_249 masked %ge3A_251 : memref<4096xi32, #tpu.memory_space<vmem>>[vector<16xi32>], vector<16xi32>, vector<16xi1>
      %all_reduce_population_count3A_258 = tpu.all_reduce %ge3A_251 {dim = 0 : i64, kind = #tpu.reduction_kind<sum>} : vector<16xi1> -> vector<16xi32>
      %add3A_259 = arith.addi %add3A_241, %all_reduce_population_count3A_258 : vector<16xi32>
      %mul3A_260 = arith.constant 8 : i32
      %mul3A_261 = arith.muli %scan3A_154, %mul3A_260 : i32
      %add3A_262 = arith.constant 6 : i32
      %add3A_263 = arith.addi %mul3A_261, %add3A_262 : i32
      %mul3A_264 = arith.constant 16 : i32
      %mul3A_265 = arith.muli %add3A_263, %mul3A_264 : i32
      %get3A_266 = arith.index_cast %mul3A_265 : i32 to index
      %get3A_267 = tpu.vector_load %arg9[%get3A_266] {strides = array<i32>} : memref<4096xi32, #tpu.memory_space<vmem>>, vector<16xi32>,
      %ge3A_268 = vector.broadcast %reduce_min3A_13 : i32 to vector<16xi32>
      %ge3A_269 = arith.cmpi sge, %get3A_267, %ge3A_268 : vector<16xi32>
      %convert_element_type3A_270 = arith.extui %ge3A_269 : vector<16xi1> to vector<16xi32>
      %broadcast_in_dim3A_271 = arith.constant true
      %broadcast_in_dim3A_272 = vector.broadcast %broadcast_in_dim3A_271 : i1 to vector<16xi1>
      %masked_cumsum3A_273 = tpu.scan <sum>, %convert_element_type3A_270 masked %broadcast_in_dim3A_272 : vector<16xi32>, vector<16xi1> -> vector<16xi32>
      %add3A_274 = arith.addi %add3A_259, %masked_cumsum3A_273 : vector<16xi32>
      %sub3A_275 = arith.subi %add3A_274, %convert_element_type3A_270 : vector<16xi32>
      tpu.vector_store_idx %arg10[%sub3A_275], %get3A_267 masked %ge3A_269 : memref<4096xi32, #tpu.memory_space<vmem>>[vector<16xi32>], vector<16xi32>, vector<16xi1>
      %all_reduce_population_count3A_276 = tpu.all_reduce %ge3A_269 {dim = 0 : i64, kind = #tpu.reduction_kind<sum>} : vector<16xi1> -> vector<16xi32>
      %add3A_277 = arith.addi %add3A_259, %all_reduce_population_count3A_276 : vector<16xi32>
      %mul3A_278 = arith.constant 8 : i32
      %mul3A_279 = arith.muli %scan3A_154, %mul3A_278 : i32
      %add3A_280 = arith.constant 7 : i32
      %add3A_281 = arith.addi %mul3A_279, %add3A_280 : i32
      %mul3A_282 = arith.constant 16 : i32
      %mul3A_283 = arith.muli %add3A_281, %mul3A_282 : i32
      %get3A_284 = arith.index_cast %mul3A_283 : i32 to index
      %get3A_285 = tpu.vector_load %arg9[%get3A_284] {strides = array<i32>} : memref<4096xi32, #tpu.memory_space<vmem>>, vector<16xi32>,
      %ge3A_286 = vector.broadcast %reduce_min3A_13 : i32 to vector<16xi32>
      %ge3A_287 = arith.cmpi sge, %get3A_285, %ge3A_286 : vector<16xi32>
      %convert_element_type3A_288 = arith.extui %ge3A_287 : vector<16xi1> to vector<16xi32>
      %broadcast_in_dim3A_289 = arith.constant true
      %broadcast_in_dim3A_290 = vector.broadcast %broadcast_in_dim3A_289 : i1 to vector<16xi1>
      %masked_cumsum3A_291 = tpu.scan <sum>, %convert_element_type3A_288 masked %broadcast_in_dim3A_290 : vector<16xi32>, vector<16xi1> -> vector<16xi32>
      %add3A_292 = arith.addi %add3A_277, %masked_cumsum3A_291 : vector<16xi32>
      %sub3A_293 = arith.subi %add3A_292, %convert_element_type3A_288 : vector<16xi32>
      tpu.vector_store_idx %arg10[%sub3A_293], %get3A_285 masked %ge3A_287 : memref<4096xi32, #tpu.memory_space<vmem>>[vector<16xi32>], vector<16xi32>, vector<16xi1>
      %all_reduce_population_count3A_294 = tpu.all_reduce %ge3A_287 {dim = 0 : i64, kind = #tpu.reduction_kind<sum>} : vector<16xi1> -> vector<16xi32>
      %add3A_295 = arith.addi %add3A_277, %all_reduce_population_count3A_294 : vector<16xi32>
      scf.yield %add3A_295 : vector<16xi32>
    }
    %scan3A_21 = arith.constant 32 : i32
    %reduce_max3A = arith.constant true
    %reduce_max3A_22 = vector.broadcast %reduce_max3A : i1 to vector<16xi1>
    %reduce_max3A_23 = arith.constant -2147483648 : i32
    %reduce_max3A_24 = vector.broadcast %reduce_max3A_23 : i32 to vector<16xi32>
    %reduce_max3A_25 = arith.xori %scan3A_20, %reduce_max3A_24 : vector<16xi32>
    %reduce_max3A_26 = tpu.scan <max>, %reduce_max3A_25 masked %reduce_max3A_22 : vector<16xi32>, vector<16xi1> -> vector<16xi32>
    %reduce_max3A_27 = arith.xori %reduce_max3A_26, %reduce_max3A_24 : vector<16xi32>
    %reduce_max3A_28 = vector.extract %reduce_max3A_27[15] : i32 from vector<16xi32>
    %add3A_29 = arith.constant 15 : i32
    %add3A_30 = arith.addi %reduce_max3A_28, %add3A_29 : i32
    %jit3A = arith.constant 16 : i32
    %div3A = arith.divsi %add3A_30, %jit3A : i32
    %sign3A = arith.constant 0 : i32
    %sign3A_31 = arith.cmpi sgt, %add3A_30, %sign3A : i32
    %sign3A_32 = arith.extui %sign3A_31 : i1 to i32
    %sign3A_33 = arith.constant 0 : i32
    %sign3A_34 = arith.cmpi slt, %add3A_30, %sign3A_33 : i32
    %sign3A_35 = arith.extui %sign3A_34 : i1 to i32
    %sign3A_36 = arith.subi %sign3A_32, %sign3A_35 : i32
    %sign3A_37 = arith.constant 0 : i32
    %sign3A_38 = arith.cmpi sgt, %jit3A, %sign3A_37 : i32
    %sign3A_39 = arith.extui %sign3A_38 : i1 to i32
    %sign3A_40 = arith.constant 0 : i32
    %sign3A_41 = arith.cmpi slt, %jit3A, %sign3A_40 : i32
    %sign3A_42 = arith.extui %sign3A_41 : i1 to i32
    %sign3A_43 = arith.subi %sign3A_39, %sign3A_42 : i32
    %ne3A = arith.cmpi ne, %sign3A_36, %sign3A_43 : i32
    %rem3A = arith.remsi %add3A_30, %jit3A : i32
    %ne3A_44 = arith.constant 0 : i32
    %ne3A_45 = arith.cmpi ne, %rem3A, %ne3A_44 : i32
    %and3A = arith.andi %ne3A, %ne3A_45 : i1
    %sub3A = arith.constant 1 : i32
    %sub3A_46 = arith.subi %div3A, %sub3A : i32
    %select_n3A = arith.select %and3A, %sub3A_46, %div3A : i32
    %scan3A_47 = arith.constant 0 : i32
    %scan3A_48 = arith.constant 0 : i32
    %scan3A_49 = arith.constant 32 : i32
    %scan3A_50 = arith.addi %scan3A_48, %scan3A_49 : i32
    %scan3A_51 = arith.constant 1 : i32
    %scan3A_52 = scf.for %scan3A_154 = %scan3A_48 to %scan3A_50 step %scan3A_51 iter_args(%scan3A_155 = %scan3A_47) -> (i32)  : i32 {
      %sub3A_156 = arith.constant 31 : i32
      %sub3A_157 = arith.subi %sub3A_156, %scan3A_154 : i32
      %shift_left3A = arith.constant 1 : i32
      %shift_left3A_158 = arith.shli %shift_left3A, %sub3A_157 : i32
      %or3A = arith.ori %scan3A_155, %shift_left3A_158 : i32
      %xor3A_159 = arith.constant -2147483648 : i32
      %xor3A_160 = arith.xori %or3A, %xor3A_159 : i32
      %broadcast_in_dim3A_161 = arith.constant 0 : i32
      %broadcast_in_dim3A_162 = vector.broadcast %broadcast_in_dim3A_161 : i32 to vector<16xi32>
      %while3A_163 = arith.constant 0 : i32
      %while3A_164 = arith.subi %select_n3A, %while3A_163 : i32
      %while3A_165 = arith.addi %while3A_163, %while3A_164 : i32
      %while3A_166 = arith.constant 1 : i32
      %while3A_167 = arith.divsi %while3A_164, %while3A_166 : i32
      %while3A_168 = arith.muli %while3A_167, %while3A_166 : i32
      %while3A_169 = arith.addi %while3A_163, %while3A_168 : i32
      %while3A_170 = arith.constant 1 : i32
      %while3A_171 = scf.for %while3A_180 = %while3A_163 to %while3A_169 step %while3A_170 iter_args(%while3A_181 = %broadcast_in_dim3A_162) -> (vector<16xi32>)  : i32 {
        %mul3A_182 = arith.constant 16 : i32
        %mul3A_183 = arith.muli %while3A_180, %mul3A_182 : i32
        %get3A_184 = arith.index_cast %mul3A_183 : i32 to index
        %get3A_185 = tpu.vector_load %arg10[%get3A_184] {strides = array<i32>} : memref<4096xi32, #tpu.memory_space<vmem>>, vector<16xi32>,
        %iota3A = tpu.iota {dimensions = array<i32: 0>} : vector<16xi32>
        %mul3A_186 = arith.constant 16 : i32
        %mul3A_187 = arith.muli %while3A_180, %mul3A_186 : i32
        %add3A_188 = vector.broadcast %mul3A_187 : i32 to vector<16xi32>
        %add3A_189 = arith.addi %iota3A, %add3A_188 : vector<16xi32>
        %lt3A = vector.broadcast %reduce_max3A_28 : i32 to vector<16xi32>
        %lt3A_190 = arith.cmpi slt, %add3A_189, %lt3A : vector<16xi32>
        %ge3A_191 = vector.broadcast %xor3A_160 : i32 to vector<16xi32>
        %ge3A_192 = arith.cmpi sge, %get3A_185, %ge3A_191 : vector<16xi32>
        %and3A_193 = arith.andi %ge3A_192, %lt3A_190 : vector<16xi1>
        %convert_element_type3A = arith.extui %and3A_193 : vector<16xi1> to vector<16xi32>
        %add3A_194 = arith.addi %while3A_181, %convert_element_type3A : vector<16xi32>
        scf.yield %add3A_194 : vector<16xi32>
      }
      %while3A_172 = arith.constant 1 : i32
      %while3A_173 = scf.for %while3A_180 = %while3A_169 to %while3A_165 step %while3A_172 iter_args(%while3A_181 = %while3A_171) -> (vector<16xi32>)  : i32 {
        %mul3A_182 = arith.constant 16 : i32
        %mul3A_183 = arith.muli %while3A_180, %mul3A_182 : i32
        %get3A_184 = arith.index_cast %mul3A_183 : i32 to index
        %get3A_185 = tpu.vector_load %arg10[%get3A_184] {strides = array<i32>} : memref<4096xi32, #tpu.memory_space<vmem>>, vector<16xi32>,
        %iota3A = tpu.iota {dimensions = array<i32: 0>} : vector<16xi32>
        %mul3A_186 = arith.constant 16 : i32
        %mul3A_187 = arith.muli %while3A_180, %mul3A_186 : i32
        %add3A_188 = vector.broadcast %mul3A_187 : i32 to vector<16xi32>
        %add3A_189 = arith.addi %iota3A, %add3A_188 : vector<16xi32>
        %lt3A = vector.broadcast %reduce_max3A_28 : i32 to vector<16xi32>
        %lt3A_190 = arith.cmpi slt, %add3A_189, %lt3A : vector<16xi32>
        %ge3A_191 = vector.broadcast %xor3A_160 : i32 to vector<16xi32>
        %ge3A_192 = arith.cmpi sge, %get3A_185, %ge3A_191 : vector<16xi32>
        %and3A_193 = arith.andi %ge3A_192, %lt3A_190 : vector<16xi1>
        %convert_element_type3A = arith.extui %and3A_193 : vector<16xi1> to vector<16xi32>
        %add3A_194 = arith.addi %while3A_181, %convert_element_type3A : vector<16xi32>
        scf.yield %add3A_194 : vector<16xi32>
      }
      %reduce_sum3A_174 = arith.constant true
      %reduce_sum3A_175 = vector.broadcast %reduce_sum3A_174 : i1 to vector<16xi1>
      %reduce_sum3A_176 = tpu.scan <sum>, %while3A_173 masked %reduce_sum3A_175 : vector<16xi32>, vector<16xi1> -> vector<16xi32>
      %reduce_sum3A_177 = vector.extract %reduce_sum3A_176[15] : i32 from vector<16xi32>
      %ge3A = arith.constant 32 : i32
      %ge3A_178 = arith.cmpi sge, %reduce_sum3A_177, %ge3A : i32
      %select_n3A_179 = arith.select %ge3A_178, %or3A, %scan3A_155 : i32
      scf.yield %select_n3A_179 : i32
    }
    %scan3A_53 = arith.constant 32 : i32
    %xor3A = arith.constant -2147483648 : i32
    %xor3A_54 = arith.xori %scan3A_52, %xor3A : i32
    %broadcast_in_dim3A_55 = arith.constant 0 : i32
    %broadcast_in_dim3A_56 = vector.broadcast %broadcast_in_dim3A_55 : i32 to vector<16xi32>
    %while3A = arith.constant 0 : i32
    %while3A_57 = arith.subi %select_n3A, %while3A : i32
    %while3A_58 = arith.addi %while3A, %while3A_57 : i32
    %while3A_59 = arith.constant 1 : i32
    %while3A_60 = arith.divsi %while3A_57, %while3A_59 : i32
    %while3A_61 = arith.muli %while3A_60, %while3A_59 : i32
    %while3A_62 = arith.addi %while3A, %while3A_61 : i32
    %while3A_63 = arith.constant 1 : i32
    %while3A_64 = scf.for %while3A_154 = %while3A to %while3A_62 step %while3A_63 iter_args(%while3A_155 = %broadcast_in_dim3A_56) -> (vector<16xi32>)  : i32 {
      %mul3A_156 = arith.constant 16 : i32
      %mul3A_157 = arith.muli %while3A_154, %mul3A_156 : i32
      %get3A_158 = arith.index_cast %mul3A_157 : i32 to index
      %get3A_159 = tpu.vector_load %arg10[%get3A_158] {strides = array<i32>} : memref<4096xi32, #tpu.memory_space<vmem>>, vector<16xi32>,
      %iota3A = tpu.iota {dimensions = array<i32: 0>} : vector<16xi32>
      %mul3A_160 = arith.constant 16 : i32
      %mul3A_161 = arith.muli %while3A_154, %mul3A_160 : i32
      %add3A_162 = vector.broadcast %mul3A_161 : i32 to vector<16xi32>
      %add3A_163 = arith.addi %iota3A, %add3A_162 : vector<16xi32>
      %lt3A = vector.broadcast %reduce_max3A_28 : i32 to vector<16xi32>
      %lt3A_164 = arith.cmpi slt, %add3A_163, %lt3A : vector<16xi32>
      %gt3A = vector.broadcast %xor3A_54 : i32 to vector<16xi32>
      %gt3A_165 = arith.cmpi sgt, %get3A_159, %gt3A : vector<16xi32>
      %and3A_166 = arith.andi %gt3A_165, %lt3A_164 : vector<16xi1>
      %convert_element_type3A = arith.extui %and3A_166 : vector<16xi1> to vector<16xi32>
      %add3A_167 = arith.addi %while3A_155, %convert_element_type3A : vector<16xi32>
      scf.yield %add3A_167 : vector<16xi32>
    }
    %while3A_65 = arith.constant 1 : i32
    %while3A_66 = scf.for %while3A_154 = %while3A_62 to %while3A_58 step %while3A_65 iter_args(%while3A_155 = %while3A_64) -> (vector<16xi32>)  : i32 {
      %mul3A_156 = arith.constant 16 : i32
      %mul3A_157 = arith.muli %while3A_154, %mul3A_156 : i32
      %get3A_158 = arith.index_cast %mul3A_157 : i32 to index
      %get3A_159 = tpu.vector_load %arg10[%get3A_158] {strides = array<i32>} : memref<4096xi32, #tpu.memory_space<vmem>>, vector<16xi32>,
      %iota3A = tpu.iota {dimensions = array<i32: 0>} : vector<16xi32>
      %mul3A_160 = arith.constant 16 : i32
      %mul3A_161 = arith.muli %while3A_154, %mul3A_160 : i32
      %add3A_162 = vector.broadcast %mul3A_161 : i32 to vector<16xi32>
      %add3A_163 = arith.addi %iota3A, %add3A_162 : vector<16xi32>
      %lt3A = vector.broadcast %reduce_max3A_28 : i32 to vector<16xi32>
      %lt3A_164 = arith.cmpi slt, %add3A_163, %lt3A : vector<16xi32>
      %gt3A = vector.broadcast %xor3A_54 : i32 to vector<16xi32>
      %gt3A_165 = arith.cmpi sgt, %get3A_159, %gt3A : vector<16xi32>
      %and3A_166 = arith.andi %gt3A_165, %lt3A_164 : vector<16xi1>
      %convert_element_type3A = arith.extui %and3A_166 : vector<16xi1> to vector<16xi32>
      %add3A_167 = arith.addi %while3A_155, %convert_element_type3A : vector<16xi32>
      scf.yield %add3A_167 : vector<16xi32>
    }
    %reduce_sum3A = arith.constant true
    %reduce_sum3A_67 = vector.broadcast %reduce_sum3A : i1 to vector<16xi1>
    %reduce_sum3A_68 = tpu.scan <sum>, %while3A_66 masked %reduce_sum3A_67 : vector<16xi32>, vector<16xi1> -> vector<16xi32>
    %reduce_sum3A_69 = vector.extract %reduce_sum3A_68[15] : i32 from vector<16xi32>
    %sub3A_70 = arith.constant 32 : i32
    %sub3A_71 = arith.subi %sub3A_70, %reduce_sum3A_69 : i32
    %broadcast_in_dim3A_72 = arith.constant 0 : i32
    %broadcast_in_dim3A_73 = vector.broadcast %broadcast_in_dim3A_72 : i32 to vector<16xi32>
    %scan3A_74 = arith.constant 0 : i32
    %scan3A_75 = arith.constant 32 : i32
    %scan3A_76 = arith.addi %scan3A_74, %scan3A_75 : i32
    %scan3A_77 = arith.constant 1 : i32
    %scan3A_78:2 = scf.for %scan3A_154 = %scan3A_74 to %scan3A_76 step %scan3A_77 iter_args(%scan3A_155 = %broadcast_in_dim3A_73, %scan3A_156 = %broadcast_in_dim3A_73) -> (vector<16xi32>, vector<16xi32>)  : i32 {
      %mul3A_157 = arith.constant 8 : i32
      %mul3A_158 = arith.muli %scan3A_154, %mul3A_157 : i32
      %add3A_159 = arith.constant 0 : i32
      %add3A_160 = arith.addi %mul3A_158, %add3A_159 : i32
      %mul3A_161 = arith.constant 16 : i32
      %mul3A_162 = arith.muli %add3A_160, %mul3A_161 : i32
      %get3A_163 = arith.index_cast %mul3A_162 : i32 to index
      %get3A_164 = tpu.vector_load %arg9[%get3A_163] {strides = array<i32>} : memref<4096xi32, #tpu.memory_space<vmem>>, vector<16xi32>,
      %iota3A = tpu.iota {dimensions = array<i32: 0>} : vector<16xi32>
      %mul3A_165 = arith.constant 16 : i32
      %mul3A_166 = arith.muli %add3A_160, %mul3A_165 : i32
      %add3A_167 = vector.broadcast %mul3A_166 : i32 to vector<16xi32>
      %add3A_168 = arith.addi %iota3A, %add3A_167 : vector<16xi32>
      %eq3A = vector.broadcast %xor3A_54 : i32 to vector<16xi32>
      %eq3A_169 = arith.cmpi eq, %get3A_164, %eq3A : vector<16xi32>
      %convert_element_type3A = arith.extui %eq3A_169 : vector<16xi1> to vector<16xi32>
      %broadcast_in_dim3A_170 = arith.constant true
      %broadcast_in_dim3A_171 = vector.broadcast %broadcast_in_dim3A_170 : i1 to vector<16xi1>
      %masked_cumsum3A = tpu.scan <sum>, %convert_element_type3A masked %broadcast_in_dim3A_171 : vector<16xi32>, vector<16xi1> -> vector<16xi32>
      %add3A_172 = arith.addi %scan3A_156, %masked_cumsum3A : vector<16xi32>
      %sub3A_173 = arith.subi %add3A_172, %convert_element_type3A : vector<16xi32>
      %gt3A = vector.broadcast %xor3A_54 : i32 to vector<16xi32>
      %gt3A_174 = arith.cmpi sgt, %get3A_164, %gt3A : vector<16xi32>
      %lt3A = vector.broadcast %sub3A_71 : i32 to vector<16xi32>
      %lt3A_175 = arith.cmpi slt, %sub3A_173, %lt3A : vector<16xi32>
      %and3A_176 = arith.andi %eq3A_169, %lt3A_175 : vector<16xi1>
      %or3A = arith.ori %gt3A_174, %and3A_176 : vector<16xi1>
      %rem3A_177 = arith.constant 65 : i32
      %rem3A_178 = vector.broadcast %rem3A_177 : i32 to vector<16xi32>
      %rem3A_179 = arith.remsi %add3A_168, %rem3A_178 : vector<16xi32>
      %eq3A_180 = arith.constant 0 : i32
      %eq3A_181 = vector.broadcast %eq3A_180 : i32 to vector<16xi32>
      %eq3A_182 = arith.cmpi eq, %rem3A_179, %eq3A_181 : vector<16xi32>
      %or3A_183 = arith.ori %or3A, %eq3A_182 : vector<16xi1>
      %convert_element_type3A_184 = arith.extui %or3A_183 : vector<16xi1> to vector<16xi32>
      %broadcast_in_dim3A_185 = arith.constant true
      %broadcast_in_dim3A_186 = vector.broadcast %broadcast_in_dim3A_185 : i1 to vector<16xi1>
      %masked_cumsum3A_187 = tpu.scan <sum>, %convert_element_type3A_184 masked %broadcast_in_dim3A_186 : vector<16xi32>, vector<16xi1> -> vector<16xi32>
      %add3A_188 = arith.addi %scan3A_155, %masked_cumsum3A_187 : vector<16xi32>
      %sub3A_189 = arith.subi %add3A_188, %convert_element_type3A_184 : vector<16xi32>
      %lt3A_190 = arith.constant 64 : i32
      %lt3A_191 = vector.broadcast %lt3A_190 : i32 to vector<16xi32>
      %lt3A_192 = arith.cmpi slt, %sub3A_189, %lt3A_191 : vector<16xi32>
      %and3A_193 = arith.andi %or3A_183, %lt3A_192 : vector<16xi1>
      tpu.vector_store_idx %arg11[%sub3A_189], %add3A_168 masked %and3A_193 : memref<64xi32, #tpu.memory_space<vmem>>[vector<16xi32>], vector<16xi32>, vector<16xi1>
      %all_reduce_population_count3A = tpu.all_reduce %or3A_183 {dim = 0 : i64, kind = #tpu.reduction_kind<sum>} : vector<16xi1> -> vector<16xi32>
      %add3A_194 = arith.addi %scan3A_155, %all_reduce_population_count3A : vector<16xi32>
      %all_reduce_population_count3A_195 = tpu.all_reduce %eq3A_169 {dim = 0 : i64, kind = #tpu.reduction_kind<sum>} : vector<16xi1> -> vector<16xi32>
      %add3A_196 = arith.addi %scan3A_156, %all_reduce_population_count3A_195 : vector<16xi32>
      %mul3A_197 = arith.constant 8 : i32
      %mul3A_198 = arith.muli %scan3A_154, %mul3A_197 : i32
      %add3A_199 = arith.constant 1 : i32
      %add3A_200 = arith.addi %mul3A_198, %add3A_199 : i32
      %mul3A_201 = arith.constant 16 : i32
      %mul3A_202 = arith.muli %add3A_200, %mul3A_201 : i32
      %get3A_203 = arith.index_cast %mul3A_202 : i32 to index
      %get3A_204 = tpu.vector_load %arg9[%get3A_203] {strides = array<i32>} : memref<4096xi32, #tpu.memory_space<vmem>>, vector<16xi32>,
      %iota3A_205 = tpu.iota {dimensions = array<i32: 0>} : vector<16xi32>
      %mul3A_206 = arith.constant 16 : i32
      %mul3A_207 = arith.muli %add3A_200, %mul3A_206 : i32
      %add3A_208 = vector.broadcast %mul3A_207 : i32 to vector<16xi32>
      %add3A_209 = arith.addi %iota3A_205, %add3A_208 : vector<16xi32>
      %eq3A_210 = vector.broadcast %xor3A_54 : i32 to vector<16xi32>
      %eq3A_211 = arith.cmpi eq, %get3A_204, %eq3A_210 : vector<16xi32>
      %convert_element_type3A_212 = arith.extui %eq3A_211 : vector<16xi1> to vector<16xi32>
      %broadcast_in_dim3A_213 = arith.constant true
      %broadcast_in_dim3A_214 = vector.broadcast %broadcast_in_dim3A_213 : i1 to vector<16xi1>
      %masked_cumsum3A_215 = tpu.scan <sum>, %convert_element_type3A_212 masked %broadcast_in_dim3A_214 : vector<16xi32>, vector<16xi1> -> vector<16xi32>
      %add3A_216 = arith.addi %add3A_196, %masked_cumsum3A_215 : vector<16xi32>
      %sub3A_217 = arith.subi %add3A_216, %convert_element_type3A_212 : vector<16xi32>
      %gt3A_218 = vector.broadcast %xor3A_54 : i32 to vector<16xi32>
      %gt3A_219 = arith.cmpi sgt, %get3A_204, %gt3A_218 : vector<16xi32>
      %lt3A_220 = vector.broadcast %sub3A_71 : i32 to vector<16xi32>
      %lt3A_221 = arith.cmpi slt, %sub3A_217, %lt3A_220 : vector<16xi32>
      %and3A_222 = arith.andi %eq3A_211, %lt3A_221 : vector<16xi1>
      %or3A_223 = arith.ori %gt3A_219, %and3A_222 : vector<16xi1>
      %rem3A_224 = arith.constant 65 : i32
      %rem3A_225 = vector.broadcast %rem3A_224 : i32 to vector<16xi32>
      %rem3A_226 = arith.remsi %add3A_209, %rem3A_225 : vector<16xi32>
      %eq3A_227 = arith.constant 0 : i32
      %eq3A_228 = vector.broadcast %eq3A_227 : i32 to vector<16xi32>
      %eq3A_229 = arith.cmpi eq, %rem3A_226, %eq3A_228 : vector<16xi32>
      %or3A_230 = arith.ori %or3A_223, %eq3A_229 : vector<16xi1>
      %convert_element_type3A_231 = arith.extui %or3A_230 : vector<16xi1> to vector<16xi32>
      %broadcast_in_dim3A_232 = arith.constant true
      %broadcast_in_dim3A_233 = vector.broadcast %broadcast_in_dim3A_232 : i1 to vector<16xi1>
      %masked_cumsum3A_234 = tpu.scan <sum>, %convert_element_type3A_231 masked %broadcast_in_dim3A_233 : vector<16xi32>, vector<16xi1> -> vector<16xi32>
      %add3A_235 = arith.addi %add3A_194, %masked_cumsum3A_234 : vector<16xi32>
      %sub3A_236 = arith.subi %add3A_235, %convert_element_type3A_231 : vector<16xi32>
      %lt3A_237 = arith.constant 64 : i32
      %lt3A_238 = vector.broadcast %lt3A_237 : i32 to vector<16xi32>
      %lt3A_239 = arith.cmpi slt, %sub3A_236, %lt3A_238 : vector<16xi32>
      %and3A_240 = arith.andi %or3A_230, %lt3A_239 : vector<16xi1>
      tpu.vector_store_idx %arg11[%sub3A_236], %add3A_209 masked %and3A_240 : memref<64xi32, #tpu.memory_space<vmem>>[vector<16xi32>], vector<16xi32>, vector<16xi1>
      %all_reduce_population_count3A_241 = tpu.all_reduce %or3A_230 {dim = 0 : i64, kind = #tpu.reduction_kind<sum>} : vector<16xi1> -> vector<16xi32>
      %add3A_242 = arith.addi %add3A_194, %all_reduce_population_count3A_241 : vector<16xi32>
      %all_reduce_population_count3A_243 = tpu.all_reduce %eq3A_211 {dim = 0 : i64, kind = #tpu.reduction_kind<sum>} : vector<16xi1> -> vector<16xi32>
      %add3A_244 = arith.addi %add3A_196, %all_reduce_population_count3A_243 : vector<16xi32>
      %mul3A_245 = arith.constant 8 : i32
      %mul3A_246 = arith.muli %scan3A_154, %mul3A_245 : i32
      %add3A_247 = arith.constant 2 : i32
      %add3A_248 = arith.addi %mul3A_246, %add3A_247 : i32
      %mul3A_249 = arith.constant 16 : i32
      %mul3A_250 = arith.muli %add3A_248, %mul3A_249 : i32
      %get3A_251 = arith.index_cast %mul3A_250 : i32 to index
      %get3A_252 = tpu.vector_load %arg9[%get3A_251] {strides = array<i32>} : memref<4096xi32, #tpu.memory_space<vmem>>, vector<16xi32>,
      %iota3A_253 = tpu.iota {dimensions = array<i32: 0>} : vector<16xi32>
      %mul3A_254 = arith.constant 16 : i32
      %mul3A_255 = arith.muli %add3A_248, %mul3A_254 : i32
      %add3A_256 = vector.broadcast %mul3A_255 : i32 to vector<16xi32>
      %add3A_257 = arith.addi %iota3A_253, %add3A_256 : vector<16xi32>
      %eq3A_258 = vector.broadcast %xor3A_54 : i32 to vector<16xi32>
      %eq3A_259 = arith.cmpi eq, %get3A_252, %eq3A_258 : vector<16xi32>
      %convert_element_type3A_260 = arith.extui %eq3A_259 : vector<16xi1> to vector<16xi32>
      %broadcast_in_dim3A_261 = arith.constant true
      %broadcast_in_dim3A_262 = vector.broadcast %broadcast_in_dim3A_261 : i1 to vector<16xi1>
      %masked_cumsum3A_263 = tpu.scan <sum>, %convert_element_type3A_260 masked %broadcast_in_dim3A_262 : vector<16xi32>, vector<16xi1> -> vector<16xi32>
      %add3A_264 = arith.addi %add3A_244, %masked_cumsum3A_263 : vector<16xi32>
      %sub3A_265 = arith.subi %add3A_264, %convert_element_type3A_260 : vector<16xi32>
      %gt3A_266 = vector.broadcast %xor3A_54 : i32 to vector<16xi32>
      %gt3A_267 = arith.cmpi sgt, %get3A_252, %gt3A_266 : vector<16xi32>
      %lt3A_268 = vector.broadcast %sub3A_71 : i32 to vector<16xi32>
      %lt3A_269 = arith.cmpi slt, %sub3A_265, %lt3A_268 : vector<16xi32>
      %and3A_270 = arith.andi %eq3A_259, %lt3A_269 : vector<16xi1>
      %or3A_271 = arith.ori %gt3A_267, %and3A_270 : vector<16xi1>
      %rem3A_272 = arith.constant 65 : i32
      %rem3A_273 = vector.broadcast %rem3A_272 : i32 to vector<16xi32>
      %rem3A_274 = arith.remsi %add3A_257, %rem3A_273 : vector<16xi32>
      %eq3A_275 = arith.constant 0 : i32
      %eq3A_276 = vector.broadcast %eq3A_275 : i32 to vector<16xi32>
      %eq3A_277 = arith.cmpi eq, %rem3A_274, %eq3A_276 : vector<16xi32>
      %or3A_278 = arith.ori %or3A_271, %eq3A_277 : vector<16xi1>
      %convert_element_type3A_279 = arith.extui %or3A_278 : vector<16xi1> to vector<16xi32>
      %broadcast_in_dim3A_280 = arith.constant true
      %broadcast_in_dim3A_281 = vector.broadcast %broadcast_in_dim3A_280 : i1 to vector<16xi1>
      %masked_cumsum3A_282 = tpu.scan <sum>, %convert_element_type3A_279 masked %broadcast_in_dim3A_281 : vector<16xi32>, vector<16xi1> -> vector<16xi32>
      %add3A_283 = arith.addi %add3A_242, %masked_cumsum3A_282 : vector<16xi32>
      %sub3A_284 = arith.subi %add3A_283, %convert_element_type3A_279 : vector<16xi32>
      %lt3A_285 = arith.constant 64 : i32
      %lt3A_286 = vector.broadcast %lt3A_285 : i32 to vector<16xi32>
      %lt3A_287 = arith.cmpi slt, %sub3A_284, %lt3A_286 : vector<16xi32>
      %and3A_288 = arith.andi %or3A_278, %lt3A_287 : vector<16xi1>
      tpu.vector_store_idx %arg11[%sub3A_284], %add3A_257 masked %and3A_288 : memref<64xi32, #tpu.memory_space<vmem>>[vector<16xi32>], vector<16xi32>, vector<16xi1>
      %all_reduce_population_count3A_289 = tpu.all_reduce %or3A_278 {dim = 0 : i64, kind = #tpu.reduction_kind<sum>} : vector<16xi1> -> vector<16xi32>
      %add3A_290 = arith.addi %add3A_242, %all_reduce_population_count3A_289 : vector<16xi32>
      %all_reduce_population_count3A_291 = tpu.all_reduce %eq3A_259 {dim = 0 : i64, kind = #tpu.reduction_kind<sum>} : vector<16xi1> -> vector<16xi32>
      %add3A_292 = arith.addi %add3A_244, %all_reduce_population_count3A_291 : vector<16xi32>
      %mul3A_293 = arith.constant 8 : i32
      %mul3A_294 = arith.muli %scan3A_154, %mul3A_293 : i32
      %add3A_295 = arith.constant 3 : i32
      %add3A_296 = arith.addi %mul3A_294, %add3A_295 : i32
      %mul3A_297 = arith.constant 16 : i32
      %mul3A_298 = arith.muli %add3A_296, %mul3A_297 : i32
      %get3A_299 = arith.index_cast %mul3A_298 : i32 to index
      %get3A_300 = tpu.vector_load %arg9[%get3A_299] {strides = array<i32>} : memref<4096xi32, #tpu.memory_space<vmem>>, vector<16xi32>,
      %iota3A_301 = tpu.iota {dimensions = array<i32: 0>} : vector<16xi32>
      %mul3A_302 = arith.constant 16 : i32
      %mul3A_303 = arith.muli %add3A_296, %mul3A_302 : i32
      %add3A_304 = vector.broadcast %mul3A_303 : i32 to vector<16xi32>
      %add3A_305 = arith.addi %iota3A_301, %add3A_304 : vector<16xi32>
      %eq3A_306 = vector.broadcast %xor3A_54 : i32 to vector<16xi32>
      %eq3A_307 = arith.cmpi eq, %get3A_300, %eq3A_306 : vector<16xi32>
      %convert_element_type3A_308 = arith.extui %eq3A_307 : vector<16xi1> to vector<16xi32>
      %broadcast_in_dim3A_309 = arith.constant true
      %broadcast_in_dim3A_310 = vector.broadcast %broadcast_in_dim3A_309 : i1 to vector<16xi1>
      %masked_cumsum3A_311 = tpu.scan <sum>, %convert_element_type3A_308 masked %broadcast_in_dim3A_310 : vector<16xi32>, vector<16xi1> -> vector<16xi32>
      %add3A_312 = arith.addi %add3A_292, %masked_cumsum3A_311 : vector<16xi32>
      %sub3A_313 = arith.subi %add3A_312, %convert_element_type3A_308 : vector<16xi32>
      %gt3A_314 = vector.broadcast %xor3A_54 : i32 to vector<16xi32>
      %gt3A_315 = arith.cmpi sgt, %get3A_300, %gt3A_314 : vector<16xi32>
      %lt3A_316 = vector.broadcast %sub3A_71 : i32 to vector<16xi32>
      %lt3A_317 = arith.cmpi slt, %sub3A_313, %lt3A_316 : vector<16xi32>
      %and3A_318 = arith.andi %eq3A_307, %lt3A_317 : vector<16xi1>
      %or3A_319 = arith.ori %gt3A_315, %and3A_318 : vector<16xi1>
      %rem3A_320 = arith.constant 65 : i32
      %rem3A_321 = vector.broadcast %rem3A_320 : i32 to vector<16xi32>
      %rem3A_322 = arith.remsi %add3A_305, %rem3A_321 : vector<16xi32>
      %eq3A_323 = arith.constant 0 : i32
      %eq3A_324 = vector.broadcast %eq3A_323 : i32 to vector<16xi32>
      %eq3A_325 = arith.cmpi eq, %rem3A_322, %eq3A_324 : vector<16xi32>
      %or3A_326 = arith.ori %or3A_319, %eq3A_325 : vector<16xi1>
      %convert_element_type3A_327 = arith.extui %or3A_326 : vector<16xi1> to vector<16xi32>
      %broadcast_in_dim3A_328 = arith.constant true
      %broadcast_in_dim3A_329 = vector.broadcast %broadcast_in_dim3A_328 : i1 to vector<16xi1>
      %masked_cumsum3A_330 = tpu.scan <sum>, %convert_element_type3A_327 masked %broadcast_in_dim3A_329 : vector<16xi32>, vector<16xi1> -> vector<16xi32>
      %add3A_331 = arith.addi %add3A_290, %masked_cumsum3A_330 : vector<16xi32>
      %sub3A_332 = arith.subi %add3A_331, %convert_element_type3A_327 : vector<16xi32>
      %lt3A_333 = arith.constant 64 : i32
      %lt3A_334 = vector.broadcast %lt3A_333 : i32 to vector<16xi32>
      %lt3A_335 = arith.cmpi slt, %sub3A_332, %lt3A_334 : vector<16xi32>
      %and3A_336 = arith.andi %or3A_326, %lt3A_335 : vector<16xi1>
      tpu.vector_store_idx %arg11[%sub3A_332], %add3A_305 masked %and3A_336 : memref<64xi32, #tpu.memory_space<vmem>>[vector<16xi32>], vector<16xi32>, vector<16xi1>
      %all_reduce_population_count3A_337 = tpu.all_reduce %or3A_326 {dim = 0 : i64, kind = #tpu.reduction_kind<sum>} : vector<16xi1> -> vector<16xi32>
      %add3A_338 = arith.addi %add3A_290, %all_reduce_population_count3A_337 : vector<16xi32>
      %all_reduce_population_count3A_339 = tpu.all_reduce %eq3A_307 {dim = 0 : i64, kind = #tpu.reduction_kind<sum>} : vector<16xi1> -> vector<16xi32>
      %add3A_340 = arith.addi %add3A_292, %all_reduce_population_count3A_339 : vector<16xi32>
      %mul3A_341 = arith.constant 8 : i32
      %mul3A_342 = arith.muli %scan3A_154, %mul3A_341 : i32
      %add3A_343 = arith.constant 4 : i32
      %add3A_344 = arith.addi %mul3A_342, %add3A_343 : i32
      %mul3A_345 = arith.constant 16 : i32
      %mul3A_346 = arith.muli %add3A_344, %mul3A_345 : i32
      %get3A_347 = arith.index_cast %mul3A_346 : i32 to index
      %get3A_348 = tpu.vector_load %arg9[%get3A_347] {strides = array<i32>} : memref<4096xi32, #tpu.memory_space<vmem>>, vector<16xi32>,
      %iota3A_349 = tpu.iota {dimensions = array<i32: 0>} : vector<16xi32>
      %mul3A_350 = arith.constant 16 : i32
      %mul3A_351 = arith.muli %add3A_344, %mul3A_350 : i32
      %add3A_352 = vector.broadcast %mul3A_351 : i32 to vector<16xi32>
      %add3A_353 = arith.addi %iota3A_349, %add3A_352 : vector<16xi32>
      %eq3A_354 = vector.broadcast %xor3A_54 : i32 to vector<16xi32>
      %eq3A_355 = arith.cmpi eq, %get3A_348, %eq3A_354 : vector<16xi32>
      %convert_element_type3A_356 = arith.extui %eq3A_355 : vector<16xi1> to vector<16xi32>
      %broadcast_in_dim3A_357 = arith.constant true
      %broadcast_in_dim3A_358 = vector.broadcast %broadcast_in_dim3A_357 : i1 to vector<16xi1>
      %masked_cumsum3A_359 = tpu.scan <sum>, %convert_element_type3A_356 masked %broadcast_in_dim3A_358 : vector<16xi32>, vector<16xi1> -> vector<16xi32>
      %add3A_360 = arith.addi %add3A_340, %masked_cumsum3A_359 : vector<16xi32>
      %sub3A_361 = arith.subi %add3A_360, %convert_element_type3A_356 : vector<16xi32>
      %gt3A_362 = vector.broadcast %xor3A_54 : i32 to vector<16xi32>
      %gt3A_363 = arith.cmpi sgt, %get3A_348, %gt3A_362 : vector<16xi32>
      %lt3A_364 = vector.broadcast %sub3A_71 : i32 to vector<16xi32>
      %lt3A_365 = arith.cmpi slt, %sub3A_361, %lt3A_364 : vector<16xi32>
      %and3A_366 = arith.andi %eq3A_355, %lt3A_365 : vector<16xi1>
      %or3A_367 = arith.ori %gt3A_363, %and3A_366 : vector<16xi1>
      %rem3A_368 = arith.constant 65 : i32
      %rem3A_369 = vector.broadcast %rem3A_368 : i32 to vector<16xi32>
      %rem3A_370 = arith.remsi %add3A_353, %rem3A_369 : vector<16xi32>
      %eq3A_371 = arith.constant 0 : i32
      %eq3A_372 = vector.broadcast %eq3A_371 : i32 to vector<16xi32>
      %eq3A_373 = arith.cmpi eq, %rem3A_370, %eq3A_372 : vector<16xi32>
      %or3A_374 = arith.ori %or3A_367, %eq3A_373 : vector<16xi1>
      %convert_element_type3A_375 = arith.extui %or3A_374 : vector<16xi1> to vector<16xi32>
      %broadcast_in_dim3A_376 = arith.constant true
      %broadcast_in_dim3A_377 = vector.broadcast %broadcast_in_dim3A_376 : i1 to vector<16xi1>
      %masked_cumsum3A_378 = tpu.scan <sum>, %convert_element_type3A_375 masked %broadcast_in_dim3A_377 : vector<16xi32>, vector<16xi1> -> vector<16xi32>
      %add3A_379 = arith.addi %add3A_338, %masked_cumsum3A_378 : vector<16xi32>
      %sub3A_380 = arith.subi %add3A_379, %convert_element_type3A_375 : vector<16xi32>
      %lt3A_381 = arith.constant 64 : i32
      %lt3A_382 = vector.broadcast %lt3A_381 : i32 to vector<16xi32>
      %lt3A_383 = arith.cmpi slt, %sub3A_380, %lt3A_382 : vector<16xi32>
      %and3A_384 = arith.andi %or3A_374, %lt3A_383 : vector<16xi1>
      tpu.vector_store_idx %arg11[%sub3A_380], %add3A_353 masked %and3A_384 : memref<64xi32, #tpu.memory_space<vmem>>[vector<16xi32>], vector<16xi32>, vector<16xi1>
      %all_reduce_population_count3A_385 = tpu.all_reduce %or3A_374 {dim = 0 : i64, kind = #tpu.reduction_kind<sum>} : vector<16xi1> -> vector<16xi32>
      %add3A_386 = arith.addi %add3A_338, %all_reduce_population_count3A_385 : vector<16xi32>
      %all_reduce_population_count3A_387 = tpu.all_reduce %eq3A_355 {dim = 0 : i64, kind = #tpu.reduction_kind<sum>} : vector<16xi1> -> vector<16xi32>
      %add3A_388 = arith.addi %add3A_340, %all_reduce_population_count3A_387 : vector<16xi32>
      %mul3A_389 = arith.constant 8 : i32
      %mul3A_390 = arith.muli %scan3A_154, %mul3A_389 : i32
      %add3A_391 = arith.constant 5 : i32
      %add3A_392 = arith.addi %mul3A_390, %add3A_391 : i32
      %mul3A_393 = arith.constant 16 : i32
      %mul3A_394 = arith.muli %add3A_392, %mul3A_393 : i32
      %get3A_395 = arith.index_cast %mul3A_394 : i32 to index
      %get3A_396 = tpu.vector_load %arg9[%get3A_395] {strides = array<i32>} : memref<4096xi32, #tpu.memory_space<vmem>>, vector<16xi32>,
      %iota3A_397 = tpu.iota {dimensions = array<i32: 0>} : vector<16xi32>
      %mul3A_398 = arith.constant 16 : i32
      %mul3A_399 = arith.muli %add3A_392, %mul3A_398 : i32
      %add3A_400 = vector.broadcast %mul3A_399 : i32 to vector<16xi32>
      %add3A_401 = arith.addi %iota3A_397, %add3A_400 : vector<16xi32>
      %eq3A_402 = vector.broadcast %xor3A_54 : i32 to vector<16xi32>
      %eq3A_403 = arith.cmpi eq, %get3A_396, %eq3A_402 : vector<16xi32>
      %convert_element_type3A_404 = arith.extui %eq3A_403 : vector<16xi1> to vector<16xi32>
      %broadcast_in_dim3A_405 = arith.constant true
      %broadcast_in_dim3A_406 = vector.broadcast %broadcast_in_dim3A_405 : i1 to vector<16xi1>
      %masked_cumsum3A_407 = tpu.scan <sum>, %convert_element_type3A_404 masked %broadcast_in_dim3A_406 : vector<16xi32>, vector<16xi1> -> vector<16xi32>
      %add3A_408 = arith.addi %add3A_388, %masked_cumsum3A_407 : vector<16xi32>
      %sub3A_409 = arith.subi %add3A_408, %convert_element_type3A_404 : vector<16xi32>
      %gt3A_410 = vector.broadcast %xor3A_54 : i32 to vector<16xi32>
      %gt3A_411 = arith.cmpi sgt, %get3A_396, %gt3A_410 : vector<16xi32>
      %lt3A_412 = vector.broadcast %sub3A_71 : i32 to vector<16xi32>
      %lt3A_413 = arith.cmpi slt, %sub3A_409, %lt3A_412 : vector<16xi32>
      %and3A_414 = arith.andi %eq3A_403, %lt3A_413 : vector<16xi1>
      %or3A_415 = arith.ori %gt3A_411, %and3A_414 : vector<16xi1>
      %rem3A_416 = arith.constant 65 : i32
      %rem3A_417 = vector.broadcast %rem3A_416 : i32 to vector<16xi32>
      %rem3A_418 = arith.remsi %add3A_401, %rem3A_417 : vector<16xi32>
      %eq3A_419 = arith.constant 0 : i32
      %eq3A_420 = vector.broadcast %eq3A_419 : i32 to vector<16xi32>
      %eq3A_421 = arith.cmpi eq, %rem3A_418, %eq3A_420 : vector<16xi32>
      %or3A_422 = arith.ori %or3A_415, %eq3A_421 : vector<16xi1>
      %convert_element_type3A_423 = arith.extui %or3A_422 : vector<16xi1> to vector<16xi32>
      %broadcast_in_dim3A_424 = arith.constant true
      %broadcast_in_dim3A_425 = vector.broadcast %broadcast_in_dim3A_424 : i1 to vector<16xi1>
      %masked_cumsum3A_426 = tpu.scan <sum>, %convert_element_type3A_423 masked %broadcast_in_dim3A_425 : vector<16xi32>, vector<16xi1> -> vector<16xi32>
      %add3A_427 = arith.addi %add3A_386, %masked_cumsum3A_426 : vector<16xi32>
      %sub3A_428 = arith.subi %add3A_427, %convert_element_type3A_423 : vector<16xi32>
      %lt3A_429 = arith.constant 64 : i32
      %lt3A_430 = vector.broadcast %lt3A_429 : i32 to vector<16xi32>
      %lt3A_431 = arith.cmpi slt, %sub3A_428, %lt3A_430 : vector<16xi32>
      %and3A_432 = arith.andi %or3A_422, %lt3A_431 : vector<16xi1>
      tpu.vector_store_idx %arg11[%sub3A_428], %add3A_401 masked %and3A_432 : memref<64xi32, #tpu.memory_space<vmem>>[vector<16xi32>], vector<16xi32>, vector<16xi1>
      %all_reduce_population_count3A_433 = tpu.all_reduce %or3A_422 {dim = 0 : i64, kind = #tpu.reduction_kind<sum>} : vector<16xi1> -> vector<16xi32>
      %add3A_434 = arith.addi %add3A_386, %all_reduce_population_count3A_433 : vector<16xi32>
      %all_reduce_population_count3A_435 = tpu.all_reduce %eq3A_403 {dim = 0 : i64, kind = #tpu.reduction_kind<sum>} : vector<16xi1> -> vector<16xi32>
      %add3A_436 = arith.addi %add3A_388, %all_reduce_population_count3A_435 : vector<16xi32>
      %mul3A_437 = arith.constant 8 : i32
      %mul3A_438 = arith.muli %scan3A_154, %mul3A_437 : i32
      %add3A_439 = arith.constant 6 : i32
      %add3A_440 = arith.addi %mul3A_438, %add3A_439 : i32
      %mul3A_441 = arith.constant 16 : i32
      %mul3A_442 = arith.muli %add3A_440, %mul3A_441 : i32
      %get3A_443 = arith.index_cast %mul3A_442 : i32 to index
      %get3A_444 = tpu.vector_load %arg9[%get3A_443] {strides = array<i32>} : memref<4096xi32, #tpu.memory_space<vmem>>, vector<16xi32>,
      %iota3A_445 = tpu.iota {dimensions = array<i32: 0>} : vector<16xi32>
      %mul3A_446 = arith.constant 16 : i32
      %mul3A_447 = arith.muli %add3A_440, %mul3A_446 : i32
      %add3A_448 = vector.broadcast %mul3A_447 : i32 to vector<16xi32>
      %add3A_449 = arith.addi %iota3A_445, %add3A_448 : vector<16xi32>
      %eq3A_450 = vector.broadcast %xor3A_54 : i32 to vector<16xi32>
      %eq3A_451 = arith.cmpi eq, %get3A_444, %eq3A_450 : vector<16xi32>
      %convert_element_type3A_452 = arith.extui %eq3A_451 : vector<16xi1> to vector<16xi32>
      %broadcast_in_dim3A_453 = arith.constant true
      %broadcast_in_dim3A_454 = vector.broadcast %broadcast_in_dim3A_453 : i1 to vector<16xi1>
      %masked_cumsum3A_455 = tpu.scan <sum>, %convert_element_type3A_452 masked %broadcast_in_dim3A_454 : vector<16xi32>, vector<16xi1> -> vector<16xi32>
      %add3A_456 = arith.addi %add3A_436, %masked_cumsum3A_455 : vector<16xi32>
      %sub3A_457 = arith.subi %add3A_456, %convert_element_type3A_452 : vector<16xi32>
      %gt3A_458 = vector.broadcast %xor3A_54 : i32 to vector<16xi32>
      %gt3A_459 = arith.cmpi sgt, %get3A_444, %gt3A_458 : vector<16xi32>
      %lt3A_460 = vector.broadcast %sub3A_71 : i32 to vector<16xi32>
      %lt3A_461 = arith.cmpi slt, %sub3A_457, %lt3A_460 : vector<16xi32>
      %and3A_462 = arith.andi %eq3A_451, %lt3A_461 : vector<16xi1>
      %or3A_463 = arith.ori %gt3A_459, %and3A_462 : vector<16xi1>
      %rem3A_464 = arith.constant 65 : i32
      %rem3A_465 = vector.broadcast %rem3A_464 : i32 to vector<16xi32>
      %rem3A_466 = arith.remsi %add3A_449, %rem3A_465 : vector<16xi32>
      %eq3A_467 = arith.constant 0 : i32
      %eq3A_468 = vector.broadcast %eq3A_467 : i32 to vector<16xi32>
      %eq3A_469 = arith.cmpi eq, %rem3A_466, %eq3A_468 : vector<16xi32>
      %or3A_470 = arith.ori %or3A_463, %eq3A_469 : vector<16xi1>
      %convert_element_type3A_471 = arith.extui %or3A_470 : vector<16xi1> to vector<16xi32>
      %broadcast_in_dim3A_472 = arith.constant true
      %broadcast_in_dim3A_473 = vector.broadcast %broadcast_in_dim3A_472 : i1 to vector<16xi1>
      %masked_cumsum3A_474 = tpu.scan <sum>, %convert_element_type3A_471 masked %broadcast_in_dim3A_473 : vector<16xi32>, vector<16xi1> -> vector<16xi32>
      %add3A_475 = arith.addi %add3A_434, %masked_cumsum3A_474 : vector<16xi32>
      %sub3A_476 = arith.subi %add3A_475, %convert_element_type3A_471 : vector<16xi32>
      %lt3A_477 = arith.constant 64 : i32
      %lt3A_478 = vector.broadcast %lt3A_477 : i32 to vector<16xi32>
      %lt3A_479 = arith.cmpi slt, %sub3A_476, %lt3A_478 : vector<16xi32>
      %and3A_480 = arith.andi %or3A_470, %lt3A_479 : vector<16xi1>
      tpu.vector_store_idx %arg11[%sub3A_476], %add3A_449 masked %and3A_480 : memref<64xi32, #tpu.memory_space<vmem>>[vector<16xi32>], vector<16xi32>, vector<16xi1>
      %all_reduce_population_count3A_481 = tpu.all_reduce %or3A_470 {dim = 0 : i64, kind = #tpu.reduction_kind<sum>} : vector<16xi1> -> vector<16xi32>
      %add3A_482 = arith.addi %add3A_434, %all_reduce_population_count3A_481 : vector<16xi32>
      %all_reduce_population_count3A_483 = tpu.all_reduce %eq3A_451 {dim = 0 : i64, kind = #tpu.reduction_kind<sum>} : vector<16xi1> -> vector<16xi32>
      %add3A_484 = arith.addi %add3A_436, %all_reduce_population_count3A_483 : vector<16xi32>
      %mul3A_485 = arith.constant 8 : i32
      %mul3A_486 = arith.muli %scan3A_154, %mul3A_485 : i32
      %add3A_487 = arith.constant 7 : i32
      %add3A_488 = arith.addi %mul3A_486, %add3A_487 : i32
      %mul3A_489 = arith.constant 16 : i32
      %mul3A_490 = arith.muli %add3A_488, %mul3A_489 : i32
      %get3A_491 = arith.index_cast %mul3A_490 : i32 to index
      %get3A_492 = tpu.vector_load %arg9[%get3A_491] {strides = array<i32>} : memref<4096xi32, #tpu.memory_space<vmem>>, vector<16xi32>,
      %iota3A_493 = tpu.iota {dimensions = array<i32: 0>} : vector<16xi32>
      %mul3A_494 = arith.constant 16 : i32
      %mul3A_495 = arith.muli %add3A_488, %mul3A_494 : i32
      %add3A_496 = vector.broadcast %mul3A_495 : i32 to vector<16xi32>
      %add3A_497 = arith.addi %iota3A_493, %add3A_496 : vector<16xi32>
      %eq3A_498 = vector.broadcast %xor3A_54 : i32 to vector<16xi32>
      %eq3A_499 = arith.cmpi eq, %get3A_492, %eq3A_498 : vector<16xi32>
      %convert_element_type3A_500 = arith.extui %eq3A_499 : vector<16xi1> to vector<16xi32>
      %broadcast_in_dim3A_501 = arith.constant true
      %broadcast_in_dim3A_502 = vector.broadcast %broadcast_in_dim3A_501 : i1 to vector<16xi1>
      %masked_cumsum3A_503 = tpu.scan <sum>, %convert_element_type3A_500 masked %broadcast_in_dim3A_502 : vector<16xi32>, vector<16xi1> -> vector<16xi32>
      %add3A_504 = arith.addi %add3A_484, %masked_cumsum3A_503 : vector<16xi32>
      %sub3A_505 = arith.subi %add3A_504, %convert_element_type3A_500 : vector<16xi32>
      %gt3A_506 = vector.broadcast %xor3A_54 : i32 to vector<16xi32>
      %gt3A_507 = arith.cmpi sgt, %get3A_492, %gt3A_506 : vector<16xi32>
      %lt3A_508 = vector.broadcast %sub3A_71 : i32 to vector<16xi32>
      %lt3A_509 = arith.cmpi slt, %sub3A_505, %lt3A_508 : vector<16xi32>
      %and3A_510 = arith.andi %eq3A_499, %lt3A_509 : vector<16xi1>
      %or3A_511 = arith.ori %gt3A_507, %and3A_510 : vector<16xi1>
      %rem3A_512 = arith.constant 65 : i32
      %rem3A_513 = vector.broadcast %rem3A_512 : i32 to vector<16xi32>
      %rem3A_514 = arith.remsi %add3A_497, %rem3A_513 : vector<16xi32>
      %eq3A_515 = arith.constant 0 : i32
      %eq3A_516 = vector.broadcast %eq3A_515 : i32 to vector<16xi32>
      %eq3A_517 = arith.cmpi eq, %rem3A_514, %eq3A_516 : vector<16xi32>
      %or3A_518 = arith.ori %or3A_511, %eq3A_517 : vector<16xi1>
      %convert_element_type3A_519 = arith.extui %or3A_518 : vector<16xi1> to vector<16xi32>
      %broadcast_in_dim3A_520 = arith.constant true
      %broadcast_in_dim3A_521 = vector.broadcast %broadcast_in_dim3A_520 : i1 to vector<16xi1>
      %masked_cumsum3A_522 = tpu.scan <sum>, %convert_element_type3A_519 masked %broadcast_in_dim3A_521 : vector<16xi32>, vector<16xi1> -> vector<16xi32>
      %add3A_523 = arith.addi %add3A_482, %masked_cumsum3A_522 : vector<16xi32>
      %sub3A_524 = arith.subi %add3A_523, %convert_element_type3A_519 : vector<16xi32>
      %lt3A_525 = arith.constant 64 : i32
      %lt3A_526 = vector.broadcast %lt3A_525 : i32 to vector<16xi32>
      %lt3A_527 = arith.cmpi slt, %sub3A_524, %lt3A_526 : vector<16xi32>
      %and3A_528 = arith.andi %or3A_518, %lt3A_527 : vector<16xi1>
      tpu.vector_store_idx %arg11[%sub3A_524], %add3A_497 masked %and3A_528 : memref<64xi32, #tpu.memory_space<vmem>>[vector<16xi32>], vector<16xi32>, vector<16xi1>
      %all_reduce_population_count3A_529 = tpu.all_reduce %or3A_518 {dim = 0 : i64, kind = #tpu.reduction_kind<sum>} : vector<16xi1> -> vector<16xi32>
      %add3A_530 = arith.addi %add3A_482, %all_reduce_population_count3A_529 : vector<16xi32>
      %all_reduce_population_count3A_531 = tpu.all_reduce %eq3A_499 {dim = 0 : i64, kind = #tpu.reduction_kind<sum>} : vector<16xi1> -> vector<16xi32>
      %add3A_532 = arith.addi %add3A_484, %all_reduce_population_count3A_531 : vector<16xi32>
      scf.yield %add3A_530, %add3A_532 : vector<16xi32>, vector<16xi32>
    }
    %scan3A_79 = arith.constant 32 : i32
    %mul3A_80 = arith.constant 64 : i32
    %mul3A_81 = arith.muli %add3A, %mul3A_80 : i32
    "tpu.region"() ({
      %run_scoped3A = tpu.sem_alloc : memref<!tpu.dma_semaphore, #tpu.memory_space<semaphore_mem>>
      %dma_start3A_154 = tpu.memref_slice %arg5[%mul3A_81] : memref<2048xi32, #tpu.memory_space<hbm>> -> memref<64xi32, #tpu.memory_space<hbm>>
      %dma_start3A_155 = tpu.memref_slice %arg5[%mul3A_81] : memref<2048xi32, #tpu.memory_space<hbm>> -> memref<64xi32, #tpu.memory_space<hbm>>
      tpu.enqueue_dma source(%arg11 : memref<64xi32, #tpu.memory_space<vmem>>) target(%dma_start3A_155 : memref<64xi32, #tpu.memory_space<hbm>>) target_semaphore(%run_scoped3A : memref<!tpu.dma_semaphore, #tpu.memory_space<semaphore_mem>>)
      %dma_wait3A_156 = tpu.memref_slice %arg5[%mul3A_81] : memref<2048xi32, #tpu.memory_space<hbm>> -> memref<64xi32, #tpu.memory_space<hbm>>
      %dma_wait3A_157 = tpu.memref_slice %arg5[%mul3A_81] : memref<2048xi32, #tpu.memory_space<hbm>> -> memref<64xi32, #tpu.memory_space<hbm>>
      tpu.wait_dma2 semaphore(%run_scoped3A : memref<!tpu.dma_semaphore, #tpu.memory_space<semaphore_mem>>) src(%arg11 : memref<64xi32, #tpu.memory_space<vmem>>) dst(%dma_wait3A_157 : memref<64xi32, #tpu.memory_space<hbm>>)
      tpu.yield
    }) : () -> ()
    %get3A = arith.constant 0 : index
    %get3A_82 = tpu.vector_load %arg11[%get3A] {strides = array<i32>} : memref<64xi32, #tpu.memory_space<vmem>>, vector<16xi32>,
    %mul3A_83 = arith.constant 4096 : i32
    %mul3A_84 = arith.muli %add3A, %mul3A_83 : i32
    %add3A_85 = vector.broadcast %mul3A_84 : i32 to vector<16xi32>
    %add3A_86 = arith.addi %get3A_82, %add3A_85 : vector<16xi32>
    %swap3A = arith.constant 0 : index
    %swap3A_87 = tpu.vector_load %arg12[%swap3A] {strides = array<i32>} : memref<64xi32, #tpu.memory_space<vmem>>, vector<16xi32>,
    tpu.vector_store %arg12[%swap3A], %add3A_86 {strides = array<i32>} : memref<64xi32, #tpu.memory_space<vmem>>, vector<16xi32>,
    %get3A_88 = arith.constant 16 : index
    %get3A_89 = tpu.vector_load %arg11[%get3A_88] {strides = array<i32>} : memref<64xi32, #tpu.memory_space<vmem>>, vector<16xi32>,
    %mul3A_90 = arith.constant 4096 : i32
    %mul3A_91 = arith.muli %add3A, %mul3A_90 : i32
    %add3A_92 = vector.broadcast %mul3A_91 : i32 to vector<16xi32>
    %add3A_93 = arith.addi %get3A_89, %add3A_92 : vector<16xi32>
    %swap3A_94 = arith.constant 16 : index
    %swap3A_95 = tpu.vector_load %arg12[%swap3A_94] {strides = array<i32>} : memref<64xi32, #tpu.memory_space<vmem>>, vector<16xi32>,
    tpu.vector_store %arg12[%swap3A_94], %add3A_93 {strides = array<i32>} : memref<64xi32, #tpu.memory_space<vmem>>, vector<16xi32>,
    %get3A_96 = arith.constant 32 : index
    %get3A_97 = tpu.vector_load %arg11[%get3A_96] {strides = array<i32>} : memref<64xi32, #tpu.memory_space<vmem>>, vector<16xi32>,
    %mul3A_98 = arith.constant 4096 : i32
    %mul3A_99 = arith.muli %add3A, %mul3A_98 : i32
    %add3A_100 = vector.broadcast %mul3A_99 : i32 to vector<16xi32>
    %add3A_101 = arith.addi %get3A_97, %add3A_100 : vector<16xi32>
    %swap3A_102 = arith.constant 32 : index
    %swap3A_103 = tpu.vector_load %arg12[%swap3A_102] {strides = array<i32>} : memref<64xi32, #tpu.memory_space<vmem>>, vector<16xi32>,
    tpu.vector_store %arg12[%swap3A_102], %add3A_101 {strides = array<i32>} : memref<64xi32, #tpu.memory_space<vmem>>, vector<16xi32>,
    %get3A_104 = arith.constant 48 : index
    %get3A_105 = tpu.vector_load %arg11[%get3A_104] {strides = array<i32>} : memref<64xi32, #tpu.memory_space<vmem>>, vector<16xi32>,
    %mul3A_106 = arith.constant 4096 : i32
    %mul3A_107 = arith.muli %add3A, %mul3A_106 : i32
    %add3A_108 = vector.broadcast %mul3A_107 : i32 to vector<16xi32>
    %add3A_109 = arith.addi %get3A_105, %add3A_108 : vector<16xi32>
    %swap3A_110 = arith.constant 48 : index
    %swap3A_111 = tpu.vector_load %arg12[%swap3A_110] {strides = array<i32>} : memref<64xi32, #tpu.memory_space<vmem>>, vector<16xi32>,
    tpu.vector_store %arg12[%swap3A_110], %add3A_109 {strides = array<i32>} : memref<64xi32, #tpu.memory_space<vmem>>, vector<16xi32>,
    %dma_start3A = arith.constant 0 : i32
    %dma_start3A_112 = arith.constant 0 : i32
    %dma_start3A_113 = tpu.memref_slice %arg3[%dma_start3A, %dma_start3A_112] : memref<131072x768xf32, #tpu.memory_space<hbm>> -> memref<131072x768xf32, #tpu.memory_space<hbm>>
    tpu.enqueue_indirect_dma source(%dma_start3A_113 : memref<131072x768xf32, #tpu.memory_space<hbm>>) target(%arg13 : memref<64x768xf32, #tpu.memory_space<vmem>>) offsets(%arg12 : memref<64xi32, #tpu.memory_space<vmem>>) semaphore(%arg15 : memref<!tpu.dma_semaphore, #tpu.memory_space<semaphore_mem>>)
    %dma_start3A_114 = arith.constant 0 : i32
    %dma_start3A_115 = arith.constant 0 : i32
    %dma_start3A_116 = tpu.memref_slice %arg4[%dma_start3A_114, %dma_start3A_115] : memref<4096x768xf32, #tpu.memory_space<hbm>> -> memref<4096x768xf32, #tpu.memory_space<hbm>>
    tpu.enqueue_indirect_dma source(%dma_start3A_116 : memref<4096x768xf32, #tpu.memory_space<hbm>>) target(%arg14 : memref<64x768xf32, #tpu.memory_space<vmem>>) offsets(%arg11 : memref<64xi32, #tpu.memory_space<vmem>>) semaphore(%arg16 : memref<!tpu.dma_semaphore, #tpu.memory_space<semaphore_mem>>)
    %dma_wait3A = arith.constant 0 : i32
    %dma_wait3A_117 = arith.constant 0 : i32
    %dma_wait3A_118 = tpu.memref_slice %arg3[%dma_wait3A, %dma_wait3A_117] : memref<131072x768xf32, #tpu.memory_space<hbm>> -> memref<131072x768xf32, #tpu.memory_space<hbm>>
    tpu.wait_indirect_dma semaphore(%arg15 : memref<!tpu.dma_semaphore, #tpu.memory_space<semaphore_mem>>) src(%dma_wait3A_118 : memref<131072x768xf32, #tpu.memory_space<hbm>>) dst(%arg13 : memref<64x768xf32, #tpu.memory_space<vmem>>)
    %dma_start3A_119 = arith.constant 0 : i32
    %dma_start3A_120 = arith.constant 0 : i32
    %dma_start3A_121 = tpu.memref_slice %arg6[%add3A, %dma_start3A_119, %dma_start3A_120] : memref<32x64x768xf32, #tpu.memory_space<hbm>> -> memref<1x64x768xf32, #tpu.memory_space<hbm>>
    %dma_start3A_122 = tpu.memref_squeeze %dma_start3A_121 : memref<1x64x768xf32, #tpu.memory_space<hbm>> -> memref<64x768xf32, #tpu.memory_space<hbm>>
    %dma_start3A_123 = arith.constant 0 : i32
    %dma_start3A_124 = arith.constant 0 : i32
    %dma_start3A_125 = tpu.memref_slice %arg6[%add3A, %dma_start3A_123, %dma_start3A_124] : memref<32x64x768xf32, #tpu.memory_space<hbm>> -> memref<1x64x768xf32, #tpu.memory_space<hbm>>
    %dma_start3A_126 = tpu.memref_squeeze %dma_start3A_125 : memref<1x64x768xf32, #tpu.memory_space<hbm>> -> memref<64x768xf32, #tpu.memory_space<hbm>>
    tpu.enqueue_dma source(%arg13 : memref<64x768xf32, #tpu.memory_space<vmem>>) target(%dma_start3A_126 : memref<64x768xf32, #tpu.memory_space<hbm>>) target_semaphore(%arg17 : memref<!tpu.dma_semaphore, #tpu.memory_space<semaphore_mem>>)
    %dma_wait3A_127 = arith.constant 0 : i32
    %dma_wait3A_128 = arith.constant 0 : i32
    %dma_wait3A_129 = tpu.memref_slice %arg4[%dma_wait3A_127, %dma_wait3A_128] : memref<4096x768xf32, #tpu.memory_space<hbm>> -> memref<4096x768xf32, #tpu.memory_space<hbm>>
    tpu.wait_indirect_dma semaphore(%arg16 : memref<!tpu.dma_semaphore, #tpu.memory_space<semaphore_mem>>) src(%dma_wait3A_129 : memref<4096x768xf32, #tpu.memory_space<hbm>>) dst(%arg14 : memref<64x768xf32, #tpu.memory_space<vmem>>)
    %dma_start3A_130 = arith.constant 0 : i32
    %dma_start3A_131 = arith.constant 0 : i32
    %dma_start3A_132 = tpu.memref_slice %arg7[%add3A, %dma_start3A_130, %dma_start3A_131] : memref<32x64x768xf32, #tpu.memory_space<hbm>> -> memref<1x64x768xf32, #tpu.memory_space<hbm>>
    %dma_start3A_133 = tpu.memref_squeeze %dma_start3A_132 : memref<1x64x768xf32, #tpu.memory_space<hbm>> -> memref<64x768xf32, #tpu.memory_space<hbm>>
    %dma_start3A_134 = arith.constant 0 : i32
    %dma_start3A_135 = arith.constant 0 : i32
    %dma_start3A_136 = tpu.memref_slice %arg7[%add3A, %dma_start3A_134, %dma_start3A_135] : memref<32x64x768xf32, #tpu.memory_space<hbm>> -> memref<1x64x768xf32, #tpu.memory_space<hbm>>
    %dma_start3A_137 = tpu.memref_squeeze %dma_start3A_136 : memref<1x64x768xf32, #tpu.memory_space<hbm>> -> memref<64x768xf32, #tpu.memory_space<hbm>>
    tpu.enqueue_dma source(%arg14 : memref<64x768xf32, #tpu.memory_space<vmem>>) target(%dma_start3A_137 : memref<64x768xf32, #tpu.memory_space<hbm>>) target_semaphore(%arg15 : memref<!tpu.dma_semaphore, #tpu.memory_space<semaphore_mem>>)
    %dma_wait3A_138 = arith.constant 0 : i32
    %dma_wait3A_139 = arith.constant 0 : i32
    %dma_wait3A_140 = tpu.memref_slice %arg6[%add3A, %dma_wait3A_138, %dma_wait3A_139] : memref<32x64x768xf32, #tpu.memory_space<hbm>> -> memref<1x64x768xf32, #tpu.memory_space<hbm>>
    %dma_wait3A_141 = tpu.memref_squeeze %dma_wait3A_140 : memref<1x64x768xf32, #tpu.memory_space<hbm>> -> memref<64x768xf32, #tpu.memory_space<hbm>>
    %dma_wait3A_142 = arith.constant 0 : i32
    %dma_wait3A_143 = arith.constant 0 : i32
    %dma_wait3A_144 = tpu.memref_slice %arg6[%add3A, %dma_wait3A_142, %dma_wait3A_143] : memref<32x64x768xf32, #tpu.memory_space<hbm>> -> memref<1x64x768xf32, #tpu.memory_space<hbm>>
    %dma_wait3A_145 = tpu.memref_squeeze %dma_wait3A_144 : memref<1x64x768xf32, #tpu.memory_space<hbm>> -> memref<64x768xf32, #tpu.memory_space<hbm>>
    tpu.wait_dma2 semaphore(%arg17 : memref<!tpu.dma_semaphore, #tpu.memory_space<semaphore_mem>>) src(%arg13 : memref<64x768xf32, #tpu.memory_space<vmem>>) dst(%dma_wait3A_145 : memref<64x768xf32, #tpu.memory_space<hbm>>)
    %dma_wait3A_146 = arith.constant 0 : i32
    %dma_wait3A_147 = arith.constant 0 : i32
    %dma_wait3A_148 = tpu.memref_slice %arg7[%add3A, %dma_wait3A_146, %dma_wait3A_147] : memref<32x64x768xf32, #tpu.memory_space<hbm>> -> memref<1x64x768xf32, #tpu.memory_space<hbm>>
    %dma_wait3A_149 = tpu.memref_squeeze %dma_wait3A_148 : memref<1x64x768xf32, #tpu.memory_space<hbm>> -> memref<64x768xf32, #tpu.memory_space<hbm>>
    %dma_wait3A_150 = arith.constant 0 : i32
    %dma_wait3A_151 = arith.constant 0 : i32
    %dma_wait3A_152 = tpu.memref_slice %arg7[%add3A, %dma_wait3A_150, %dma_wait3A_151] : memref<32x64x768xf32, #tpu.memory_space<hbm>> -> memref<1x64x768xf32, #tpu.memory_space<hbm>>
    %dma_wait3A_153 = tpu.memref_squeeze %dma_wait3A_152 : memref<1x64x768xf32, #tpu.memory_space<hbm>> -> memref<64x768xf32, #tpu.memory_space<hbm>>
    tpu.wait_dma2 semaphore(%arg15 : memref<!tpu.dma_semaphore, #tpu.memory_space<semaphore_mem>>) src(%arg14 : memref<64x768xf32, #tpu.memory_space<vmem>>) dst(%dma_wait3A_153 : memref<64x768xf32, #tpu.memory_space<hbm>>)
    return
  }
}

module attributes {stable_mosaic.version = 14 : i64} {
  func.func @_tc_body(%arg0: i32, %arg1: memref<2048xi32, #tpu.memory_space<smem>>, %arg2: memref<4x64x768xf32, #tpu.memory_space<vmem>>, %arg3: memref<4x4096x64xf32, #tpu.memory_space<vmem>>, %arg4: memref<4x64x768xf32, #tpu.memory_space<vmem>>, %arg5: memref<832x768xf32, #tpu.memory_space<vmem>>, %arg6: memref<1x768xf32, #tpu.memory_space<vmem>>, %arg7: memref<4x64x768xf32, #tpu.memory_space<vmem>>, %arg8: memref<4x64x64xf32, #tpu.memory_space<vmem>>, %arg9: memref<256x64xf32, #tpu.memory_space<vmem>>) attributes {dimension_semantics = [#tpu.dimension_semantics<arbitrary>], iteration_bounds = array<i64: 8>, scalar_prefetch = 0 : i64, scratch_operands = 1 : i64, tpu.core_type = #tpu.core_type<tc>, window_params = [{transform_indices = @transform_0, window_bounds = array<i64: 2048>}, {transform_indices = @transform_1, window_bounds = array<i64: 4, 64, 768>}, {transform_indices = @transform_2, window_bounds = array<i64: 4, 4096, 64>}, {transform_indices = @transform_3, window_bounds = array<i64: 4, 64, 768>}, {pipeline_mode = #tpu.pipeline_mode<synchronous>, transform_indices = @transform_4, window_bounds = array<i64: 832, 768>}, {pipeline_mode = #tpu.pipeline_mode<synchronous>, transform_indices = @transform_5, window_bounds = array<i64: 1, 768>}, {transform_indices = @transform_6, window_bounds = array<i64: 4, 64, 768>}, {transform_indices = @transform_7, window_bounds = array<i64: 4, 64, 64>}]} {
    %mul3A = arith.constant 4 : i32
    %mul3A_0 = arith.muli %arg0, %mul3A : i32
    %mul3A_1 = arith.constant 64 : i32
    %mul3A_2 = arith.muli %mul3A_0, %mul3A_1 : i32
    %add3A = arith.constant 0 : i32
    %add3A_3 = arith.addi %mul3A_2, %add3A : i32
    %add3A_4 = arith.constant 0 : i32
    %add3A_5 = arith.addi %add3A_3, %add3A_4 : i32
    %get3A = arith.index_cast %add3A_5 : i32 to index
    %get3A_6 = memref.load %arg1[%get3A] : memref<2048xi32, #tpu.memory_space<smem>>
    %get3A_7 = arith.constant 0 : index
    %get3A_8 = arith.index_cast %get3A_6 : i32 to index
    %get3A_9 = arith.constant 0 : index
    %get3A_10 = vector.load %arg3[%get3A_7, %get3A_8, %get3A_9] : memref<4x4096x64xf32, #tpu.memory_space<vmem>>, vector<1x1x64xf32>
    %get3A_11 = vector.shape_cast %get3A_10 : vector<1x1x64xf32> to vector<1x64xf32>
    %swap3A = arith.constant 0 : index
    %swap3A_12 = arith.constant 0 : index
    %swap3A_13 = vector.load %arg9[%swap3A, %swap3A_12] : memref<256x64xf32, #tpu.memory_space<vmem>>, vector<1x64xf32>
    tpu.vector_store %arg9[%swap3A, %swap3A_12], %get3A_11 {strides = array<i32>} : memref<256x64xf32, #tpu.memory_space<vmem>>, vector<1x64xf32>,
    %mul3A_14 = arith.constant 4 : i32
    %mul3A_15 = arith.muli %arg0, %mul3A_14 : i32
    %mul3A_16 = arith.constant 64 : i32
    %mul3A_17 = arith.muli %mul3A_15, %mul3A_16 : i32
    %add3A_18 = arith.constant 0 : i32
    %add3A_19 = arith.addi %mul3A_17, %add3A_18 : i32
    %add3A_20 = arith.constant 1 : i32
    %add3A_21 = arith.addi %add3A_19, %add3A_20 : i32
    %get3A_22 = arith.index_cast %add3A_21 : i32 to index
    %get3A_23 = memref.load %arg1[%get3A_22] : memref<2048xi32, #tpu.memory_space<smem>>
    %get3A_24 = arith.constant 0 : index
    %get3A_25 = arith.index_cast %get3A_23 : i32 to index
    %get3A_26 = arith.constant 0 : index
    %get3A_27 = vector.load %arg3[%get3A_24, %get3A_25, %get3A_26] : memref<4x4096x64xf32, #tpu.memory_space<vmem>>, vector<1x1x64xf32>
    %get3A_28 = vector.shape_cast %get3A_27 : vector<1x1x64xf32> to vector<1x64xf32>
    %swap3A_29 = arith.constant 1 : index
    %swap3A_30 = arith.constant 0 : index
    %swap3A_31 = vector.load %arg9[%swap3A_29, %swap3A_30] : memref<256x64xf32, #tpu.memory_space<vmem>>, vector<1x64xf32>
    tpu.vector_store %arg9[%swap3A_29, %swap3A_30], %get3A_28 {strides = array<i32>} : memref<256x64xf32, #tpu.memory_space<vmem>>, vector<1x64xf32>,
    %mul3A_32 = arith.constant 4 : i32
    %mul3A_33 = arith.muli %arg0, %mul3A_32 : i32
    %mul3A_34 = arith.constant 64 : i32
    %mul3A_35 = arith.muli %mul3A_33, %mul3A_34 : i32
    %add3A_36 = arith.constant 0 : i32
    %add3A_37 = arith.addi %mul3A_35, %add3A_36 : i32
    %add3A_38 = arith.constant 2 : i32
    %add3A_39 = arith.addi %add3A_37, %add3A_38 : i32
    %get3A_40 = arith.index_cast %add3A_39 : i32 to index
    %get3A_41 = memref.load %arg1[%get3A_40] : memref<2048xi32, #tpu.memory_space<smem>>
    %get3A_42 = arith.constant 0 : index
    %get3A_43 = arith.index_cast %get3A_41 : i32 to index
    %get3A_44 = arith.constant 0 : index
    %get3A_45 = vector.load %arg3[%get3A_42, %get3A_43, %get3A_44] : memref<4x4096x64xf32, #tpu.memory_space<vmem>>, vector<1x1x64xf32>
    %get3A_46 = vector.shape_cast %get3A_45 : vector<1x1x64xf32> to vector<1x64xf32>
    %swap3A_47 = arith.constant 2 : index
    %swap3A_48 = arith.constant 0 : index
    %swap3A_49 = vector.load %arg9[%swap3A_47, %swap3A_48] : memref<256x64xf32, #tpu.memory_space<vmem>>, vector<1x64xf32>
    tpu.vector_store %arg9[%swap3A_47, %swap3A_48], %get3A_46 {strides = array<i32>} : memref<256x64xf32, #tpu.memory_space<vmem>>, vector<1x64xf32>,
    %mul3A_50 = arith.constant 4 : i32
    %mul3A_51 = arith.muli %arg0, %mul3A_50 : i32
    %mul3A_52 = arith.constant 64 : i32
    %mul3A_53 = arith.muli %mul3A_51, %mul3A_52 : i32
    %add3A_54 = arith.constant 0 : i32
    %add3A_55 = arith.addi %mul3A_53, %add3A_54 : i32
    %add3A_56 = arith.constant 3 : i32
    %add3A_57 = arith.addi %add3A_55, %add3A_56 : i32
    %get3A_58 = arith.index_cast %add3A_57 : i32 to index
    %get3A_59 = memref.load %arg1[%get3A_58] : memref<2048xi32, #tpu.memory_space<smem>>
    %get3A_60 = arith.constant 0 : index
    %get3A_61 = arith.index_cast %get3A_59 : i32 to index
    %get3A_62 = arith.constant 0 : index
    %get3A_63 = vector.load %arg3[%get3A_60, %get3A_61, %get3A_62] : memref<4x4096x64xf32, #tpu.memory_space<vmem>>, vector<1x1x64xf32>
    %get3A_64 = vector.shape_cast %get3A_63 : vector<1x1x64xf32> to vector<1x64xf32>
    %swap3A_65 = arith.constant 3 : index
    %swap3A_66 = arith.constant 0 : index
    %swap3A_67 = vector.load %arg9[%swap3A_65, %swap3A_66] : memref<256x64xf32, #tpu.memory_space<vmem>>, vector<1x64xf32>
    tpu.vector_store %arg9[%swap3A_65, %swap3A_66], %get3A_64 {strides = array<i32>} : memref<256x64xf32, #tpu.memory_space<vmem>>, vector<1x64xf32>,
    %mul3A_68 = arith.constant 4 : i32
    %mul3A_69 = arith.muli %arg0, %mul3A_68 : i32
    %mul3A_70 = arith.constant 64 : i32
    %mul3A_71 = arith.muli %mul3A_69, %mul3A_70 : i32
    %add3A_72 = arith.constant 0 : i32
    %add3A_73 = arith.addi %mul3A_71, %add3A_72 : i32
    %add3A_74 = arith.constant 4 : i32
    %add3A_75 = arith.addi %add3A_73, %add3A_74 : i32
    %get3A_76 = arith.index_cast %add3A_75 : i32 to index
    %get3A_77 = memref.load %arg1[%get3A_76] : memref<2048xi32, #tpu.memory_space<smem>>
    %get3A_78 = arith.constant 0 : index
    %get3A_79 = arith.index_cast %get3A_77 : i32 to index
    %get3A_80 = arith.constant 0 : index
    %get3A_81 = vector.load %arg3[%get3A_78, %get3A_79, %get3A_80] : memref<4x4096x64xf32, #tpu.memory_space<vmem>>, vector<1x1x64xf32>
    %get3A_82 = vector.shape_cast %get3A_81 : vector<1x1x64xf32> to vector<1x64xf32>
    %swap3A_83 = arith.constant 4 : index
    %swap3A_84 = arith.constant 0 : index
    %swap3A_85 = vector.load %arg9[%swap3A_83, %swap3A_84] : memref<256x64xf32, #tpu.memory_space<vmem>>, vector<1x64xf32>
    tpu.vector_store %arg9[%swap3A_83, %swap3A_84], %get3A_82 {strides = array<i32>} : memref<256x64xf32, #tpu.memory_space<vmem>>, vector<1x64xf32>,
    %mul3A_86 = arith.constant 4 : i32
    %mul3A_87 = arith.muli %arg0, %mul3A_86 : i32
    %mul3A_88 = arith.constant 64 : i32
    %mul3A_89 = arith.muli %mul3A_87, %mul3A_88 : i32
    %add3A_90 = arith.constant 0 : i32
    %add3A_91 = arith.addi %mul3A_89, %add3A_90 : i32
    %add3A_92 = arith.constant 5 : i32
    %add3A_93 = arith.addi %add3A_91, %add3A_92 : i32
    %get3A_94 = arith.index_cast %add3A_93 : i32 to index
    %get3A_95 = memref.load %arg1[%get3A_94] : memref<2048xi32, #tpu.memory_space<smem>>
    %get3A_96 = arith.constant 0 : index
    %get3A_97 = arith.index_cast %get3A_95 : i32 to index
    %get3A_98 = arith.constant 0 : index
    %get3A_99 = vector.load %arg3[%get3A_96, %get3A_97, %get3A_98] : memref<4x4096x64xf32, #tpu.memory_space<vmem>>, vector<1x1x64xf32>
    %get3A_100 = vector.shape_cast %get3A_99 : vector<1x1x64xf32> to vector<1x64xf32>
    %swap3A_101 = arith.constant 5 : index
    %swap3A_102 = arith.constant 0 : index
    %swap3A_103 = vector.load %arg9[%swap3A_101, %swap3A_102] : memref<256x64xf32, #tpu.memory_space<vmem>>, vector<1x64xf32>
    tpu.vector_store %arg9[%swap3A_101, %swap3A_102], %get3A_100 {strides = array<i32>} : memref<256x64xf32, #tpu.memory_space<vmem>>, vector<1x64xf32>,
    %mul3A_104 = arith.constant 4 : i32
    %mul3A_105 = arith.muli %arg0, %mul3A_104 : i32
    %mul3A_106 = arith.constant 64 : i32
    %mul3A_107 = arith.muli %mul3A_105, %mul3A_106 : i32
    %add3A_108 = arith.constant 0 : i32
    %add3A_109 = arith.addi %mul3A_107, %add3A_108 : i32
    %add3A_110 = arith.constant 6 : i32
    %add3A_111 = arith.addi %add3A_109, %add3A_110 : i32
    %get3A_112 = arith.index_cast %add3A_111 : i32 to index
    %get3A_113 = memref.load %arg1[%get3A_112] : memref<2048xi32, #tpu.memory_space<smem>>
    %get3A_114 = arith.constant 0 : index
    %get3A_115 = arith.index_cast %get3A_113 : i32 to index
    %get3A_116 = arith.constant 0 : index
    %get3A_117 = vector.load %arg3[%get3A_114, %get3A_115, %get3A_116] : memref<4x4096x64xf32, #tpu.memory_space<vmem>>, vector<1x1x64xf32>
    %get3A_118 = vector.shape_cast %get3A_117 : vector<1x1x64xf32> to vector<1x64xf32>
    %swap3A_119 = arith.constant 6 : index
    %swap3A_120 = arith.constant 0 : index
    %swap3A_121 = vector.load %arg9[%swap3A_119, %swap3A_120] : memref<256x64xf32, #tpu.memory_space<vmem>>, vector<1x64xf32>
    tpu.vector_store %arg9[%swap3A_119, %swap3A_120], %get3A_118 {strides = array<i32>} : memref<256x64xf32, #tpu.memory_space<vmem>>, vector<1x64xf32>,
    %mul3A_122 = arith.constant 4 : i32
    %mul3A_123 = arith.muli %arg0, %mul3A_122 : i32
    %mul3A_124 = arith.constant 64 : i32
    %mul3A_125 = arith.muli %mul3A_123, %mul3A_124 : i32
    %add3A_126 = arith.constant 0 : i32
    %add3A_127 = arith.addi %mul3A_125, %add3A_126 : i32
    %add3A_128 = arith.constant 7 : i32
    %add3A_129 = arith.addi %add3A_127, %add3A_128 : i32
    %get3A_130 = arith.index_cast %add3A_129 : i32 to index
    %get3A_131 = memref.load %arg1[%get3A_130] : memref<2048xi32, #tpu.memory_space<smem>>
    %get3A_132 = arith.constant 0 : index
    %get3A_133 = arith.index_cast %get3A_131 : i32 to index
    %get3A_134 = arith.constant 0 : index
    %get3A_135 = vector.load %arg3[%get3A_132, %get3A_133, %get3A_134] : memref<4x4096x64xf32, #tpu.memory_space<vmem>>, vector<1x1x64xf32>
    %get3A_136 = vector.shape_cast %get3A_135 : vector<1x1x64xf32> to vector<1x64xf32>
    %swap3A_137 = arith.constant 7 : index
    %swap3A_138 = arith.constant 0 : index
    %swap3A_139 = vector.load %arg9[%swap3A_137, %swap3A_138] : memref<256x64xf32, #tpu.memory_space<vmem>>, vector<1x64xf32>
    tpu.vector_store %arg9[%swap3A_137, %swap3A_138], %get3A_136 {strides = array<i32>} : memref<256x64xf32, #tpu.memory_space<vmem>>, vector<1x64xf32>,
    %mul3A_140 = arith.constant 4 : i32
    %mul3A_141 = arith.muli %arg0, %mul3A_140 : i32
    %mul3A_142 = arith.constant 64 : i32
    %mul3A_143 = arith.muli %mul3A_141, %mul3A_142 : i32
    %add3A_144 = arith.constant 0 : i32
    %add3A_145 = arith.addi %mul3A_143, %add3A_144 : i32
    %add3A_146 = arith.constant 8 : i32
    %add3A_147 = arith.addi %add3A_145, %add3A_146 : i32
    %get3A_148 = arith.index_cast %add3A_147 : i32 to index
    %get3A_149 = memref.load %arg1[%get3A_148] : memref<2048xi32, #tpu.memory_space<smem>>
    %get3A_150 = arith.constant 0 : index
    %get3A_151 = arith.index_cast %get3A_149 : i32 to index
    %get3A_152 = arith.constant 0 : index
    %get3A_153 = vector.load %arg3[%get3A_150, %get3A_151, %get3A_152] : memref<4x4096x64xf32, #tpu.memory_space<vmem>>, vector<1x1x64xf32>
    %get3A_154 = vector.shape_cast %get3A_153 : vector<1x1x64xf32> to vector<1x64xf32>
    %swap3A_155 = arith.constant 8 : index
    %swap3A_156 = arith.constant 0 : index
    %swap3A_157 = vector.load %arg9[%swap3A_155, %swap3A_156] : memref<256x64xf32, #tpu.memory_space<vmem>>, vector<1x64xf32>
    tpu.vector_store %arg9[%swap3A_155, %swap3A_156], %get3A_154 {strides = array<i32>} : memref<256x64xf32, #tpu.memory_space<vmem>>, vector<1x64xf32>,
    %mul3A_158 = arith.constant 4 : i32
    %mul3A_159 = arith.muli %arg0, %mul3A_158 : i32
    %mul3A_160 = arith.constant 64 : i32
    %mul3A_161 = arith.muli %mul3A_159, %mul3A_160 : i32
    %add3A_162 = arith.constant 0 : i32
    %add3A_163 = arith.addi %mul3A_161, %add3A_162 : i32
    %add3A_164 = arith.constant 9 : i32
    %add3A_165 = arith.addi %add3A_163, %add3A_164 : i32
    %get3A_166 = arith.index_cast %add3A_165 : i32 to index
    %get3A_167 = memref.load %arg1[%get3A_166] : memref<2048xi32, #tpu.memory_space<smem>>
    %get3A_168 = arith.constant 0 : index
    %get3A_169 = arith.index_cast %get3A_167 : i32 to index
    %get3A_170 = arith.constant 0 : index
    %get3A_171 = vector.load %arg3[%get3A_168, %get3A_169, %get3A_170] : memref<4x4096x64xf32, #tpu.memory_space<vmem>>, vector<1x1x64xf32>
    %get3A_172 = vector.shape_cast %get3A_171 : vector<1x1x64xf32> to vector<1x64xf32>
    %swap3A_173 = arith.constant 9 : index
    %swap3A_174 = arith.constant 0 : index
    %swap3A_175 = vector.load %arg9[%swap3A_173, %swap3A_174] : memref<256x64xf32, #tpu.memory_space<vmem>>, vector<1x64xf32>
    tpu.vector_store %arg9[%swap3A_173, %swap3A_174], %get3A_172 {strides = array<i32>} : memref<256x64xf32, #tpu.memory_space<vmem>>, vector<1x64xf32>,
    %mul3A_176 = arith.constant 4 : i32
    %mul3A_177 = arith.muli %arg0, %mul3A_176 : i32
    %mul3A_178 = arith.constant 64 : i32
    %mul3A_179 = arith.muli %mul3A_177, %mul3A_178 : i32
    %add3A_180 = arith.constant 0 : i32
    %add3A_181 = arith.addi %mul3A_179, %add3A_180 : i32
    %add3A_182 = arith.constant 10 : i32
    %add3A_183 = arith.addi %add3A_181, %add3A_182 : i32
    %get3A_184 = arith.index_cast %add3A_183 : i32 to index
    %get3A_185 = memref.load %arg1[%get3A_184] : memref<2048xi32, #tpu.memory_space<smem>>
    %get3A_186 = arith.constant 0 : index
    %get3A_187 = arith.index_cast %get3A_185 : i32 to index
    %get3A_188 = arith.constant 0 : index
    %get3A_189 = vector.load %arg3[%get3A_186, %get3A_187, %get3A_188] : memref<4x4096x64xf32, #tpu.memory_space<vmem>>, vector<1x1x64xf32>
    %get3A_190 = vector.shape_cast %get3A_189 : vector<1x1x64xf32> to vector<1x64xf32>
    %swap3A_191 = arith.constant 10 : index
    %swap3A_192 = arith.constant 0 : index
    %swap3A_193 = vector.load %arg9[%swap3A_191, %swap3A_192] : memref<256x64xf32, #tpu.memory_space<vmem>>, vector<1x64xf32>
    tpu.vector_store %arg9[%swap3A_191, %swap3A_192], %get3A_190 {strides = array<i32>} : memref<256x64xf32, #tpu.memory_space<vmem>>, vector<1x64xf32>,
    %mul3A_194 = arith.constant 4 : i32
    %mul3A_195 = arith.muli %arg0, %mul3A_194 : i32
    %mul3A_196 = arith.constant 64 : i32
    %mul3A_197 = arith.muli %mul3A_195, %mul3A_196 : i32
    %add3A_198 = arith.constant 0 : i32
    %add3A_199 = arith.addi %mul3A_197, %add3A_198 : i32
    %add3A_200 = arith.constant 11 : i32
    %add3A_201 = arith.addi %add3A_199, %add3A_200 : i32
    %get3A_202 = arith.index_cast %add3A_201 : i32 to index
    %get3A_203 = memref.load %arg1[%get3A_202] : memref<2048xi32, #tpu.memory_space<smem>>
    %get3A_204 = arith.constant 0 : index
    %get3A_205 = arith.index_cast %get3A_203 : i32 to index
    %get3A_206 = arith.constant 0 : index
    %get3A_207 = vector.load %arg3[%get3A_204, %get3A_205, %get3A_206] : memref<4x4096x64xf32, #tpu.memory_space<vmem>>, vector<1x1x64xf32>
    %get3A_208 = vector.shape_cast %get3A_207 : vector<1x1x64xf32> to vector<1x64xf32>
    %swap3A_209 = arith.constant 11 : index
    %swap3A_210 = arith.constant 0 : index
    %swap3A_211 = vector.load %arg9[%swap3A_209, %swap3A_210] : memref<256x64xf32, #tpu.memory_space<vmem>>, vector<1x64xf32>
    tpu.vector_store %arg9[%swap3A_209, %swap3A_210], %get3A_208 {strides = array<i32>} : memref<256x64xf32, #tpu.memory_space<vmem>>, vector<1x64xf32>,
    %mul3A_212 = arith.constant 4 : i32
    %mul3A_213 = arith.muli %arg0, %mul3A_212 : i32
    %mul3A_214 = arith.constant 64 : i32
    %mul3A_215 = arith.muli %mul3A_213, %mul3A_214 : i32
    %add3A_216 = arith.constant 0 : i32
    %add3A_217 = arith.addi %mul3A_215, %add3A_216 : i32
    %add3A_218 = arith.constant 12 : i32
    %add3A_219 = arith.addi %add3A_217, %add3A_218 : i32
    %get3A_220 = arith.index_cast %add3A_219 : i32 to index
    %get3A_221 = memref.load %arg1[%get3A_220] : memref<2048xi32, #tpu.memory_space<smem>>
    %get3A_222 = arith.constant 0 : index
    %get3A_223 = arith.index_cast %get3A_221 : i32 to index
    %get3A_224 = arith.constant 0 : index
    %get3A_225 = vector.load %arg3[%get3A_222, %get3A_223, %get3A_224] : memref<4x4096x64xf32, #tpu.memory_space<vmem>>, vector<1x1x64xf32>
    %get3A_226 = vector.shape_cast %get3A_225 : vector<1x1x64xf32> to vector<1x64xf32>
    %swap3A_227 = arith.constant 12 : index
    %swap3A_228 = arith.constant 0 : index
    %swap3A_229 = vector.load %arg9[%swap3A_227, %swap3A_228] : memref<256x64xf32, #tpu.memory_space<vmem>>, vector<1x64xf32>
    tpu.vector_store %arg9[%swap3A_227, %swap3A_228], %get3A_226 {strides = array<i32>} : memref<256x64xf32, #tpu.memory_space<vmem>>, vector<1x64xf32>,
    %mul3A_230 = arith.constant 4 : i32
    %mul3A_231 = arith.muli %arg0, %mul3A_230 : i32
    %mul3A_232 = arith.constant 64 : i32
    %mul3A_233 = arith.muli %mul3A_231, %mul3A_232 : i32
    %add3A_234 = arith.constant 0 : i32
    %add3A_235 = arith.addi %mul3A_233, %add3A_234 : i32
    %add3A_236 = arith.constant 13 : i32
    %add3A_237 = arith.addi %add3A_235, %add3A_236 : i32
    %get3A_238 = arith.index_cast %add3A_237 : i32 to index
    %get3A_239 = memref.load %arg1[%get3A_238] : memref<2048xi32, #tpu.memory_space<smem>>
    %get3A_240 = arith.constant 0 : index
    %get3A_241 = arith.index_cast %get3A_239 : i32 to index
    %get3A_242 = arith.constant 0 : index
    %get3A_243 = vector.load %arg3[%get3A_240, %get3A_241, %get3A_242] : memref<4x4096x64xf32, #tpu.memory_space<vmem>>, vector<1x1x64xf32>
    %get3A_244 = vector.shape_cast %get3A_243 : vector<1x1x64xf32> to vector<1x64xf32>
    %swap3A_245 = arith.constant 13 : index
    %swap3A_246 = arith.constant 0 : index
    %swap3A_247 = vector.load %arg9[%swap3A_245, %swap3A_246] : memref<256x64xf32, #tpu.memory_space<vmem>>, vector<1x64xf32>
    tpu.vector_store %arg9[%swap3A_245, %swap3A_246], %get3A_244 {strides = array<i32>} : memref<256x64xf32, #tpu.memory_space<vmem>>, vector<1x64xf32>,
    %mul3A_248 = arith.constant 4 : i32
    %mul3A_249 = arith.muli %arg0, %mul3A_248 : i32
    %mul3A_250 = arith.constant 64 : i32
    %mul3A_251 = arith.muli %mul3A_249, %mul3A_250 : i32
    %add3A_252 = arith.constant 0 : i32
    %add3A_253 = arith.addi %mul3A_251, %add3A_252 : i32
    %add3A_254 = arith.constant 14 : i32
    %add3A_255 = arith.addi %add3A_253, %add3A_254 : i32
    %get3A_256 = arith.index_cast %add3A_255 : i32 to index
    %get3A_257 = memref.load %arg1[%get3A_256] : memref<2048xi32, #tpu.memory_space<smem>>
    %get3A_258 = arith.constant 0 : index
    %get3A_259 = arith.index_cast %get3A_257 : i32 to index
    %get3A_260 = arith.constant 0 : index
    %get3A_261 = vector.load %arg3[%get3A_258, %get3A_259, %get3A_260] : memref<4x4096x64xf32, #tpu.memory_space<vmem>>, vector<1x1x64xf32>
    %get3A_262 = vector.shape_cast %get3A_261 : vector<1x1x64xf32> to vector<1x64xf32>
    %swap3A_263 = arith.constant 14 : index
    %swap3A_264 = arith.constant 0 : index
    %swap3A_265 = vector.load %arg9[%swap3A_263, %swap3A_264] : memref<256x64xf32, #tpu.memory_space<vmem>>, vector<1x64xf32>
    tpu.vector_store %arg9[%swap3A_263, %swap3A_264], %get3A_262 {strides = array<i32>} : memref<256x64xf32, #tpu.memory_space<vmem>>, vector<1x64xf32>,
    %mul3A_266 = arith.constant 4 : i32
    %mul3A_267 = arith.muli %arg0, %mul3A_266 : i32
    %mul3A_268 = arith.constant 64 : i32
    %mul3A_269 = arith.muli %mul3A_267, %mul3A_268 : i32
    %add3A_270 = arith.constant 0 : i32
    %add3A_271 = arith.addi %mul3A_269, %add3A_270 : i32
    %add3A_272 = arith.constant 15 : i32
    %add3A_273 = arith.addi %add3A_271, %add3A_272 : i32
    %get3A_274 = arith.index_cast %add3A_273 : i32 to index
    %get3A_275 = memref.load %arg1[%get3A_274] : memref<2048xi32, #tpu.memory_space<smem>>
    %get3A_276 = arith.constant 0 : index
    %get3A_277 = arith.index_cast %get3A_275 : i32 to index
    %get3A_278 = arith.constant 0 : index
    %get3A_279 = vector.load %arg3[%get3A_276, %get3A_277, %get3A_278] : memref<4x4096x64xf32, #tpu.memory_space<vmem>>, vector<1x1x64xf32>
    %get3A_280 = vector.shape_cast %get3A_279 : vector<1x1x64xf32> to vector<1x64xf32>
    %swap3A_281 = arith.constant 15 : index
    %swap3A_282 = arith.constant 0 : index
    %swap3A_283 = vector.load %arg9[%swap3A_281, %swap3A_282] : memref<256x64xf32, #tpu.memory_space<vmem>>, vector<1x64xf32>
    tpu.vector_store %arg9[%swap3A_281, %swap3A_282], %get3A_280 {strides = array<i32>} : memref<256x64xf32, #tpu.memory_space<vmem>>, vector<1x64xf32>,
    %mul3A_284 = arith.constant 4 : i32
    %mul3A_285 = arith.muli %arg0, %mul3A_284 : i32
    %mul3A_286 = arith.constant 64 : i32
    %mul3A_287 = arith.muli %mul3A_285, %mul3A_286 : i32
    %add3A_288 = arith.constant 0 : i32
    %add3A_289 = arith.addi %mul3A_287, %add3A_288 : i32
    %add3A_290 = arith.constant 16 : i32
    %add3A_291 = arith.addi %add3A_289, %add3A_290 : i32
    %get3A_292 = arith.index_cast %add3A_291 : i32 to index
    %get3A_293 = memref.load %arg1[%get3A_292] : memref<2048xi32, #tpu.memory_space<smem>>
    %get3A_294 = arith.constant 0 : index
    %get3A_295 = arith.index_cast %get3A_293 : i32 to index
    %get3A_296 = arith.constant 0 : index
    %get3A_297 = vector.load %arg3[%get3A_294, %get3A_295, %get3A_296] : memref<4x4096x64xf32, #tpu.memory_space<vmem>>, vector<1x1x64xf32>
    %get3A_298 = vector.shape_cast %get3A_297 : vector<1x1x64xf32> to vector<1x64xf32>
    %swap3A_299 = arith.constant 16 : index
    %swap3A_300 = arith.constant 0 : index
    %swap3A_301 = vector.load %arg9[%swap3A_299, %swap3A_300] : memref<256x64xf32, #tpu.memory_space<vmem>>, vector<1x64xf32>
    tpu.vector_store %arg9[%swap3A_299, %swap3A_300], %get3A_298 {strides = array<i32>} : memref<256x64xf32, #tpu.memory_space<vmem>>, vector<1x64xf32>,
    %mul3A_302 = arith.constant 4 : i32
    %mul3A_303 = arith.muli %arg0, %mul3A_302 : i32
    %mul3A_304 = arith.constant 64 : i32
    %mul3A_305 = arith.muli %mul3A_303, %mul3A_304 : i32
    %add3A_306 = arith.constant 0 : i32
    %add3A_307 = arith.addi %mul3A_305, %add3A_306 : i32
    %add3A_308 = arith.constant 17 : i32
    %add3A_309 = arith.addi %add3A_307, %add3A_308 : i32
    %get3A_310 = arith.index_cast %add3A_309 : i32 to index
    %get3A_311 = memref.load %arg1[%get3A_310] : memref<2048xi32, #tpu.memory_space<smem>>
    %get3A_312 = arith.constant 0 : index
    %get3A_313 = arith.index_cast %get3A_311 : i32 to index
    %get3A_314 = arith.constant 0 : index
    %get3A_315 = vector.load %arg3[%get3A_312, %get3A_313, %get3A_314] : memref<4x4096x64xf32, #tpu.memory_space<vmem>>, vector<1x1x64xf32>
    %get3A_316 = vector.shape_cast %get3A_315 : vector<1x1x64xf32> to vector<1x64xf32>
    %swap3A_317 = arith.constant 17 : index
    %swap3A_318 = arith.constant 0 : index
    %swap3A_319 = vector.load %arg9[%swap3A_317, %swap3A_318] : memref<256x64xf32, #tpu.memory_space<vmem>>, vector<1x64xf32>
    tpu.vector_store %arg9[%swap3A_317, %swap3A_318], %get3A_316 {strides = array<i32>} : memref<256x64xf32, #tpu.memory_space<vmem>>, vector<1x64xf32>,
    %mul3A_320 = arith.constant 4 : i32
    %mul3A_321 = arith.muli %arg0, %mul3A_320 : i32
    %mul3A_322 = arith.constant 64 : i32
    %mul3A_323 = arith.muli %mul3A_321, %mul3A_322 : i32
    %add3A_324 = arith.constant 0 : i32
    %add3A_325 = arith.addi %mul3A_323, %add3A_324 : i32
    %add3A_326 = arith.constant 18 : i32
    %add3A_327 = arith.addi %add3A_325, %add3A_326 : i32
    %get3A_328 = arith.index_cast %add3A_327 : i32 to index
    %get3A_329 = memref.load %arg1[%get3A_328] : memref<2048xi32, #tpu.memory_space<smem>>
    %get3A_330 = arith.constant 0 : index
    %get3A_331 = arith.index_cast %get3A_329 : i32 to index
    %get3A_332 = arith.constant 0 : index
    %get3A_333 = vector.load %arg3[%get3A_330, %get3A_331, %get3A_332] : memref<4x4096x64xf32, #tpu.memory_space<vmem>>, vector<1x1x64xf32>
    %get3A_334 = vector.shape_cast %get3A_333 : vector<1x1x64xf32> to vector<1x64xf32>
    %swap3A_335 = arith.constant 18 : index
    %swap3A_336 = arith.constant 0 : index
    %swap3A_337 = vector.load %arg9[%swap3A_335, %swap3A_336] : memref<256x64xf32, #tpu.memory_space<vmem>>, vector<1x64xf32>
    tpu.vector_store %arg9[%swap3A_335, %swap3A_336], %get3A_334 {strides = array<i32>} : memref<256x64xf32, #tpu.memory_space<vmem>>, vector<1x64xf32>,
    %mul3A_338 = arith.constant 4 : i32
    %mul3A_339 = arith.muli %arg0, %mul3A_338 : i32
    %mul3A_340 = arith.constant 64 : i32
    %mul3A_341 = arith.muli %mul3A_339, %mul3A_340 : i32
    %add3A_342 = arith.constant 0 : i32
    %add3A_343 = arith.addi %mul3A_341, %add3A_342 : i32
    %add3A_344 = arith.constant 19 : i32
    %add3A_345 = arith.addi %add3A_343, %add3A_344 : i32
    %get3A_346 = arith.index_cast %add3A_345 : i32 to index
    %get3A_347 = memref.load %arg1[%get3A_346] : memref<2048xi32, #tpu.memory_space<smem>>
    %get3A_348 = arith.constant 0 : index
    %get3A_349 = arith.index_cast %get3A_347 : i32 to index
    %get3A_350 = arith.constant 0 : index
    %get3A_351 = vector.load %arg3[%get3A_348, %get3A_349, %get3A_350] : memref<4x4096x64xf32, #tpu.memory_space<vmem>>, vector<1x1x64xf32>
    %get3A_352 = vector.shape_cast %get3A_351 : vector<1x1x64xf32> to vector<1x64xf32>
    %swap3A_353 = arith.constant 19 : index
    %swap3A_354 = arith.constant 0 : index
    %swap3A_355 = vector.load %arg9[%swap3A_353, %swap3A_354] : memref<256x64xf32, #tpu.memory_space<vmem>>, vector<1x64xf32>
    tpu.vector_store %arg9[%swap3A_353, %swap3A_354], %get3A_352 {strides = array<i32>} : memref<256x64xf32, #tpu.memory_space<vmem>>, vector<1x64xf32>,
    %mul3A_356 = arith.constant 4 : i32
    %mul3A_357 = arith.muli %arg0, %mul3A_356 : i32
    %mul3A_358 = arith.constant 64 : i32
    %mul3A_359 = arith.muli %mul3A_357, %mul3A_358 : i32
    %add3A_360 = arith.constant 0 : i32
    %add3A_361 = arith.addi %mul3A_359, %add3A_360 : i32
    %add3A_362 = arith.constant 20 : i32
    %add3A_363 = arith.addi %add3A_361, %add3A_362 : i32
    %get3A_364 = arith.index_cast %add3A_363 : i32 to index
    %get3A_365 = memref.load %arg1[%get3A_364] : memref<2048xi32, #tpu.memory_space<smem>>
    %get3A_366 = arith.constant 0 : index
    %get3A_367 = arith.index_cast %get3A_365 : i32 to index
    %get3A_368 = arith.constant 0 : index
    %get3A_369 = vector.load %arg3[%get3A_366, %get3A_367, %get3A_368] : memref<4x4096x64xf32, #tpu.memory_space<vmem>>, vector<1x1x64xf32>
    %get3A_370 = vector.shape_cast %get3A_369 : vector<1x1x64xf32> to vector<1x64xf32>
    %swap3A_371 = arith.constant 20 : index
    %swap3A_372 = arith.constant 0 : index
    %swap3A_373 = vector.load %arg9[%swap3A_371, %swap3A_372] : memref<256x64xf32, #tpu.memory_space<vmem>>, vector<1x64xf32>
    tpu.vector_store %arg9[%swap3A_371, %swap3A_372], %get3A_370 {strides = array<i32>} : memref<256x64xf32, #tpu.memory_space<vmem>>, vector<1x64xf32>,
    %mul3A_374 = arith.constant 4 : i32
    %mul3A_375 = arith.muli %arg0, %mul3A_374 : i32
    %mul3A_376 = arith.constant 64 : i32
    %mul3A_377 = arith.muli %mul3A_375, %mul3A_376 : i32
    %add3A_378 = arith.constant 0 : i32
    %add3A_379 = arith.addi %mul3A_377, %add3A_378 : i32
    %add3A_380 = arith.constant 21 : i32
    %add3A_381 = arith.addi %add3A_379, %add3A_380 : i32
    %get3A_382 = arith.index_cast %add3A_381 : i32 to index
    %get3A_383 = memref.load %arg1[%get3A_382] : memref<2048xi32, #tpu.memory_space<smem>>
    %get3A_384 = arith.constant 0 : index
    %get3A_385 = arith.index_cast %get3A_383 : i32 to index
    %get3A_386 = arith.constant 0 : index
    %get3A_387 = vector.load %arg3[%get3A_384, %get3A_385, %get3A_386] : memref<4x4096x64xf32, #tpu.memory_space<vmem>>, vector<1x1x64xf32>
    %get3A_388 = vector.shape_cast %get3A_387 : vector<1x1x64xf32> to vector<1x64xf32>
    %swap3A_389 = arith.constant 21 : index
    %swap3A_390 = arith.constant 0 : index
    %swap3A_391 = vector.load %arg9[%swap3A_389, %swap3A_390] : memref<256x64xf32, #tpu.memory_space<vmem>>, vector<1x64xf32>
    tpu.vector_store %arg9[%swap3A_389, %swap3A_390], %get3A_388 {strides = array<i32>} : memref<256x64xf32, #tpu.memory_space<vmem>>, vector<1x64xf32>,
    %mul3A_392 = arith.constant 4 : i32
    %mul3A_393 = arith.muli %arg0, %mul3A_392 : i32
    %mul3A_394 = arith.constant 64 : i32
    %mul3A_395 = arith.muli %mul3A_393, %mul3A_394 : i32
    %add3A_396 = arith.constant 0 : i32
    %add3A_397 = arith.addi %mul3A_395, %add3A_396 : i32
    %add3A_398 = arith.constant 22 : i32
    %add3A_399 = arith.addi %add3A_397, %add3A_398 : i32
    %get3A_400 = arith.index_cast %add3A_399 : i32 to index
    %get3A_401 = memref.load %arg1[%get3A_400] : memref<2048xi32, #tpu.memory_space<smem>>
    %get3A_402 = arith.constant 0 : index
    %get3A_403 = arith.index_cast %get3A_401 : i32 to index
    %get3A_404 = arith.constant 0 : index
    %get3A_405 = vector.load %arg3[%get3A_402, %get3A_403, %get3A_404] : memref<4x4096x64xf32, #tpu.memory_space<vmem>>, vector<1x1x64xf32>
    %get3A_406 = vector.shape_cast %get3A_405 : vector<1x1x64xf32> to vector<1x64xf32>
    %swap3A_407 = arith.constant 22 : index
    %swap3A_408 = arith.constant 0 : index
    %swap3A_409 = vector.load %arg9[%swap3A_407, %swap3A_408] : memref<256x64xf32, #tpu.memory_space<vmem>>, vector<1x64xf32>
    tpu.vector_store %arg9[%swap3A_407, %swap3A_408], %get3A_406 {strides = array<i32>} : memref<256x64xf32, #tpu.memory_space<vmem>>, vector<1x64xf32>,
    %mul3A_410 = arith.constant 4 : i32
    %mul3A_411 = arith.muli %arg0, %mul3A_410 : i32
    %mul3A_412 = arith.constant 64 : i32
    %mul3A_413 = arith.muli %mul3A_411, %mul3A_412 : i32
    %add3A_414 = arith.constant 0 : i32
    %add3A_415 = arith.addi %mul3A_413, %add3A_414 : i32
    %add3A_416 = arith.constant 23 : i32
    %add3A_417 = arith.addi %add3A_415, %add3A_416 : i32
    %get3A_418 = arith.index_cast %add3A_417 : i32 to index
    %get3A_419 = memref.load %arg1[%get3A_418] : memref<2048xi32, #tpu.memory_space<smem>>
    %get3A_420 = arith.constant 0 : index
    %get3A_421 = arith.index_cast %get3A_419 : i32 to index
    %get3A_422 = arith.constant 0 : index
    %get3A_423 = vector.load %arg3[%get3A_420, %get3A_421, %get3A_422] : memref<4x4096x64xf32, #tpu.memory_space<vmem>>, vector<1x1x64xf32>
    %get3A_424 = vector.shape_cast %get3A_423 : vector<1x1x64xf32> to vector<1x64xf32>
    %swap3A_425 = arith.constant 23 : index
    %swap3A_426 = arith.constant 0 : index
    %swap3A_427 = vector.load %arg9[%swap3A_425, %swap3A_426] : memref<256x64xf32, #tpu.memory_space<vmem>>, vector<1x64xf32>
    tpu.vector_store %arg9[%swap3A_425, %swap3A_426], %get3A_424 {strides = array<i32>} : memref<256x64xf32, #tpu.memory_space<vmem>>, vector<1x64xf32>,
    %mul3A_428 = arith.constant 4 : i32
    %mul3A_429 = arith.muli %arg0, %mul3A_428 : i32
    %mul3A_430 = arith.constant 64 : i32
    %mul3A_431 = arith.muli %mul3A_429, %mul3A_430 : i32
    %add3A_432 = arith.constant 0 : i32
    %add3A_433 = arith.addi %mul3A_431, %add3A_432 : i32
    %add3A_434 = arith.constant 24 : i32
    %add3A_435 = arith.addi %add3A_433, %add3A_434 : i32
    %get3A_436 = arith.index_cast %add3A_435 : i32 to index
    %get3A_437 = memref.load %arg1[%get3A_436] : memref<2048xi32, #tpu.memory_space<smem>>
    %get3A_438 = arith.constant 0 : index
    %get3A_439 = arith.index_cast %get3A_437 : i32 to index
    %get3A_440 = arith.constant 0 : index
    %get3A_441 = vector.load %arg3[%get3A_438, %get3A_439, %get3A_440] : memref<4x4096x64xf32, #tpu.memory_space<vmem>>, vector<1x1x64xf32>
    %get3A_442 = vector.shape_cast %get3A_441 : vector<1x1x64xf32> to vector<1x64xf32>
    %swap3A_443 = arith.constant 24 : index
    %swap3A_444 = arith.constant 0 : index
    %swap3A_445 = vector.load %arg9[%swap3A_443, %swap3A_444] : memref<256x64xf32, #tpu.memory_space<vmem>>, vector<1x64xf32>
    tpu.vector_store %arg9[%swap3A_443, %swap3A_444], %get3A_442 {strides = array<i32>} : memref<256x64xf32, #tpu.memory_space<vmem>>, vector<1x64xf32>,
    %mul3A_446 = arith.constant 4 : i32
    %mul3A_447 = arith.muli %arg0, %mul3A_446 : i32
    %mul3A_448 = arith.constant 64 : i32
    %mul3A_449 = arith.muli %mul3A_447, %mul3A_448 : i32
    %add3A_450 = arith.constant 0 : i32
    %add3A_451 = arith.addi %mul3A_449, %add3A_450 : i32
    %add3A_452 = arith.constant 25 : i32
    %add3A_453 = arith.addi %add3A_451, %add3A_452 : i32
    %get3A_454 = arith.index_cast %add3A_453 : i32 to index
    %get3A_455 = memref.load %arg1[%get3A_454] : memref<2048xi32, #tpu.memory_space<smem>>
    %get3A_456 = arith.constant 0 : index
    %get3A_457 = arith.index_cast %get3A_455 : i32 to index
    %get3A_458 = arith.constant 0 : index
    %get3A_459 = vector.load %arg3[%get3A_456, %get3A_457, %get3A_458] : memref<4x4096x64xf32, #tpu.memory_space<vmem>>, vector<1x1x64xf32>
    %get3A_460 = vector.shape_cast %get3A_459 : vector<1x1x64xf32> to vector<1x64xf32>
    %swap3A_461 = arith.constant 25 : index
    %swap3A_462 = arith.constant 0 : index
    %swap3A_463 = vector.load %arg9[%swap3A_461, %swap3A_462] : memref<256x64xf32, #tpu.memory_space<vmem>>, vector<1x64xf32>
    tpu.vector_store %arg9[%swap3A_461, %swap3A_462], %get3A_460 {strides = array<i32>} : memref<256x64xf32, #tpu.memory_space<vmem>>, vector<1x64xf32>,
    %mul3A_464 = arith.constant 4 : i32
    %mul3A_465 = arith.muli %arg0, %mul3A_464 : i32
    %mul3A_466 = arith.constant 64 : i32
    %mul3A_467 = arith.muli %mul3A_465, %mul3A_466 : i32
    %add3A_468 = arith.constant 0 : i32
    %add3A_469 = arith.addi %mul3A_467, %add3A_468 : i32
    %add3A_470 = arith.constant 26 : i32
    %add3A_471 = arith.addi %add3A_469, %add3A_470 : i32
    %get3A_472 = arith.index_cast %add3A_471 : i32 to index
    %get3A_473 = memref.load %arg1[%get3A_472] : memref<2048xi32, #tpu.memory_space<smem>>
    %get3A_474 = arith.constant 0 : index
    %get3A_475 = arith.index_cast %get3A_473 : i32 to index
    %get3A_476 = arith.constant 0 : index
    %get3A_477 = vector.load %arg3[%get3A_474, %get3A_475, %get3A_476] : memref<4x4096x64xf32, #tpu.memory_space<vmem>>, vector<1x1x64xf32>
    %get3A_478 = vector.shape_cast %get3A_477 : vector<1x1x64xf32> to vector<1x64xf32>
    %swap3A_479 = arith.constant 26 : index
    %swap3A_480 = arith.constant 0 : index
    %swap3A_481 = vector.load %arg9[%swap3A_479, %swap3A_480] : memref<256x64xf32, #tpu.memory_space<vmem>>, vector<1x64xf32>
    tpu.vector_store %arg9[%swap3A_479, %swap3A_480], %get3A_478 {strides = array<i32>} : memref<256x64xf32, #tpu.memory_space<vmem>>, vector<1x64xf32>,
    %mul3A_482 = arith.constant 4 : i32
    %mul3A_483 = arith.muli %arg0, %mul3A_482 : i32
    %mul3A_484 = arith.constant 64 : i32
    %mul3A_485 = arith.muli %mul3A_483, %mul3A_484 : i32
    %add3A_486 = arith.constant 0 : i32
    %add3A_487 = arith.addi %mul3A_485, %add3A_486 : i32
    %add3A_488 = arith.constant 27 : i32
    %add3A_489 = arith.addi %add3A_487, %add3A_488 : i32
    %get3A_490 = arith.index_cast %add3A_489 : i32 to index
    %get3A_491 = memref.load %arg1[%get3A_490] : memref<2048xi32, #tpu.memory_space<smem>>
    %get3A_492 = arith.constant 0 : index
    %get3A_493 = arith.index_cast %get3A_491 : i32 to index
    %get3A_494 = arith.constant 0 : index
    %get3A_495 = vector.load %arg3[%get3A_492, %get3A_493, %get3A_494] : memref<4x4096x64xf32, #tpu.memory_space<vmem>>, vector<1x1x64xf32>
    %get3A_496 = vector.shape_cast %get3A_495 : vector<1x1x64xf32> to vector<1x64xf32>
    %swap3A_497 = arith.constant 27 : index
    %swap3A_498 = arith.constant 0 : index
    %swap3A_499 = vector.load %arg9[%swap3A_497, %swap3A_498] : memref<256x64xf32, #tpu.memory_space<vmem>>, vector<1x64xf32>
    tpu.vector_store %arg9[%swap3A_497, %swap3A_498], %get3A_496 {strides = array<i32>} : memref<256x64xf32, #tpu.memory_space<vmem>>, vector<1x64xf32>,
    %mul3A_500 = arith.constant 4 : i32
    %mul3A_501 = arith.muli %arg0, %mul3A_500 : i32
    %mul3A_502 = arith.constant 64 : i32
    %mul3A_503 = arith.muli %mul3A_501, %mul3A_502 : i32
    %add3A_504 = arith.constant 0 : i32
    %add3A_505 = arith.addi %mul3A_503, %add3A_504 : i32
    %add3A_506 = arith.constant 28 : i32
    %add3A_507 = arith.addi %add3A_505, %add3A_506 : i32
    %get3A_508 = arith.index_cast %add3A_507 : i32 to index
    %get3A_509 = memref.load %arg1[%get3A_508] : memref<2048xi32, #tpu.memory_space<smem>>
    %get3A_510 = arith.constant 0 : index
    %get3A_511 = arith.index_cast %get3A_509 : i32 to index
    %get3A_512 = arith.constant 0 : index
    %get3A_513 = vector.load %arg3[%get3A_510, %get3A_511, %get3A_512] : memref<4x4096x64xf32, #tpu.memory_space<vmem>>, vector<1x1x64xf32>
    %get3A_514 = vector.shape_cast %get3A_513 : vector<1x1x64xf32> to vector<1x64xf32>
    %swap3A_515 = arith.constant 28 : index
    %swap3A_516 = arith.constant 0 : index
    %swap3A_517 = vector.load %arg9[%swap3A_515, %swap3A_516] : memref<256x64xf32, #tpu.memory_space<vmem>>, vector<1x64xf32>
    tpu.vector_store %arg9[%swap3A_515, %swap3A_516], %get3A_514 {strides = array<i32>} : memref<256x64xf32, #tpu.memory_space<vmem>>, vector<1x64xf32>,
    %mul3A_518 = arith.constant 4 : i32
    %mul3A_519 = arith.muli %arg0, %mul3A_518 : i32
    %mul3A_520 = arith.constant 64 : i32
    %mul3A_521 = arith.muli %mul3A_519, %mul3A_520 : i32
    %add3A_522 = arith.constant 0 : i32
    %add3A_523 = arith.addi %mul3A_521, %add3A_522 : i32
    %add3A_524 = arith.constant 29 : i32
    %add3A_525 = arith.addi %add3A_523, %add3A_524 : i32
    %get3A_526 = arith.index_cast %add3A_525 : i32 to index
    %get3A_527 = memref.load %arg1[%get3A_526] : memref<2048xi32, #tpu.memory_space<smem>>
    %get3A_528 = arith.constant 0 : index
    %get3A_529 = arith.index_cast %get3A_527 : i32 to index
    %get3A_530 = arith.constant 0 : index
    %get3A_531 = vector.load %arg3[%get3A_528, %get3A_529, %get3A_530] : memref<4x4096x64xf32, #tpu.memory_space<vmem>>, vector<1x1x64xf32>
    %get3A_532 = vector.shape_cast %get3A_531 : vector<1x1x64xf32> to vector<1x64xf32>
    %swap3A_533 = arith.constant 29 : index
    %swap3A_534 = arith.constant 0 : index
    %swap3A_535 = vector.load %arg9[%swap3A_533, %swap3A_534] : memref<256x64xf32, #tpu.memory_space<vmem>>, vector<1x64xf32>
    tpu.vector_store %arg9[%swap3A_533, %swap3A_534], %get3A_532 {strides = array<i32>} : memref<256x64xf32, #tpu.memory_space<vmem>>, vector<1x64xf32>,
    %mul3A_536 = arith.constant 4 : i32
    %mul3A_537 = arith.muli %arg0, %mul3A_536 : i32
    %mul3A_538 = arith.constant 64 : i32
    %mul3A_539 = arith.muli %mul3A_537, %mul3A_538 : i32
    %add3A_540 = arith.constant 0 : i32
    %add3A_541 = arith.addi %mul3A_539, %add3A_540 : i32
    %add3A_542 = arith.constant 30 : i32
    %add3A_543 = arith.addi %add3A_541, %add3A_542 : i32
    %get3A_544 = arith.index_cast %add3A_543 : i32 to index
    %get3A_545 = memref.load %arg1[%get3A_544] : memref<2048xi32, #tpu.memory_space<smem>>
    %get3A_546 = arith.constant 0 : index
    %get3A_547 = arith.index_cast %get3A_545 : i32 to index
    %get3A_548 = arith.constant 0 : index
    %get3A_549 = vector.load %arg3[%get3A_546, %get3A_547, %get3A_548] : memref<4x4096x64xf32, #tpu.memory_space<vmem>>, vector<1x1x64xf32>
    %get3A_550 = vector.shape_cast %get3A_549 : vector<1x1x64xf32> to vector<1x64xf32>
    %swap3A_551 = arith.constant 30 : index
    %swap3A_552 = arith.constant 0 : index
    %swap3A_553 = vector.load %arg9[%swap3A_551, %swap3A_552] : memref<256x64xf32, #tpu.memory_space<vmem>>, vector<1x64xf32>
    tpu.vector_store %arg9[%swap3A_551, %swap3A_552], %get3A_550 {strides = array<i32>} : memref<256x64xf32, #tpu.memory_space<vmem>>, vector<1x64xf32>,
    %mul3A_554 = arith.constant 4 : i32
    %mul3A_555 = arith.muli %arg0, %mul3A_554 : i32
    %mul3A_556 = arith.constant 64 : i32
    %mul3A_557 = arith.muli %mul3A_555, %mul3A_556 : i32
    %add3A_558 = arith.constant 0 : i32
    %add3A_559 = arith.addi %mul3A_557, %add3A_558 : i32
    %add3A_560 = arith.constant 31 : i32
    %add3A_561 = arith.addi %add3A_559, %add3A_560 : i32
    %get3A_562 = arith.index_cast %add3A_561 : i32 to index
    %get3A_563 = memref.load %arg1[%get3A_562] : memref<2048xi32, #tpu.memory_space<smem>>
    %get3A_564 = arith.constant 0 : index
    %get3A_565 = arith.index_cast %get3A_563 : i32 to index
    %get3A_566 = arith.constant 0 : index
    %get3A_567 = vector.load %arg3[%get3A_564, %get3A_565, %get3A_566] : memref<4x4096x64xf32, #tpu.memory_space<vmem>>, vector<1x1x64xf32>
    %get3A_568 = vector.shape_cast %get3A_567 : vector<1x1x64xf32> to vector<1x64xf32>
    %swap3A_569 = arith.constant 31 : index
    %swap3A_570 = arith.constant 0 : index
    %swap3A_571 = vector.load %arg9[%swap3A_569, %swap3A_570] : memref<256x64xf32, #tpu.memory_space<vmem>>, vector<1x64xf32>
    tpu.vector_store %arg9[%swap3A_569, %swap3A_570], %get3A_568 {strides = array<i32>} : memref<256x64xf32, #tpu.memory_space<vmem>>, vector<1x64xf32>,
    %mul3A_572 = arith.constant 4 : i32
    %mul3A_573 = arith.muli %arg0, %mul3A_572 : i32
    %mul3A_574 = arith.constant 64 : i32
    %mul3A_575 = arith.muli %mul3A_573, %mul3A_574 : i32
    %add3A_576 = arith.constant 0 : i32
    %add3A_577 = arith.addi %mul3A_575, %add3A_576 : i32
    %add3A_578 = arith.constant 32 : i32
    %add3A_579 = arith.addi %add3A_577, %add3A_578 : i32
    %get3A_580 = arith.index_cast %add3A_579 : i32 to index
    %get3A_581 = memref.load %arg1[%get3A_580] : memref<2048xi32, #tpu.memory_space<smem>>
    %get3A_582 = arith.constant 0 : index
    %get3A_583 = arith.index_cast %get3A_581 : i32 to index
    %get3A_584 = arith.constant 0 : index
    %get3A_585 = vector.load %arg3[%get3A_582, %get3A_583, %get3A_584] : memref<4x4096x64xf32, #tpu.memory_space<vmem>>, vector<1x1x64xf32>
    %get3A_586 = vector.shape_cast %get3A_585 : vector<1x1x64xf32> to vector<1x64xf32>
    %swap3A_587 = arith.constant 32 : index
    %swap3A_588 = arith.constant 0 : index
    %swap3A_589 = vector.load %arg9[%swap3A_587, %swap3A_588] : memref<256x64xf32, #tpu.memory_space<vmem>>, vector<1x64xf32>
    tpu.vector_store %arg9[%swap3A_587, %swap3A_588], %get3A_586 {strides = array<i32>} : memref<256x64xf32, #tpu.memory_space<vmem>>, vector<1x64xf32>,
    %mul3A_590 = arith.constant 4 : i32
    %mul3A_591 = arith.muli %arg0, %mul3A_590 : i32
    %mul3A_592 = arith.constant 64 : i32
    %mul3A_593 = arith.muli %mul3A_591, %mul3A_592 : i32
    %add3A_594 = arith.constant 0 : i32
    %add3A_595 = arith.addi %mul3A_593, %add3A_594 : i32
    %add3A_596 = arith.constant 33 : i32
    %add3A_597 = arith.addi %add3A_595, %add3A_596 : i32
    %get3A_598 = arith.index_cast %add3A_597 : i32 to index
    %get3A_599 = memref.load %arg1[%get3A_598] : memref<2048xi32, #tpu.memory_space<smem>>
    %get3A_600 = arith.constant 0 : index
    %get3A_601 = arith.index_cast %get3A_599 : i32 to index
    %get3A_602 = arith.constant 0 : index
    %get3A_603 = vector.load %arg3[%get3A_600, %get3A_601, %get3A_602] : memref<4x4096x64xf32, #tpu.memory_space<vmem>>, vector<1x1x64xf32>
    %get3A_604 = vector.shape_cast %get3A_603 : vector<1x1x64xf32> to vector<1x64xf32>
    %swap3A_605 = arith.constant 33 : index
    %swap3A_606 = arith.constant 0 : index
    %swap3A_607 = vector.load %arg9[%swap3A_605, %swap3A_606] : memref<256x64xf32, #tpu.memory_space<vmem>>, vector<1x64xf32>
    tpu.vector_store %arg9[%swap3A_605, %swap3A_606], %get3A_604 {strides = array<i32>} : memref<256x64xf32, #tpu.memory_space<vmem>>, vector<1x64xf32>,
    %mul3A_608 = arith.constant 4 : i32
    %mul3A_609 = arith.muli %arg0, %mul3A_608 : i32
    %mul3A_610 = arith.constant 64 : i32
    %mul3A_611 = arith.muli %mul3A_609, %mul3A_610 : i32
    %add3A_612 = arith.constant 0 : i32
    %add3A_613 = arith.addi %mul3A_611, %add3A_612 : i32
    %add3A_614 = arith.constant 34 : i32
    %add3A_615 = arith.addi %add3A_613, %add3A_614 : i32
    %get3A_616 = arith.index_cast %add3A_615 : i32 to index
    %get3A_617 = memref.load %arg1[%get3A_616] : memref<2048xi32, #tpu.memory_space<smem>>
    %get3A_618 = arith.constant 0 : index
    %get3A_619 = arith.index_cast %get3A_617 : i32 to index
    %get3A_620 = arith.constant 0 : index
    %get3A_621 = vector.load %arg3[%get3A_618, %get3A_619, %get3A_620] : memref<4x4096x64xf32, #tpu.memory_space<vmem>>, vector<1x1x64xf32>
    %get3A_622 = vector.shape_cast %get3A_621 : vector<1x1x64xf32> to vector<1x64xf32>
    %swap3A_623 = arith.constant 34 : index
    %swap3A_624 = arith.constant 0 : index
    %swap3A_625 = vector.load %arg9[%swap3A_623, %swap3A_624] : memref<256x64xf32, #tpu.memory_space<vmem>>, vector<1x64xf32>
    tpu.vector_store %arg9[%swap3A_623, %swap3A_624], %get3A_622 {strides = array<i32>} : memref<256x64xf32, #tpu.memory_space<vmem>>, vector<1x64xf32>,
    %mul3A_626 = arith.constant 4 : i32
    %mul3A_627 = arith.muli %arg0, %mul3A_626 : i32
    %mul3A_628 = arith.constant 64 : i32
    %mul3A_629 = arith.muli %mul3A_627, %mul3A_628 : i32
    %add3A_630 = arith.constant 0 : i32
    %add3A_631 = arith.addi %mul3A_629, %add3A_630 : i32
    %add3A_632 = arith.constant 35 : i32
    %add3A_633 = arith.addi %add3A_631, %add3A_632 : i32
    %get3A_634 = arith.index_cast %add3A_633 : i32 to index
    %get3A_635 = memref.load %arg1[%get3A_634] : memref<2048xi32, #tpu.memory_space<smem>>
    %get3A_636 = arith.constant 0 : index
    %get3A_637 = arith.index_cast %get3A_635 : i32 to index
    %get3A_638 = arith.constant 0 : index
    %get3A_639 = vector.load %arg3[%get3A_636, %get3A_637, %get3A_638] : memref<4x4096x64xf32, #tpu.memory_space<vmem>>, vector<1x1x64xf32>
    %get3A_640 = vector.shape_cast %get3A_639 : vector<1x1x64xf32> to vector<1x64xf32>
    %swap3A_641 = arith.constant 35 : index
    %swap3A_642 = arith.constant 0 : index
    %swap3A_643 = vector.load %arg9[%swap3A_641, %swap3A_642] : memref<256x64xf32, #tpu.memory_space<vmem>>, vector<1x64xf32>
    tpu.vector_store %arg9[%swap3A_641, %swap3A_642], %get3A_640 {strides = array<i32>} : memref<256x64xf32, #tpu.memory_space<vmem>>, vector<1x64xf32>,
    %mul3A_644 = arith.constant 4 : i32
    %mul3A_645 = arith.muli %arg0, %mul3A_644 : i32
    %mul3A_646 = arith.constant 64 : i32
    %mul3A_647 = arith.muli %mul3A_645, %mul3A_646 : i32
    %add3A_648 = arith.constant 0 : i32
    %add3A_649 = arith.addi %mul3A_647, %add3A_648 : i32
    %add3A_650 = arith.constant 36 : i32
    %add3A_651 = arith.addi %add3A_649, %add3A_650 : i32
    %get3A_652 = arith.index_cast %add3A_651 : i32 to index
    %get3A_653 = memref.load %arg1[%get3A_652] : memref<2048xi32, #tpu.memory_space<smem>>
    %get3A_654 = arith.constant 0 : index
    %get3A_655 = arith.index_cast %get3A_653 : i32 to index
    %get3A_656 = arith.constant 0 : index
    %get3A_657 = vector.load %arg3[%get3A_654, %get3A_655, %get3A_656] : memref<4x4096x64xf32, #tpu.memory_space<vmem>>, vector<1x1x64xf32>
    %get3A_658 = vector.shape_cast %get3A_657 : vector<1x1x64xf32> to vector<1x64xf32>
    %swap3A_659 = arith.constant 36 : index
    %swap3A_660 = arith.constant 0 : index
    %swap3A_661 = vector.load %arg9[%swap3A_659, %swap3A_660] : memref<256x64xf32, #tpu.memory_space<vmem>>, vector<1x64xf32>
    tpu.vector_store %arg9[%swap3A_659, %swap3A_660], %get3A_658 {strides = array<i32>} : memref<256x64xf32, #tpu.memory_space<vmem>>, vector<1x64xf32>,
    %mul3A_662 = arith.constant 4 : i32
    %mul3A_663 = arith.muli %arg0, %mul3A_662 : i32
    %mul3A_664 = arith.constant 64 : i32
    %mul3A_665 = arith.muli %mul3A_663, %mul3A_664 : i32
    %add3A_666 = arith.constant 0 : i32
    %add3A_667 = arith.addi %mul3A_665, %add3A_666 : i32
    %add3A_668 = arith.constant 37 : i32
    %add3A_669 = arith.addi %add3A_667, %add3A_668 : i32
    %get3A_670 = arith.index_cast %add3A_669 : i32 to index
    %get3A_671 = memref.load %arg1[%get3A_670] : memref<2048xi32, #tpu.memory_space<smem>>
    %get3A_672 = arith.constant 0 : index
    %get3A_673 = arith.index_cast %get3A_671 : i32 to index
    %get3A_674 = arith.constant 0 : index
    %get3A_675 = vector.load %arg3[%get3A_672, %get3A_673, %get3A_674] : memref<4x4096x64xf32, #tpu.memory_space<vmem>>, vector<1x1x64xf32>
    %get3A_676 = vector.shape_cast %get3A_675 : vector<1x1x64xf32> to vector<1x64xf32>
    %swap3A_677 = arith.constant 37 : index
    %swap3A_678 = arith.constant 0 : index
    %swap3A_679 = vector.load %arg9[%swap3A_677, %swap3A_678] : memref<256x64xf32, #tpu.memory_space<vmem>>, vector<1x64xf32>
    tpu.vector_store %arg9[%swap3A_677, %swap3A_678], %get3A_676 {strides = array<i32>} : memref<256x64xf32, #tpu.memory_space<vmem>>, vector<1x64xf32>,
    %mul3A_680 = arith.constant 4 : i32
    %mul3A_681 = arith.muli %arg0, %mul3A_680 : i32
    %mul3A_682 = arith.constant 64 : i32
    %mul3A_683 = arith.muli %mul3A_681, %mul3A_682 : i32
    %add3A_684 = arith.constant 0 : i32
    %add3A_685 = arith.addi %mul3A_683, %add3A_684 : i32
    %add3A_686 = arith.constant 38 : i32
    %add3A_687 = arith.addi %add3A_685, %add3A_686 : i32
    %get3A_688 = arith.index_cast %add3A_687 : i32 to index
    %get3A_689 = memref.load %arg1[%get3A_688] : memref<2048xi32, #tpu.memory_space<smem>>
    %get3A_690 = arith.constant 0 : index
    %get3A_691 = arith.index_cast %get3A_689 : i32 to index
    %get3A_692 = arith.constant 0 : index
    %get3A_693 = vector.load %arg3[%get3A_690, %get3A_691, %get3A_692] : memref<4x4096x64xf32, #tpu.memory_space<vmem>>, vector<1x1x64xf32>
    %get3A_694 = vector.shape_cast %get3A_693 : vector<1x1x64xf32> to vector<1x64xf32>
    %swap3A_695 = arith.constant 38 : index
    %swap3A_696 = arith.constant 0 : index
    %swap3A_697 = vector.load %arg9[%swap3A_695, %swap3A_696] : memref<256x64xf32, #tpu.memory_space<vmem>>, vector<1x64xf32>
    tpu.vector_store %arg9[%swap3A_695, %swap3A_696], %get3A_694 {strides = array<i32>} : memref<256x64xf32, #tpu.memory_space<vmem>>, vector<1x64xf32>,
    %mul3A_698 = arith.constant 4 : i32
    %mul3A_699 = arith.muli %arg0, %mul3A_698 : i32
    %mul3A_700 = arith.constant 64 : i32
    %mul3A_701 = arith.muli %mul3A_699, %mul3A_700 : i32
    %add3A_702 = arith.constant 0 : i32
    %add3A_703 = arith.addi %mul3A_701, %add3A_702 : i32
    %add3A_704 = arith.constant 39 : i32
    %add3A_705 = arith.addi %add3A_703, %add3A_704 : i32
    %get3A_706 = arith.index_cast %add3A_705 : i32 to index
    %get3A_707 = memref.load %arg1[%get3A_706] : memref<2048xi32, #tpu.memory_space<smem>>
    %get3A_708 = arith.constant 0 : index
    %get3A_709 = arith.index_cast %get3A_707 : i32 to index
    %get3A_710 = arith.constant 0 : index
    %get3A_711 = vector.load %arg3[%get3A_708, %get3A_709, %get3A_710] : memref<4x4096x64xf32, #tpu.memory_space<vmem>>, vector<1x1x64xf32>
    %get3A_712 = vector.shape_cast %get3A_711 : vector<1x1x64xf32> to vector<1x64xf32>
    %swap3A_713 = arith.constant 39 : index
    %swap3A_714 = arith.constant 0 : index
    %swap3A_715 = vector.load %arg9[%swap3A_713, %swap3A_714] : memref<256x64xf32, #tpu.memory_space<vmem>>, vector<1x64xf32>
    tpu.vector_store %arg9[%swap3A_713, %swap3A_714], %get3A_712 {strides = array<i32>} : memref<256x64xf32, #tpu.memory_space<vmem>>, vector<1x64xf32>,
    %mul3A_716 = arith.constant 4 : i32
    %mul3A_717 = arith.muli %arg0, %mul3A_716 : i32
    %mul3A_718 = arith.constant 64 : i32
    %mul3A_719 = arith.muli %mul3A_717, %mul3A_718 : i32
    %add3A_720 = arith.constant 0 : i32
    %add3A_721 = arith.addi %mul3A_719, %add3A_720 : i32
    %add3A_722 = arith.constant 40 : i32
    %add3A_723 = arith.addi %add3A_721, %add3A_722 : i32
    %get3A_724 = arith.index_cast %add3A_723 : i32 to index
    %get3A_725 = memref.load %arg1[%get3A_724] : memref<2048xi32, #tpu.memory_space<smem>>
    %get3A_726 = arith.constant 0 : index
    %get3A_727 = arith.index_cast %get3A_725 : i32 to index
    %get3A_728 = arith.constant 0 : index
    %get3A_729 = vector.load %arg3[%get3A_726, %get3A_727, %get3A_728] : memref<4x4096x64xf32, #tpu.memory_space<vmem>>, vector<1x1x64xf32>
    %get3A_730 = vector.shape_cast %get3A_729 : vector<1x1x64xf32> to vector<1x64xf32>
    %swap3A_731 = arith.constant 40 : index
    %swap3A_732 = arith.constant 0 : index
    %swap3A_733 = vector.load %arg9[%swap3A_731, %swap3A_732] : memref<256x64xf32, #tpu.memory_space<vmem>>, vector<1x64xf32>
    tpu.vector_store %arg9[%swap3A_731, %swap3A_732], %get3A_730 {strides = array<i32>} : memref<256x64xf32, #tpu.memory_space<vmem>>, vector<1x64xf32>,
    %mul3A_734 = arith.constant 4 : i32
    %mul3A_735 = arith.muli %arg0, %mul3A_734 : i32
    %mul3A_736 = arith.constant 64 : i32
    %mul3A_737 = arith.muli %mul3A_735, %mul3A_736 : i32
    %add3A_738 = arith.constant 0 : i32
    %add3A_739 = arith.addi %mul3A_737, %add3A_738 : i32
    %add3A_740 = arith.constant 41 : i32
    %add3A_741 = arith.addi %add3A_739, %add3A_740 : i32
    %get3A_742 = arith.index_cast %add3A_741 : i32 to index
    %get3A_743 = memref.load %arg1[%get3A_742] : memref<2048xi32, #tpu.memory_space<smem>>
    %get3A_744 = arith.constant 0 : index
    %get3A_745 = arith.index_cast %get3A_743 : i32 to index
    %get3A_746 = arith.constant 0 : index
    %get3A_747 = vector.load %arg3[%get3A_744, %get3A_745, %get3A_746] : memref<4x4096x64xf32, #tpu.memory_space<vmem>>, vector<1x1x64xf32>
    %get3A_748 = vector.shape_cast %get3A_747 : vector<1x1x64xf32> to vector<1x64xf32>
    %swap3A_749 = arith.constant 41 : index
    %swap3A_750 = arith.constant 0 : index
    %swap3A_751 = vector.load %arg9[%swap3A_749, %swap3A_750] : memref<256x64xf32, #tpu.memory_space<vmem>>, vector<1x64xf32>
    tpu.vector_store %arg9[%swap3A_749, %swap3A_750], %get3A_748 {strides = array<i32>} : memref<256x64xf32, #tpu.memory_space<vmem>>, vector<1x64xf32>,
    %mul3A_752 = arith.constant 4 : i32
    %mul3A_753 = arith.muli %arg0, %mul3A_752 : i32
    %mul3A_754 = arith.constant 64 : i32
    %mul3A_755 = arith.muli %mul3A_753, %mul3A_754 : i32
    %add3A_756 = arith.constant 0 : i32
    %add3A_757 = arith.addi %mul3A_755, %add3A_756 : i32
    %add3A_758 = arith.constant 42 : i32
    %add3A_759 = arith.addi %add3A_757, %add3A_758 : i32
    %get3A_760 = arith.index_cast %add3A_759 : i32 to index
    %get3A_761 = memref.load %arg1[%get3A_760] : memref<2048xi32, #tpu.memory_space<smem>>
    %get3A_762 = arith.constant 0 : index
    %get3A_763 = arith.index_cast %get3A_761 : i32 to index
    %get3A_764 = arith.constant 0 : index
    %get3A_765 = vector.load %arg3[%get3A_762, %get3A_763, %get3A_764] : memref<4x4096x64xf32, #tpu.memory_space<vmem>>, vector<1x1x64xf32>
    %get3A_766 = vector.shape_cast %get3A_765 : vector<1x1x64xf32> to vector<1x64xf32>
    %swap3A_767 = arith.constant 42 : index
    %swap3A_768 = arith.constant 0 : index
    %swap3A_769 = vector.load %arg9[%swap3A_767, %swap3A_768] : memref<256x64xf32, #tpu.memory_space<vmem>>, vector<1x64xf32>
    tpu.vector_store %arg9[%swap3A_767, %swap3A_768], %get3A_766 {strides = array<i32>} : memref<256x64xf32, #tpu.memory_space<vmem>>, vector<1x64xf32>,
    %mul3A_770 = arith.constant 4 : i32
    %mul3A_771 = arith.muli %arg0, %mul3A_770 : i32
    %mul3A_772 = arith.constant 64 : i32
    %mul3A_773 = arith.muli %mul3A_771, %mul3A_772 : i32
    %add3A_774 = arith.constant 0 : i32
    %add3A_775 = arith.addi %mul3A_773, %add3A_774 : i32
    %add3A_776 = arith.constant 43 : i32
    %add3A_777 = arith.addi %add3A_775, %add3A_776 : i32
    %get3A_778 = arith.index_cast %add3A_777 : i32 to index
    %get3A_779 = memref.load %arg1[%get3A_778] : memref<2048xi32, #tpu.memory_space<smem>>
    %get3A_780 = arith.constant 0 : index
    %get3A_781 = arith.index_cast %get3A_779 : i32 to index
    %get3A_782 = arith.constant 0 : index
    %get3A_783 = vector.load %arg3[%get3A_780, %get3A_781, %get3A_782] : memref<4x4096x64xf32, #tpu.memory_space<vmem>>, vector<1x1x64xf32>
    %get3A_784 = vector.shape_cast %get3A_783 : vector<1x1x64xf32> to vector<1x64xf32>
    %swap3A_785 = arith.constant 43 : index
    %swap3A_786 = arith.constant 0 : index
    %swap3A_787 = vector.load %arg9[%swap3A_785, %swap3A_786] : memref<256x64xf32, #tpu.memory_space<vmem>>, vector<1x64xf32>
    tpu.vector_store %arg9[%swap3A_785, %swap3A_786], %get3A_784 {strides = array<i32>} : memref<256x64xf32, #tpu.memory_space<vmem>>, vector<1x64xf32>,
    %mul3A_788 = arith.constant 4 : i32
    %mul3A_789 = arith.muli %arg0, %mul3A_788 : i32
    %mul3A_790 = arith.constant 64 : i32
    %mul3A_791 = arith.muli %mul3A_789, %mul3A_790 : i32
    %add3A_792 = arith.constant 0 : i32
    %add3A_793 = arith.addi %mul3A_791, %add3A_792 : i32
    %add3A_794 = arith.constant 44 : i32
    %add3A_795 = arith.addi %add3A_793, %add3A_794 : i32
    %get3A_796 = arith.index_cast %add3A_795 : i32 to index
    %get3A_797 = memref.load %arg1[%get3A_796] : memref<2048xi32, #tpu.memory_space<smem>>
    %get3A_798 = arith.constant 0 : index
    %get3A_799 = arith.index_cast %get3A_797 : i32 to index
    %get3A_800 = arith.constant 0 : index
    %get3A_801 = vector.load %arg3[%get3A_798, %get3A_799, %get3A_800] : memref<4x4096x64xf32, #tpu.memory_space<vmem>>, vector<1x1x64xf32>
    %get3A_802 = vector.shape_cast %get3A_801 : vector<1x1x64xf32> to vector<1x64xf32>
    %swap3A_803 = arith.constant 44 : index
    %swap3A_804 = arith.constant 0 : index
    %swap3A_805 = vector.load %arg9[%swap3A_803, %swap3A_804] : memref<256x64xf32, #tpu.memory_space<vmem>>, vector<1x64xf32>
    tpu.vector_store %arg9[%swap3A_803, %swap3A_804], %get3A_802 {strides = array<i32>} : memref<256x64xf32, #tpu.memory_space<vmem>>, vector<1x64xf32>,
    %mul3A_806 = arith.constant 4 : i32
    %mul3A_807 = arith.muli %arg0, %mul3A_806 : i32
    %mul3A_808 = arith.constant 64 : i32
    %mul3A_809 = arith.muli %mul3A_807, %mul3A_808 : i32
    %add3A_810 = arith.constant 0 : i32
    %add3A_811 = arith.addi %mul3A_809, %add3A_810 : i32
    %add3A_812 = arith.constant 45 : i32
    %add3A_813 = arith.addi %add3A_811, %add3A_812 : i32
    %get3A_814 = arith.index_cast %add3A_813 : i32 to index
    %get3A_815 = memref.load %arg1[%get3A_814] : memref<2048xi32, #tpu.memory_space<smem>>
    %get3A_816 = arith.constant 0 : index
    %get3A_817 = arith.index_cast %get3A_815 : i32 to index
    %get3A_818 = arith.constant 0 : index
    %get3A_819 = vector.load %arg3[%get3A_816, %get3A_817, %get3A_818] : memref<4x4096x64xf32, #tpu.memory_space<vmem>>, vector<1x1x64xf32>
    %get3A_820 = vector.shape_cast %get3A_819 : vector<1x1x64xf32> to vector<1x64xf32>
    %swap3A_821 = arith.constant 45 : index
    %swap3A_822 = arith.constant 0 : index
    %swap3A_823 = vector.load %arg9[%swap3A_821, %swap3A_822] : memref<256x64xf32, #tpu.memory_space<vmem>>, vector<1x64xf32>
    tpu.vector_store %arg9[%swap3A_821, %swap3A_822], %get3A_820 {strides = array<i32>} : memref<256x64xf32, #tpu.memory_space<vmem>>, vector<1x64xf32>,
    %mul3A_824 = arith.constant 4 : i32
    %mul3A_825 = arith.muli %arg0, %mul3A_824 : i32
    %mul3A_826 = arith.constant 64 : i32
    %mul3A_827 = arith.muli %mul3A_825, %mul3A_826 : i32
    %add3A_828 = arith.constant 0 : i32
    %add3A_829 = arith.addi %mul3A_827, %add3A_828 : i32
    %add3A_830 = arith.constant 46 : i32
    %add3A_831 = arith.addi %add3A_829, %add3A_830 : i32
    %get3A_832 = arith.index_cast %add3A_831 : i32 to index
    %get3A_833 = memref.load %arg1[%get3A_832] : memref<2048xi32, #tpu.memory_space<smem>>
    %get3A_834 = arith.constant 0 : index
    %get3A_835 = arith.index_cast %get3A_833 : i32 to index
    %get3A_836 = arith.constant 0 : index
    %get3A_837 = vector.load %arg3[%get3A_834, %get3A_835, %get3A_836] : memref<4x4096x64xf32, #tpu.memory_space<vmem>>, vector<1x1x64xf32>
    %get3A_838 = vector.shape_cast %get3A_837 : vector<1x1x64xf32> to vector<1x64xf32>
    %swap3A_839 = arith.constant 46 : index
    %swap3A_840 = arith.constant 0 : index
    %swap3A_841 = vector.load %arg9[%swap3A_839, %swap3A_840] : memref<256x64xf32, #tpu.memory_space<vmem>>, vector<1x64xf32>
    tpu.vector_store %arg9[%swap3A_839, %swap3A_840], %get3A_838 {strides = array<i32>} : memref<256x64xf32, #tpu.memory_space<vmem>>, vector<1x64xf32>,
    %mul3A_842 = arith.constant 4 : i32
    %mul3A_843 = arith.muli %arg0, %mul3A_842 : i32
    %mul3A_844 = arith.constant 64 : i32
    %mul3A_845 = arith.muli %mul3A_843, %mul3A_844 : i32
    %add3A_846 = arith.constant 0 : i32
    %add3A_847 = arith.addi %mul3A_845, %add3A_846 : i32
    %add3A_848 = arith.constant 47 : i32
    %add3A_849 = arith.addi %add3A_847, %add3A_848 : i32
    %get3A_850 = arith.index_cast %add3A_849 : i32 to index
    %get3A_851 = memref.load %arg1[%get3A_850] : memref<2048xi32, #tpu.memory_space<smem>>
    %get3A_852 = arith.constant 0 : index
    %get3A_853 = arith.index_cast %get3A_851 : i32 to index
    %get3A_854 = arith.constant 0 : index
    %get3A_855 = vector.load %arg3[%get3A_852, %get3A_853, %get3A_854] : memref<4x4096x64xf32, #tpu.memory_space<vmem>>, vector<1x1x64xf32>
    %get3A_856 = vector.shape_cast %get3A_855 : vector<1x1x64xf32> to vector<1x64xf32>
    %swap3A_857 = arith.constant 47 : index
    %swap3A_858 = arith.constant 0 : index
    %swap3A_859 = vector.load %arg9[%swap3A_857, %swap3A_858] : memref<256x64xf32, #tpu.memory_space<vmem>>, vector<1x64xf32>
    tpu.vector_store %arg9[%swap3A_857, %swap3A_858], %get3A_856 {strides = array<i32>} : memref<256x64xf32, #tpu.memory_space<vmem>>, vector<1x64xf32>,
    %mul3A_860 = arith.constant 4 : i32
    %mul3A_861 = arith.muli %arg0, %mul3A_860 : i32
    %mul3A_862 = arith.constant 64 : i32
    %mul3A_863 = arith.muli %mul3A_861, %mul3A_862 : i32
    %add3A_864 = arith.constant 0 : i32
    %add3A_865 = arith.addi %mul3A_863, %add3A_864 : i32
    %add3A_866 = arith.constant 48 : i32
    %add3A_867 = arith.addi %add3A_865, %add3A_866 : i32
    %get3A_868 = arith.index_cast %add3A_867 : i32 to index
    %get3A_869 = memref.load %arg1[%get3A_868] : memref<2048xi32, #tpu.memory_space<smem>>
    %get3A_870 = arith.constant 0 : index
    %get3A_871 = arith.index_cast %get3A_869 : i32 to index
    %get3A_872 = arith.constant 0 : index
    %get3A_873 = vector.load %arg3[%get3A_870, %get3A_871, %get3A_872] : memref<4x4096x64xf32, #tpu.memory_space<vmem>>, vector<1x1x64xf32>
    %get3A_874 = vector.shape_cast %get3A_873 : vector<1x1x64xf32> to vector<1x64xf32>
    %swap3A_875 = arith.constant 48 : index
    %swap3A_876 = arith.constant 0 : index
    %swap3A_877 = vector.load %arg9[%swap3A_875, %swap3A_876] : memref<256x64xf32, #tpu.memory_space<vmem>>, vector<1x64xf32>
    tpu.vector_store %arg9[%swap3A_875, %swap3A_876], %get3A_874 {strides = array<i32>} : memref<256x64xf32, #tpu.memory_space<vmem>>, vector<1x64xf32>,
    %mul3A_878 = arith.constant 4 : i32
    %mul3A_879 = arith.muli %arg0, %mul3A_878 : i32
    %mul3A_880 = arith.constant 64 : i32
    %mul3A_881 = arith.muli %mul3A_879, %mul3A_880 : i32
    %add3A_882 = arith.constant 0 : i32
    %add3A_883 = arith.addi %mul3A_881, %add3A_882 : i32
    %add3A_884 = arith.constant 49 : i32
    %add3A_885 = arith.addi %add3A_883, %add3A_884 : i32
    %get3A_886 = arith.index_cast %add3A_885 : i32 to index
    %get3A_887 = memref.load %arg1[%get3A_886] : memref<2048xi32, #tpu.memory_space<smem>>
    %get3A_888 = arith.constant 0 : index
    %get3A_889 = arith.index_cast %get3A_887 : i32 to index
    %get3A_890 = arith.constant 0 : index
    %get3A_891 = vector.load %arg3[%get3A_888, %get3A_889, %get3A_890] : memref<4x4096x64xf32, #tpu.memory_space<vmem>>, vector<1x1x64xf32>
    %get3A_892 = vector.shape_cast %get3A_891 : vector<1x1x64xf32> to vector<1x64xf32>
    %swap3A_893 = arith.constant 49 : index
    %swap3A_894 = arith.constant 0 : index
    %swap3A_895 = vector.load %arg9[%swap3A_893, %swap3A_894] : memref<256x64xf32, #tpu.memory_space<vmem>>, vector<1x64xf32>
    tpu.vector_store %arg9[%swap3A_893, %swap3A_894], %get3A_892 {strides = array<i32>} : memref<256x64xf32, #tpu.memory_space<vmem>>, vector<1x64xf32>,
    %mul3A_896 = arith.constant 4 : i32
    %mul3A_897 = arith.muli %arg0, %mul3A_896 : i32
    %mul3A_898 = arith.constant 64 : i32
    %mul3A_899 = arith.muli %mul3A_897, %mul3A_898 : i32
    %add3A_900 = arith.constant 0 : i32
    %add3A_901 = arith.addi %mul3A_899, %add3A_900 : i32
    %add3A_902 = arith.constant 50 : i32
    %add3A_903 = arith.addi %add3A_901, %add3A_902 : i32
    %get3A_904 = arith.index_cast %add3A_903 : i32 to index
    %get3A_905 = memref.load %arg1[%get3A_904] : memref<2048xi32, #tpu.memory_space<smem>>
    %get3A_906 = arith.constant 0 : index
    %get3A_907 = arith.index_cast %get3A_905 : i32 to index
    %get3A_908 = arith.constant 0 : index
    %get3A_909 = vector.load %arg3[%get3A_906, %get3A_907, %get3A_908] : memref<4x4096x64xf32, #tpu.memory_space<vmem>>, vector<1x1x64xf32>
    %get3A_910 = vector.shape_cast %get3A_909 : vector<1x1x64xf32> to vector<1x64xf32>
    %swap3A_911 = arith.constant 50 : index
    %swap3A_912 = arith.constant 0 : index
    %swap3A_913 = vector.load %arg9[%swap3A_911, %swap3A_912] : memref<256x64xf32, #tpu.memory_space<vmem>>, vector<1x64xf32>
    tpu.vector_store %arg9[%swap3A_911, %swap3A_912], %get3A_910 {strides = array<i32>} : memref<256x64xf32, #tpu.memory_space<vmem>>, vector<1x64xf32>,
    %mul3A_914 = arith.constant 4 : i32
    %mul3A_915 = arith.muli %arg0, %mul3A_914 : i32
    %mul3A_916 = arith.constant 64 : i32
    %mul3A_917 = arith.muli %mul3A_915, %mul3A_916 : i32
    %add3A_918 = arith.constant 0 : i32
    %add3A_919 = arith.addi %mul3A_917, %add3A_918 : i32
    %add3A_920 = arith.constant 51 : i32
    %add3A_921 = arith.addi %add3A_919, %add3A_920 : i32
    %get3A_922 = arith.index_cast %add3A_921 : i32 to index
    %get3A_923 = memref.load %arg1[%get3A_922] : memref<2048xi32, #tpu.memory_space<smem>>
    %get3A_924 = arith.constant 0 : index
    %get3A_925 = arith.index_cast %get3A_923 : i32 to index
    %get3A_926 = arith.constant 0 : index
    %get3A_927 = vector.load %arg3[%get3A_924, %get3A_925, %get3A_926] : memref<4x4096x64xf32, #tpu.memory_space<vmem>>, vector<1x1x64xf32>
    %get3A_928 = vector.shape_cast %get3A_927 : vector<1x1x64xf32> to vector<1x64xf32>
    %swap3A_929 = arith.constant 51 : index
    %swap3A_930 = arith.constant 0 : index
    %swap3A_931 = vector.load %arg9[%swap3A_929, %swap3A_930] : memref<256x64xf32, #tpu.memory_space<vmem>>, vector<1x64xf32>
    tpu.vector_store %arg9[%swap3A_929, %swap3A_930], %get3A_928 {strides = array<i32>} : memref<256x64xf32, #tpu.memory_space<vmem>>, vector<1x64xf32>,
    %mul3A_932 = arith.constant 4 : i32
    %mul3A_933 = arith.muli %arg0, %mul3A_932 : i32
    %mul3A_934 = arith.constant 64 : i32
    %mul3A_935 = arith.muli %mul3A_933, %mul3A_934 : i32
    %add3A_936 = arith.constant 0 : i32
    %add3A_937 = arith.addi %mul3A_935, %add3A_936 : i32
    %add3A_938 = arith.constant 52 : i32
    %add3A_939 = arith.addi %add3A_937, %add3A_938 : i32
    %get3A_940 = arith.index_cast %add3A_939 : i32 to index
    %get3A_941 = memref.load %arg1[%get3A_940] : memref<2048xi32, #tpu.memory_space<smem>>
    %get3A_942 = arith.constant 0 : index
    %get3A_943 = arith.index_cast %get3A_941 : i32 to index
    %get3A_944 = arith.constant 0 : index
    %get3A_945 = vector.load %arg3[%get3A_942, %get3A_943, %get3A_944] : memref<4x4096x64xf32, #tpu.memory_space<vmem>>, vector<1x1x64xf32>
    %get3A_946 = vector.shape_cast %get3A_945 : vector<1x1x64xf32> to vector<1x64xf32>
    %swap3A_947 = arith.constant 52 : index
    %swap3A_948 = arith.constant 0 : index
    %swap3A_949 = vector.load %arg9[%swap3A_947, %swap3A_948] : memref<256x64xf32, #tpu.memory_space<vmem>>, vector<1x64xf32>
    tpu.vector_store %arg9[%swap3A_947, %swap3A_948], %get3A_946 {strides = array<i32>} : memref<256x64xf32, #tpu.memory_space<vmem>>, vector<1x64xf32>,
    %mul3A_950 = arith.constant 4 : i32
    %mul3A_951 = arith.muli %arg0, %mul3A_950 : i32
    %mul3A_952 = arith.constant 64 : i32
    %mul3A_953 = arith.muli %mul3A_951, %mul3A_952 : i32
    %add3A_954 = arith.constant 0 : i32
    %add3A_955 = arith.addi %mul3A_953, %add3A_954 : i32
    %add3A_956 = arith.constant 53 : i32
    %add3A_957 = arith.addi %add3A_955, %add3A_956 : i32
    %get3A_958 = arith.index_cast %add3A_957 : i32 to index
    %get3A_959 = memref.load %arg1[%get3A_958] : memref<2048xi32, #tpu.memory_space<smem>>
    %get3A_960 = arith.constant 0 : index
    %get3A_961 = arith.index_cast %get3A_959 : i32 to index
    %get3A_962 = arith.constant 0 : index
    %get3A_963 = vector.load %arg3[%get3A_960, %get3A_961, %get3A_962] : memref<4x4096x64xf32, #tpu.memory_space<vmem>>, vector<1x1x64xf32>
    %get3A_964 = vector.shape_cast %get3A_963 : vector<1x1x64xf32> to vector<1x64xf32>
    %swap3A_965 = arith.constant 53 : index
    %swap3A_966 = arith.constant 0 : index
    %swap3A_967 = vector.load %arg9[%swap3A_965, %swap3A_966] : memref<256x64xf32, #tpu.memory_space<vmem>>, vector<1x64xf32>
    tpu.vector_store %arg9[%swap3A_965, %swap3A_966], %get3A_964 {strides = array<i32>} : memref<256x64xf32, #tpu.memory_space<vmem>>, vector<1x64xf32>,
    %mul3A_968 = arith.constant 4 : i32
    %mul3A_969 = arith.muli %arg0, %mul3A_968 : i32
    %mul3A_970 = arith.constant 64 : i32
    %mul3A_971 = arith.muli %mul3A_969, %mul3A_970 : i32
    %add3A_972 = arith.constant 0 : i32
    %add3A_973 = arith.addi %mul3A_971, %add3A_972 : i32
    %add3A_974 = arith.constant 54 : i32
    %add3A_975 = arith.addi %add3A_973, %add3A_974 : i32
    %get3A_976 = arith.index_cast %add3A_975 : i32 to index
    %get3A_977 = memref.load %arg1[%get3A_976] : memref<2048xi32, #tpu.memory_space<smem>>
    %get3A_978 = arith.constant 0 : index
    %get3A_979 = arith.index_cast %get3A_977 : i32 to index
    %get3A_980 = arith.constant 0 : index
    %get3A_981 = vector.load %arg3[%get3A_978, %get3A_979, %get3A_980] : memref<4x4096x64xf32, #tpu.memory_space<vmem>>, vector<1x1x64xf32>
    %get3A_982 = vector.shape_cast %get3A_981 : vector<1x1x64xf32> to vector<1x64xf32>
    %swap3A_983 = arith.constant 54 : index
    %swap3A_984 = arith.constant 0 : index
    %swap3A_985 = vector.load %arg9[%swap3A_983, %swap3A_984] : memref<256x64xf32, #tpu.memory_space<vmem>>, vector<1x64xf32>
    tpu.vector_store %arg9[%swap3A_983, %swap3A_984], %get3A_982 {strides = array<i32>} : memref<256x64xf32, #tpu.memory_space<vmem>>, vector<1x64xf32>,
    %mul3A_986 = arith.constant 4 : i32
    %mul3A_987 = arith.muli %arg0, %mul3A_986 : i32
    %mul3A_988 = arith.constant 64 : i32
    %mul3A_989 = arith.muli %mul3A_987, %mul3A_988 : i32
    %add3A_990 = arith.constant 0 : i32
    %add3A_991 = arith.addi %mul3A_989, %add3A_990 : i32
    %add3A_992 = arith.constant 55 : i32
    %add3A_993 = arith.addi %add3A_991, %add3A_992 : i32
    %get3A_994 = arith.index_cast %add3A_993 : i32 to index
    %get3A_995 = memref.load %arg1[%get3A_994] : memref<2048xi32, #tpu.memory_space<smem>>
    %get3A_996 = arith.constant 0 : index
    %get3A_997 = arith.index_cast %get3A_995 : i32 to index
    %get3A_998 = arith.constant 0 : index
    %get3A_999 = vector.load %arg3[%get3A_996, %get3A_997, %get3A_998] : memref<4x4096x64xf32, #tpu.memory_space<vmem>>, vector<1x1x64xf32>
    %get3A_1000 = vector.shape_cast %get3A_999 : vector<1x1x64xf32> to vector<1x64xf32>
    %swap3A_1001 = arith.constant 55 : index
    %swap3A_1002 = arith.constant 0 : index
    %swap3A_1003 = vector.load %arg9[%swap3A_1001, %swap3A_1002] : memref<256x64xf32, #tpu.memory_space<vmem>>, vector<1x64xf32>
    tpu.vector_store %arg9[%swap3A_1001, %swap3A_1002], %get3A_1000 {strides = array<i32>} : memref<256x64xf32, #tpu.memory_space<vmem>>, vector<1x64xf32>,
    %mul3A_1004 = arith.constant 4 : i32
    %mul3A_1005 = arith.muli %arg0, %mul3A_1004 : i32
    %mul3A_1006 = arith.constant 64 : i32
    %mul3A_1007 = arith.muli %mul3A_1005, %mul3A_1006 : i32
    %add3A_1008 = arith.constant 0 : i32
    %add3A_1009 = arith.addi %mul3A_1007, %add3A_1008 : i32
    %add3A_1010 = arith.constant 56 : i32
    %add3A_1011 = arith.addi %add3A_1009, %add3A_1010 : i32
    %get3A_1012 = arith.index_cast %add3A_1011 : i32 to index
    %get3A_1013 = memref.load %arg1[%get3A_1012] : memref<2048xi32, #tpu.memory_space<smem>>
    %get3A_1014 = arith.constant 0 : index
    %get3A_1015 = arith.index_cast %get3A_1013 : i32 to index
    %get3A_1016 = arith.constant 0 : index
    %get3A_1017 = vector.load %arg3[%get3A_1014, %get3A_1015, %get3A_1016] : memref<4x4096x64xf32, #tpu.memory_space<vmem>>, vector<1x1x64xf32>
    %get3A_1018 = vector.shape_cast %get3A_1017 : vector<1x1x64xf32> to vector<1x64xf32>
    %swap3A_1019 = arith.constant 56 : index
    %swap3A_1020 = arith.constant 0 : index
    %swap3A_1021 = vector.load %arg9[%swap3A_1019, %swap3A_1020] : memref<256x64xf32, #tpu.memory_space<vmem>>, vector<1x64xf32>
    tpu.vector_store %arg9[%swap3A_1019, %swap3A_1020], %get3A_1018 {strides = array<i32>} : memref<256x64xf32, #tpu.memory_space<vmem>>, vector<1x64xf32>,
    %mul3A_1022 = arith.constant 4 : i32
    %mul3A_1023 = arith.muli %arg0, %mul3A_1022 : i32
    %mul3A_1024 = arith.constant 64 : i32
    %mul3A_1025 = arith.muli %mul3A_1023, %mul3A_1024 : i32
    %add3A_1026 = arith.constant 0 : i32
    %add3A_1027 = arith.addi %mul3A_1025, %add3A_1026 : i32
    %add3A_1028 = arith.constant 57 : i32
    %add3A_1029 = arith.addi %add3A_1027, %add3A_1028 : i32
    %get3A_1030 = arith.index_cast %add3A_1029 : i32 to index
    %get3A_1031 = memref.load %arg1[%get3A_1030] : memref<2048xi32, #tpu.memory_space<smem>>
    %get3A_1032 = arith.constant 0 : index
    %get3A_1033 = arith.index_cast %get3A_1031 : i32 to index
    %get3A_1034 = arith.constant 0 : index
    %get3A_1035 = vector.load %arg3[%get3A_1032, %get3A_1033, %get3A_1034] : memref<4x4096x64xf32, #tpu.memory_space<vmem>>, vector<1x1x64xf32>
    %get3A_1036 = vector.shape_cast %get3A_1035 : vector<1x1x64xf32> to vector<1x64xf32>
    %swap3A_1037 = arith.constant 57 : index
    %swap3A_1038 = arith.constant 0 : index
    %swap3A_1039 = vector.load %arg9[%swap3A_1037, %swap3A_1038] : memref<256x64xf32, #tpu.memory_space<vmem>>, vector<1x64xf32>
    tpu.vector_store %arg9[%swap3A_1037, %swap3A_1038], %get3A_1036 {strides = array<i32>} : memref<256x64xf32, #tpu.memory_space<vmem>>, vector<1x64xf32>,
    %mul3A_1040 = arith.constant 4 : i32
    %mul3A_1041 = arith.muli %arg0, %mul3A_1040 : i32
    %mul3A_1042 = arith.constant 64 : i32
    %mul3A_1043 = arith.muli %mul3A_1041, %mul3A_1042 : i32
    %add3A_1044 = arith.constant 0 : i32
    %add3A_1045 = arith.addi %mul3A_1043, %add3A_1044 : i32
    %add3A_1046 = arith.constant 58 : i32
    %add3A_1047 = arith.addi %add3A_1045, %add3A_1046 : i32
    %get3A_1048 = arith.index_cast %add3A_1047 : i32 to index
    %get3A_1049 = memref.load %arg1[%get3A_1048] : memref<2048xi32, #tpu.memory_space<smem>>
    %get3A_1050 = arith.constant 0 : index
    %get3A_1051 = arith.index_cast %get3A_1049 : i32 to index
    %get3A_1052 = arith.constant 0 : index
    %get3A_1053 = vector.load %arg3[%get3A_1050, %get3A_1051, %get3A_1052] : memref<4x4096x64xf32, #tpu.memory_space<vmem>>, vector<1x1x64xf32>
    %get3A_1054 = vector.shape_cast %get3A_1053 : vector<1x1x64xf32> to vector<1x64xf32>
    %swap3A_1055 = arith.constant 58 : index
    %swap3A_1056 = arith.constant 0 : index
    %swap3A_1057 = vector.load %arg9[%swap3A_1055, %swap3A_1056] : memref<256x64xf32, #tpu.memory_space<vmem>>, vector<1x64xf32>
    tpu.vector_store %arg9[%swap3A_1055, %swap3A_1056], %get3A_1054 {strides = array<i32>} : memref<256x64xf32, #tpu.memory_space<vmem>>, vector<1x64xf32>,
    %mul3A_1058 = arith.constant 4 : i32
    %mul3A_1059 = arith.muli %arg0, %mul3A_1058 : i32
    %mul3A_1060 = arith.constant 64 : i32
    %mul3A_1061 = arith.muli %mul3A_1059, %mul3A_1060 : i32
    %add3A_1062 = arith.constant 0 : i32
    %add3A_1063 = arith.addi %mul3A_1061, %add3A_1062 : i32
    %add3A_1064 = arith.constant 59 : i32
    %add3A_1065 = arith.addi %add3A_1063, %add3A_1064 : i32
    %get3A_1066 = arith.index_cast %add3A_1065 : i32 to index
    %get3A_1067 = memref.load %arg1[%get3A_1066] : memref<2048xi32, #tpu.memory_space<smem>>
    %get3A_1068 = arith.constant 0 : index
    %get3A_1069 = arith.index_cast %get3A_1067 : i32 to index
    %get3A_1070 = arith.constant 0 : index
    %get3A_1071 = vector.load %arg3[%get3A_1068, %get3A_1069, %get3A_1070] : memref<4x4096x64xf32, #tpu.memory_space<vmem>>, vector<1x1x64xf32>
    %get3A_1072 = vector.shape_cast %get3A_1071 : vector<1x1x64xf32> to vector<1x64xf32>
    %swap3A_1073 = arith.constant 59 : index
    %swap3A_1074 = arith.constant 0 : index
    %swap3A_1075 = vector.load %arg9[%swap3A_1073, %swap3A_1074] : memref<256x64xf32, #tpu.memory_space<vmem>>, vector<1x64xf32>
    tpu.vector_store %arg9[%swap3A_1073, %swap3A_1074], %get3A_1072 {strides = array<i32>} : memref<256x64xf32, #tpu.memory_space<vmem>>, vector<1x64xf32>,
    %mul3A_1076 = arith.constant 4 : i32
    %mul3A_1077 = arith.muli %arg0, %mul3A_1076 : i32
    %mul3A_1078 = arith.constant 64 : i32
    %mul3A_1079 = arith.muli %mul3A_1077, %mul3A_1078 : i32
    %add3A_1080 = arith.constant 0 : i32
    %add3A_1081 = arith.addi %mul3A_1079, %add3A_1080 : i32
    %add3A_1082 = arith.constant 60 : i32
    %add3A_1083 = arith.addi %add3A_1081, %add3A_1082 : i32
    %get3A_1084 = arith.index_cast %add3A_1083 : i32 to index
    %get3A_1085 = memref.load %arg1[%get3A_1084] : memref<2048xi32, #tpu.memory_space<smem>>
    %get3A_1086 = arith.constant 0 : index
    %get3A_1087 = arith.index_cast %get3A_1085 : i32 to index
    %get3A_1088 = arith.constant 0 : index
    %get3A_1089 = vector.load %arg3[%get3A_1086, %get3A_1087, %get3A_1088] : memref<4x4096x64xf32, #tpu.memory_space<vmem>>, vector<1x1x64xf32>
    %get3A_1090 = vector.shape_cast %get3A_1089 : vector<1x1x64xf32> to vector<1x64xf32>
    %swap3A_1091 = arith.constant 60 : index
    %swap3A_1092 = arith.constant 0 : index
    %swap3A_1093 = vector.load %arg9[%swap3A_1091, %swap3A_1092] : memref<256x64xf32, #tpu.memory_space<vmem>>, vector<1x64xf32>
    tpu.vector_store %arg9[%swap3A_1091, %swap3A_1092], %get3A_1090 {strides = array<i32>} : memref<256x64xf32, #tpu.memory_space<vmem>>, vector<1x64xf32>,
    %mul3A_1094 = arith.constant 4 : i32
    %mul3A_1095 = arith.muli %arg0, %mul3A_1094 : i32
    %mul3A_1096 = arith.constant 64 : i32
    %mul3A_1097 = arith.muli %mul3A_1095, %mul3A_1096 : i32
    %add3A_1098 = arith.constant 0 : i32
    %add3A_1099 = arith.addi %mul3A_1097, %add3A_1098 : i32
    %add3A_1100 = arith.constant 61 : i32
    %add3A_1101 = arith.addi %add3A_1099, %add3A_1100 : i32
    %get3A_1102 = arith.index_cast %add3A_1101 : i32 to index
    %get3A_1103 = memref.load %arg1[%get3A_1102] : memref<2048xi32, #tpu.memory_space<smem>>
    %get3A_1104 = arith.constant 0 : index
    %get3A_1105 = arith.index_cast %get3A_1103 : i32 to index
    %get3A_1106 = arith.constant 0 : index
    %get3A_1107 = vector.load %arg3[%get3A_1104, %get3A_1105, %get3A_1106] : memref<4x4096x64xf32, #tpu.memory_space<vmem>>, vector<1x1x64xf32>
    %get3A_1108 = vector.shape_cast %get3A_1107 : vector<1x1x64xf32> to vector<1x64xf32>
    %swap3A_1109 = arith.constant 61 : index
    %swap3A_1110 = arith.constant 0 : index
    %swap3A_1111 = vector.load %arg9[%swap3A_1109, %swap3A_1110] : memref<256x64xf32, #tpu.memory_space<vmem>>, vector<1x64xf32>
    tpu.vector_store %arg9[%swap3A_1109, %swap3A_1110], %get3A_1108 {strides = array<i32>} : memref<256x64xf32, #tpu.memory_space<vmem>>, vector<1x64xf32>,
    %mul3A_1112 = arith.constant 4 : i32
    %mul3A_1113 = arith.muli %arg0, %mul3A_1112 : i32
    %mul3A_1114 = arith.constant 64 : i32
    %mul3A_1115 = arith.muli %mul3A_1113, %mul3A_1114 : i32
    %add3A_1116 = arith.constant 0 : i32
    %add3A_1117 = arith.addi %mul3A_1115, %add3A_1116 : i32
    %add3A_1118 = arith.constant 62 : i32
    %add3A_1119 = arith.addi %add3A_1117, %add3A_1118 : i32
    %get3A_1120 = arith.index_cast %add3A_1119 : i32 to index
    %get3A_1121 = memref.load %arg1[%get3A_1120] : memref<2048xi32, #tpu.memory_space<smem>>
    %get3A_1122 = arith.constant 0 : index
    %get3A_1123 = arith.index_cast %get3A_1121 : i32 to index
    %get3A_1124 = arith.constant 0 : index
    %get3A_1125 = vector.load %arg3[%get3A_1122, %get3A_1123, %get3A_1124] : memref<4x4096x64xf32, #tpu.memory_space<vmem>>, vector<1x1x64xf32>
    %get3A_1126 = vector.shape_cast %get3A_1125 : vector<1x1x64xf32> to vector<1x64xf32>
    %swap3A_1127 = arith.constant 62 : index
    %swap3A_1128 = arith.constant 0 : index
    %swap3A_1129 = vector.load %arg9[%swap3A_1127, %swap3A_1128] : memref<256x64xf32, #tpu.memory_space<vmem>>, vector<1x64xf32>
    tpu.vector_store %arg9[%swap3A_1127, %swap3A_1128], %get3A_1126 {strides = array<i32>} : memref<256x64xf32, #tpu.memory_space<vmem>>, vector<1x64xf32>,
    %mul3A_1130 = arith.constant 4 : i32
    %mul3A_1131 = arith.muli %arg0, %mul3A_1130 : i32
    %mul3A_1132 = arith.constant 64 : i32
    %mul3A_1133 = arith.muli %mul3A_1131, %mul3A_1132 : i32
    %add3A_1134 = arith.constant 0 : i32
    %add3A_1135 = arith.addi %mul3A_1133, %add3A_1134 : i32
    %add3A_1136 = arith.constant 63 : i32
    %add3A_1137 = arith.addi %add3A_1135, %add3A_1136 : i32
    %get3A_1138 = arith.index_cast %add3A_1137 : i32 to index
    %get3A_1139 = memref.load %arg1[%get3A_1138] : memref<2048xi32, #tpu.memory_space<smem>>
    %get3A_1140 = arith.constant 0 : index
    %get3A_1141 = arith.index_cast %get3A_1139 : i32 to index
    %get3A_1142 = arith.constant 0 : index
    %get3A_1143 = vector.load %arg3[%get3A_1140, %get3A_1141, %get3A_1142] : memref<4x4096x64xf32, #tpu.memory_space<vmem>>, vector<1x1x64xf32>
    %get3A_1144 = vector.shape_cast %get3A_1143 : vector<1x1x64xf32> to vector<1x64xf32>
    %swap3A_1145 = arith.constant 63 : index
    %swap3A_1146 = arith.constant 0 : index
    %swap3A_1147 = vector.load %arg9[%swap3A_1145, %swap3A_1146] : memref<256x64xf32, #tpu.memory_space<vmem>>, vector<1x64xf32>
    tpu.vector_store %arg9[%swap3A_1145, %swap3A_1146], %get3A_1144 {strides = array<i32>} : memref<256x64xf32, #tpu.memory_space<vmem>>, vector<1x64xf32>,
    %mul3A_1148 = arith.constant 4 : i32
    %mul3A_1149 = arith.muli %arg0, %mul3A_1148 : i32
    %mul3A_1150 = arith.constant 64 : i32
    %mul3A_1151 = arith.muli %mul3A_1149, %mul3A_1150 : i32
    %add3A_1152 = arith.constant 64 : i32
    %add3A_1153 = arith.addi %mul3A_1151, %add3A_1152 : i32
    %add3A_1154 = arith.constant 0 : i32
    %add3A_1155 = arith.addi %add3A_1153, %add3A_1154 : i32
    %get3A_1156 = arith.index_cast %add3A_1155 : i32 to index
    %get3A_1157 = memref.load %arg1[%get3A_1156] : memref<2048xi32, #tpu.memory_space<smem>>
    %get3A_1158 = arith.constant 1 : index
    %get3A_1159 = arith.index_cast %get3A_1157 : i32 to index
    %get3A_1160 = arith.constant 0 : index
    %get3A_1161 = vector.load %arg3[%get3A_1158, %get3A_1159, %get3A_1160] : memref<4x4096x64xf32, #tpu.memory_space<vmem>>, vector<1x1x64xf32>
    %get3A_1162 = vector.shape_cast %get3A_1161 : vector<1x1x64xf32> to vector<1x64xf32>
    %swap3A_1163 = arith.constant 64 : index
    %swap3A_1164 = arith.constant 0 : index
    %swap3A_1165 = vector.load %arg9[%swap3A_1163, %swap3A_1164] : memref<256x64xf32, #tpu.memory_space<vmem>>, vector<1x64xf32>
    tpu.vector_store %arg9[%swap3A_1163, %swap3A_1164], %get3A_1162 {strides = array<i32>} : memref<256x64xf32, #tpu.memory_space<vmem>>, vector<1x64xf32>,
    %mul3A_1166 = arith.constant 4 : i32
    %mul3A_1167 = arith.muli %arg0, %mul3A_1166 : i32
    %mul3A_1168 = arith.constant 64 : i32
    %mul3A_1169 = arith.muli %mul3A_1167, %mul3A_1168 : i32
    %add3A_1170 = arith.constant 64 : i32
    %add3A_1171 = arith.addi %mul3A_1169, %add3A_1170 : i32
    %add3A_1172 = arith.constant 1 : i32
    %add3A_1173 = arith.addi %add3A_1171, %add3A_1172 : i32
    %get3A_1174 = arith.index_cast %add3A_1173 : i32 to index
    %get3A_1175 = memref.load %arg1[%get3A_1174] : memref<2048xi32, #tpu.memory_space<smem>>
    %get3A_1176 = arith.constant 1 : index
    %get3A_1177 = arith.index_cast %get3A_1175 : i32 to index
    %get3A_1178 = arith.constant 0 : index
    %get3A_1179 = vector.load %arg3[%get3A_1176, %get3A_1177, %get3A_1178] : memref<4x4096x64xf32, #tpu.memory_space<vmem>>, vector<1x1x64xf32>
    %get3A_1180 = vector.shape_cast %get3A_1179 : vector<1x1x64xf32> to vector<1x64xf32>
    %swap3A_1181 = arith.constant 65 : index
    %swap3A_1182 = arith.constant 0 : index
    %swap3A_1183 = vector.load %arg9[%swap3A_1181, %swap3A_1182] : memref<256x64xf32, #tpu.memory_space<vmem>>, vector<1x64xf32>
    tpu.vector_store %arg9[%swap3A_1181, %swap3A_1182], %get3A_1180 {strides = array<i32>} : memref<256x64xf32, #tpu.memory_space<vmem>>, vector<1x64xf32>,
    %mul3A_1184 = arith.constant 4 : i32
    %mul3A_1185 = arith.muli %arg0, %mul3A_1184 : i32
    %mul3A_1186 = arith.constant 64 : i32
    %mul3A_1187 = arith.muli %mul3A_1185, %mul3A_1186 : i32
    %add3A_1188 = arith.constant 64 : i32
    %add3A_1189 = arith.addi %mul3A_1187, %add3A_1188 : i32
    %add3A_1190 = arith.constant 2 : i32
    %add3A_1191 = arith.addi %add3A_1189, %add3A_1190 : i32
    %get3A_1192 = arith.index_cast %add3A_1191 : i32 to index
    %get3A_1193 = memref.load %arg1[%get3A_1192] : memref<2048xi32, #tpu.memory_space<smem>>
    %get3A_1194 = arith.constant 1 : index
    %get3A_1195 = arith.index_cast %get3A_1193 : i32 to index
    %get3A_1196 = arith.constant 0 : index
    %get3A_1197 = vector.load %arg3[%get3A_1194, %get3A_1195, %get3A_1196] : memref<4x4096x64xf32, #tpu.memory_space<vmem>>, vector<1x1x64xf32>
    %get3A_1198 = vector.shape_cast %get3A_1197 : vector<1x1x64xf32> to vector<1x64xf32>
    %swap3A_1199 = arith.constant 66 : index
    %swap3A_1200 = arith.constant 0 : index
    %swap3A_1201 = vector.load %arg9[%swap3A_1199, %swap3A_1200] : memref<256x64xf32, #tpu.memory_space<vmem>>, vector<1x64xf32>
    tpu.vector_store %arg9[%swap3A_1199, %swap3A_1200], %get3A_1198 {strides = array<i32>} : memref<256x64xf32, #tpu.memory_space<vmem>>, vector<1x64xf32>,
    %mul3A_1202 = arith.constant 4 : i32
    %mul3A_1203 = arith.muli %arg0, %mul3A_1202 : i32
    %mul3A_1204 = arith.constant 64 : i32
    %mul3A_1205 = arith.muli %mul3A_1203, %mul3A_1204 : i32
    %add3A_1206 = arith.constant 64 : i32
    %add3A_1207 = arith.addi %mul3A_1205, %add3A_1206 : i32
    %add3A_1208 = arith.constant 3 : i32
    %add3A_1209 = arith.addi %add3A_1207, %add3A_1208 : i32
    %get3A_1210 = arith.index_cast %add3A_1209 : i32 to index
    %get3A_1211 = memref.load %arg1[%get3A_1210] : memref<2048xi32, #tpu.memory_space<smem>>
    %get3A_1212 = arith.constant 1 : index
    %get3A_1213 = arith.index_cast %get3A_1211 : i32 to index
    %get3A_1214 = arith.constant 0 : index
    %get3A_1215 = vector.load %arg3[%get3A_1212, %get3A_1213, %get3A_1214] : memref<4x4096x64xf32, #tpu.memory_space<vmem>>, vector<1x1x64xf32>
    %get3A_1216 = vector.shape_cast %get3A_1215 : vector<1x1x64xf32> to vector<1x64xf32>
    %swap3A_1217 = arith.constant 67 : index
    %swap3A_1218 = arith.constant 0 : index
    %swap3A_1219 = vector.load %arg9[%swap3A_1217, %swap3A_1218] : memref<256x64xf32, #tpu.memory_space<vmem>>, vector<1x64xf32>
    tpu.vector_store %arg9[%swap3A_1217, %swap3A_1218], %get3A_1216 {strides = array<i32>} : memref<256x64xf32, #tpu.memory_space<vmem>>, vector<1x64xf32>,
    %mul3A_1220 = arith.constant 4 : i32
    %mul3A_1221 = arith.muli %arg0, %mul3A_1220 : i32
    %mul3A_1222 = arith.constant 64 : i32
    %mul3A_1223 = arith.muli %mul3A_1221, %mul3A_1222 : i32
    %add3A_1224 = arith.constant 64 : i32
    %add3A_1225 = arith.addi %mul3A_1223, %add3A_1224 : i32
    %add3A_1226 = arith.constant 4 : i32
    %add3A_1227 = arith.addi %add3A_1225, %add3A_1226 : i32
    %get3A_1228 = arith.index_cast %add3A_1227 : i32 to index
    %get3A_1229 = memref.load %arg1[%get3A_1228] : memref<2048xi32, #tpu.memory_space<smem>>
    %get3A_1230 = arith.constant 1 : index
    %get3A_1231 = arith.index_cast %get3A_1229 : i32 to index
    %get3A_1232 = arith.constant 0 : index
    %get3A_1233 = vector.load %arg3[%get3A_1230, %get3A_1231, %get3A_1232] : memref<4x4096x64xf32, #tpu.memory_space<vmem>>, vector<1x1x64xf32>
    %get3A_1234 = vector.shape_cast %get3A_1233 : vector<1x1x64xf32> to vector<1x64xf32>
    %swap3A_1235 = arith.constant 68 : index
    %swap3A_1236 = arith.constant 0 : index
    %swap3A_1237 = vector.load %arg9[%swap3A_1235, %swap3A_1236] : memref<256x64xf32, #tpu.memory_space<vmem>>, vector<1x64xf32>
    tpu.vector_store %arg9[%swap3A_1235, %swap3A_1236], %get3A_1234 {strides = array<i32>} : memref<256x64xf32, #tpu.memory_space<vmem>>, vector<1x64xf32>,
    %mul3A_1238 = arith.constant 4 : i32
    %mul3A_1239 = arith.muli %arg0, %mul3A_1238 : i32
    %mul3A_1240 = arith.constant 64 : i32
    %mul3A_1241 = arith.muli %mul3A_1239, %mul3A_1240 : i32
    %add3A_1242 = arith.constant 64 : i32
    %add3A_1243 = arith.addi %mul3A_1241, %add3A_1242 : i32
    %add3A_1244 = arith.constant 5 : i32
    %add3A_1245 = arith.addi %add3A_1243, %add3A_1244 : i32
    %get3A_1246 = arith.index_cast %add3A_1245 : i32 to index
    %get3A_1247 = memref.load %arg1[%get3A_1246] : memref<2048xi32, #tpu.memory_space<smem>>
    %get3A_1248 = arith.constant 1 : index
    %get3A_1249 = arith.index_cast %get3A_1247 : i32 to index
    %get3A_1250 = arith.constant 0 : index
    %get3A_1251 = vector.load %arg3[%get3A_1248, %get3A_1249, %get3A_1250] : memref<4x4096x64xf32, #tpu.memory_space<vmem>>, vector<1x1x64xf32>
    %get3A_1252 = vector.shape_cast %get3A_1251 : vector<1x1x64xf32> to vector<1x64xf32>
    %swap3A_1253 = arith.constant 69 : index
    %swap3A_1254 = arith.constant 0 : index
    %swap3A_1255 = vector.load %arg9[%swap3A_1253, %swap3A_1254] : memref<256x64xf32, #tpu.memory_space<vmem>>, vector<1x64xf32>
    tpu.vector_store %arg9[%swap3A_1253, %swap3A_1254], %get3A_1252 {strides = array<i32>} : memref<256x64xf32, #tpu.memory_space<vmem>>, vector<1x64xf32>,
    %mul3A_1256 = arith.constant 4 : i32
    %mul3A_1257 = arith.muli %arg0, %mul3A_1256 : i32
    %mul3A_1258 = arith.constant 64 : i32
    %mul3A_1259 = arith.muli %mul3A_1257, %mul3A_1258 : i32
    %add3A_1260 = arith.constant 64 : i32
    %add3A_1261 = arith.addi %mul3A_1259, %add3A_1260 : i32
    %add3A_1262 = arith.constant 6 : i32
    %add3A_1263 = arith.addi %add3A_1261, %add3A_1262 : i32
    %get3A_1264 = arith.index_cast %add3A_1263 : i32 to index
    %get3A_1265 = memref.load %arg1[%get3A_1264] : memref<2048xi32, #tpu.memory_space<smem>>
    %get3A_1266 = arith.constant 1 : index
    %get3A_1267 = arith.index_cast %get3A_1265 : i32 to index
    %get3A_1268 = arith.constant 0 : index
    %get3A_1269 = vector.load %arg3[%get3A_1266, %get3A_1267, %get3A_1268] : memref<4x4096x64xf32, #tpu.memory_space<vmem>>, vector<1x1x64xf32>
    %get3A_1270 = vector.shape_cast %get3A_1269 : vector<1x1x64xf32> to vector<1x64xf32>
    %swap3A_1271 = arith.constant 70 : index
    %swap3A_1272 = arith.constant 0 : index
    %swap3A_1273 = vector.load %arg9[%swap3A_1271, %swap3A_1272] : memref<256x64xf32, #tpu.memory_space<vmem>>, vector<1x64xf32>
    tpu.vector_store %arg9[%swap3A_1271, %swap3A_1272], %get3A_1270 {strides = array<i32>} : memref<256x64xf32, #tpu.memory_space<vmem>>, vector<1x64xf32>,
    %mul3A_1274 = arith.constant 4 : i32
    %mul3A_1275 = arith.muli %arg0, %mul3A_1274 : i32
    %mul3A_1276 = arith.constant 64 : i32
    %mul3A_1277 = arith.muli %mul3A_1275, %mul3A_1276 : i32
    %add3A_1278 = arith.constant 64 : i32
    %add3A_1279 = arith.addi %mul3A_1277, %add3A_1278 : i32
    %add3A_1280 = arith.constant 7 : i32
    %add3A_1281 = arith.addi %add3A_1279, %add3A_1280 : i32
    %get3A_1282 = arith.index_cast %add3A_1281 : i32 to index
    %get3A_1283 = memref.load %arg1[%get3A_1282] : memref<2048xi32, #tpu.memory_space<smem>>
    %get3A_1284 = arith.constant 1 : index
    %get3A_1285 = arith.index_cast %get3A_1283 : i32 to index
    %get3A_1286 = arith.constant 0 : index
    %get3A_1287 = vector.load %arg3[%get3A_1284, %get3A_1285, %get3A_1286] : memref<4x4096x64xf32, #tpu.memory_space<vmem>>, vector<1x1x64xf32>
    %get3A_1288 = vector.shape_cast %get3A_1287 : vector<1x1x64xf32> to vector<1x64xf32>
    %swap3A_1289 = arith.constant 71 : index
    %swap3A_1290 = arith.constant 0 : index
    %swap3A_1291 = vector.load %arg9[%swap3A_1289, %swap3A_1290] : memref<256x64xf32, #tpu.memory_space<vmem>>, vector<1x64xf32>
    tpu.vector_store %arg9[%swap3A_1289, %swap3A_1290], %get3A_1288 {strides = array<i32>} : memref<256x64xf32, #tpu.memory_space<vmem>>, vector<1x64xf32>,
    %mul3A_1292 = arith.constant 4 : i32
    %mul3A_1293 = arith.muli %arg0, %mul3A_1292 : i32
    %mul3A_1294 = arith.constant 64 : i32
    %mul3A_1295 = arith.muli %mul3A_1293, %mul3A_1294 : i32
    %add3A_1296 = arith.constant 64 : i32
    %add3A_1297 = arith.addi %mul3A_1295, %add3A_1296 : i32
    %add3A_1298 = arith.constant 8 : i32
    %add3A_1299 = arith.addi %add3A_1297, %add3A_1298 : i32
    %get3A_1300 = arith.index_cast %add3A_1299 : i32 to index
    %get3A_1301 = memref.load %arg1[%get3A_1300] : memref<2048xi32, #tpu.memory_space<smem>>
    %get3A_1302 = arith.constant 1 : index
    %get3A_1303 = arith.index_cast %get3A_1301 : i32 to index
    %get3A_1304 = arith.constant 0 : index
    %get3A_1305 = vector.load %arg3[%get3A_1302, %get3A_1303, %get3A_1304] : memref<4x4096x64xf32, #tpu.memory_space<vmem>>, vector<1x1x64xf32>
    %get3A_1306 = vector.shape_cast %get3A_1305 : vector<1x1x64xf32> to vector<1x64xf32>
    %swap3A_1307 = arith.constant 72 : index
    %swap3A_1308 = arith.constant 0 : index
    %swap3A_1309 = vector.load %arg9[%swap3A_1307, %swap3A_1308] : memref<256x64xf32, #tpu.memory_space<vmem>>, vector<1x64xf32>
    tpu.vector_store %arg9[%swap3A_1307, %swap3A_1308], %get3A_1306 {strides = array<i32>} : memref<256x64xf32, #tpu.memory_space<vmem>>, vector<1x64xf32>,
    %mul3A_1310 = arith.constant 4 : i32
    %mul3A_1311 = arith.muli %arg0, %mul3A_1310 : i32
    %mul3A_1312 = arith.constant 64 : i32
    %mul3A_1313 = arith.muli %mul3A_1311, %mul3A_1312 : i32
    %add3A_1314 = arith.constant 64 : i32
    %add3A_1315 = arith.addi %mul3A_1313, %add3A_1314 : i32
    %add3A_1316 = arith.constant 9 : i32
    %add3A_1317 = arith.addi %add3A_1315, %add3A_1316 : i32
    %get3A_1318 = arith.index_cast %add3A_1317 : i32 to index
    %get3A_1319 = memref.load %arg1[%get3A_1318] : memref<2048xi32, #tpu.memory_space<smem>>
    %get3A_1320 = arith.constant 1 : index
    %get3A_1321 = arith.index_cast %get3A_1319 : i32 to index
    %get3A_1322 = arith.constant 0 : index
    %get3A_1323 = vector.load %arg3[%get3A_1320, %get3A_1321, %get3A_1322] : memref<4x4096x64xf32, #tpu.memory_space<vmem>>, vector<1x1x64xf32>
    %get3A_1324 = vector.shape_cast %get3A_1323 : vector<1x1x64xf32> to vector<1x64xf32>
    %swap3A_1325 = arith.constant 73 : index
    %swap3A_1326 = arith.constant 0 : index
    %swap3A_1327 = vector.load %arg9[%swap3A_1325, %swap3A_1326] : memref<256x64xf32, #tpu.memory_space<vmem>>, vector<1x64xf32>
    tpu.vector_store %arg9[%swap3A_1325, %swap3A_1326], %get3A_1324 {strides = array<i32>} : memref<256x64xf32, #tpu.memory_space<vmem>>, vector<1x64xf32>,
    %mul3A_1328 = arith.constant 4 : i32
    %mul3A_1329 = arith.muli %arg0, %mul3A_1328 : i32
    %mul3A_1330 = arith.constant 64 : i32
    %mul3A_1331 = arith.muli %mul3A_1329, %mul3A_1330 : i32
    %add3A_1332 = arith.constant 64 : i32
    %add3A_1333 = arith.addi %mul3A_1331, %add3A_1332 : i32
    %add3A_1334 = arith.constant 10 : i32
    %add3A_1335 = arith.addi %add3A_1333, %add3A_1334 : i32
    %get3A_1336 = arith.index_cast %add3A_1335 : i32 to index
    %get3A_1337 = memref.load %arg1[%get3A_1336] : memref<2048xi32, #tpu.memory_space<smem>>
    %get3A_1338 = arith.constant 1 : index
    %get3A_1339 = arith.index_cast %get3A_1337 : i32 to index
    %get3A_1340 = arith.constant 0 : index
    %get3A_1341 = vector.load %arg3[%get3A_1338, %get3A_1339, %get3A_1340] : memref<4x4096x64xf32, #tpu.memory_space<vmem>>, vector<1x1x64xf32>
    %get3A_1342 = vector.shape_cast %get3A_1341 : vector<1x1x64xf32> to vector<1x64xf32>
    %swap3A_1343 = arith.constant 74 : index
    %swap3A_1344 = arith.constant 0 : index
    %swap3A_1345 = vector.load %arg9[%swap3A_1343, %swap3A_1344] : memref<256x64xf32, #tpu.memory_space<vmem>>, vector<1x64xf32>
    tpu.vector_store %arg9[%swap3A_1343, %swap3A_1344], %get3A_1342 {strides = array<i32>} : memref<256x64xf32, #tpu.memory_space<vmem>>, vector<1x64xf32>,
    %mul3A_1346 = arith.constant 4 : i32
    %mul3A_1347 = arith.muli %arg0, %mul3A_1346 : i32
    %mul3A_1348 = arith.constant 64 : i32
    %mul3A_1349 = arith.muli %mul3A_1347, %mul3A_1348 : i32
    %add3A_1350 = arith.constant 64 : i32
    %add3A_1351 = arith.addi %mul3A_1349, %add3A_1350 : i32
    %add3A_1352 = arith.constant 11 : i32
    %add3A_1353 = arith.addi %add3A_1351, %add3A_1352 : i32
    %get3A_1354 = arith.index_cast %add3A_1353 : i32 to index
    %get3A_1355 = memref.load %arg1[%get3A_1354] : memref<2048xi32, #tpu.memory_space<smem>>
    %get3A_1356 = arith.constant 1 : index
    %get3A_1357 = arith.index_cast %get3A_1355 : i32 to index
    %get3A_1358 = arith.constant 0 : index
    %get3A_1359 = vector.load %arg3[%get3A_1356, %get3A_1357, %get3A_1358] : memref<4x4096x64xf32, #tpu.memory_space<vmem>>, vector<1x1x64xf32>
    %get3A_1360 = vector.shape_cast %get3A_1359 : vector<1x1x64xf32> to vector<1x64xf32>
    %swap3A_1361 = arith.constant 75 : index
    %swap3A_1362 = arith.constant 0 : index
    %swap3A_1363 = vector.load %arg9[%swap3A_1361, %swap3A_1362] : memref<256x64xf32, #tpu.memory_space<vmem>>, vector<1x64xf32>
    tpu.vector_store %arg9[%swap3A_1361, %swap3A_1362], %get3A_1360 {strides = array<i32>} : memref<256x64xf32, #tpu.memory_space<vmem>>, vector<1x64xf32>,
    %mul3A_1364 = arith.constant 4 : i32
    %mul3A_1365 = arith.muli %arg0, %mul3A_1364 : i32
    %mul3A_1366 = arith.constant 64 : i32
    %mul3A_1367 = arith.muli %mul3A_1365, %mul3A_1366 : i32
    %add3A_1368 = arith.constant 64 : i32
    %add3A_1369 = arith.addi %mul3A_1367, %add3A_1368 : i32
    %add3A_1370 = arith.constant 12 : i32
    %add3A_1371 = arith.addi %add3A_1369, %add3A_1370 : i32
    %get3A_1372 = arith.index_cast %add3A_1371 : i32 to index
    %get3A_1373 = memref.load %arg1[%get3A_1372] : memref<2048xi32, #tpu.memory_space<smem>>
    %get3A_1374 = arith.constant 1 : index
    %get3A_1375 = arith.index_cast %get3A_1373 : i32 to index
    %get3A_1376 = arith.constant 0 : index
    %get3A_1377 = vector.load %arg3[%get3A_1374, %get3A_1375, %get3A_1376] : memref<4x4096x64xf32, #tpu.memory_space<vmem>>, vector<1x1x64xf32>
    %get3A_1378 = vector.shape_cast %get3A_1377 : vector<1x1x64xf32> to vector<1x64xf32>
    %swap3A_1379 = arith.constant 76 : index
    %swap3A_1380 = arith.constant 0 : index
    %swap3A_1381 = vector.load %arg9[%swap3A_1379, %swap3A_1380] : memref<256x64xf32, #tpu.memory_space<vmem>>, vector<1x64xf32>
    tpu.vector_store %arg9[%swap3A_1379, %swap3A_1380], %get3A_1378 {strides = array<i32>} : memref<256x64xf32, #tpu.memory_space<vmem>>, vector<1x64xf32>,
    %mul3A_1382 = arith.constant 4 : i32
    %mul3A_1383 = arith.muli %arg0, %mul3A_1382 : i32
    %mul3A_1384 = arith.constant 64 : i32
    %mul3A_1385 = arith.muli %mul3A_1383, %mul3A_1384 : i32
    %add3A_1386 = arith.constant 64 : i32
    %add3A_1387 = arith.addi %mul3A_1385, %add3A_1386 : i32
    %add3A_1388 = arith.constant 13 : i32
    %add3A_1389 = arith.addi %add3A_1387, %add3A_1388 : i32
    %get3A_1390 = arith.index_cast %add3A_1389 : i32 to index
    %get3A_1391 = memref.load %arg1[%get3A_1390] : memref<2048xi32, #tpu.memory_space<smem>>
    %get3A_1392 = arith.constant 1 : index
    %get3A_1393 = arith.index_cast %get3A_1391 : i32 to index
    %get3A_1394 = arith.constant 0 : index
    %get3A_1395 = vector.load %arg3[%get3A_1392, %get3A_1393, %get3A_1394] : memref<4x4096x64xf32, #tpu.memory_space<vmem>>, vector<1x1x64xf32>
    %get3A_1396 = vector.shape_cast %get3A_1395 : vector<1x1x64xf32> to vector<1x64xf32>
    %swap3A_1397 = arith.constant 77 : index
    %swap3A_1398 = arith.constant 0 : index
    %swap3A_1399 = vector.load %arg9[%swap3A_1397, %swap3A_1398] : memref<256x64xf32, #tpu.memory_space<vmem>>, vector<1x64xf32>
    tpu.vector_store %arg9[%swap3A_1397, %swap3A_1398], %get3A_1396 {strides = array<i32>} : memref<256x64xf32, #tpu.memory_space<vmem>>, vector<1x64xf32>,
    %mul3A_1400 = arith.constant 4 : i32
    %mul3A_1401 = arith.muli %arg0, %mul3A_1400 : i32
    %mul3A_1402 = arith.constant 64 : i32
    %mul3A_1403 = arith.muli %mul3A_1401, %mul3A_1402 : i32
    %add3A_1404 = arith.constant 64 : i32
    %add3A_1405 = arith.addi %mul3A_1403, %add3A_1404 : i32
    %add3A_1406 = arith.constant 14 : i32
    %add3A_1407 = arith.addi %add3A_1405, %add3A_1406 : i32
    %get3A_1408 = arith.index_cast %add3A_1407 : i32 to index
    %get3A_1409 = memref.load %arg1[%get3A_1408] : memref<2048xi32, #tpu.memory_space<smem>>
    %get3A_1410 = arith.constant 1 : index
    %get3A_1411 = arith.index_cast %get3A_1409 : i32 to index
    %get3A_1412 = arith.constant 0 : index
    %get3A_1413 = vector.load %arg3[%get3A_1410, %get3A_1411, %get3A_1412] : memref<4x4096x64xf32, #tpu.memory_space<vmem>>, vector<1x1x64xf32>
    %get3A_1414 = vector.shape_cast %get3A_1413 : vector<1x1x64xf32> to vector<1x64xf32>
    %swap3A_1415 = arith.constant 78 : index
    %swap3A_1416 = arith.constant 0 : index
    %swap3A_1417 = vector.load %arg9[%swap3A_1415, %swap3A_1416] : memref<256x64xf32, #tpu.memory_space<vmem>>, vector<1x64xf32>
    tpu.vector_store %arg9[%swap3A_1415, %swap3A_1416], %get3A_1414 {strides = array<i32>} : memref<256x64xf32, #tpu.memory_space<vmem>>, vector<1x64xf32>,
    %mul3A_1418 = arith.constant 4 : i32
    %mul3A_1419 = arith.muli %arg0, %mul3A_1418 : i32
    %mul3A_1420 = arith.constant 64 : i32
    %mul3A_1421 = arith.muli %mul3A_1419, %mul3A_1420 : i32
    %add3A_1422 = arith.constant 64 : i32
    %add3A_1423 = arith.addi %mul3A_1421, %add3A_1422 : i32
    %add3A_1424 = arith.constant 15 : i32
    %add3A_1425 = arith.addi %add3A_1423, %add3A_1424 : i32
    %get3A_1426 = arith.index_cast %add3A_1425 : i32 to index
    %get3A_1427 = memref.load %arg1[%get3A_1426] : memref<2048xi32, #tpu.memory_space<smem>>
    %get3A_1428 = arith.constant 1 : index
    %get3A_1429 = arith.index_cast %get3A_1427 : i32 to index
    %get3A_1430 = arith.constant 0 : index
    %get3A_1431 = vector.load %arg3[%get3A_1428, %get3A_1429, %get3A_1430] : memref<4x4096x64xf32, #tpu.memory_space<vmem>>, vector<1x1x64xf32>
    %get3A_1432 = vector.shape_cast %get3A_1431 : vector<1x1x64xf32> to vector<1x64xf32>
    %swap3A_1433 = arith.constant 79 : index
    %swap3A_1434 = arith.constant 0 : index
    %swap3A_1435 = vector.load %arg9[%swap3A_1433, %swap3A_1434] : memref<256x64xf32, #tpu.memory_space<vmem>>, vector<1x64xf32>
    tpu.vector_store %arg9[%swap3A_1433, %swap3A_1434], %get3A_1432 {strides = array<i32>} : memref<256x64xf32, #tpu.memory_space<vmem>>, vector<1x64xf32>,
    %mul3A_1436 = arith.constant 4 : i32
    %mul3A_1437 = arith.muli %arg0, %mul3A_1436 : i32
    %mul3A_1438 = arith.constant 64 : i32
    %mul3A_1439 = arith.muli %mul3A_1437, %mul3A_1438 : i32
    %add3A_1440 = arith.constant 64 : i32
    %add3A_1441 = arith.addi %mul3A_1439, %add3A_1440 : i32
    %add3A_1442 = arith.constant 16 : i32
    %add3A_1443 = arith.addi %add3A_1441, %add3A_1442 : i32
    %get3A_1444 = arith.index_cast %add3A_1443 : i32 to index
    %get3A_1445 = memref.load %arg1[%get3A_1444] : memref<2048xi32, #tpu.memory_space<smem>>
    %get3A_1446 = arith.constant 1 : index
    %get3A_1447 = arith.index_cast %get3A_1445 : i32 to index
    %get3A_1448 = arith.constant 0 : index
    %get3A_1449 = vector.load %arg3[%get3A_1446, %get3A_1447, %get3A_1448] : memref<4x4096x64xf32, #tpu.memory_space<vmem>>, vector<1x1x64xf32>
    %get3A_1450 = vector.shape_cast %get3A_1449 : vector<1x1x64xf32> to vector<1x64xf32>
    %swap3A_1451 = arith.constant 80 : index
    %swap3A_1452 = arith.constant 0 : index
    %swap3A_1453 = vector.load %arg9[%swap3A_1451, %swap3A_1452] : memref<256x64xf32, #tpu.memory_space<vmem>>, vector<1x64xf32>
    tpu.vector_store %arg9[%swap3A_1451, %swap3A_1452], %get3A_1450 {strides = array<i32>} : memref<256x64xf32, #tpu.memory_space<vmem>>, vector<1x64xf32>,
    %mul3A_1454 = arith.constant 4 : i32
    %mul3A_1455 = arith.muli %arg0, %mul3A_1454 : i32
    %mul3A_1456 = arith.constant 64 : i32
    %mul3A_1457 = arith.muli %mul3A_1455, %mul3A_1456 : i32
    %add3A_1458 = arith.constant 64 : i32
    %add3A_1459 = arith.addi %mul3A_1457, %add3A_1458 : i32
    %add3A_1460 = arith.constant 17 : i32
    %add3A_1461 = arith.addi %add3A_1459, %add3A_1460 : i32
    %get3A_1462 = arith.index_cast %add3A_1461 : i32 to index
    %get3A_1463 = memref.load %arg1[%get3A_1462] : memref<2048xi32, #tpu.memory_space<smem>>
    %get3A_1464 = arith.constant 1 : index
    %get3A_1465 = arith.index_cast %get3A_1463 : i32 to index
    %get3A_1466 = arith.constant 0 : index
    %get3A_1467 = vector.load %arg3[%get3A_1464, %get3A_1465, %get3A_1466] : memref<4x4096x64xf32, #tpu.memory_space<vmem>>, vector<1x1x64xf32>
    %get3A_1468 = vector.shape_cast %get3A_1467 : vector<1x1x64xf32> to vector<1x64xf32>
    %swap3A_1469 = arith.constant 81 : index
    %swap3A_1470 = arith.constant 0 : index
    %swap3A_1471 = vector.load %arg9[%swap3A_1469, %swap3A_1470] : memref<256x64xf32, #tpu.memory_space<vmem>>, vector<1x64xf32>
    tpu.vector_store %arg9[%swap3A_1469, %swap3A_1470], %get3A_1468 {strides = array<i32>} : memref<256x64xf32, #tpu.memory_space<vmem>>, vector<1x64xf32>,
    %mul3A_1472 = arith.constant 4 : i32
    %mul3A_1473 = arith.muli %arg0, %mul3A_1472 : i32
    %mul3A_1474 = arith.constant 64 : i32
    %mul3A_1475 = arith.muli %mul3A_1473, %mul3A_1474 : i32
    %add3A_1476 = arith.constant 64 : i32
    %add3A_1477 = arith.addi %mul3A_1475, %add3A_1476 : i32
    %add3A_1478 = arith.constant 18 : i32
    %add3A_1479 = arith.addi %add3A_1477, %add3A_1478 : i32
    %get3A_1480 = arith.index_cast %add3A_1479 : i32 to index
    %get3A_1481 = memref.load %arg1[%get3A_1480] : memref<2048xi32, #tpu.memory_space<smem>>
    %get3A_1482 = arith.constant 1 : index
    %get3A_1483 = arith.index_cast %get3A_1481 : i32 to index
    %get3A_1484 = arith.constant 0 : index
    %get3A_1485 = vector.load %arg3[%get3A_1482, %get3A_1483, %get3A_1484] : memref<4x4096x64xf32, #tpu.memory_space<vmem>>, vector<1x1x64xf32>
    %get3A_1486 = vector.shape_cast %get3A_1485 : vector<1x1x64xf32> to vector<1x64xf32>
    %swap3A_1487 = arith.constant 82 : index
    %swap3A_1488 = arith.constant 0 : index
    %swap3A_1489 = vector.load %arg9[%swap3A_1487, %swap3A_1488] : memref<256x64xf32, #tpu.memory_space<vmem>>, vector<1x64xf32>
    tpu.vector_store %arg9[%swap3A_1487, %swap3A_1488], %get3A_1486 {strides = array<i32>} : memref<256x64xf32, #tpu.memory_space<vmem>>, vector<1x64xf32>,
    %mul3A_1490 = arith.constant 4 : i32
    %mul3A_1491 = arith.muli %arg0, %mul3A_1490 : i32
    %mul3A_1492 = arith.constant 64 : i32
    %mul3A_1493 = arith.muli %mul3A_1491, %mul3A_1492 : i32
    %add3A_1494 = arith.constant 64 : i32
    %add3A_1495 = arith.addi %mul3A_1493, %add3A_1494 : i32
    %add3A_1496 = arith.constant 19 : i32
    %add3A_1497 = arith.addi %add3A_1495, %add3A_1496 : i32
    %get3A_1498 = arith.index_cast %add3A_1497 : i32 to index
    %get3A_1499 = memref.load %arg1[%get3A_1498] : memref<2048xi32, #tpu.memory_space<smem>>
    %get3A_1500 = arith.constant 1 : index
    %get3A_1501 = arith.index_cast %get3A_1499 : i32 to index
    %get3A_1502 = arith.constant 0 : index
    %get3A_1503 = vector.load %arg3[%get3A_1500, %get3A_1501, %get3A_1502] : memref<4x4096x64xf32, #tpu.memory_space<vmem>>, vector<1x1x64xf32>
    %get3A_1504 = vector.shape_cast %get3A_1503 : vector<1x1x64xf32> to vector<1x64xf32>
    %swap3A_1505 = arith.constant 83 : index
    %swap3A_1506 = arith.constant 0 : index
    %swap3A_1507 = vector.load %arg9[%swap3A_1505, %swap3A_1506] : memref<256x64xf32, #tpu.memory_space<vmem>>, vector<1x64xf32>
    tpu.vector_store %arg9[%swap3A_1505, %swap3A_1506], %get3A_1504 {strides = array<i32>} : memref<256x64xf32, #tpu.memory_space<vmem>>, vector<1x64xf32>,
    %mul3A_1508 = arith.constant 4 : i32
    %mul3A_1509 = arith.muli %arg0, %mul3A_1508 : i32
    %mul3A_1510 = arith.constant 64 : i32
    %mul3A_1511 = arith.muli %mul3A_1509, %mul3A_1510 : i32
    %add3A_1512 = arith.constant 64 : i32
    %add3A_1513 = arith.addi %mul3A_1511, %add3A_1512 : i32
    %add3A_1514 = arith.constant 20 : i32
    %add3A_1515 = arith.addi %add3A_1513, %add3A_1514 : i32
    %get3A_1516 = arith.index_cast %add3A_1515 : i32 to index
    %get3A_1517 = memref.load %arg1[%get3A_1516] : memref<2048xi32, #tpu.memory_space<smem>>
    %get3A_1518 = arith.constant 1 : index
    %get3A_1519 = arith.index_cast %get3A_1517 : i32 to index
    %get3A_1520 = arith.constant 0 : index
    %get3A_1521 = vector.load %arg3[%get3A_1518, %get3A_1519, %get3A_1520] : memref<4x4096x64xf32, #tpu.memory_space<vmem>>, vector<1x1x64xf32>
    %get3A_1522 = vector.shape_cast %get3A_1521 : vector<1x1x64xf32> to vector<1x64xf32>
    %swap3A_1523 = arith.constant 84 : index
    %swap3A_1524 = arith.constant 0 : index
    %swap3A_1525 = vector.load %arg9[%swap3A_1523, %swap3A_1524] : memref<256x64xf32, #tpu.memory_space<vmem>>, vector<1x64xf32>
    tpu.vector_store %arg9[%swap3A_1523, %swap3A_1524], %get3A_1522 {strides = array<i32>} : memref<256x64xf32, #tpu.memory_space<vmem>>, vector<1x64xf32>,
    %mul3A_1526 = arith.constant 4 : i32
    %mul3A_1527 = arith.muli %arg0, %mul3A_1526 : i32
    %mul3A_1528 = arith.constant 64 : i32
    %mul3A_1529 = arith.muli %mul3A_1527, %mul3A_1528 : i32
    %add3A_1530 = arith.constant 64 : i32
    %add3A_1531 = arith.addi %mul3A_1529, %add3A_1530 : i32
    %add3A_1532 = arith.constant 21 : i32
    %add3A_1533 = arith.addi %add3A_1531, %add3A_1532 : i32
    %get3A_1534 = arith.index_cast %add3A_1533 : i32 to index
    %get3A_1535 = memref.load %arg1[%get3A_1534] : memref<2048xi32, #tpu.memory_space<smem>>
    %get3A_1536 = arith.constant 1 : index
    %get3A_1537 = arith.index_cast %get3A_1535 : i32 to index
    %get3A_1538 = arith.constant 0 : index
    %get3A_1539 = vector.load %arg3[%get3A_1536, %get3A_1537, %get3A_1538] : memref<4x4096x64xf32, #tpu.memory_space<vmem>>, vector<1x1x64xf32>
    %get3A_1540 = vector.shape_cast %get3A_1539 : vector<1x1x64xf32> to vector<1x64xf32>
    %swap3A_1541 = arith.constant 85 : index
    %swap3A_1542 = arith.constant 0 : index
    %swap3A_1543 = vector.load %arg9[%swap3A_1541, %swap3A_1542] : memref<256x64xf32, #tpu.memory_space<vmem>>, vector<1x64xf32>
    tpu.vector_store %arg9[%swap3A_1541, %swap3A_1542], %get3A_1540 {strides = array<i32>} : memref<256x64xf32, #tpu.memory_space<vmem>>, vector<1x64xf32>,
    %mul3A_1544 = arith.constant 4 : i32
    %mul3A_1545 = arith.muli %arg0, %mul3A_1544 : i32
    %mul3A_1546 = arith.constant 64 : i32
    %mul3A_1547 = arith.muli %mul3A_1545, %mul3A_1546 : i32
    %add3A_1548 = arith.constant 64 : i32
    %add3A_1549 = arith.addi %mul3A_1547, %add3A_1548 : i32
    %add3A_1550 = arith.constant 22 : i32
    %add3A_1551 = arith.addi %add3A_1549, %add3A_1550 : i32
    %get3A_1552 = arith.index_cast %add3A_1551 : i32 to index
    %get3A_1553 = memref.load %arg1[%get3A_1552] : memref<2048xi32, #tpu.memory_space<smem>>
    %get3A_1554 = arith.constant 1 : index
    %get3A_1555 = arith.index_cast %get3A_1553 : i32 to index
    %get3A_1556 = arith.constant 0 : index
    %get3A_1557 = vector.load %arg3[%get3A_1554, %get3A_1555, %get3A_1556] : memref<4x4096x64xf32, #tpu.memory_space<vmem>>, vector<1x1x64xf32>
    %get3A_1558 = vector.shape_cast %get3A_1557 : vector<1x1x64xf32> to vector<1x64xf32>
    %swap3A_1559 = arith.constant 86 : index
    %swap3A_1560 = arith.constant 0 : index
    %swap3A_1561 = vector.load %arg9[%swap3A_1559, %swap3A_1560] : memref<256x64xf32, #tpu.memory_space<vmem>>, vector<1x64xf32>
    tpu.vector_store %arg9[%swap3A_1559, %swap3A_1560], %get3A_1558 {strides = array<i32>} : memref<256x64xf32, #tpu.memory_space<vmem>>, vector<1x64xf32>,
    %mul3A_1562 = arith.constant 4 : i32
    %mul3A_1563 = arith.muli %arg0, %mul3A_1562 : i32
    %mul3A_1564 = arith.constant 64 : i32
    %mul3A_1565 = arith.muli %mul3A_1563, %mul3A_1564 : i32
    %add3A_1566 = arith.constant 64 : i32
    %add3A_1567 = arith.addi %mul3A_1565, %add3A_1566 : i32
    %add3A_1568 = arith.constant 23 : i32
    %add3A_1569 = arith.addi %add3A_1567, %add3A_1568 : i32
    %get3A_1570 = arith.index_cast %add3A_1569 : i32 to index
    %get3A_1571 = memref.load %arg1[%get3A_1570] : memref<2048xi32, #tpu.memory_space<smem>>
    %get3A_1572 = arith.constant 1 : index
    %get3A_1573 = arith.index_cast %get3A_1571 : i32 to index
    %get3A_1574 = arith.constant 0 : index
    %get3A_1575 = vector.load %arg3[%get3A_1572, %get3A_1573, %get3A_1574] : memref<4x4096x64xf32, #tpu.memory_space<vmem>>, vector<1x1x64xf32>
    %get3A_1576 = vector.shape_cast %get3A_1575 : vector<1x1x64xf32> to vector<1x64xf32>
    %swap3A_1577 = arith.constant 87 : index
    %swap3A_1578 = arith.constant 0 : index
    %swap3A_1579 = vector.load %arg9[%swap3A_1577, %swap3A_1578] : memref<256x64xf32, #tpu.memory_space<vmem>>, vector<1x64xf32>
    tpu.vector_store %arg9[%swap3A_1577, %swap3A_1578], %get3A_1576 {strides = array<i32>} : memref<256x64xf32, #tpu.memory_space<vmem>>, vector<1x64xf32>,
    %mul3A_1580 = arith.constant 4 : i32
    %mul3A_1581 = arith.muli %arg0, %mul3A_1580 : i32
    %mul3A_1582 = arith.constant 64 : i32
    %mul3A_1583 = arith.muli %mul3A_1581, %mul3A_1582 : i32
    %add3A_1584 = arith.constant 64 : i32
    %add3A_1585 = arith.addi %mul3A_1583, %add3A_1584 : i32
    %add3A_1586 = arith.constant 24 : i32
    %add3A_1587 = arith.addi %add3A_1585, %add3A_1586 : i32
    %get3A_1588 = arith.index_cast %add3A_1587 : i32 to index
    %get3A_1589 = memref.load %arg1[%get3A_1588] : memref<2048xi32, #tpu.memory_space<smem>>
    %get3A_1590 = arith.constant 1 : index
    %get3A_1591 = arith.index_cast %get3A_1589 : i32 to index
    %get3A_1592 = arith.constant 0 : index
    %get3A_1593 = vector.load %arg3[%get3A_1590, %get3A_1591, %get3A_1592] : memref<4x4096x64xf32, #tpu.memory_space<vmem>>, vector<1x1x64xf32>
    %get3A_1594 = vector.shape_cast %get3A_1593 : vector<1x1x64xf32> to vector<1x64xf32>
    %swap3A_1595 = arith.constant 88 : index
    %swap3A_1596 = arith.constant 0 : index
    %swap3A_1597 = vector.load %arg9[%swap3A_1595, %swap3A_1596] : memref<256x64xf32, #tpu.memory_space<vmem>>, vector<1x64xf32>
    tpu.vector_store %arg9[%swap3A_1595, %swap3A_1596], %get3A_1594 {strides = array<i32>} : memref<256x64xf32, #tpu.memory_space<vmem>>, vector<1x64xf32>,
    %mul3A_1598 = arith.constant 4 : i32
    %mul3A_1599 = arith.muli %arg0, %mul3A_1598 : i32
    %mul3A_1600 = arith.constant 64 : i32
    %mul3A_1601 = arith.muli %mul3A_1599, %mul3A_1600 : i32
    %add3A_1602 = arith.constant 64 : i32
    %add3A_1603 = arith.addi %mul3A_1601, %add3A_1602 : i32
    %add3A_1604 = arith.constant 25 : i32
    %add3A_1605 = arith.addi %add3A_1603, %add3A_1604 : i32
    %get3A_1606 = arith.index_cast %add3A_1605 : i32 to index
    %get3A_1607 = memref.load %arg1[%get3A_1606] : memref<2048xi32, #tpu.memory_space<smem>>
    %get3A_1608 = arith.constant 1 : index
    %get3A_1609 = arith.index_cast %get3A_1607 : i32 to index
    %get3A_1610 = arith.constant 0 : index
    %get3A_1611 = vector.load %arg3[%get3A_1608, %get3A_1609, %get3A_1610] : memref<4x4096x64xf32, #tpu.memory_space<vmem>>, vector<1x1x64xf32>
    %get3A_1612 = vector.shape_cast %get3A_1611 : vector<1x1x64xf32> to vector<1x64xf32>
    %swap3A_1613 = arith.constant 89 : index
    %swap3A_1614 = arith.constant 0 : index
    %swap3A_1615 = vector.load %arg9[%swap3A_1613, %swap3A_1614] : memref<256x64xf32, #tpu.memory_space<vmem>>, vector<1x64xf32>
    tpu.vector_store %arg9[%swap3A_1613, %swap3A_1614], %get3A_1612 {strides = array<i32>} : memref<256x64xf32, #tpu.memory_space<vmem>>, vector<1x64xf32>,
    %mul3A_1616 = arith.constant 4 : i32
    %mul3A_1617 = arith.muli %arg0, %mul3A_1616 : i32
    %mul3A_1618 = arith.constant 64 : i32
    %mul3A_1619 = arith.muli %mul3A_1617, %mul3A_1618 : i32
    %add3A_1620 = arith.constant 64 : i32
    %add3A_1621 = arith.addi %mul3A_1619, %add3A_1620 : i32
    %add3A_1622 = arith.constant 26 : i32
    %add3A_1623 = arith.addi %add3A_1621, %add3A_1622 : i32
    %get3A_1624 = arith.index_cast %add3A_1623 : i32 to index
    %get3A_1625 = memref.load %arg1[%get3A_1624] : memref<2048xi32, #tpu.memory_space<smem>>
    %get3A_1626 = arith.constant 1 : index
    %get3A_1627 = arith.index_cast %get3A_1625 : i32 to index
    %get3A_1628 = arith.constant 0 : index
    %get3A_1629 = vector.load %arg3[%get3A_1626, %get3A_1627, %get3A_1628] : memref<4x4096x64xf32, #tpu.memory_space<vmem>>, vector<1x1x64xf32>
    %get3A_1630 = vector.shape_cast %get3A_1629 : vector<1x1x64xf32> to vector<1x64xf32>
    %swap3A_1631 = arith.constant 90 : index
    %swap3A_1632 = arith.constant 0 : index
    %swap3A_1633 = vector.load %arg9[%swap3A_1631, %swap3A_1632] : memref<256x64xf32, #tpu.memory_space<vmem>>, vector<1x64xf32>
    tpu.vector_store %arg9[%swap3A_1631, %swap3A_1632], %get3A_1630 {strides = array<i32>} : memref<256x64xf32, #tpu.memory_space<vmem>>, vector<1x64xf32>,
    %mul3A_1634 = arith.constant 4 : i32
    %mul3A_1635 = arith.muli %arg0, %mul3A_1634 : i32
    %mul3A_1636 = arith.constant 64 : i32
    %mul3A_1637 = arith.muli %mul3A_1635, %mul3A_1636 : i32
    %add3A_1638 = arith.constant 64 : i32
    %add3A_1639 = arith.addi %mul3A_1637, %add3A_1638 : i32
    %add3A_1640 = arith.constant 27 : i32
    %add3A_1641 = arith.addi %add3A_1639, %add3A_1640 : i32
    %get3A_1642 = arith.index_cast %add3A_1641 : i32 to index
    %get3A_1643 = memref.load %arg1[%get3A_1642] : memref<2048xi32, #tpu.memory_space<smem>>
    %get3A_1644 = arith.constant 1 : index
    %get3A_1645 = arith.index_cast %get3A_1643 : i32 to index
    %get3A_1646 = arith.constant 0 : index
    %get3A_1647 = vector.load %arg3[%get3A_1644, %get3A_1645, %get3A_1646] : memref<4x4096x64xf32, #tpu.memory_space<vmem>>, vector<1x1x64xf32>
    %get3A_1648 = vector.shape_cast %get3A_1647 : vector<1x1x64xf32> to vector<1x64xf32>
    %swap3A_1649 = arith.constant 91 : index
    %swap3A_1650 = arith.constant 0 : index
    %swap3A_1651 = vector.load %arg9[%swap3A_1649, %swap3A_1650] : memref<256x64xf32, #tpu.memory_space<vmem>>, vector<1x64xf32>
    tpu.vector_store %arg9[%swap3A_1649, %swap3A_1650], %get3A_1648 {strides = array<i32>} : memref<256x64xf32, #tpu.memory_space<vmem>>, vector<1x64xf32>,
    %mul3A_1652 = arith.constant 4 : i32
    %mul3A_1653 = arith.muli %arg0, %mul3A_1652 : i32
    %mul3A_1654 = arith.constant 64 : i32
    %mul3A_1655 = arith.muli %mul3A_1653, %mul3A_1654 : i32
    %add3A_1656 = arith.constant 64 : i32
    %add3A_1657 = arith.addi %mul3A_1655, %add3A_1656 : i32
    %add3A_1658 = arith.constant 28 : i32
    %add3A_1659 = arith.addi %add3A_1657, %add3A_1658 : i32
    %get3A_1660 = arith.index_cast %add3A_1659 : i32 to index
    %get3A_1661 = memref.load %arg1[%get3A_1660] : memref<2048xi32, #tpu.memory_space<smem>>
    %get3A_1662 = arith.constant 1 : index
    %get3A_1663 = arith.index_cast %get3A_1661 : i32 to index
    %get3A_1664 = arith.constant 0 : index
    %get3A_1665 = vector.load %arg3[%get3A_1662, %get3A_1663, %get3A_1664] : memref<4x4096x64xf32, #tpu.memory_space<vmem>>, vector<1x1x64xf32>
    %get3A_1666 = vector.shape_cast %get3A_1665 : vector<1x1x64xf32> to vector<1x64xf32>
    %swap3A_1667 = arith.constant 92 : index
    %swap3A_1668 = arith.constant 0 : index
    %swap3A_1669 = vector.load %arg9[%swap3A_1667, %swap3A_1668] : memref<256x64xf32, #tpu.memory_space<vmem>>, vector<1x64xf32>
    tpu.vector_store %arg9[%swap3A_1667, %swap3A_1668], %get3A_1666 {strides = array<i32>} : memref<256x64xf32, #tpu.memory_space<vmem>>, vector<1x64xf32>,
    %mul3A_1670 = arith.constant 4 : i32
    %mul3A_1671 = arith.muli %arg0, %mul3A_1670 : i32
    %mul3A_1672 = arith.constant 64 : i32
    %mul3A_1673 = arith.muli %mul3A_1671, %mul3A_1672 : i32
    %add3A_1674 = arith.constant 64 : i32
    %add3A_1675 = arith.addi %mul3A_1673, %add3A_1674 : i32
    %add3A_1676 = arith.constant 29 : i32
    %add3A_1677 = arith.addi %add3A_1675, %add3A_1676 : i32
    %get3A_1678 = arith.index_cast %add3A_1677 : i32 to index
    %get3A_1679 = memref.load %arg1[%get3A_1678] : memref<2048xi32, #tpu.memory_space<smem>>
    %get3A_1680 = arith.constant 1 : index
    %get3A_1681 = arith.index_cast %get3A_1679 : i32 to index
    %get3A_1682 = arith.constant 0 : index
    %get3A_1683 = vector.load %arg3[%get3A_1680, %get3A_1681, %get3A_1682] : memref<4x4096x64xf32, #tpu.memory_space<vmem>>, vector<1x1x64xf32>
    %get3A_1684 = vector.shape_cast %get3A_1683 : vector<1x1x64xf32> to vector<1x64xf32>
    %swap3A_1685 = arith.constant 93 : index
    %swap3A_1686 = arith.constant 0 : index
    %swap3A_1687 = vector.load %arg9[%swap3A_1685, %swap3A_1686] : memref<256x64xf32, #tpu.memory_space<vmem>>, vector<1x64xf32>
    tpu.vector_store %arg9[%swap3A_1685, %swap3A_1686], %get3A_1684 {strides = array<i32>} : memref<256x64xf32, #tpu.memory_space<vmem>>, vector<1x64xf32>,
    %mul3A_1688 = arith.constant 4 : i32
    %mul3A_1689 = arith.muli %arg0, %mul3A_1688 : i32
    %mul3A_1690 = arith.constant 64 : i32
    %mul3A_1691 = arith.muli %mul3A_1689, %mul3A_1690 : i32
    %add3A_1692 = arith.constant 64 : i32
    %add3A_1693 = arith.addi %mul3A_1691, %add3A_1692 : i32
    %add3A_1694 = arith.constant 30 : i32
    %add3A_1695 = arith.addi %add3A_1693, %add3A_1694 : i32
    %get3A_1696 = arith.index_cast %add3A_1695 : i32 to index
    %get3A_1697 = memref.load %arg1[%get3A_1696] : memref<2048xi32, #tpu.memory_space<smem>>
    %get3A_1698 = arith.constant 1 : index
    %get3A_1699 = arith.index_cast %get3A_1697 : i32 to index
    %get3A_1700 = arith.constant 0 : index
    %get3A_1701 = vector.load %arg3[%get3A_1698, %get3A_1699, %get3A_1700] : memref<4x4096x64xf32, #tpu.memory_space<vmem>>, vector<1x1x64xf32>
    %get3A_1702 = vector.shape_cast %get3A_1701 : vector<1x1x64xf32> to vector<1x64xf32>
    %swap3A_1703 = arith.constant 94 : index
    %swap3A_1704 = arith.constant 0 : index
    %swap3A_1705 = vector.load %arg9[%swap3A_1703, %swap3A_1704] : memref<256x64xf32, #tpu.memory_space<vmem>>, vector<1x64xf32>
    tpu.vector_store %arg9[%swap3A_1703, %swap3A_1704], %get3A_1702 {strides = array<i32>} : memref<256x64xf32, #tpu.memory_space<vmem>>, vector<1x64xf32>,
    %mul3A_1706 = arith.constant 4 : i32
    %mul3A_1707 = arith.muli %arg0, %mul3A_1706 : i32
    %mul3A_1708 = arith.constant 64 : i32
    %mul3A_1709 = arith.muli %mul3A_1707, %mul3A_1708 : i32
    %add3A_1710 = arith.constant 64 : i32
    %add3A_1711 = arith.addi %mul3A_1709, %add3A_1710 : i32
    %add3A_1712 = arith.constant 31 : i32
    %add3A_1713 = arith.addi %add3A_1711, %add3A_1712 : i32
    %get3A_1714 = arith.index_cast %add3A_1713 : i32 to index
    %get3A_1715 = memref.load %arg1[%get3A_1714] : memref<2048xi32, #tpu.memory_space<smem>>
    %get3A_1716 = arith.constant 1 : index
    %get3A_1717 = arith.index_cast %get3A_1715 : i32 to index
    %get3A_1718 = arith.constant 0 : index
    %get3A_1719 = vector.load %arg3[%get3A_1716, %get3A_1717, %get3A_1718] : memref<4x4096x64xf32, #tpu.memory_space<vmem>>, vector<1x1x64xf32>
    %get3A_1720 = vector.shape_cast %get3A_1719 : vector<1x1x64xf32> to vector<1x64xf32>
    %swap3A_1721 = arith.constant 95 : index
    %swap3A_1722 = arith.constant 0 : index
    %swap3A_1723 = vector.load %arg9[%swap3A_1721, %swap3A_1722] : memref<256x64xf32, #tpu.memory_space<vmem>>, vector<1x64xf32>
    tpu.vector_store %arg9[%swap3A_1721, %swap3A_1722], %get3A_1720 {strides = array<i32>} : memref<256x64xf32, #tpu.memory_space<vmem>>, vector<1x64xf32>,
    %mul3A_1724 = arith.constant 4 : i32
    %mul3A_1725 = arith.muli %arg0, %mul3A_1724 : i32
    %mul3A_1726 = arith.constant 64 : i32
    %mul3A_1727 = arith.muli %mul3A_1725, %mul3A_1726 : i32
    %add3A_1728 = arith.constant 64 : i32
    %add3A_1729 = arith.addi %mul3A_1727, %add3A_1728 : i32
    %add3A_1730 = arith.constant 32 : i32
    %add3A_1731 = arith.addi %add3A_1729, %add3A_1730 : i32
    %get3A_1732 = arith.index_cast %add3A_1731 : i32 to index
    %get3A_1733 = memref.load %arg1[%get3A_1732] : memref<2048xi32, #tpu.memory_space<smem>>
    %get3A_1734 = arith.constant 1 : index
    %get3A_1735 = arith.index_cast %get3A_1733 : i32 to index
    %get3A_1736 = arith.constant 0 : index
    %get3A_1737 = vector.load %arg3[%get3A_1734, %get3A_1735, %get3A_1736] : memref<4x4096x64xf32, #tpu.memory_space<vmem>>, vector<1x1x64xf32>
    %get3A_1738 = vector.shape_cast %get3A_1737 : vector<1x1x64xf32> to vector<1x64xf32>
    %swap3A_1739 = arith.constant 96 : index
    %swap3A_1740 = arith.constant 0 : index
    %swap3A_1741 = vector.load %arg9[%swap3A_1739, %swap3A_1740] : memref<256x64xf32, #tpu.memory_space<vmem>>, vector<1x64xf32>
    tpu.vector_store %arg9[%swap3A_1739, %swap3A_1740], %get3A_1738 {strides = array<i32>} : memref<256x64xf32, #tpu.memory_space<vmem>>, vector<1x64xf32>,
    %mul3A_1742 = arith.constant 4 : i32
    %mul3A_1743 = arith.muli %arg0, %mul3A_1742 : i32
    %mul3A_1744 = arith.constant 64 : i32
    %mul3A_1745 = arith.muli %mul3A_1743, %mul3A_1744 : i32
    %add3A_1746 = arith.constant 64 : i32
    %add3A_1747 = arith.addi %mul3A_1745, %add3A_1746 : i32
    %add3A_1748 = arith.constant 33 : i32
    %add3A_1749 = arith.addi %add3A_1747, %add3A_1748 : i32
    %get3A_1750 = arith.index_cast %add3A_1749 : i32 to index
    %get3A_1751 = memref.load %arg1[%get3A_1750] : memref<2048xi32, #tpu.memory_space<smem>>
    %get3A_1752 = arith.constant 1 : index
    %get3A_1753 = arith.index_cast %get3A_1751 : i32 to index
    %get3A_1754 = arith.constant 0 : index
    %get3A_1755 = vector.load %arg3[%get3A_1752, %get3A_1753, %get3A_1754] : memref<4x4096x64xf32, #tpu.memory_space<vmem>>, vector<1x1x64xf32>
    %get3A_1756 = vector.shape_cast %get3A_1755 : vector<1x1x64xf32> to vector<1x64xf32>
    %swap3A_1757 = arith.constant 97 : index
    %swap3A_1758 = arith.constant 0 : index
    %swap3A_1759 = vector.load %arg9[%swap3A_1757, %swap3A_1758] : memref<256x64xf32, #tpu.memory_space<vmem>>, vector<1x64xf32>
    tpu.vector_store %arg9[%swap3A_1757, %swap3A_1758], %get3A_1756 {strides = array<i32>} : memref<256x64xf32, #tpu.memory_space<vmem>>, vector<1x64xf32>,
    %mul3A_1760 = arith.constant 4 : i32
    %mul3A_1761 = arith.muli %arg0, %mul3A_1760 : i32
    %mul3A_1762 = arith.constant 64 : i32
    %mul3A_1763 = arith.muli %mul3A_1761, %mul3A_1762 : i32
    %add3A_1764 = arith.constant 64 : i32
    %add3A_1765 = arith.addi %mul3A_1763, %add3A_1764 : i32
    %add3A_1766 = arith.constant 34 : i32
    %add3A_1767 = arith.addi %add3A_1765, %add3A_1766 : i32
    %get3A_1768 = arith.index_cast %add3A_1767 : i32 to index
    %get3A_1769 = memref.load %arg1[%get3A_1768] : memref<2048xi32, #tpu.memory_space<smem>>
    %get3A_1770 = arith.constant 1 : index
    %get3A_1771 = arith.index_cast %get3A_1769 : i32 to index
    %get3A_1772 = arith.constant 0 : index
    %get3A_1773 = vector.load %arg3[%get3A_1770, %get3A_1771, %get3A_1772] : memref<4x4096x64xf32, #tpu.memory_space<vmem>>, vector<1x1x64xf32>
    %get3A_1774 = vector.shape_cast %get3A_1773 : vector<1x1x64xf32> to vector<1x64xf32>
    %swap3A_1775 = arith.constant 98 : index
    %swap3A_1776 = arith.constant 0 : index
    %swap3A_1777 = vector.load %arg9[%swap3A_1775, %swap3A_1776] : memref<256x64xf32, #tpu.memory_space<vmem>>, vector<1x64xf32>
    tpu.vector_store %arg9[%swap3A_1775, %swap3A_1776], %get3A_1774 {strides = array<i32>} : memref<256x64xf32, #tpu.memory_space<vmem>>, vector<1x64xf32>,
    %mul3A_1778 = arith.constant 4 : i32
    %mul3A_1779 = arith.muli %arg0, %mul3A_1778 : i32
    %mul3A_1780 = arith.constant 64 : i32
    %mul3A_1781 = arith.muli %mul3A_1779, %mul3A_1780 : i32
    %add3A_1782 = arith.constant 64 : i32
    %add3A_1783 = arith.addi %mul3A_1781, %add3A_1782 : i32
    %add3A_1784 = arith.constant 35 : i32
    %add3A_1785 = arith.addi %add3A_1783, %add3A_1784 : i32
    %get3A_1786 = arith.index_cast %add3A_1785 : i32 to index
    %get3A_1787 = memref.load %arg1[%get3A_1786] : memref<2048xi32, #tpu.memory_space<smem>>
    %get3A_1788 = arith.constant 1 : index
    %get3A_1789 = arith.index_cast %get3A_1787 : i32 to index
    %get3A_1790 = arith.constant 0 : index
    %get3A_1791 = vector.load %arg3[%get3A_1788, %get3A_1789, %get3A_1790] : memref<4x4096x64xf32, #tpu.memory_space<vmem>>, vector<1x1x64xf32>
    %get3A_1792 = vector.shape_cast %get3A_1791 : vector<1x1x64xf32> to vector<1x64xf32>
    %swap3A_1793 = arith.constant 99 : index
    %swap3A_1794 = arith.constant 0 : index
    %swap3A_1795 = vector.load %arg9[%swap3A_1793, %swap3A_1794] : memref<256x64xf32, #tpu.memory_space<vmem>>, vector<1x64xf32>
    tpu.vector_store %arg9[%swap3A_1793, %swap3A_1794], %get3A_1792 {strides = array<i32>} : memref<256x64xf32, #tpu.memory_space<vmem>>, vector<1x64xf32>,
    %mul3A_1796 = arith.constant 4 : i32
    %mul3A_1797 = arith.muli %arg0, %mul3A_1796 : i32
    %mul3A_1798 = arith.constant 64 : i32
    %mul3A_1799 = arith.muli %mul3A_1797, %mul3A_1798 : i32
    %add3A_1800 = arith.constant 64 : i32
    %add3A_1801 = arith.addi %mul3A_1799, %add3A_1800 : i32
    %add3A_1802 = arith.constant 36 : i32
    %add3A_1803 = arith.addi %add3A_1801, %add3A_1802 : i32
    %get3A_1804 = arith.index_cast %add3A_1803 : i32 to index
    %get3A_1805 = memref.load %arg1[%get3A_1804] : memref<2048xi32, #tpu.memory_space<smem>>
    %get3A_1806 = arith.constant 1 : index
    %get3A_1807 = arith.index_cast %get3A_1805 : i32 to index
    %get3A_1808 = arith.constant 0 : index
    %get3A_1809 = vector.load %arg3[%get3A_1806, %get3A_1807, %get3A_1808] : memref<4x4096x64xf32, #tpu.memory_space<vmem>>, vector<1x1x64xf32>
    %get3A_1810 = vector.shape_cast %get3A_1809 : vector<1x1x64xf32> to vector<1x64xf32>
    %swap3A_1811 = arith.constant 100 : index
    %swap3A_1812 = arith.constant 0 : index
    %swap3A_1813 = vector.load %arg9[%swap3A_1811, %swap3A_1812] : memref<256x64xf32, #tpu.memory_space<vmem>>, vector<1x64xf32>
    tpu.vector_store %arg9[%swap3A_1811, %swap3A_1812], %get3A_1810 {strides = array<i32>} : memref<256x64xf32, #tpu.memory_space<vmem>>, vector<1x64xf32>,
    %mul3A_1814 = arith.constant 4 : i32
    %mul3A_1815 = arith.muli %arg0, %mul3A_1814 : i32
    %mul3A_1816 = arith.constant 64 : i32
    %mul3A_1817 = arith.muli %mul3A_1815, %mul3A_1816 : i32
    %add3A_1818 = arith.constant 64 : i32
    %add3A_1819 = arith.addi %mul3A_1817, %add3A_1818 : i32
    %add3A_1820 = arith.constant 37 : i32
    %add3A_1821 = arith.addi %add3A_1819, %add3A_1820 : i32
    %get3A_1822 = arith.index_cast %add3A_1821 : i32 to index
    %get3A_1823 = memref.load %arg1[%get3A_1822] : memref<2048xi32, #tpu.memory_space<smem>>
    %get3A_1824 = arith.constant 1 : index
    %get3A_1825 = arith.index_cast %get3A_1823 : i32 to index
    %get3A_1826 = arith.constant 0 : index
    %get3A_1827 = vector.load %arg3[%get3A_1824, %get3A_1825, %get3A_1826] : memref<4x4096x64xf32, #tpu.memory_space<vmem>>, vector<1x1x64xf32>
    %get3A_1828 = vector.shape_cast %get3A_1827 : vector<1x1x64xf32> to vector<1x64xf32>
    %swap3A_1829 = arith.constant 101 : index
    %swap3A_1830 = arith.constant 0 : index
    %swap3A_1831 = vector.load %arg9[%swap3A_1829, %swap3A_1830] : memref<256x64xf32, #tpu.memory_space<vmem>>, vector<1x64xf32>
    tpu.vector_store %arg9[%swap3A_1829, %swap3A_1830], %get3A_1828 {strides = array<i32>} : memref<256x64xf32, #tpu.memory_space<vmem>>, vector<1x64xf32>,
    %mul3A_1832 = arith.constant 4 : i32
    %mul3A_1833 = arith.muli %arg0, %mul3A_1832 : i32
    %mul3A_1834 = arith.constant 64 : i32
    %mul3A_1835 = arith.muli %mul3A_1833, %mul3A_1834 : i32
    %add3A_1836 = arith.constant 64 : i32
    %add3A_1837 = arith.addi %mul3A_1835, %add3A_1836 : i32
    %add3A_1838 = arith.constant 38 : i32
    %add3A_1839 = arith.addi %add3A_1837, %add3A_1838 : i32
    %get3A_1840 = arith.index_cast %add3A_1839 : i32 to index
    %get3A_1841 = memref.load %arg1[%get3A_1840] : memref<2048xi32, #tpu.memory_space<smem>>
    %get3A_1842 = arith.constant 1 : index
    %get3A_1843 = arith.index_cast %get3A_1841 : i32 to index
    %get3A_1844 = arith.constant 0 : index
    %get3A_1845 = vector.load %arg3[%get3A_1842, %get3A_1843, %get3A_1844] : memref<4x4096x64xf32, #tpu.memory_space<vmem>>, vector<1x1x64xf32>
    %get3A_1846 = vector.shape_cast %get3A_1845 : vector<1x1x64xf32> to vector<1x64xf32>
    %swap3A_1847 = arith.constant 102 : index
    %swap3A_1848 = arith.constant 0 : index
    %swap3A_1849 = vector.load %arg9[%swap3A_1847, %swap3A_1848] : memref<256x64xf32, #tpu.memory_space<vmem>>, vector<1x64xf32>
    tpu.vector_store %arg9[%swap3A_1847, %swap3A_1848], %get3A_1846 {strides = array<i32>} : memref<256x64xf32, #tpu.memory_space<vmem>>, vector<1x64xf32>,
    %mul3A_1850 = arith.constant 4 : i32
    %mul3A_1851 = arith.muli %arg0, %mul3A_1850 : i32
    %mul3A_1852 = arith.constant 64 : i32
    %mul3A_1853 = arith.muli %mul3A_1851, %mul3A_1852 : i32
    %add3A_1854 = arith.constant 64 : i32
    %add3A_1855 = arith.addi %mul3A_1853, %add3A_1854 : i32
    %add3A_1856 = arith.constant 39 : i32
    %add3A_1857 = arith.addi %add3A_1855, %add3A_1856 : i32
    %get3A_1858 = arith.index_cast %add3A_1857 : i32 to index
    %get3A_1859 = memref.load %arg1[%get3A_1858] : memref<2048xi32, #tpu.memory_space<smem>>
    %get3A_1860 = arith.constant 1 : index
    %get3A_1861 = arith.index_cast %get3A_1859 : i32 to index
    %get3A_1862 = arith.constant 0 : index
    %get3A_1863 = vector.load %arg3[%get3A_1860, %get3A_1861, %get3A_1862] : memref<4x4096x64xf32, #tpu.memory_space<vmem>>, vector<1x1x64xf32>
    %get3A_1864 = vector.shape_cast %get3A_1863 : vector<1x1x64xf32> to vector<1x64xf32>
    %swap3A_1865 = arith.constant 103 : index
    %swap3A_1866 = arith.constant 0 : index
    %swap3A_1867 = vector.load %arg9[%swap3A_1865, %swap3A_1866] : memref<256x64xf32, #tpu.memory_space<vmem>>, vector<1x64xf32>
    tpu.vector_store %arg9[%swap3A_1865, %swap3A_1866], %get3A_1864 {strides = array<i32>} : memref<256x64xf32, #tpu.memory_space<vmem>>, vector<1x64xf32>,
    %mul3A_1868 = arith.constant 4 : i32
    %mul3A_1869 = arith.muli %arg0, %mul3A_1868 : i32
    %mul3A_1870 = arith.constant 64 : i32
    %mul3A_1871 = arith.muli %mul3A_1869, %mul3A_1870 : i32
    %add3A_1872 = arith.constant 64 : i32
    %add3A_1873 = arith.addi %mul3A_1871, %add3A_1872 : i32
    %add3A_1874 = arith.constant 40 : i32
    %add3A_1875 = arith.addi %add3A_1873, %add3A_1874 : i32
    %get3A_1876 = arith.index_cast %add3A_1875 : i32 to index
    %get3A_1877 = memref.load %arg1[%get3A_1876] : memref<2048xi32, #tpu.memory_space<smem>>
    %get3A_1878 = arith.constant 1 : index
    %get3A_1879 = arith.index_cast %get3A_1877 : i32 to index
    %get3A_1880 = arith.constant 0 : index
    %get3A_1881 = vector.load %arg3[%get3A_1878, %get3A_1879, %get3A_1880] : memref<4x4096x64xf32, #tpu.memory_space<vmem>>, vector<1x1x64xf32>
    %get3A_1882 = vector.shape_cast %get3A_1881 : vector<1x1x64xf32> to vector<1x64xf32>
    %swap3A_1883 = arith.constant 104 : index
    %swap3A_1884 = arith.constant 0 : index
    %swap3A_1885 = vector.load %arg9[%swap3A_1883, %swap3A_1884] : memref<256x64xf32, #tpu.memory_space<vmem>>, vector<1x64xf32>
    tpu.vector_store %arg9[%swap3A_1883, %swap3A_1884], %get3A_1882 {strides = array<i32>} : memref<256x64xf32, #tpu.memory_space<vmem>>, vector<1x64xf32>,
    %mul3A_1886 = arith.constant 4 : i32
    %mul3A_1887 = arith.muli %arg0, %mul3A_1886 : i32
    %mul3A_1888 = arith.constant 64 : i32
    %mul3A_1889 = arith.muli %mul3A_1887, %mul3A_1888 : i32
    %add3A_1890 = arith.constant 64 : i32
    %add3A_1891 = arith.addi %mul3A_1889, %add3A_1890 : i32
    %add3A_1892 = arith.constant 41 : i32
    %add3A_1893 = arith.addi %add3A_1891, %add3A_1892 : i32
    %get3A_1894 = arith.index_cast %add3A_1893 : i32 to index
    %get3A_1895 = memref.load %arg1[%get3A_1894] : memref<2048xi32, #tpu.memory_space<smem>>
    %get3A_1896 = arith.constant 1 : index
    %get3A_1897 = arith.index_cast %get3A_1895 : i32 to index
    %get3A_1898 = arith.constant 0 : index
    %get3A_1899 = vector.load %arg3[%get3A_1896, %get3A_1897, %get3A_1898] : memref<4x4096x64xf32, #tpu.memory_space<vmem>>, vector<1x1x64xf32>
    %get3A_1900 = vector.shape_cast %get3A_1899 : vector<1x1x64xf32> to vector<1x64xf32>
    %swap3A_1901 = arith.constant 105 : index
    %swap3A_1902 = arith.constant 0 : index
    %swap3A_1903 = vector.load %arg9[%swap3A_1901, %swap3A_1902] : memref<256x64xf32, #tpu.memory_space<vmem>>, vector<1x64xf32>
    tpu.vector_store %arg9[%swap3A_1901, %swap3A_1902], %get3A_1900 {strides = array<i32>} : memref<256x64xf32, #tpu.memory_space<vmem>>, vector<1x64xf32>,
    %mul3A_1904 = arith.constant 4 : i32
    %mul3A_1905 = arith.muli %arg0, %mul3A_1904 : i32
    %mul3A_1906 = arith.constant 64 : i32
    %mul3A_1907 = arith.muli %mul3A_1905, %mul3A_1906 : i32
    %add3A_1908 = arith.constant 64 : i32
    %add3A_1909 = arith.addi %mul3A_1907, %add3A_1908 : i32
    %add3A_1910 = arith.constant 42 : i32
    %add3A_1911 = arith.addi %add3A_1909, %add3A_1910 : i32
    %get3A_1912 = arith.index_cast %add3A_1911 : i32 to index
    %get3A_1913 = memref.load %arg1[%get3A_1912] : memref<2048xi32, #tpu.memory_space<smem>>
    %get3A_1914 = arith.constant 1 : index
    %get3A_1915 = arith.index_cast %get3A_1913 : i32 to index
    %get3A_1916 = arith.constant 0 : index
    %get3A_1917 = vector.load %arg3[%get3A_1914, %get3A_1915, %get3A_1916] : memref<4x4096x64xf32, #tpu.memory_space<vmem>>, vector<1x1x64xf32>
    %get3A_1918 = vector.shape_cast %get3A_1917 : vector<1x1x64xf32> to vector<1x64xf32>
    %swap3A_1919 = arith.constant 106 : index
    %swap3A_1920 = arith.constant 0 : index
    %swap3A_1921 = vector.load %arg9[%swap3A_1919, %swap3A_1920] : memref<256x64xf32, #tpu.memory_space<vmem>>, vector<1x64xf32>
    tpu.vector_store %arg9[%swap3A_1919, %swap3A_1920], %get3A_1918 {strides = array<i32>} : memref<256x64xf32, #tpu.memory_space<vmem>>, vector<1x64xf32>,
    %mul3A_1922 = arith.constant 4 : i32
    %mul3A_1923 = arith.muli %arg0, %mul3A_1922 : i32
    %mul3A_1924 = arith.constant 64 : i32
    %mul3A_1925 = arith.muli %mul3A_1923, %mul3A_1924 : i32
    %add3A_1926 = arith.constant 64 : i32
    %add3A_1927 = arith.addi %mul3A_1925, %add3A_1926 : i32
    %add3A_1928 = arith.constant 43 : i32
    %add3A_1929 = arith.addi %add3A_1927, %add3A_1928 : i32
    %get3A_1930 = arith.index_cast %add3A_1929 : i32 to index
    %get3A_1931 = memref.load %arg1[%get3A_1930] : memref<2048xi32, #tpu.memory_space<smem>>
    %get3A_1932 = arith.constant 1 : index
    %get3A_1933 = arith.index_cast %get3A_1931 : i32 to index
    %get3A_1934 = arith.constant 0 : index
    %get3A_1935 = vector.load %arg3[%get3A_1932, %get3A_1933, %get3A_1934] : memref<4x4096x64xf32, #tpu.memory_space<vmem>>, vector<1x1x64xf32>
    %get3A_1936 = vector.shape_cast %get3A_1935 : vector<1x1x64xf32> to vector<1x64xf32>
    %swap3A_1937 = arith.constant 107 : index
    %swap3A_1938 = arith.constant 0 : index
    %swap3A_1939 = vector.load %arg9[%swap3A_1937, %swap3A_1938] : memref<256x64xf32, #tpu.memory_space<vmem>>, vector<1x64xf32>
    tpu.vector_store %arg9[%swap3A_1937, %swap3A_1938], %get3A_1936 {strides = array<i32>} : memref<256x64xf32, #tpu.memory_space<vmem>>, vector<1x64xf32>,
    %mul3A_1940 = arith.constant 4 : i32
    %mul3A_1941 = arith.muli %arg0, %mul3A_1940 : i32
    %mul3A_1942 = arith.constant 64 : i32
    %mul3A_1943 = arith.muli %mul3A_1941, %mul3A_1942 : i32
    %add3A_1944 = arith.constant 64 : i32
    %add3A_1945 = arith.addi %mul3A_1943, %add3A_1944 : i32
    %add3A_1946 = arith.constant 44 : i32
    %add3A_1947 = arith.addi %add3A_1945, %add3A_1946 : i32
    %get3A_1948 = arith.index_cast %add3A_1947 : i32 to index
    %get3A_1949 = memref.load %arg1[%get3A_1948] : memref<2048xi32, #tpu.memory_space<smem>>
    %get3A_1950 = arith.constant 1 : index
    %get3A_1951 = arith.index_cast %get3A_1949 : i32 to index
    %get3A_1952 = arith.constant 0 : index
    %get3A_1953 = vector.load %arg3[%get3A_1950, %get3A_1951, %get3A_1952] : memref<4x4096x64xf32, #tpu.memory_space<vmem>>, vector<1x1x64xf32>
    %get3A_1954 = vector.shape_cast %get3A_1953 : vector<1x1x64xf32> to vector<1x64xf32>
    %swap3A_1955 = arith.constant 108 : index
    %swap3A_1956 = arith.constant 0 : index
    %swap3A_1957 = vector.load %arg9[%swap3A_1955, %swap3A_1956] : memref<256x64xf32, #tpu.memory_space<vmem>>, vector<1x64xf32>
    tpu.vector_store %arg9[%swap3A_1955, %swap3A_1956], %get3A_1954 {strides = array<i32>} : memref<256x64xf32, #tpu.memory_space<vmem>>, vector<1x64xf32>,
    %mul3A_1958 = arith.constant 4 : i32
    %mul3A_1959 = arith.muli %arg0, %mul3A_1958 : i32
    %mul3A_1960 = arith.constant 64 : i32
    %mul3A_1961 = arith.muli %mul3A_1959, %mul3A_1960 : i32
    %add3A_1962 = arith.constant 64 : i32
    %add3A_1963 = arith.addi %mul3A_1961, %add3A_1962 : i32
    %add3A_1964 = arith.constant 45 : i32
    %add3A_1965 = arith.addi %add3A_1963, %add3A_1964 : i32
    %get3A_1966 = arith.index_cast %add3A_1965 : i32 to index
    %get3A_1967 = memref.load %arg1[%get3A_1966] : memref<2048xi32, #tpu.memory_space<smem>>
    %get3A_1968 = arith.constant 1 : index
    %get3A_1969 = arith.index_cast %get3A_1967 : i32 to index
    %get3A_1970 = arith.constant 0 : index
    %get3A_1971 = vector.load %arg3[%get3A_1968, %get3A_1969, %get3A_1970] : memref<4x4096x64xf32, #tpu.memory_space<vmem>>, vector<1x1x64xf32>
    %get3A_1972 = vector.shape_cast %get3A_1971 : vector<1x1x64xf32> to vector<1x64xf32>
    %swap3A_1973 = arith.constant 109 : index
    %swap3A_1974 = arith.constant 0 : index
    %swap3A_1975 = vector.load %arg9[%swap3A_1973, %swap3A_1974] : memref<256x64xf32, #tpu.memory_space<vmem>>, vector<1x64xf32>
    tpu.vector_store %arg9[%swap3A_1973, %swap3A_1974], %get3A_1972 {strides = array<i32>} : memref<256x64xf32, #tpu.memory_space<vmem>>, vector<1x64xf32>,
    %mul3A_1976 = arith.constant 4 : i32
    %mul3A_1977 = arith.muli %arg0, %mul3A_1976 : i32
    %mul3A_1978 = arith.constant 64 : i32
    %mul3A_1979 = arith.muli %mul3A_1977, %mul3A_1978 : i32
    %add3A_1980 = arith.constant 64 : i32
    %add3A_1981 = arith.addi %mul3A_1979, %add3A_1980 : i32
    %add3A_1982 = arith.constant 46 : i32
    %add3A_1983 = arith.addi %add3A_1981, %add3A_1982 : i32
    %get3A_1984 = arith.index_cast %add3A_1983 : i32 to index
    %get3A_1985 = memref.load %arg1[%get3A_1984] : memref<2048xi32, #tpu.memory_space<smem>>
    %get3A_1986 = arith.constant 1 : index
    %get3A_1987 = arith.index_cast %get3A_1985 : i32 to index
    %get3A_1988 = arith.constant 0 : index
    %get3A_1989 = vector.load %arg3[%get3A_1986, %get3A_1987, %get3A_1988] : memref<4x4096x64xf32, #tpu.memory_space<vmem>>, vector<1x1x64xf32>
    %get3A_1990 = vector.shape_cast %get3A_1989 : vector<1x1x64xf32> to vector<1x64xf32>
    %swap3A_1991 = arith.constant 110 : index
    %swap3A_1992 = arith.constant 0 : index
    %swap3A_1993 = vector.load %arg9[%swap3A_1991, %swap3A_1992] : memref<256x64xf32, #tpu.memory_space<vmem>>, vector<1x64xf32>
    tpu.vector_store %arg9[%swap3A_1991, %swap3A_1992], %get3A_1990 {strides = array<i32>} : memref<256x64xf32, #tpu.memory_space<vmem>>, vector<1x64xf32>,
    %mul3A_1994 = arith.constant 4 : i32
    %mul3A_1995 = arith.muli %arg0, %mul3A_1994 : i32
    %mul3A_1996 = arith.constant 64 : i32
    %mul3A_1997 = arith.muli %mul3A_1995, %mul3A_1996 : i32
    %add3A_1998 = arith.constant 64 : i32
    %add3A_1999 = arith.addi %mul3A_1997, %add3A_1998 : i32
    %add3A_2000 = arith.constant 47 : i32
    %add3A_2001 = arith.addi %add3A_1999, %add3A_2000 : i32
    %get3A_2002 = arith.index_cast %add3A_2001 : i32 to index
    %get3A_2003 = memref.load %arg1[%get3A_2002] : memref<2048xi32, #tpu.memory_space<smem>>
    %get3A_2004 = arith.constant 1 : index
    %get3A_2005 = arith.index_cast %get3A_2003 : i32 to index
    %get3A_2006 = arith.constant 0 : index
    %get3A_2007 = vector.load %arg3[%get3A_2004, %get3A_2005, %get3A_2006] : memref<4x4096x64xf32, #tpu.memory_space<vmem>>, vector<1x1x64xf32>
    %get3A_2008 = vector.shape_cast %get3A_2007 : vector<1x1x64xf32> to vector<1x64xf32>
    %swap3A_2009 = arith.constant 111 : index
    %swap3A_2010 = arith.constant 0 : index
    %swap3A_2011 = vector.load %arg9[%swap3A_2009, %swap3A_2010] : memref<256x64xf32, #tpu.memory_space<vmem>>, vector<1x64xf32>
    tpu.vector_store %arg9[%swap3A_2009, %swap3A_2010], %get3A_2008 {strides = array<i32>} : memref<256x64xf32, #tpu.memory_space<vmem>>, vector<1x64xf32>,
    %mul3A_2012 = arith.constant 4 : i32
    %mul3A_2013 = arith.muli %arg0, %mul3A_2012 : i32
    %mul3A_2014 = arith.constant 64 : i32
    %mul3A_2015 = arith.muli %mul3A_2013, %mul3A_2014 : i32
    %add3A_2016 = arith.constant 64 : i32
    %add3A_2017 = arith.addi %mul3A_2015, %add3A_2016 : i32
    %add3A_2018 = arith.constant 48 : i32
    %add3A_2019 = arith.addi %add3A_2017, %add3A_2018 : i32
    %get3A_2020 = arith.index_cast %add3A_2019 : i32 to index
    %get3A_2021 = memref.load %arg1[%get3A_2020] : memref<2048xi32, #tpu.memory_space<smem>>
    %get3A_2022 = arith.constant 1 : index
    %get3A_2023 = arith.index_cast %get3A_2021 : i32 to index
    %get3A_2024 = arith.constant 0 : index
    %get3A_2025 = vector.load %arg3[%get3A_2022, %get3A_2023, %get3A_2024] : memref<4x4096x64xf32, #tpu.memory_space<vmem>>, vector<1x1x64xf32>
    %get3A_2026 = vector.shape_cast %get3A_2025 : vector<1x1x64xf32> to vector<1x64xf32>
    %swap3A_2027 = arith.constant 112 : index
    %swap3A_2028 = arith.constant 0 : index
    %swap3A_2029 = vector.load %arg9[%swap3A_2027, %swap3A_2028] : memref<256x64xf32, #tpu.memory_space<vmem>>, vector<1x64xf32>
    tpu.vector_store %arg9[%swap3A_2027, %swap3A_2028], %get3A_2026 {strides = array<i32>} : memref<256x64xf32, #tpu.memory_space<vmem>>, vector<1x64xf32>,
    %mul3A_2030 = arith.constant 4 : i32
    %mul3A_2031 = arith.muli %arg0, %mul3A_2030 : i32
    %mul3A_2032 = arith.constant 64 : i32
    %mul3A_2033 = arith.muli %mul3A_2031, %mul3A_2032 : i32
    %add3A_2034 = arith.constant 64 : i32
    %add3A_2035 = arith.addi %mul3A_2033, %add3A_2034 : i32
    %add3A_2036 = arith.constant 49 : i32
    %add3A_2037 = arith.addi %add3A_2035, %add3A_2036 : i32
    %get3A_2038 = arith.index_cast %add3A_2037 : i32 to index
    %get3A_2039 = memref.load %arg1[%get3A_2038] : memref<2048xi32, #tpu.memory_space<smem>>
    %get3A_2040 = arith.constant 1 : index
    %get3A_2041 = arith.index_cast %get3A_2039 : i32 to index
    %get3A_2042 = arith.constant 0 : index
    %get3A_2043 = vector.load %arg3[%get3A_2040, %get3A_2041, %get3A_2042] : memref<4x4096x64xf32, #tpu.memory_space<vmem>>, vector<1x1x64xf32>
    %get3A_2044 = vector.shape_cast %get3A_2043 : vector<1x1x64xf32> to vector<1x64xf32>
    %swap3A_2045 = arith.constant 113 : index
    %swap3A_2046 = arith.constant 0 : index
    %swap3A_2047 = vector.load %arg9[%swap3A_2045, %swap3A_2046] : memref<256x64xf32, #tpu.memory_space<vmem>>, vector<1x64xf32>
    tpu.vector_store %arg9[%swap3A_2045, %swap3A_2046], %get3A_2044 {strides = array<i32>} : memref<256x64xf32, #tpu.memory_space<vmem>>, vector<1x64xf32>,
    %mul3A_2048 = arith.constant 4 : i32
    %mul3A_2049 = arith.muli %arg0, %mul3A_2048 : i32
    %mul3A_2050 = arith.constant 64 : i32
    %mul3A_2051 = arith.muli %mul3A_2049, %mul3A_2050 : i32
    %add3A_2052 = arith.constant 64 : i32
    %add3A_2053 = arith.addi %mul3A_2051, %add3A_2052 : i32
    %add3A_2054 = arith.constant 50 : i32
    %add3A_2055 = arith.addi %add3A_2053, %add3A_2054 : i32
    %get3A_2056 = arith.index_cast %add3A_2055 : i32 to index
    %get3A_2057 = memref.load %arg1[%get3A_2056] : memref<2048xi32, #tpu.memory_space<smem>>
    %get3A_2058 = arith.constant 1 : index
    %get3A_2059 = arith.index_cast %get3A_2057 : i32 to index
    %get3A_2060 = arith.constant 0 : index
    %get3A_2061 = vector.load %arg3[%get3A_2058, %get3A_2059, %get3A_2060] : memref<4x4096x64xf32, #tpu.memory_space<vmem>>, vector<1x1x64xf32>
    %get3A_2062 = vector.shape_cast %get3A_2061 : vector<1x1x64xf32> to vector<1x64xf32>
    %swap3A_2063 = arith.constant 114 : index
    %swap3A_2064 = arith.constant 0 : index
    %swap3A_2065 = vector.load %arg9[%swap3A_2063, %swap3A_2064] : memref<256x64xf32, #tpu.memory_space<vmem>>, vector<1x64xf32>
    tpu.vector_store %arg9[%swap3A_2063, %swap3A_2064], %get3A_2062 {strides = array<i32>} : memref<256x64xf32, #tpu.memory_space<vmem>>, vector<1x64xf32>,
    %mul3A_2066 = arith.constant 4 : i32
    %mul3A_2067 = arith.muli %arg0, %mul3A_2066 : i32
    %mul3A_2068 = arith.constant 64 : i32
    %mul3A_2069 = arith.muli %mul3A_2067, %mul3A_2068 : i32
    %add3A_2070 = arith.constant 64 : i32
    %add3A_2071 = arith.addi %mul3A_2069, %add3A_2070 : i32
    %add3A_2072 = arith.constant 51 : i32
    %add3A_2073 = arith.addi %add3A_2071, %add3A_2072 : i32
    %get3A_2074 = arith.index_cast %add3A_2073 : i32 to index
    %get3A_2075 = memref.load %arg1[%get3A_2074] : memref<2048xi32, #tpu.memory_space<smem>>
    %get3A_2076 = arith.constant 1 : index
    %get3A_2077 = arith.index_cast %get3A_2075 : i32 to index
    %get3A_2078 = arith.constant 0 : index
    %get3A_2079 = vector.load %arg3[%get3A_2076, %get3A_2077, %get3A_2078] : memref<4x4096x64xf32, #tpu.memory_space<vmem>>, vector<1x1x64xf32>
    %get3A_2080 = vector.shape_cast %get3A_2079 : vector<1x1x64xf32> to vector<1x64xf32>
    %swap3A_2081 = arith.constant 115 : index
    %swap3A_2082 = arith.constant 0 : index
    %swap3A_2083 = vector.load %arg9[%swap3A_2081, %swap3A_2082] : memref<256x64xf32, #tpu.memory_space<vmem>>, vector<1x64xf32>
    tpu.vector_store %arg9[%swap3A_2081, %swap3A_2082], %get3A_2080 {strides = array<i32>} : memref<256x64xf32, #tpu.memory_space<vmem>>, vector<1x64xf32>,
    %mul3A_2084 = arith.constant 4 : i32
    %mul3A_2085 = arith.muli %arg0, %mul3A_2084 : i32
    %mul3A_2086 = arith.constant 64 : i32
    %mul3A_2087 = arith.muli %mul3A_2085, %mul3A_2086 : i32
    %add3A_2088 = arith.constant 64 : i32
    %add3A_2089 = arith.addi %mul3A_2087, %add3A_2088 : i32
    %add3A_2090 = arith.constant 52 : i32
    %add3A_2091 = arith.addi %add3A_2089, %add3A_2090 : i32
    %get3A_2092 = arith.index_cast %add3A_2091 : i32 to index
    %get3A_2093 = memref.load %arg1[%get3A_2092] : memref<2048xi32, #tpu.memory_space<smem>>
    %get3A_2094 = arith.constant 1 : index
    %get3A_2095 = arith.index_cast %get3A_2093 : i32 to index
    %get3A_2096 = arith.constant 0 : index
    %get3A_2097 = vector.load %arg3[%get3A_2094, %get3A_2095, %get3A_2096] : memref<4x4096x64xf32, #tpu.memory_space<vmem>>, vector<1x1x64xf32>
    %get3A_2098 = vector.shape_cast %get3A_2097 : vector<1x1x64xf32> to vector<1x64xf32>
    %swap3A_2099 = arith.constant 116 : index
    %swap3A_2100 = arith.constant 0 : index
    %swap3A_2101 = vector.load %arg9[%swap3A_2099, %swap3A_2100] : memref<256x64xf32, #tpu.memory_space<vmem>>, vector<1x64xf32>
    tpu.vector_store %arg9[%swap3A_2099, %swap3A_2100], %get3A_2098 {strides = array<i32>} : memref<256x64xf32, #tpu.memory_space<vmem>>, vector<1x64xf32>,
    %mul3A_2102 = arith.constant 4 : i32
    %mul3A_2103 = arith.muli %arg0, %mul3A_2102 : i32
    %mul3A_2104 = arith.constant 64 : i32
    %mul3A_2105 = arith.muli %mul3A_2103, %mul3A_2104 : i32
    %add3A_2106 = arith.constant 64 : i32
    %add3A_2107 = arith.addi %mul3A_2105, %add3A_2106 : i32
    %add3A_2108 = arith.constant 53 : i32
    %add3A_2109 = arith.addi %add3A_2107, %add3A_2108 : i32
    %get3A_2110 = arith.index_cast %add3A_2109 : i32 to index
    %get3A_2111 = memref.load %arg1[%get3A_2110] : memref<2048xi32, #tpu.memory_space<smem>>
    %get3A_2112 = arith.constant 1 : index
    %get3A_2113 = arith.index_cast %get3A_2111 : i32 to index
    %get3A_2114 = arith.constant 0 : index
    %get3A_2115 = vector.load %arg3[%get3A_2112, %get3A_2113, %get3A_2114] : memref<4x4096x64xf32, #tpu.memory_space<vmem>>, vector<1x1x64xf32>
    %get3A_2116 = vector.shape_cast %get3A_2115 : vector<1x1x64xf32> to vector<1x64xf32>
    %swap3A_2117 = arith.constant 117 : index
    %swap3A_2118 = arith.constant 0 : index
    %swap3A_2119 = vector.load %arg9[%swap3A_2117, %swap3A_2118] : memref<256x64xf32, #tpu.memory_space<vmem>>, vector<1x64xf32>
    tpu.vector_store %arg9[%swap3A_2117, %swap3A_2118], %get3A_2116 {strides = array<i32>} : memref<256x64xf32, #tpu.memory_space<vmem>>, vector<1x64xf32>,
    %mul3A_2120 = arith.constant 4 : i32
    %mul3A_2121 = arith.muli %arg0, %mul3A_2120 : i32
    %mul3A_2122 = arith.constant 64 : i32
    %mul3A_2123 = arith.muli %mul3A_2121, %mul3A_2122 : i32
    %add3A_2124 = arith.constant 64 : i32
    %add3A_2125 = arith.addi %mul3A_2123, %add3A_2124 : i32
    %add3A_2126 = arith.constant 54 : i32
    %add3A_2127 = arith.addi %add3A_2125, %add3A_2126 : i32
    %get3A_2128 = arith.index_cast %add3A_2127 : i32 to index
    %get3A_2129 = memref.load %arg1[%get3A_2128] : memref<2048xi32, #tpu.memory_space<smem>>
    %get3A_2130 = arith.constant 1 : index
    %get3A_2131 = arith.index_cast %get3A_2129 : i32 to index
    %get3A_2132 = arith.constant 0 : index
    %get3A_2133 = vector.load %arg3[%get3A_2130, %get3A_2131, %get3A_2132] : memref<4x4096x64xf32, #tpu.memory_space<vmem>>, vector<1x1x64xf32>
    %get3A_2134 = vector.shape_cast %get3A_2133 : vector<1x1x64xf32> to vector<1x64xf32>
    %swap3A_2135 = arith.constant 118 : index
    %swap3A_2136 = arith.constant 0 : index
    %swap3A_2137 = vector.load %arg9[%swap3A_2135, %swap3A_2136] : memref<256x64xf32, #tpu.memory_space<vmem>>, vector<1x64xf32>
    tpu.vector_store %arg9[%swap3A_2135, %swap3A_2136], %get3A_2134 {strides = array<i32>} : memref<256x64xf32, #tpu.memory_space<vmem>>, vector<1x64xf32>,
    %mul3A_2138 = arith.constant 4 : i32
    %mul3A_2139 = arith.muli %arg0, %mul3A_2138 : i32
    %mul3A_2140 = arith.constant 64 : i32
    %mul3A_2141 = arith.muli %mul3A_2139, %mul3A_2140 : i32
    %add3A_2142 = arith.constant 64 : i32
    %add3A_2143 = arith.addi %mul3A_2141, %add3A_2142 : i32
    %add3A_2144 = arith.constant 55 : i32
    %add3A_2145 = arith.addi %add3A_2143, %add3A_2144 : i32
    %get3A_2146 = arith.index_cast %add3A_2145 : i32 to index
    %get3A_2147 = memref.load %arg1[%get3A_2146] : memref<2048xi32, #tpu.memory_space<smem>>
    %get3A_2148 = arith.constant 1 : index
    %get3A_2149 = arith.index_cast %get3A_2147 : i32 to index
    %get3A_2150 = arith.constant 0 : index
    %get3A_2151 = vector.load %arg3[%get3A_2148, %get3A_2149, %get3A_2150] : memref<4x4096x64xf32, #tpu.memory_space<vmem>>, vector<1x1x64xf32>
    %get3A_2152 = vector.shape_cast %get3A_2151 : vector<1x1x64xf32> to vector<1x64xf32>
    %swap3A_2153 = arith.constant 119 : index
    %swap3A_2154 = arith.constant 0 : index
    %swap3A_2155 = vector.load %arg9[%swap3A_2153, %swap3A_2154] : memref<256x64xf32, #tpu.memory_space<vmem>>, vector<1x64xf32>
    tpu.vector_store %arg9[%swap3A_2153, %swap3A_2154], %get3A_2152 {strides = array<i32>} : memref<256x64xf32, #tpu.memory_space<vmem>>, vector<1x64xf32>,
    %mul3A_2156 = arith.constant 4 : i32
    %mul3A_2157 = arith.muli %arg0, %mul3A_2156 : i32
    %mul3A_2158 = arith.constant 64 : i32
    %mul3A_2159 = arith.muli %mul3A_2157, %mul3A_2158 : i32
    %add3A_2160 = arith.constant 64 : i32
    %add3A_2161 = arith.addi %mul3A_2159, %add3A_2160 : i32
    %add3A_2162 = arith.constant 56 : i32
    %add3A_2163 = arith.addi %add3A_2161, %add3A_2162 : i32
    %get3A_2164 = arith.index_cast %add3A_2163 : i32 to index
    %get3A_2165 = memref.load %arg1[%get3A_2164] : memref<2048xi32, #tpu.memory_space<smem>>
    %get3A_2166 = arith.constant 1 : index
    %get3A_2167 = arith.index_cast %get3A_2165 : i32 to index
    %get3A_2168 = arith.constant 0 : index
    %get3A_2169 = vector.load %arg3[%get3A_2166, %get3A_2167, %get3A_2168] : memref<4x4096x64xf32, #tpu.memory_space<vmem>>, vector<1x1x64xf32>
    %get3A_2170 = vector.shape_cast %get3A_2169 : vector<1x1x64xf32> to vector<1x64xf32>
    %swap3A_2171 = arith.constant 120 : index
    %swap3A_2172 = arith.constant 0 : index
    %swap3A_2173 = vector.load %arg9[%swap3A_2171, %swap3A_2172] : memref<256x64xf32, #tpu.memory_space<vmem>>, vector<1x64xf32>
    tpu.vector_store %arg9[%swap3A_2171, %swap3A_2172], %get3A_2170 {strides = array<i32>} : memref<256x64xf32, #tpu.memory_space<vmem>>, vector<1x64xf32>,
    %mul3A_2174 = arith.constant 4 : i32
    %mul3A_2175 = arith.muli %arg0, %mul3A_2174 : i32
    %mul3A_2176 = arith.constant 64 : i32
    %mul3A_2177 = arith.muli %mul3A_2175, %mul3A_2176 : i32
    %add3A_2178 = arith.constant 64 : i32
    %add3A_2179 = arith.addi %mul3A_2177, %add3A_2178 : i32
    %add3A_2180 = arith.constant 57 : i32
    %add3A_2181 = arith.addi %add3A_2179, %add3A_2180 : i32
    %get3A_2182 = arith.index_cast %add3A_2181 : i32 to index
    %get3A_2183 = memref.load %arg1[%get3A_2182] : memref<2048xi32, #tpu.memory_space<smem>>
    %get3A_2184 = arith.constant 1 : index
    %get3A_2185 = arith.index_cast %get3A_2183 : i32 to index
    %get3A_2186 = arith.constant 0 : index
    %get3A_2187 = vector.load %arg3[%get3A_2184, %get3A_2185, %get3A_2186] : memref<4x4096x64xf32, #tpu.memory_space<vmem>>, vector<1x1x64xf32>
    %get3A_2188 = vector.shape_cast %get3A_2187 : vector<1x1x64xf32> to vector<1x64xf32>
    %swap3A_2189 = arith.constant 121 : index
    %swap3A_2190 = arith.constant 0 : index
    %swap3A_2191 = vector.load %arg9[%swap3A_2189, %swap3A_2190] : memref<256x64xf32, #tpu.memory_space<vmem>>, vector<1x64xf32>
    tpu.vector_store %arg9[%swap3A_2189, %swap3A_2190], %get3A_2188 {strides = array<i32>} : memref<256x64xf32, #tpu.memory_space<vmem>>, vector<1x64xf32>,
    %mul3A_2192 = arith.constant 4 : i32
    %mul3A_2193 = arith.muli %arg0, %mul3A_2192 : i32
    %mul3A_2194 = arith.constant 64 : i32
    %mul3A_2195 = arith.muli %mul3A_2193, %mul3A_2194 : i32
    %add3A_2196 = arith.constant 64 : i32
    %add3A_2197 = arith.addi %mul3A_2195, %add3A_2196 : i32
    %add3A_2198 = arith.constant 58 : i32
    %add3A_2199 = arith.addi %add3A_2197, %add3A_2198 : i32
    %get3A_2200 = arith.index_cast %add3A_2199 : i32 to index
    %get3A_2201 = memref.load %arg1[%get3A_2200] : memref<2048xi32, #tpu.memory_space<smem>>
    %get3A_2202 = arith.constant 1 : index
    %get3A_2203 = arith.index_cast %get3A_2201 : i32 to index
    %get3A_2204 = arith.constant 0 : index
    %get3A_2205 = vector.load %arg3[%get3A_2202, %get3A_2203, %get3A_2204] : memref<4x4096x64xf32, #tpu.memory_space<vmem>>, vector<1x1x64xf32>
    %get3A_2206 = vector.shape_cast %get3A_2205 : vector<1x1x64xf32> to vector<1x64xf32>
    %swap3A_2207 = arith.constant 122 : index
    %swap3A_2208 = arith.constant 0 : index
    %swap3A_2209 = vector.load %arg9[%swap3A_2207, %swap3A_2208] : memref<256x64xf32, #tpu.memory_space<vmem>>, vector<1x64xf32>
    tpu.vector_store %arg9[%swap3A_2207, %swap3A_2208], %get3A_2206 {strides = array<i32>} : memref<256x64xf32, #tpu.memory_space<vmem>>, vector<1x64xf32>,
    %mul3A_2210 = arith.constant 4 : i32
    %mul3A_2211 = arith.muli %arg0, %mul3A_2210 : i32
    %mul3A_2212 = arith.constant 64 : i32
    %mul3A_2213 = arith.muli %mul3A_2211, %mul3A_2212 : i32
    %add3A_2214 = arith.constant 64 : i32
    %add3A_2215 = arith.addi %mul3A_2213, %add3A_2214 : i32
    %add3A_2216 = arith.constant 59 : i32
    %add3A_2217 = arith.addi %add3A_2215, %add3A_2216 : i32
    %get3A_2218 = arith.index_cast %add3A_2217 : i32 to index
    %get3A_2219 = memref.load %arg1[%get3A_2218] : memref<2048xi32, #tpu.memory_space<smem>>
    %get3A_2220 = arith.constant 1 : index
    %get3A_2221 = arith.index_cast %get3A_2219 : i32 to index
    %get3A_2222 = arith.constant 0 : index
    %get3A_2223 = vector.load %arg3[%get3A_2220, %get3A_2221, %get3A_2222] : memref<4x4096x64xf32, #tpu.memory_space<vmem>>, vector<1x1x64xf32>
    %get3A_2224 = vector.shape_cast %get3A_2223 : vector<1x1x64xf32> to vector<1x64xf32>
    %swap3A_2225 = arith.constant 123 : index
    %swap3A_2226 = arith.constant 0 : index
    %swap3A_2227 = vector.load %arg9[%swap3A_2225, %swap3A_2226] : memref<256x64xf32, #tpu.memory_space<vmem>>, vector<1x64xf32>
    tpu.vector_store %arg9[%swap3A_2225, %swap3A_2226], %get3A_2224 {strides = array<i32>} : memref<256x64xf32, #tpu.memory_space<vmem>>, vector<1x64xf32>,
    %mul3A_2228 = arith.constant 4 : i32
    %mul3A_2229 = arith.muli %arg0, %mul3A_2228 : i32
    %mul3A_2230 = arith.constant 64 : i32
    %mul3A_2231 = arith.muli %mul3A_2229, %mul3A_2230 : i32
    %add3A_2232 = arith.constant 64 : i32
    %add3A_2233 = arith.addi %mul3A_2231, %add3A_2232 : i32
    %add3A_2234 = arith.constant 60 : i32
    %add3A_2235 = arith.addi %add3A_2233, %add3A_2234 : i32
    %get3A_2236 = arith.index_cast %add3A_2235 : i32 to index
    %get3A_2237 = memref.load %arg1[%get3A_2236] : memref<2048xi32, #tpu.memory_space<smem>>
    %get3A_2238 = arith.constant 1 : index
    %get3A_2239 = arith.index_cast %get3A_2237 : i32 to index
    %get3A_2240 = arith.constant 0 : index
    %get3A_2241 = vector.load %arg3[%get3A_2238, %get3A_2239, %get3A_2240] : memref<4x4096x64xf32, #tpu.memory_space<vmem>>, vector<1x1x64xf32>
    %get3A_2242 = vector.shape_cast %get3A_2241 : vector<1x1x64xf32> to vector<1x64xf32>
    %swap3A_2243 = arith.constant 124 : index
    %swap3A_2244 = arith.constant 0 : index
    %swap3A_2245 = vector.load %arg9[%swap3A_2243, %swap3A_2244] : memref<256x64xf32, #tpu.memory_space<vmem>>, vector<1x64xf32>
    tpu.vector_store %arg9[%swap3A_2243, %swap3A_2244], %get3A_2242 {strides = array<i32>} : memref<256x64xf32, #tpu.memory_space<vmem>>, vector<1x64xf32>,
    %mul3A_2246 = arith.constant 4 : i32
    %mul3A_2247 = arith.muli %arg0, %mul3A_2246 : i32
    %mul3A_2248 = arith.constant 64 : i32
    %mul3A_2249 = arith.muli %mul3A_2247, %mul3A_2248 : i32
    %add3A_2250 = arith.constant 64 : i32
    %add3A_2251 = arith.addi %mul3A_2249, %add3A_2250 : i32
    %add3A_2252 = arith.constant 61 : i32
    %add3A_2253 = arith.addi %add3A_2251, %add3A_2252 : i32
    %get3A_2254 = arith.index_cast %add3A_2253 : i32 to index
    %get3A_2255 = memref.load %arg1[%get3A_2254] : memref<2048xi32, #tpu.memory_space<smem>>
    %get3A_2256 = arith.constant 1 : index
    %get3A_2257 = arith.index_cast %get3A_2255 : i32 to index
    %get3A_2258 = arith.constant 0 : index
    %get3A_2259 = vector.load %arg3[%get3A_2256, %get3A_2257, %get3A_2258] : memref<4x4096x64xf32, #tpu.memory_space<vmem>>, vector<1x1x64xf32>
    %get3A_2260 = vector.shape_cast %get3A_2259 : vector<1x1x64xf32> to vector<1x64xf32>
    %swap3A_2261 = arith.constant 125 : index
    %swap3A_2262 = arith.constant 0 : index
    %swap3A_2263 = vector.load %arg9[%swap3A_2261, %swap3A_2262] : memref<256x64xf32, #tpu.memory_space<vmem>>, vector<1x64xf32>
    tpu.vector_store %arg9[%swap3A_2261, %swap3A_2262], %get3A_2260 {strides = array<i32>} : memref<256x64xf32, #tpu.memory_space<vmem>>, vector<1x64xf32>,
    %mul3A_2264 = arith.constant 4 : i32
    %mul3A_2265 = arith.muli %arg0, %mul3A_2264 : i32
    %mul3A_2266 = arith.constant 64 : i32
    %mul3A_2267 = arith.muli %mul3A_2265, %mul3A_2266 : i32
    %add3A_2268 = arith.constant 64 : i32
    %add3A_2269 = arith.addi %mul3A_2267, %add3A_2268 : i32
    %add3A_2270 = arith.constant 62 : i32
    %add3A_2271 = arith.addi %add3A_2269, %add3A_2270 : i32
    %get3A_2272 = arith.index_cast %add3A_2271 : i32 to index
    %get3A_2273 = memref.load %arg1[%get3A_2272] : memref<2048xi32, #tpu.memory_space<smem>>
    %get3A_2274 = arith.constant 1 : index
    %get3A_2275 = arith.index_cast %get3A_2273 : i32 to index
    %get3A_2276 = arith.constant 0 : index
    %get3A_2277 = vector.load %arg3[%get3A_2274, %get3A_2275, %get3A_2276] : memref<4x4096x64xf32, #tpu.memory_space<vmem>>, vector<1x1x64xf32>
    %get3A_2278 = vector.shape_cast %get3A_2277 : vector<1x1x64xf32> to vector<1x64xf32>
    %swap3A_2279 = arith.constant 126 : index
    %swap3A_2280 = arith.constant 0 : index
    %swap3A_2281 = vector.load %arg9[%swap3A_2279, %swap3A_2280] : memref<256x64xf32, #tpu.memory_space<vmem>>, vector<1x64xf32>
    tpu.vector_store %arg9[%swap3A_2279, %swap3A_2280], %get3A_2278 {strides = array<i32>} : memref<256x64xf32, #tpu.memory_space<vmem>>, vector<1x64xf32>,
    %mul3A_2282 = arith.constant 4 : i32
    %mul3A_2283 = arith.muli %arg0, %mul3A_2282 : i32
    %mul3A_2284 = arith.constant 64 : i32
    %mul3A_2285 = arith.muli %mul3A_2283, %mul3A_2284 : i32
    %add3A_2286 = arith.constant 64 : i32
    %add3A_2287 = arith.addi %mul3A_2285, %add3A_2286 : i32
    %add3A_2288 = arith.constant 63 : i32
    %add3A_2289 = arith.addi %add3A_2287, %add3A_2288 : i32
    %get3A_2290 = arith.index_cast %add3A_2289 : i32 to index
    %get3A_2291 = memref.load %arg1[%get3A_2290] : memref<2048xi32, #tpu.memory_space<smem>>
    %get3A_2292 = arith.constant 1 : index
    %get3A_2293 = arith.index_cast %get3A_2291 : i32 to index
    %get3A_2294 = arith.constant 0 : index
    %get3A_2295 = vector.load %arg3[%get3A_2292, %get3A_2293, %get3A_2294] : memref<4x4096x64xf32, #tpu.memory_space<vmem>>, vector<1x1x64xf32>
    %get3A_2296 = vector.shape_cast %get3A_2295 : vector<1x1x64xf32> to vector<1x64xf32>
    %swap3A_2297 = arith.constant 127 : index
    %swap3A_2298 = arith.constant 0 : index
    %swap3A_2299 = vector.load %arg9[%swap3A_2297, %swap3A_2298] : memref<256x64xf32, #tpu.memory_space<vmem>>, vector<1x64xf32>
    tpu.vector_store %arg9[%swap3A_2297, %swap3A_2298], %get3A_2296 {strides = array<i32>} : memref<256x64xf32, #tpu.memory_space<vmem>>, vector<1x64xf32>,
    %mul3A_2300 = arith.constant 4 : i32
    %mul3A_2301 = arith.muli %arg0, %mul3A_2300 : i32
    %mul3A_2302 = arith.constant 64 : i32
    %mul3A_2303 = arith.muli %mul3A_2301, %mul3A_2302 : i32
    %add3A_2304 = arith.constant 128 : i32
    %add3A_2305 = arith.addi %mul3A_2303, %add3A_2304 : i32
    %add3A_2306 = arith.constant 0 : i32
    %add3A_2307 = arith.addi %add3A_2305, %add3A_2306 : i32
    %get3A_2308 = arith.index_cast %add3A_2307 : i32 to index
    %get3A_2309 = memref.load %arg1[%get3A_2308] : memref<2048xi32, #tpu.memory_space<smem>>
    %get3A_2310 = arith.constant 2 : index
    %get3A_2311 = arith.index_cast %get3A_2309 : i32 to index
    %get3A_2312 = arith.constant 0 : index
    %get3A_2313 = vector.load %arg3[%get3A_2310, %get3A_2311, %get3A_2312] : memref<4x4096x64xf32, #tpu.memory_space<vmem>>, vector<1x1x64xf32>
    %get3A_2314 = vector.shape_cast %get3A_2313 : vector<1x1x64xf32> to vector<1x64xf32>
    %swap3A_2315 = arith.constant 128 : index
    %swap3A_2316 = arith.constant 0 : index
    %swap3A_2317 = vector.load %arg9[%swap3A_2315, %swap3A_2316] : memref<256x64xf32, #tpu.memory_space<vmem>>, vector<1x64xf32>
    tpu.vector_store %arg9[%swap3A_2315, %swap3A_2316], %get3A_2314 {strides = array<i32>} : memref<256x64xf32, #tpu.memory_space<vmem>>, vector<1x64xf32>,
    %mul3A_2318 = arith.constant 4 : i32
    %mul3A_2319 = arith.muli %arg0, %mul3A_2318 : i32
    %mul3A_2320 = arith.constant 64 : i32
    %mul3A_2321 = arith.muli %mul3A_2319, %mul3A_2320 : i32
    %add3A_2322 = arith.constant 128 : i32
    %add3A_2323 = arith.addi %mul3A_2321, %add3A_2322 : i32
    %add3A_2324 = arith.constant 1 : i32
    %add3A_2325 = arith.addi %add3A_2323, %add3A_2324 : i32
    %get3A_2326 = arith.index_cast %add3A_2325 : i32 to index
    %get3A_2327 = memref.load %arg1[%get3A_2326] : memref<2048xi32, #tpu.memory_space<smem>>
    %get3A_2328 = arith.constant 2 : index
    %get3A_2329 = arith.index_cast %get3A_2327 : i32 to index
    %get3A_2330 = arith.constant 0 : index
    %get3A_2331 = vector.load %arg3[%get3A_2328, %get3A_2329, %get3A_2330] : memref<4x4096x64xf32, #tpu.memory_space<vmem>>, vector<1x1x64xf32>
    %get3A_2332 = vector.shape_cast %get3A_2331 : vector<1x1x64xf32> to vector<1x64xf32>
    %swap3A_2333 = arith.constant 129 : index
    %swap3A_2334 = arith.constant 0 : index
    %swap3A_2335 = vector.load %arg9[%swap3A_2333, %swap3A_2334] : memref<256x64xf32, #tpu.memory_space<vmem>>, vector<1x64xf32>
    tpu.vector_store %arg9[%swap3A_2333, %swap3A_2334], %get3A_2332 {strides = array<i32>} : memref<256x64xf32, #tpu.memory_space<vmem>>, vector<1x64xf32>,
    %mul3A_2336 = arith.constant 4 : i32
    %mul3A_2337 = arith.muli %arg0, %mul3A_2336 : i32
    %mul3A_2338 = arith.constant 64 : i32
    %mul3A_2339 = arith.muli %mul3A_2337, %mul3A_2338 : i32
    %add3A_2340 = arith.constant 128 : i32
    %add3A_2341 = arith.addi %mul3A_2339, %add3A_2340 : i32
    %add3A_2342 = arith.constant 2 : i32
    %add3A_2343 = arith.addi %add3A_2341, %add3A_2342 : i32
    %get3A_2344 = arith.index_cast %add3A_2343 : i32 to index
    %get3A_2345 = memref.load %arg1[%get3A_2344] : memref<2048xi32, #tpu.memory_space<smem>>
    %get3A_2346 = arith.constant 2 : index
    %get3A_2347 = arith.index_cast %get3A_2345 : i32 to index
    %get3A_2348 = arith.constant 0 : index
    %get3A_2349 = vector.load %arg3[%get3A_2346, %get3A_2347, %get3A_2348] : memref<4x4096x64xf32, #tpu.memory_space<vmem>>, vector<1x1x64xf32>
    %get3A_2350 = vector.shape_cast %get3A_2349 : vector<1x1x64xf32> to vector<1x64xf32>
    %swap3A_2351 = arith.constant 130 : index
    %swap3A_2352 = arith.constant 0 : index
    %swap3A_2353 = vector.load %arg9[%swap3A_2351, %swap3A_2352] : memref<256x64xf32, #tpu.memory_space<vmem>>, vector<1x64xf32>
    tpu.vector_store %arg9[%swap3A_2351, %swap3A_2352], %get3A_2350 {strides = array<i32>} : memref<256x64xf32, #tpu.memory_space<vmem>>, vector<1x64xf32>,
    %mul3A_2354 = arith.constant 4 : i32
    %mul3A_2355 = arith.muli %arg0, %mul3A_2354 : i32
    %mul3A_2356 = arith.constant 64 : i32
    %mul3A_2357 = arith.muli %mul3A_2355, %mul3A_2356 : i32
    %add3A_2358 = arith.constant 128 : i32
    %add3A_2359 = arith.addi %mul3A_2357, %add3A_2358 : i32
    %add3A_2360 = arith.constant 3 : i32
    %add3A_2361 = arith.addi %add3A_2359, %add3A_2360 : i32
    %get3A_2362 = arith.index_cast %add3A_2361 : i32 to index
    %get3A_2363 = memref.load %arg1[%get3A_2362] : memref<2048xi32, #tpu.memory_space<smem>>
    %get3A_2364 = arith.constant 2 : index
    %get3A_2365 = arith.index_cast %get3A_2363 : i32 to index
    %get3A_2366 = arith.constant 0 : index
    %get3A_2367 = vector.load %arg3[%get3A_2364, %get3A_2365, %get3A_2366] : memref<4x4096x64xf32, #tpu.memory_space<vmem>>, vector<1x1x64xf32>
    %get3A_2368 = vector.shape_cast %get3A_2367 : vector<1x1x64xf32> to vector<1x64xf32>
    %swap3A_2369 = arith.constant 131 : index
    %swap3A_2370 = arith.constant 0 : index
    %swap3A_2371 = vector.load %arg9[%swap3A_2369, %swap3A_2370] : memref<256x64xf32, #tpu.memory_space<vmem>>, vector<1x64xf32>
    tpu.vector_store %arg9[%swap3A_2369, %swap3A_2370], %get3A_2368 {strides = array<i32>} : memref<256x64xf32, #tpu.memory_space<vmem>>, vector<1x64xf32>,
    %mul3A_2372 = arith.constant 4 : i32
    %mul3A_2373 = arith.muli %arg0, %mul3A_2372 : i32
    %mul3A_2374 = arith.constant 64 : i32
    %mul3A_2375 = arith.muli %mul3A_2373, %mul3A_2374 : i32
    %add3A_2376 = arith.constant 128 : i32
    %add3A_2377 = arith.addi %mul3A_2375, %add3A_2376 : i32
    %add3A_2378 = arith.constant 4 : i32
    %add3A_2379 = arith.addi %add3A_2377, %add3A_2378 : i32
    %get3A_2380 = arith.index_cast %add3A_2379 : i32 to index
    %get3A_2381 = memref.load %arg1[%get3A_2380] : memref<2048xi32, #tpu.memory_space<smem>>
    %get3A_2382 = arith.constant 2 : index
    %get3A_2383 = arith.index_cast %get3A_2381 : i32 to index
    %get3A_2384 = arith.constant 0 : index
    %get3A_2385 = vector.load %arg3[%get3A_2382, %get3A_2383, %get3A_2384] : memref<4x4096x64xf32, #tpu.memory_space<vmem>>, vector<1x1x64xf32>
    %get3A_2386 = vector.shape_cast %get3A_2385 : vector<1x1x64xf32> to vector<1x64xf32>
    %swap3A_2387 = arith.constant 132 : index
    %swap3A_2388 = arith.constant 0 : index
    %swap3A_2389 = vector.load %arg9[%swap3A_2387, %swap3A_2388] : memref<256x64xf32, #tpu.memory_space<vmem>>, vector<1x64xf32>
    tpu.vector_store %arg9[%swap3A_2387, %swap3A_2388], %get3A_2386 {strides = array<i32>} : memref<256x64xf32, #tpu.memory_space<vmem>>, vector<1x64xf32>,
    %mul3A_2390 = arith.constant 4 : i32
    %mul3A_2391 = arith.muli %arg0, %mul3A_2390 : i32
    %mul3A_2392 = arith.constant 64 : i32
    %mul3A_2393 = arith.muli %mul3A_2391, %mul3A_2392 : i32
    %add3A_2394 = arith.constant 128 : i32
    %add3A_2395 = arith.addi %mul3A_2393, %add3A_2394 : i32
    %add3A_2396 = arith.constant 5 : i32
    %add3A_2397 = arith.addi %add3A_2395, %add3A_2396 : i32
    %get3A_2398 = arith.index_cast %add3A_2397 : i32 to index
    %get3A_2399 = memref.load %arg1[%get3A_2398] : memref<2048xi32, #tpu.memory_space<smem>>
    %get3A_2400 = arith.constant 2 : index
    %get3A_2401 = arith.index_cast %get3A_2399 : i32 to index
    %get3A_2402 = arith.constant 0 : index
    %get3A_2403 = vector.load %arg3[%get3A_2400, %get3A_2401, %get3A_2402] : memref<4x4096x64xf32, #tpu.memory_space<vmem>>, vector<1x1x64xf32>
    %get3A_2404 = vector.shape_cast %get3A_2403 : vector<1x1x64xf32> to vector<1x64xf32>
    %swap3A_2405 = arith.constant 133 : index
    %swap3A_2406 = arith.constant 0 : index
    %swap3A_2407 = vector.load %arg9[%swap3A_2405, %swap3A_2406] : memref<256x64xf32, #tpu.memory_space<vmem>>, vector<1x64xf32>
    tpu.vector_store %arg9[%swap3A_2405, %swap3A_2406], %get3A_2404 {strides = array<i32>} : memref<256x64xf32, #tpu.memory_space<vmem>>, vector<1x64xf32>,
    %mul3A_2408 = arith.constant 4 : i32
    %mul3A_2409 = arith.muli %arg0, %mul3A_2408 : i32
    %mul3A_2410 = arith.constant 64 : i32
    %mul3A_2411 = arith.muli %mul3A_2409, %mul3A_2410 : i32
    %add3A_2412 = arith.constant 128 : i32
    %add3A_2413 = arith.addi %mul3A_2411, %add3A_2412 : i32
    %add3A_2414 = arith.constant 6 : i32
    %add3A_2415 = arith.addi %add3A_2413, %add3A_2414 : i32
    %get3A_2416 = arith.index_cast %add3A_2415 : i32 to index
    %get3A_2417 = memref.load %arg1[%get3A_2416] : memref<2048xi32, #tpu.memory_space<smem>>
    %get3A_2418 = arith.constant 2 : index
    %get3A_2419 = arith.index_cast %get3A_2417 : i32 to index
    %get3A_2420 = arith.constant 0 : index
    %get3A_2421 = vector.load %arg3[%get3A_2418, %get3A_2419, %get3A_2420] : memref<4x4096x64xf32, #tpu.memory_space<vmem>>, vector<1x1x64xf32>
    %get3A_2422 = vector.shape_cast %get3A_2421 : vector<1x1x64xf32> to vector<1x64xf32>
    %swap3A_2423 = arith.constant 134 : index
    %swap3A_2424 = arith.constant 0 : index
    %swap3A_2425 = vector.load %arg9[%swap3A_2423, %swap3A_2424] : memref<256x64xf32, #tpu.memory_space<vmem>>, vector<1x64xf32>
    tpu.vector_store %arg9[%swap3A_2423, %swap3A_2424], %get3A_2422 {strides = array<i32>} : memref<256x64xf32, #tpu.memory_space<vmem>>, vector<1x64xf32>,
    %mul3A_2426 = arith.constant 4 : i32
    %mul3A_2427 = arith.muli %arg0, %mul3A_2426 : i32
    %mul3A_2428 = arith.constant 64 : i32
    %mul3A_2429 = arith.muli %mul3A_2427, %mul3A_2428 : i32
    %add3A_2430 = arith.constant 128 : i32
    %add3A_2431 = arith.addi %mul3A_2429, %add3A_2430 : i32
    %add3A_2432 = arith.constant 7 : i32
    %add3A_2433 = arith.addi %add3A_2431, %add3A_2432 : i32
    %get3A_2434 = arith.index_cast %add3A_2433 : i32 to index
    %get3A_2435 = memref.load %arg1[%get3A_2434] : memref<2048xi32, #tpu.memory_space<smem>>
    %get3A_2436 = arith.constant 2 : index
    %get3A_2437 = arith.index_cast %get3A_2435 : i32 to index
    %get3A_2438 = arith.constant 0 : index
    %get3A_2439 = vector.load %arg3[%get3A_2436, %get3A_2437, %get3A_2438] : memref<4x4096x64xf32, #tpu.memory_space<vmem>>, vector<1x1x64xf32>
    %get3A_2440 = vector.shape_cast %get3A_2439 : vector<1x1x64xf32> to vector<1x64xf32>
    %swap3A_2441 = arith.constant 135 : index
    %swap3A_2442 = arith.constant 0 : index
    %swap3A_2443 = vector.load %arg9[%swap3A_2441, %swap3A_2442] : memref<256x64xf32, #tpu.memory_space<vmem>>, vector<1x64xf32>
    tpu.vector_store %arg9[%swap3A_2441, %swap3A_2442], %get3A_2440 {strides = array<i32>} : memref<256x64xf32, #tpu.memory_space<vmem>>, vector<1x64xf32>,
    %mul3A_2444 = arith.constant 4 : i32
    %mul3A_2445 = arith.muli %arg0, %mul3A_2444 : i32
    %mul3A_2446 = arith.constant 64 : i32
    %mul3A_2447 = arith.muli %mul3A_2445, %mul3A_2446 : i32
    %add3A_2448 = arith.constant 128 : i32
    %add3A_2449 = arith.addi %mul3A_2447, %add3A_2448 : i32
    %add3A_2450 = arith.constant 8 : i32
    %add3A_2451 = arith.addi %add3A_2449, %add3A_2450 : i32
    %get3A_2452 = arith.index_cast %add3A_2451 : i32 to index
    %get3A_2453 = memref.load %arg1[%get3A_2452] : memref<2048xi32, #tpu.memory_space<smem>>
    %get3A_2454 = arith.constant 2 : index
    %get3A_2455 = arith.index_cast %get3A_2453 : i32 to index
    %get3A_2456 = arith.constant 0 : index
    %get3A_2457 = vector.load %arg3[%get3A_2454, %get3A_2455, %get3A_2456] : memref<4x4096x64xf32, #tpu.memory_space<vmem>>, vector<1x1x64xf32>
    %get3A_2458 = vector.shape_cast %get3A_2457 : vector<1x1x64xf32> to vector<1x64xf32>
    %swap3A_2459 = arith.constant 136 : index
    %swap3A_2460 = arith.constant 0 : index
    %swap3A_2461 = vector.load %arg9[%swap3A_2459, %swap3A_2460] : memref<256x64xf32, #tpu.memory_space<vmem>>, vector<1x64xf32>
    tpu.vector_store %arg9[%swap3A_2459, %swap3A_2460], %get3A_2458 {strides = array<i32>} : memref<256x64xf32, #tpu.memory_space<vmem>>, vector<1x64xf32>,
    %mul3A_2462 = arith.constant 4 : i32
    %mul3A_2463 = arith.muli %arg0, %mul3A_2462 : i32
    %mul3A_2464 = arith.constant 64 : i32
    %mul3A_2465 = arith.muli %mul3A_2463, %mul3A_2464 : i32
    %add3A_2466 = arith.constant 128 : i32
    %add3A_2467 = arith.addi %mul3A_2465, %add3A_2466 : i32
    %add3A_2468 = arith.constant 9 : i32
    %add3A_2469 = arith.addi %add3A_2467, %add3A_2468 : i32
    %get3A_2470 = arith.index_cast %add3A_2469 : i32 to index
    %get3A_2471 = memref.load %arg1[%get3A_2470] : memref<2048xi32, #tpu.memory_space<smem>>
    %get3A_2472 = arith.constant 2 : index
    %get3A_2473 = arith.index_cast %get3A_2471 : i32 to index
    %get3A_2474 = arith.constant 0 : index
    %get3A_2475 = vector.load %arg3[%get3A_2472, %get3A_2473, %get3A_2474] : memref<4x4096x64xf32, #tpu.memory_space<vmem>>, vector<1x1x64xf32>
    %get3A_2476 = vector.shape_cast %get3A_2475 : vector<1x1x64xf32> to vector<1x64xf32>
    %swap3A_2477 = arith.constant 137 : index
    %swap3A_2478 = arith.constant 0 : index
    %swap3A_2479 = vector.load %arg9[%swap3A_2477, %swap3A_2478] : memref<256x64xf32, #tpu.memory_space<vmem>>, vector<1x64xf32>
    tpu.vector_store %arg9[%swap3A_2477, %swap3A_2478], %get3A_2476 {strides = array<i32>} : memref<256x64xf32, #tpu.memory_space<vmem>>, vector<1x64xf32>,
    %mul3A_2480 = arith.constant 4 : i32
    %mul3A_2481 = arith.muli %arg0, %mul3A_2480 : i32
    %mul3A_2482 = arith.constant 64 : i32
    %mul3A_2483 = arith.muli %mul3A_2481, %mul3A_2482 : i32
    %add3A_2484 = arith.constant 128 : i32
    %add3A_2485 = arith.addi %mul3A_2483, %add3A_2484 : i32
    %add3A_2486 = arith.constant 10 : i32
    %add3A_2487 = arith.addi %add3A_2485, %add3A_2486 : i32
    %get3A_2488 = arith.index_cast %add3A_2487 : i32 to index
    %get3A_2489 = memref.load %arg1[%get3A_2488] : memref<2048xi32, #tpu.memory_space<smem>>
    %get3A_2490 = arith.constant 2 : index
    %get3A_2491 = arith.index_cast %get3A_2489 : i32 to index
    %get3A_2492 = arith.constant 0 : index
    %get3A_2493 = vector.load %arg3[%get3A_2490, %get3A_2491, %get3A_2492] : memref<4x4096x64xf32, #tpu.memory_space<vmem>>, vector<1x1x64xf32>
    %get3A_2494 = vector.shape_cast %get3A_2493 : vector<1x1x64xf32> to vector<1x64xf32>
    %swap3A_2495 = arith.constant 138 : index
    %swap3A_2496 = arith.constant 0 : index
    %swap3A_2497 = vector.load %arg9[%swap3A_2495, %swap3A_2496] : memref<256x64xf32, #tpu.memory_space<vmem>>, vector<1x64xf32>
    tpu.vector_store %arg9[%swap3A_2495, %swap3A_2496], %get3A_2494 {strides = array<i32>} : memref<256x64xf32, #tpu.memory_space<vmem>>, vector<1x64xf32>,
    %mul3A_2498 = arith.constant 4 : i32
    %mul3A_2499 = arith.muli %arg0, %mul3A_2498 : i32
    %mul3A_2500 = arith.constant 64 : i32
    %mul3A_2501 = arith.muli %mul3A_2499, %mul3A_2500 : i32
    %add3A_2502 = arith.constant 128 : i32
    %add3A_2503 = arith.addi %mul3A_2501, %add3A_2502 : i32
    %add3A_2504 = arith.constant 11 : i32
    %add3A_2505 = arith.addi %add3A_2503, %add3A_2504 : i32
    %get3A_2506 = arith.index_cast %add3A_2505 : i32 to index
    %get3A_2507 = memref.load %arg1[%get3A_2506] : memref<2048xi32, #tpu.memory_space<smem>>
    %get3A_2508 = arith.constant 2 : index
    %get3A_2509 = arith.index_cast %get3A_2507 : i32 to index
    %get3A_2510 = arith.constant 0 : index
    %get3A_2511 = vector.load %arg3[%get3A_2508, %get3A_2509, %get3A_2510] : memref<4x4096x64xf32, #tpu.memory_space<vmem>>, vector<1x1x64xf32>
    %get3A_2512 = vector.shape_cast %get3A_2511 : vector<1x1x64xf32> to vector<1x64xf32>
    %swap3A_2513 = arith.constant 139 : index
    %swap3A_2514 = arith.constant 0 : index
    %swap3A_2515 = vector.load %arg9[%swap3A_2513, %swap3A_2514] : memref<256x64xf32, #tpu.memory_space<vmem>>, vector<1x64xf32>
    tpu.vector_store %arg9[%swap3A_2513, %swap3A_2514], %get3A_2512 {strides = array<i32>} : memref<256x64xf32, #tpu.memory_space<vmem>>, vector<1x64xf32>,
    %mul3A_2516 = arith.constant 4 : i32
    %mul3A_2517 = arith.muli %arg0, %mul3A_2516 : i32
    %mul3A_2518 = arith.constant 64 : i32
    %mul3A_2519 = arith.muli %mul3A_2517, %mul3A_2518 : i32
    %add3A_2520 = arith.constant 128 : i32
    %add3A_2521 = arith.addi %mul3A_2519, %add3A_2520 : i32
    %add3A_2522 = arith.constant 12 : i32
    %add3A_2523 = arith.addi %add3A_2521, %add3A_2522 : i32
    %get3A_2524 = arith.index_cast %add3A_2523 : i32 to index
    %get3A_2525 = memref.load %arg1[%get3A_2524] : memref<2048xi32, #tpu.memory_space<smem>>
    %get3A_2526 = arith.constant 2 : index
    %get3A_2527 = arith.index_cast %get3A_2525 : i32 to index
    %get3A_2528 = arith.constant 0 : index
    %get3A_2529 = vector.load %arg3[%get3A_2526, %get3A_2527, %get3A_2528] : memref<4x4096x64xf32, #tpu.memory_space<vmem>>, vector<1x1x64xf32>
    %get3A_2530 = vector.shape_cast %get3A_2529 : vector<1x1x64xf32> to vector<1x64xf32>
    %swap3A_2531 = arith.constant 140 : index
    %swap3A_2532 = arith.constant 0 : index
    %swap3A_2533 = vector.load %arg9[%swap3A_2531, %swap3A_2532] : memref<256x64xf32, #tpu.memory_space<vmem>>, vector<1x64xf32>
    tpu.vector_store %arg9[%swap3A_2531, %swap3A_2532], %get3A_2530 {strides = array<i32>} : memref<256x64xf32, #tpu.memory_space<vmem>>, vector<1x64xf32>,
    %mul3A_2534 = arith.constant 4 : i32
    %mul3A_2535 = arith.muli %arg0, %mul3A_2534 : i32
    %mul3A_2536 = arith.constant 64 : i32
    %mul3A_2537 = arith.muli %mul3A_2535, %mul3A_2536 : i32
    %add3A_2538 = arith.constant 128 : i32
    %add3A_2539 = arith.addi %mul3A_2537, %add3A_2538 : i32
    %add3A_2540 = arith.constant 13 : i32
    %add3A_2541 = arith.addi %add3A_2539, %add3A_2540 : i32
    %get3A_2542 = arith.index_cast %add3A_2541 : i32 to index
    %get3A_2543 = memref.load %arg1[%get3A_2542] : memref<2048xi32, #tpu.memory_space<smem>>
    %get3A_2544 = arith.constant 2 : index
    %get3A_2545 = arith.index_cast %get3A_2543 : i32 to index
    %get3A_2546 = arith.constant 0 : index
    %get3A_2547 = vector.load %arg3[%get3A_2544, %get3A_2545, %get3A_2546] : memref<4x4096x64xf32, #tpu.memory_space<vmem>>, vector<1x1x64xf32>
    %get3A_2548 = vector.shape_cast %get3A_2547 : vector<1x1x64xf32> to vector<1x64xf32>
    %swap3A_2549 = arith.constant 141 : index
    %swap3A_2550 = arith.constant 0 : index
    %swap3A_2551 = vector.load %arg9[%swap3A_2549, %swap3A_2550] : memref<256x64xf32, #tpu.memory_space<vmem>>, vector<1x64xf32>
    tpu.vector_store %arg9[%swap3A_2549, %swap3A_2550], %get3A_2548 {strides = array<i32>} : memref<256x64xf32, #tpu.memory_space<vmem>>, vector<1x64xf32>,
    %mul3A_2552 = arith.constant 4 : i32
    %mul3A_2553 = arith.muli %arg0, %mul3A_2552 : i32
    %mul3A_2554 = arith.constant 64 : i32
    %mul3A_2555 = arith.muli %mul3A_2553, %mul3A_2554 : i32
    %add3A_2556 = arith.constant 128 : i32
    %add3A_2557 = arith.addi %mul3A_2555, %add3A_2556 : i32
    %add3A_2558 = arith.constant 14 : i32
    %add3A_2559 = arith.addi %add3A_2557, %add3A_2558 : i32
    %get3A_2560 = arith.index_cast %add3A_2559 : i32 to index
    %get3A_2561 = memref.load %arg1[%get3A_2560] : memref<2048xi32, #tpu.memory_space<smem>>
    %get3A_2562 = arith.constant 2 : index
    %get3A_2563 = arith.index_cast %get3A_2561 : i32 to index
    %get3A_2564 = arith.constant 0 : index
    %get3A_2565 = vector.load %arg3[%get3A_2562, %get3A_2563, %get3A_2564] : memref<4x4096x64xf32, #tpu.memory_space<vmem>>, vector<1x1x64xf32>
    %get3A_2566 = vector.shape_cast %get3A_2565 : vector<1x1x64xf32> to vector<1x64xf32>
    %swap3A_2567 = arith.constant 142 : index
    %swap3A_2568 = arith.constant 0 : index
    %swap3A_2569 = vector.load %arg9[%swap3A_2567, %swap3A_2568] : memref<256x64xf32, #tpu.memory_space<vmem>>, vector<1x64xf32>
    tpu.vector_store %arg9[%swap3A_2567, %swap3A_2568], %get3A_2566 {strides = array<i32>} : memref<256x64xf32, #tpu.memory_space<vmem>>, vector<1x64xf32>,
    %mul3A_2570 = arith.constant 4 : i32
    %mul3A_2571 = arith.muli %arg0, %mul3A_2570 : i32
    %mul3A_2572 = arith.constant 64 : i32
    %mul3A_2573 = arith.muli %mul3A_2571, %mul3A_2572 : i32
    %add3A_2574 = arith.constant 128 : i32
    %add3A_2575 = arith.addi %mul3A_2573, %add3A_2574 : i32
    %add3A_2576 = arith.constant 15 : i32
    %add3A_2577 = arith.addi %add3A_2575, %add3A_2576 : i32
    %get3A_2578 = arith.index_cast %add3A_2577 : i32 to index
    %get3A_2579 = memref.load %arg1[%get3A_2578] : memref<2048xi32, #tpu.memory_space<smem>>
    %get3A_2580 = arith.constant 2 : index
    %get3A_2581 = arith.index_cast %get3A_2579 : i32 to index
    %get3A_2582 = arith.constant 0 : index
    %get3A_2583 = vector.load %arg3[%get3A_2580, %get3A_2581, %get3A_2582] : memref<4x4096x64xf32, #tpu.memory_space<vmem>>, vector<1x1x64xf32>
    %get3A_2584 = vector.shape_cast %get3A_2583 : vector<1x1x64xf32> to vector<1x64xf32>
    %swap3A_2585 = arith.constant 143 : index
    %swap3A_2586 = arith.constant 0 : index
    %swap3A_2587 = vector.load %arg9[%swap3A_2585, %swap3A_2586] : memref<256x64xf32, #tpu.memory_space<vmem>>, vector<1x64xf32>
    tpu.vector_store %arg9[%swap3A_2585, %swap3A_2586], %get3A_2584 {strides = array<i32>} : memref<256x64xf32, #tpu.memory_space<vmem>>, vector<1x64xf32>,
    %mul3A_2588 = arith.constant 4 : i32
    %mul3A_2589 = arith.muli %arg0, %mul3A_2588 : i32
    %mul3A_2590 = arith.constant 64 : i32
    %mul3A_2591 = arith.muli %mul3A_2589, %mul3A_2590 : i32
    %add3A_2592 = arith.constant 128 : i32
    %add3A_2593 = arith.addi %mul3A_2591, %add3A_2592 : i32
    %add3A_2594 = arith.constant 16 : i32
    %add3A_2595 = arith.addi %add3A_2593, %add3A_2594 : i32
    %get3A_2596 = arith.index_cast %add3A_2595 : i32 to index
    %get3A_2597 = memref.load %arg1[%get3A_2596] : memref<2048xi32, #tpu.memory_space<smem>>
    %get3A_2598 = arith.constant 2 : index
    %get3A_2599 = arith.index_cast %get3A_2597 : i32 to index
    %get3A_2600 = arith.constant 0 : index
    %get3A_2601 = vector.load %arg3[%get3A_2598, %get3A_2599, %get3A_2600] : memref<4x4096x64xf32, #tpu.memory_space<vmem>>, vector<1x1x64xf32>
    %get3A_2602 = vector.shape_cast %get3A_2601 : vector<1x1x64xf32> to vector<1x64xf32>
    %swap3A_2603 = arith.constant 144 : index
    %swap3A_2604 = arith.constant 0 : index
    %swap3A_2605 = vector.load %arg9[%swap3A_2603, %swap3A_2604] : memref<256x64xf32, #tpu.memory_space<vmem>>, vector<1x64xf32>
    tpu.vector_store %arg9[%swap3A_2603, %swap3A_2604], %get3A_2602 {strides = array<i32>} : memref<256x64xf32, #tpu.memory_space<vmem>>, vector<1x64xf32>,
    %mul3A_2606 = arith.constant 4 : i32
    %mul3A_2607 = arith.muli %arg0, %mul3A_2606 : i32
    %mul3A_2608 = arith.constant 64 : i32
    %mul3A_2609 = arith.muli %mul3A_2607, %mul3A_2608 : i32
    %add3A_2610 = arith.constant 128 : i32
    %add3A_2611 = arith.addi %mul3A_2609, %add3A_2610 : i32
    %add3A_2612 = arith.constant 17 : i32
    %add3A_2613 = arith.addi %add3A_2611, %add3A_2612 : i32
    %get3A_2614 = arith.index_cast %add3A_2613 : i32 to index
    %get3A_2615 = memref.load %arg1[%get3A_2614] : memref<2048xi32, #tpu.memory_space<smem>>
    %get3A_2616 = arith.constant 2 : index
    %get3A_2617 = arith.index_cast %get3A_2615 : i32 to index
    %get3A_2618 = arith.constant 0 : index
    %get3A_2619 = vector.load %arg3[%get3A_2616, %get3A_2617, %get3A_2618] : memref<4x4096x64xf32, #tpu.memory_space<vmem>>, vector<1x1x64xf32>
    %get3A_2620 = vector.shape_cast %get3A_2619 : vector<1x1x64xf32> to vector<1x64xf32>
    %swap3A_2621 = arith.constant 145 : index
    %swap3A_2622 = arith.constant 0 : index
    %swap3A_2623 = vector.load %arg9[%swap3A_2621, %swap3A_2622] : memref<256x64xf32, #tpu.memory_space<vmem>>, vector<1x64xf32>
    tpu.vector_store %arg9[%swap3A_2621, %swap3A_2622], %get3A_2620 {strides = array<i32>} : memref<256x64xf32, #tpu.memory_space<vmem>>, vector<1x64xf32>,
    %mul3A_2624 = arith.constant 4 : i32
    %mul3A_2625 = arith.muli %arg0, %mul3A_2624 : i32
    %mul3A_2626 = arith.constant 64 : i32
    %mul3A_2627 = arith.muli %mul3A_2625, %mul3A_2626 : i32
    %add3A_2628 = arith.constant 128 : i32
    %add3A_2629 = arith.addi %mul3A_2627, %add3A_2628 : i32
    %add3A_2630 = arith.constant 18 : i32
    %add3A_2631 = arith.addi %add3A_2629, %add3A_2630 : i32
    %get3A_2632 = arith.index_cast %add3A_2631 : i32 to index
    %get3A_2633 = memref.load %arg1[%get3A_2632] : memref<2048xi32, #tpu.memory_space<smem>>
    %get3A_2634 = arith.constant 2 : index
    %get3A_2635 = arith.index_cast %get3A_2633 : i32 to index
    %get3A_2636 = arith.constant 0 : index
    %get3A_2637 = vector.load %arg3[%get3A_2634, %get3A_2635, %get3A_2636] : memref<4x4096x64xf32, #tpu.memory_space<vmem>>, vector<1x1x64xf32>
    %get3A_2638 = vector.shape_cast %get3A_2637 : vector<1x1x64xf32> to vector<1x64xf32>
    %swap3A_2639 = arith.constant 146 : index
    %swap3A_2640 = arith.constant 0 : index
    %swap3A_2641 = vector.load %arg9[%swap3A_2639, %swap3A_2640] : memref<256x64xf32, #tpu.memory_space<vmem>>, vector<1x64xf32>
    tpu.vector_store %arg9[%swap3A_2639, %swap3A_2640], %get3A_2638 {strides = array<i32>} : memref<256x64xf32, #tpu.memory_space<vmem>>, vector<1x64xf32>,
    %mul3A_2642 = arith.constant 4 : i32
    %mul3A_2643 = arith.muli %arg0, %mul3A_2642 : i32
    %mul3A_2644 = arith.constant 64 : i32
    %mul3A_2645 = arith.muli %mul3A_2643, %mul3A_2644 : i32
    %add3A_2646 = arith.constant 128 : i32
    %add3A_2647 = arith.addi %mul3A_2645, %add3A_2646 : i32
    %add3A_2648 = arith.constant 19 : i32
    %add3A_2649 = arith.addi %add3A_2647, %add3A_2648 : i32
    %get3A_2650 = arith.index_cast %add3A_2649 : i32 to index
    %get3A_2651 = memref.load %arg1[%get3A_2650] : memref<2048xi32, #tpu.memory_space<smem>>
    %get3A_2652 = arith.constant 2 : index
    %get3A_2653 = arith.index_cast %get3A_2651 : i32 to index
    %get3A_2654 = arith.constant 0 : index
    %get3A_2655 = vector.load %arg3[%get3A_2652, %get3A_2653, %get3A_2654] : memref<4x4096x64xf32, #tpu.memory_space<vmem>>, vector<1x1x64xf32>
    %get3A_2656 = vector.shape_cast %get3A_2655 : vector<1x1x64xf32> to vector<1x64xf32>
    %swap3A_2657 = arith.constant 147 : index
    %swap3A_2658 = arith.constant 0 : index
    %swap3A_2659 = vector.load %arg9[%swap3A_2657, %swap3A_2658] : memref<256x64xf32, #tpu.memory_space<vmem>>, vector<1x64xf32>
    tpu.vector_store %arg9[%swap3A_2657, %swap3A_2658], %get3A_2656 {strides = array<i32>} : memref<256x64xf32, #tpu.memory_space<vmem>>, vector<1x64xf32>,
    %mul3A_2660 = arith.constant 4 : i32
    %mul3A_2661 = arith.muli %arg0, %mul3A_2660 : i32
    %mul3A_2662 = arith.constant 64 : i32
    %mul3A_2663 = arith.muli %mul3A_2661, %mul3A_2662 : i32
    %add3A_2664 = arith.constant 128 : i32
    %add3A_2665 = arith.addi %mul3A_2663, %add3A_2664 : i32
    %add3A_2666 = arith.constant 20 : i32
    %add3A_2667 = arith.addi %add3A_2665, %add3A_2666 : i32
    %get3A_2668 = arith.index_cast %add3A_2667 : i32 to index
    %get3A_2669 = memref.load %arg1[%get3A_2668] : memref<2048xi32, #tpu.memory_space<smem>>
    %get3A_2670 = arith.constant 2 : index
    %get3A_2671 = arith.index_cast %get3A_2669 : i32 to index
    %get3A_2672 = arith.constant 0 : index
    %get3A_2673 = vector.load %arg3[%get3A_2670, %get3A_2671, %get3A_2672] : memref<4x4096x64xf32, #tpu.memory_space<vmem>>, vector<1x1x64xf32>
    %get3A_2674 = vector.shape_cast %get3A_2673 : vector<1x1x64xf32> to vector<1x64xf32>
    %swap3A_2675 = arith.constant 148 : index
    %swap3A_2676 = arith.constant 0 : index
    %swap3A_2677 = vector.load %arg9[%swap3A_2675, %swap3A_2676] : memref<256x64xf32, #tpu.memory_space<vmem>>, vector<1x64xf32>
    tpu.vector_store %arg9[%swap3A_2675, %swap3A_2676], %get3A_2674 {strides = array<i32>} : memref<256x64xf32, #tpu.memory_space<vmem>>, vector<1x64xf32>,
    %mul3A_2678 = arith.constant 4 : i32
    %mul3A_2679 = arith.muli %arg0, %mul3A_2678 : i32
    %mul3A_2680 = arith.constant 64 : i32
    %mul3A_2681 = arith.muli %mul3A_2679, %mul3A_2680 : i32
    %add3A_2682 = arith.constant 128 : i32
    %add3A_2683 = arith.addi %mul3A_2681, %add3A_2682 : i32
    %add3A_2684 = arith.constant 21 : i32
    %add3A_2685 = arith.addi %add3A_2683, %add3A_2684 : i32
    %get3A_2686 = arith.index_cast %add3A_2685 : i32 to index
    %get3A_2687 = memref.load %arg1[%get3A_2686] : memref<2048xi32, #tpu.memory_space<smem>>
    %get3A_2688 = arith.constant 2 : index
    %get3A_2689 = arith.index_cast %get3A_2687 : i32 to index
    %get3A_2690 = arith.constant 0 : index
    %get3A_2691 = vector.load %arg3[%get3A_2688, %get3A_2689, %get3A_2690] : memref<4x4096x64xf32, #tpu.memory_space<vmem>>, vector<1x1x64xf32>
    %get3A_2692 = vector.shape_cast %get3A_2691 : vector<1x1x64xf32> to vector<1x64xf32>
    %swap3A_2693 = arith.constant 149 : index
    %swap3A_2694 = arith.constant 0 : index
    %swap3A_2695 = vector.load %arg9[%swap3A_2693, %swap3A_2694] : memref<256x64xf32, #tpu.memory_space<vmem>>, vector<1x64xf32>
    tpu.vector_store %arg9[%swap3A_2693, %swap3A_2694], %get3A_2692 {strides = array<i32>} : memref<256x64xf32, #tpu.memory_space<vmem>>, vector<1x64xf32>,
    %mul3A_2696 = arith.constant 4 : i32
    %mul3A_2697 = arith.muli %arg0, %mul3A_2696 : i32
    %mul3A_2698 = arith.constant 64 : i32
    %mul3A_2699 = arith.muli %mul3A_2697, %mul3A_2698 : i32
    %add3A_2700 = arith.constant 128 : i32
    %add3A_2701 = arith.addi %mul3A_2699, %add3A_2700 : i32
    %add3A_2702 = arith.constant 22 : i32
    %add3A_2703 = arith.addi %add3A_2701, %add3A_2702 : i32
    %get3A_2704 = arith.index_cast %add3A_2703 : i32 to index
    %get3A_2705 = memref.load %arg1[%get3A_2704] : memref<2048xi32, #tpu.memory_space<smem>>
    %get3A_2706 = arith.constant 2 : index
    %get3A_2707 = arith.index_cast %get3A_2705 : i32 to index
    %get3A_2708 = arith.constant 0 : index
    %get3A_2709 = vector.load %arg3[%get3A_2706, %get3A_2707, %get3A_2708] : memref<4x4096x64xf32, #tpu.memory_space<vmem>>, vector<1x1x64xf32>
    %get3A_2710 = vector.shape_cast %get3A_2709 : vector<1x1x64xf32> to vector<1x64xf32>
    %swap3A_2711 = arith.constant 150 : index
    %swap3A_2712 = arith.constant 0 : index
    %swap3A_2713 = vector.load %arg9[%swap3A_2711, %swap3A_2712] : memref<256x64xf32, #tpu.memory_space<vmem>>, vector<1x64xf32>
    tpu.vector_store %arg9[%swap3A_2711, %swap3A_2712], %get3A_2710 {strides = array<i32>} : memref<256x64xf32, #tpu.memory_space<vmem>>, vector<1x64xf32>,
    %mul3A_2714 = arith.constant 4 : i32
    %mul3A_2715 = arith.muli %arg0, %mul3A_2714 : i32
    %mul3A_2716 = arith.constant 64 : i32
    %mul3A_2717 = arith.muli %mul3A_2715, %mul3A_2716 : i32
    %add3A_2718 = arith.constant 128 : i32
    %add3A_2719 = arith.addi %mul3A_2717, %add3A_2718 : i32
    %add3A_2720 = arith.constant 23 : i32
    %add3A_2721 = arith.addi %add3A_2719, %add3A_2720 : i32
    %get3A_2722 = arith.index_cast %add3A_2721 : i32 to index
    %get3A_2723 = memref.load %arg1[%get3A_2722] : memref<2048xi32, #tpu.memory_space<smem>>
    %get3A_2724 = arith.constant 2 : index
    %get3A_2725 = arith.index_cast %get3A_2723 : i32 to index
    %get3A_2726 = arith.constant 0 : index
    %get3A_2727 = vector.load %arg3[%get3A_2724, %get3A_2725, %get3A_2726] : memref<4x4096x64xf32, #tpu.memory_space<vmem>>, vector<1x1x64xf32>
    %get3A_2728 = vector.shape_cast %get3A_2727 : vector<1x1x64xf32> to vector<1x64xf32>
    %swap3A_2729 = arith.constant 151 : index
    %swap3A_2730 = arith.constant 0 : index
    %swap3A_2731 = vector.load %arg9[%swap3A_2729, %swap3A_2730] : memref<256x64xf32, #tpu.memory_space<vmem>>, vector<1x64xf32>
    tpu.vector_store %arg9[%swap3A_2729, %swap3A_2730], %get3A_2728 {strides = array<i32>} : memref<256x64xf32, #tpu.memory_space<vmem>>, vector<1x64xf32>,
    %mul3A_2732 = arith.constant 4 : i32
    %mul3A_2733 = arith.muli %arg0, %mul3A_2732 : i32
    %mul3A_2734 = arith.constant 64 : i32
    %mul3A_2735 = arith.muli %mul3A_2733, %mul3A_2734 : i32
    %add3A_2736 = arith.constant 128 : i32
    %add3A_2737 = arith.addi %mul3A_2735, %add3A_2736 : i32
    %add3A_2738 = arith.constant 24 : i32
    %add3A_2739 = arith.addi %add3A_2737, %add3A_2738 : i32
    %get3A_2740 = arith.index_cast %add3A_2739 : i32 to index
    %get3A_2741 = memref.load %arg1[%get3A_2740] : memref<2048xi32, #tpu.memory_space<smem>>
    %get3A_2742 = arith.constant 2 : index
    %get3A_2743 = arith.index_cast %get3A_2741 : i32 to index
    %get3A_2744 = arith.constant 0 : index
    %get3A_2745 = vector.load %arg3[%get3A_2742, %get3A_2743, %get3A_2744] : memref<4x4096x64xf32, #tpu.memory_space<vmem>>, vector<1x1x64xf32>
    %get3A_2746 = vector.shape_cast %get3A_2745 : vector<1x1x64xf32> to vector<1x64xf32>
    %swap3A_2747 = arith.constant 152 : index
    %swap3A_2748 = arith.constant 0 : index
    %swap3A_2749 = vector.load %arg9[%swap3A_2747, %swap3A_2748] : memref<256x64xf32, #tpu.memory_space<vmem>>, vector<1x64xf32>
    tpu.vector_store %arg9[%swap3A_2747, %swap3A_2748], %get3A_2746 {strides = array<i32>} : memref<256x64xf32, #tpu.memory_space<vmem>>, vector<1x64xf32>,
    %mul3A_2750 = arith.constant 4 : i32
    %mul3A_2751 = arith.muli %arg0, %mul3A_2750 : i32
    %mul3A_2752 = arith.constant 64 : i32
    %mul3A_2753 = arith.muli %mul3A_2751, %mul3A_2752 : i32
    %add3A_2754 = arith.constant 128 : i32
    %add3A_2755 = arith.addi %mul3A_2753, %add3A_2754 : i32
    %add3A_2756 = arith.constant 25 : i32
    %add3A_2757 = arith.addi %add3A_2755, %add3A_2756 : i32
    %get3A_2758 = arith.index_cast %add3A_2757 : i32 to index
    %get3A_2759 = memref.load %arg1[%get3A_2758] : memref<2048xi32, #tpu.memory_space<smem>>
    %get3A_2760 = arith.constant 2 : index
    %get3A_2761 = arith.index_cast %get3A_2759 : i32 to index
    %get3A_2762 = arith.constant 0 : index
    %get3A_2763 = vector.load %arg3[%get3A_2760, %get3A_2761, %get3A_2762] : memref<4x4096x64xf32, #tpu.memory_space<vmem>>, vector<1x1x64xf32>
    %get3A_2764 = vector.shape_cast %get3A_2763 : vector<1x1x64xf32> to vector<1x64xf32>
    %swap3A_2765 = arith.constant 153 : index
    %swap3A_2766 = arith.constant 0 : index
    %swap3A_2767 = vector.load %arg9[%swap3A_2765, %swap3A_2766] : memref<256x64xf32, #tpu.memory_space<vmem>>, vector<1x64xf32>
    tpu.vector_store %arg9[%swap3A_2765, %swap3A_2766], %get3A_2764 {strides = array<i32>} : memref<256x64xf32, #tpu.memory_space<vmem>>, vector<1x64xf32>,
    %mul3A_2768 = arith.constant 4 : i32
    %mul3A_2769 = arith.muli %arg0, %mul3A_2768 : i32
    %mul3A_2770 = arith.constant 64 : i32
    %mul3A_2771 = arith.muli %mul3A_2769, %mul3A_2770 : i32
    %add3A_2772 = arith.constant 128 : i32
    %add3A_2773 = arith.addi %mul3A_2771, %add3A_2772 : i32
    %add3A_2774 = arith.constant 26 : i32
    %add3A_2775 = arith.addi %add3A_2773, %add3A_2774 : i32
    %get3A_2776 = arith.index_cast %add3A_2775 : i32 to index
    %get3A_2777 = memref.load %arg1[%get3A_2776] : memref<2048xi32, #tpu.memory_space<smem>>
    %get3A_2778 = arith.constant 2 : index
    %get3A_2779 = arith.index_cast %get3A_2777 : i32 to index
    %get3A_2780 = arith.constant 0 : index
    %get3A_2781 = vector.load %arg3[%get3A_2778, %get3A_2779, %get3A_2780] : memref<4x4096x64xf32, #tpu.memory_space<vmem>>, vector<1x1x64xf32>
    %get3A_2782 = vector.shape_cast %get3A_2781 : vector<1x1x64xf32> to vector<1x64xf32>
    %swap3A_2783 = arith.constant 154 : index
    %swap3A_2784 = arith.constant 0 : index
    %swap3A_2785 = vector.load %arg9[%swap3A_2783, %swap3A_2784] : memref<256x64xf32, #tpu.memory_space<vmem>>, vector<1x64xf32>
    tpu.vector_store %arg9[%swap3A_2783, %swap3A_2784], %get3A_2782 {strides = array<i32>} : memref<256x64xf32, #tpu.memory_space<vmem>>, vector<1x64xf32>,
    %mul3A_2786 = arith.constant 4 : i32
    %mul3A_2787 = arith.muli %arg0, %mul3A_2786 : i32
    %mul3A_2788 = arith.constant 64 : i32
    %mul3A_2789 = arith.muli %mul3A_2787, %mul3A_2788 : i32
    %add3A_2790 = arith.constant 128 : i32
    %add3A_2791 = arith.addi %mul3A_2789, %add3A_2790 : i32
    %add3A_2792 = arith.constant 27 : i32
    %add3A_2793 = arith.addi %add3A_2791, %add3A_2792 : i32
    %get3A_2794 = arith.index_cast %add3A_2793 : i32 to index
    %get3A_2795 = memref.load %arg1[%get3A_2794] : memref<2048xi32, #tpu.memory_space<smem>>
    %get3A_2796 = arith.constant 2 : index
    %get3A_2797 = arith.index_cast %get3A_2795 : i32 to index
    %get3A_2798 = arith.constant 0 : index
    %get3A_2799 = vector.load %arg3[%get3A_2796, %get3A_2797, %get3A_2798] : memref<4x4096x64xf32, #tpu.memory_space<vmem>>, vector<1x1x64xf32>
    %get3A_2800 = vector.shape_cast %get3A_2799 : vector<1x1x64xf32> to vector<1x64xf32>
    %swap3A_2801 = arith.constant 155 : index
    %swap3A_2802 = arith.constant 0 : index
    %swap3A_2803 = vector.load %arg9[%swap3A_2801, %swap3A_2802] : memref<256x64xf32, #tpu.memory_space<vmem>>, vector<1x64xf32>
    tpu.vector_store %arg9[%swap3A_2801, %swap3A_2802], %get3A_2800 {strides = array<i32>} : memref<256x64xf32, #tpu.memory_space<vmem>>, vector<1x64xf32>,
    %mul3A_2804 = arith.constant 4 : i32
    %mul3A_2805 = arith.muli %arg0, %mul3A_2804 : i32
    %mul3A_2806 = arith.constant 64 : i32
    %mul3A_2807 = arith.muli %mul3A_2805, %mul3A_2806 : i32
    %add3A_2808 = arith.constant 128 : i32
    %add3A_2809 = arith.addi %mul3A_2807, %add3A_2808 : i32
    %add3A_2810 = arith.constant 28 : i32
    %add3A_2811 = arith.addi %add3A_2809, %add3A_2810 : i32
    %get3A_2812 = arith.index_cast %add3A_2811 : i32 to index
    %get3A_2813 = memref.load %arg1[%get3A_2812] : memref<2048xi32, #tpu.memory_space<smem>>
    %get3A_2814 = arith.constant 2 : index
    %get3A_2815 = arith.index_cast %get3A_2813 : i32 to index
    %get3A_2816 = arith.constant 0 : index
    %get3A_2817 = vector.load %arg3[%get3A_2814, %get3A_2815, %get3A_2816] : memref<4x4096x64xf32, #tpu.memory_space<vmem>>, vector<1x1x64xf32>
    %get3A_2818 = vector.shape_cast %get3A_2817 : vector<1x1x64xf32> to vector<1x64xf32>
    %swap3A_2819 = arith.constant 156 : index
    %swap3A_2820 = arith.constant 0 : index
    %swap3A_2821 = vector.load %arg9[%swap3A_2819, %swap3A_2820] : memref<256x64xf32, #tpu.memory_space<vmem>>, vector<1x64xf32>
    tpu.vector_store %arg9[%swap3A_2819, %swap3A_2820], %get3A_2818 {strides = array<i32>} : memref<256x64xf32, #tpu.memory_space<vmem>>, vector<1x64xf32>,
    %mul3A_2822 = arith.constant 4 : i32
    %mul3A_2823 = arith.muli %arg0, %mul3A_2822 : i32
    %mul3A_2824 = arith.constant 64 : i32
    %mul3A_2825 = arith.muli %mul3A_2823, %mul3A_2824 : i32
    %add3A_2826 = arith.constant 128 : i32
    %add3A_2827 = arith.addi %mul3A_2825, %add3A_2826 : i32
    %add3A_2828 = arith.constant 29 : i32
    %add3A_2829 = arith.addi %add3A_2827, %add3A_2828 : i32
    %get3A_2830 = arith.index_cast %add3A_2829 : i32 to index
    %get3A_2831 = memref.load %arg1[%get3A_2830] : memref<2048xi32, #tpu.memory_space<smem>>
    %get3A_2832 = arith.constant 2 : index
    %get3A_2833 = arith.index_cast %get3A_2831 : i32 to index
    %get3A_2834 = arith.constant 0 : index
    %get3A_2835 = vector.load %arg3[%get3A_2832, %get3A_2833, %get3A_2834] : memref<4x4096x64xf32, #tpu.memory_space<vmem>>, vector<1x1x64xf32>
    %get3A_2836 = vector.shape_cast %get3A_2835 : vector<1x1x64xf32> to vector<1x64xf32>
    %swap3A_2837 = arith.constant 157 : index
    %swap3A_2838 = arith.constant 0 : index
    %swap3A_2839 = vector.load %arg9[%swap3A_2837, %swap3A_2838] : memref<256x64xf32, #tpu.memory_space<vmem>>, vector<1x64xf32>
    tpu.vector_store %arg9[%swap3A_2837, %swap3A_2838], %get3A_2836 {strides = array<i32>} : memref<256x64xf32, #tpu.memory_space<vmem>>, vector<1x64xf32>,
    %mul3A_2840 = arith.constant 4 : i32
    %mul3A_2841 = arith.muli %arg0, %mul3A_2840 : i32
    %mul3A_2842 = arith.constant 64 : i32
    %mul3A_2843 = arith.muli %mul3A_2841, %mul3A_2842 : i32
    %add3A_2844 = arith.constant 128 : i32
    %add3A_2845 = arith.addi %mul3A_2843, %add3A_2844 : i32
    %add3A_2846 = arith.constant 30 : i32
    %add3A_2847 = arith.addi %add3A_2845, %add3A_2846 : i32
    %get3A_2848 = arith.index_cast %add3A_2847 : i32 to index
    %get3A_2849 = memref.load %arg1[%get3A_2848] : memref<2048xi32, #tpu.memory_space<smem>>
    %get3A_2850 = arith.constant 2 : index
    %get3A_2851 = arith.index_cast %get3A_2849 : i32 to index
    %get3A_2852 = arith.constant 0 : index
    %get3A_2853 = vector.load %arg3[%get3A_2850, %get3A_2851, %get3A_2852] : memref<4x4096x64xf32, #tpu.memory_space<vmem>>, vector<1x1x64xf32>
    %get3A_2854 = vector.shape_cast %get3A_2853 : vector<1x1x64xf32> to vector<1x64xf32>
    %swap3A_2855 = arith.constant 158 : index
    %swap3A_2856 = arith.constant 0 : index
    %swap3A_2857 = vector.load %arg9[%swap3A_2855, %swap3A_2856] : memref<256x64xf32, #tpu.memory_space<vmem>>, vector<1x64xf32>
    tpu.vector_store %arg9[%swap3A_2855, %swap3A_2856], %get3A_2854 {strides = array<i32>} : memref<256x64xf32, #tpu.memory_space<vmem>>, vector<1x64xf32>,
    %mul3A_2858 = arith.constant 4 : i32
    %mul3A_2859 = arith.muli %arg0, %mul3A_2858 : i32
    %mul3A_2860 = arith.constant 64 : i32
    %mul3A_2861 = arith.muli %mul3A_2859, %mul3A_2860 : i32
    %add3A_2862 = arith.constant 128 : i32
    %add3A_2863 = arith.addi %mul3A_2861, %add3A_2862 : i32
    %add3A_2864 = arith.constant 31 : i32
    %add3A_2865 = arith.addi %add3A_2863, %add3A_2864 : i32
    %get3A_2866 = arith.index_cast %add3A_2865 : i32 to index
    %get3A_2867 = memref.load %arg1[%get3A_2866] : memref<2048xi32, #tpu.memory_space<smem>>
    %get3A_2868 = arith.constant 2 : index
    %get3A_2869 = arith.index_cast %get3A_2867 : i32 to index
    %get3A_2870 = arith.constant 0 : index
    %get3A_2871 = vector.load %arg3[%get3A_2868, %get3A_2869, %get3A_2870] : memref<4x4096x64xf32, #tpu.memory_space<vmem>>, vector<1x1x64xf32>
    %get3A_2872 = vector.shape_cast %get3A_2871 : vector<1x1x64xf32> to vector<1x64xf32>
    %swap3A_2873 = arith.constant 159 : index
    %swap3A_2874 = arith.constant 0 : index
    %swap3A_2875 = vector.load %arg9[%swap3A_2873, %swap3A_2874] : memref<256x64xf32, #tpu.memory_space<vmem>>, vector<1x64xf32>
    tpu.vector_store %arg9[%swap3A_2873, %swap3A_2874], %get3A_2872 {strides = array<i32>} : memref<256x64xf32, #tpu.memory_space<vmem>>, vector<1x64xf32>,
    %mul3A_2876 = arith.constant 4 : i32
    %mul3A_2877 = arith.muli %arg0, %mul3A_2876 : i32
    %mul3A_2878 = arith.constant 64 : i32
    %mul3A_2879 = arith.muli %mul3A_2877, %mul3A_2878 : i32
    %add3A_2880 = arith.constant 128 : i32
    %add3A_2881 = arith.addi %mul3A_2879, %add3A_2880 : i32
    %add3A_2882 = arith.constant 32 : i32
    %add3A_2883 = arith.addi %add3A_2881, %add3A_2882 : i32
    %get3A_2884 = arith.index_cast %add3A_2883 : i32 to index
    %get3A_2885 = memref.load %arg1[%get3A_2884] : memref<2048xi32, #tpu.memory_space<smem>>
    %get3A_2886 = arith.constant 2 : index
    %get3A_2887 = arith.index_cast %get3A_2885 : i32 to index
    %get3A_2888 = arith.constant 0 : index
    %get3A_2889 = vector.load %arg3[%get3A_2886, %get3A_2887, %get3A_2888] : memref<4x4096x64xf32, #tpu.memory_space<vmem>>, vector<1x1x64xf32>
    %get3A_2890 = vector.shape_cast %get3A_2889 : vector<1x1x64xf32> to vector<1x64xf32>
    %swap3A_2891 = arith.constant 160 : index
    %swap3A_2892 = arith.constant 0 : index
    %swap3A_2893 = vector.load %arg9[%swap3A_2891, %swap3A_2892] : memref<256x64xf32, #tpu.memory_space<vmem>>, vector<1x64xf32>
    tpu.vector_store %arg9[%swap3A_2891, %swap3A_2892], %get3A_2890 {strides = array<i32>} : memref<256x64xf32, #tpu.memory_space<vmem>>, vector<1x64xf32>,
    %mul3A_2894 = arith.constant 4 : i32
    %mul3A_2895 = arith.muli %arg0, %mul3A_2894 : i32
    %mul3A_2896 = arith.constant 64 : i32
    %mul3A_2897 = arith.muli %mul3A_2895, %mul3A_2896 : i32
    %add3A_2898 = arith.constant 128 : i32
    %add3A_2899 = arith.addi %mul3A_2897, %add3A_2898 : i32
    %add3A_2900 = arith.constant 33 : i32
    %add3A_2901 = arith.addi %add3A_2899, %add3A_2900 : i32
    %get3A_2902 = arith.index_cast %add3A_2901 : i32 to index
    %get3A_2903 = memref.load %arg1[%get3A_2902] : memref<2048xi32, #tpu.memory_space<smem>>
    %get3A_2904 = arith.constant 2 : index
    %get3A_2905 = arith.index_cast %get3A_2903 : i32 to index
    %get3A_2906 = arith.constant 0 : index
    %get3A_2907 = vector.load %arg3[%get3A_2904, %get3A_2905, %get3A_2906] : memref<4x4096x64xf32, #tpu.memory_space<vmem>>, vector<1x1x64xf32>
    %get3A_2908 = vector.shape_cast %get3A_2907 : vector<1x1x64xf32> to vector<1x64xf32>
    %swap3A_2909 = arith.constant 161 : index
    %swap3A_2910 = arith.constant 0 : index
    %swap3A_2911 = vector.load %arg9[%swap3A_2909, %swap3A_2910] : memref<256x64xf32, #tpu.memory_space<vmem>>, vector<1x64xf32>
    tpu.vector_store %arg9[%swap3A_2909, %swap3A_2910], %get3A_2908 {strides = array<i32>} : memref<256x64xf32, #tpu.memory_space<vmem>>, vector<1x64xf32>,
    %mul3A_2912 = arith.constant 4 : i32
    %mul3A_2913 = arith.muli %arg0, %mul3A_2912 : i32
    %mul3A_2914 = arith.constant 64 : i32
    %mul3A_2915 = arith.muli %mul3A_2913, %mul3A_2914 : i32
    %add3A_2916 = arith.constant 128 : i32
    %add3A_2917 = arith.addi %mul3A_2915, %add3A_2916 : i32
    %add3A_2918 = arith.constant 34 : i32
    %add3A_2919 = arith.addi %add3A_2917, %add3A_2918 : i32
    %get3A_2920 = arith.index_cast %add3A_2919 : i32 to index
    %get3A_2921 = memref.load %arg1[%get3A_2920] : memref<2048xi32, #tpu.memory_space<smem>>
    %get3A_2922 = arith.constant 2 : index
    %get3A_2923 = arith.index_cast %get3A_2921 : i32 to index
    %get3A_2924 = arith.constant 0 : index
    %get3A_2925 = vector.load %arg3[%get3A_2922, %get3A_2923, %get3A_2924] : memref<4x4096x64xf32, #tpu.memory_space<vmem>>, vector<1x1x64xf32>
    %get3A_2926 = vector.shape_cast %get3A_2925 : vector<1x1x64xf32> to vector<1x64xf32>
    %swap3A_2927 = arith.constant 162 : index
    %swap3A_2928 = arith.constant 0 : index
    %swap3A_2929 = vector.load %arg9[%swap3A_2927, %swap3A_2928] : memref<256x64xf32, #tpu.memory_space<vmem>>, vector<1x64xf32>
    tpu.vector_store %arg9[%swap3A_2927, %swap3A_2928], %get3A_2926 {strides = array<i32>} : memref<256x64xf32, #tpu.memory_space<vmem>>, vector<1x64xf32>,
    %mul3A_2930 = arith.constant 4 : i32
    %mul3A_2931 = arith.muli %arg0, %mul3A_2930 : i32
    %mul3A_2932 = arith.constant 64 : i32
    %mul3A_2933 = arith.muli %mul3A_2931, %mul3A_2932 : i32
    %add3A_2934 = arith.constant 128 : i32
    %add3A_2935 = arith.addi %mul3A_2933, %add3A_2934 : i32
    %add3A_2936 = arith.constant 35 : i32
    %add3A_2937 = arith.addi %add3A_2935, %add3A_2936 : i32
    %get3A_2938 = arith.index_cast %add3A_2937 : i32 to index
    %get3A_2939 = memref.load %arg1[%get3A_2938] : memref<2048xi32, #tpu.memory_space<smem>>
    %get3A_2940 = arith.constant 2 : index
    %get3A_2941 = arith.index_cast %get3A_2939 : i32 to index
    %get3A_2942 = arith.constant 0 : index
    %get3A_2943 = vector.load %arg3[%get3A_2940, %get3A_2941, %get3A_2942] : memref<4x4096x64xf32, #tpu.memory_space<vmem>>, vector<1x1x64xf32>
    %get3A_2944 = vector.shape_cast %get3A_2943 : vector<1x1x64xf32> to vector<1x64xf32>
    %swap3A_2945 = arith.constant 163 : index
    %swap3A_2946 = arith.constant 0 : index
    %swap3A_2947 = vector.load %arg9[%swap3A_2945, %swap3A_2946] : memref<256x64xf32, #tpu.memory_space<vmem>>, vector<1x64xf32>
    tpu.vector_store %arg9[%swap3A_2945, %swap3A_2946], %get3A_2944 {strides = array<i32>} : memref<256x64xf32, #tpu.memory_space<vmem>>, vector<1x64xf32>,
    %mul3A_2948 = arith.constant 4 : i32
    %mul3A_2949 = arith.muli %arg0, %mul3A_2948 : i32
    %mul3A_2950 = arith.constant 64 : i32
    %mul3A_2951 = arith.muli %mul3A_2949, %mul3A_2950 : i32
    %add3A_2952 = arith.constant 128 : i32
    %add3A_2953 = arith.addi %mul3A_2951, %add3A_2952 : i32
    %add3A_2954 = arith.constant 36 : i32
    %add3A_2955 = arith.addi %add3A_2953, %add3A_2954 : i32
    %get3A_2956 = arith.index_cast %add3A_2955 : i32 to index
    %get3A_2957 = memref.load %arg1[%get3A_2956] : memref<2048xi32, #tpu.memory_space<smem>>
    %get3A_2958 = arith.constant 2 : index
    %get3A_2959 = arith.index_cast %get3A_2957 : i32 to index
    %get3A_2960 = arith.constant 0 : index
    %get3A_2961 = vector.load %arg3[%get3A_2958, %get3A_2959, %get3A_2960] : memref<4x4096x64xf32, #tpu.memory_space<vmem>>, vector<1x1x64xf32>
    %get3A_2962 = vector.shape_cast %get3A_2961 : vector<1x1x64xf32> to vector<1x64xf32>
    %swap3A_2963 = arith.constant 164 : index
    %swap3A_2964 = arith.constant 0 : index
    %swap3A_2965 = vector.load %arg9[%swap3A_2963, %swap3A_2964] : memref<256x64xf32, #tpu.memory_space<vmem>>, vector<1x64xf32>
    tpu.vector_store %arg9[%swap3A_2963, %swap3A_2964], %get3A_2962 {strides = array<i32>} : memref<256x64xf32, #tpu.memory_space<vmem>>, vector<1x64xf32>,
    %mul3A_2966 = arith.constant 4 : i32
    %mul3A_2967 = arith.muli %arg0, %mul3A_2966 : i32
    %mul3A_2968 = arith.constant 64 : i32
    %mul3A_2969 = arith.muli %mul3A_2967, %mul3A_2968 : i32
    %add3A_2970 = arith.constant 128 : i32
    %add3A_2971 = arith.addi %mul3A_2969, %add3A_2970 : i32
    %add3A_2972 = arith.constant 37 : i32
    %add3A_2973 = arith.addi %add3A_2971, %add3A_2972 : i32
    %get3A_2974 = arith.index_cast %add3A_2973 : i32 to index
    %get3A_2975 = memref.load %arg1[%get3A_2974] : memref<2048xi32, #tpu.memory_space<smem>>
    %get3A_2976 = arith.constant 2 : index
    %get3A_2977 = arith.index_cast %get3A_2975 : i32 to index
    %get3A_2978 = arith.constant 0 : index
    %get3A_2979 = vector.load %arg3[%get3A_2976, %get3A_2977, %get3A_2978] : memref<4x4096x64xf32, #tpu.memory_space<vmem>>, vector<1x1x64xf32>
    %get3A_2980 = vector.shape_cast %get3A_2979 : vector<1x1x64xf32> to vector<1x64xf32>
    %swap3A_2981 = arith.constant 165 : index
    %swap3A_2982 = arith.constant 0 : index
    %swap3A_2983 = vector.load %arg9[%swap3A_2981, %swap3A_2982] : memref<256x64xf32, #tpu.memory_space<vmem>>, vector<1x64xf32>
    tpu.vector_store %arg9[%swap3A_2981, %swap3A_2982], %get3A_2980 {strides = array<i32>} : memref<256x64xf32, #tpu.memory_space<vmem>>, vector<1x64xf32>,
    %mul3A_2984 = arith.constant 4 : i32
    %mul3A_2985 = arith.muli %arg0, %mul3A_2984 : i32
    %mul3A_2986 = arith.constant 64 : i32
    %mul3A_2987 = arith.muli %mul3A_2985, %mul3A_2986 : i32
    %add3A_2988 = arith.constant 128 : i32
    %add3A_2989 = arith.addi %mul3A_2987, %add3A_2988 : i32
    %add3A_2990 = arith.constant 38 : i32
    %add3A_2991 = arith.addi %add3A_2989, %add3A_2990 : i32
    %get3A_2992 = arith.index_cast %add3A_2991 : i32 to index
    %get3A_2993 = memref.load %arg1[%get3A_2992] : memref<2048xi32, #tpu.memory_space<smem>>
    %get3A_2994 = arith.constant 2 : index
    %get3A_2995 = arith.index_cast %get3A_2993 : i32 to index
    %get3A_2996 = arith.constant 0 : index
    %get3A_2997 = vector.load %arg3[%get3A_2994, %get3A_2995, %get3A_2996] : memref<4x4096x64xf32, #tpu.memory_space<vmem>>, vector<1x1x64xf32>
    %get3A_2998 = vector.shape_cast %get3A_2997 : vector<1x1x64xf32> to vector<1x64xf32>
    %swap3A_2999 = arith.constant 166 : index
    %swap3A_3000 = arith.constant 0 : index
    %swap3A_3001 = vector.load %arg9[%swap3A_2999, %swap3A_3000] : memref<256x64xf32, #tpu.memory_space<vmem>>, vector<1x64xf32>
    tpu.vector_store %arg9[%swap3A_2999, %swap3A_3000], %get3A_2998 {strides = array<i32>} : memref<256x64xf32, #tpu.memory_space<vmem>>, vector<1x64xf32>,
    %mul3A_3002 = arith.constant 4 : i32
    %mul3A_3003 = arith.muli %arg0, %mul3A_3002 : i32
    %mul3A_3004 = arith.constant 64 : i32
    %mul3A_3005 = arith.muli %mul3A_3003, %mul3A_3004 : i32
    %add3A_3006 = arith.constant 128 : i32
    %add3A_3007 = arith.addi %mul3A_3005, %add3A_3006 : i32
    %add3A_3008 = arith.constant 39 : i32
    %add3A_3009 = arith.addi %add3A_3007, %add3A_3008 : i32
    %get3A_3010 = arith.index_cast %add3A_3009 : i32 to index
    %get3A_3011 = memref.load %arg1[%get3A_3010] : memref<2048xi32, #tpu.memory_space<smem>>
    %get3A_3012 = arith.constant 2 : index
    %get3A_3013 = arith.index_cast %get3A_3011 : i32 to index
    %get3A_3014 = arith.constant 0 : index
    %get3A_3015 = vector.load %arg3[%get3A_3012, %get3A_3013, %get3A_3014] : memref<4x4096x64xf32, #tpu.memory_space<vmem>>, vector<1x1x64xf32>
    %get3A_3016 = vector.shape_cast %get3A_3015 : vector<1x1x64xf32> to vector<1x64xf32>
    %swap3A_3017 = arith.constant 167 : index
    %swap3A_3018 = arith.constant 0 : index
    %swap3A_3019 = vector.load %arg9[%swap3A_3017, %swap3A_3018] : memref<256x64xf32, #tpu.memory_space<vmem>>, vector<1x64xf32>
    tpu.vector_store %arg9[%swap3A_3017, %swap3A_3018], %get3A_3016 {strides = array<i32>} : memref<256x64xf32, #tpu.memory_space<vmem>>, vector<1x64xf32>,
    %mul3A_3020 = arith.constant 4 : i32
    %mul3A_3021 = arith.muli %arg0, %mul3A_3020 : i32
    %mul3A_3022 = arith.constant 64 : i32
    %mul3A_3023 = arith.muli %mul3A_3021, %mul3A_3022 : i32
    %add3A_3024 = arith.constant 128 : i32
    %add3A_3025 = arith.addi %mul3A_3023, %add3A_3024 : i32
    %add3A_3026 = arith.constant 40 : i32
    %add3A_3027 = arith.addi %add3A_3025, %add3A_3026 : i32
    %get3A_3028 = arith.index_cast %add3A_3027 : i32 to index
    %get3A_3029 = memref.load %arg1[%get3A_3028] : memref<2048xi32, #tpu.memory_space<smem>>
    %get3A_3030 = arith.constant 2 : index
    %get3A_3031 = arith.index_cast %get3A_3029 : i32 to index
    %get3A_3032 = arith.constant 0 : index
    %get3A_3033 = vector.load %arg3[%get3A_3030, %get3A_3031, %get3A_3032] : memref<4x4096x64xf32, #tpu.memory_space<vmem>>, vector<1x1x64xf32>
    %get3A_3034 = vector.shape_cast %get3A_3033 : vector<1x1x64xf32> to vector<1x64xf32>
    %swap3A_3035 = arith.constant 168 : index
    %swap3A_3036 = arith.constant 0 : index
    %swap3A_3037 = vector.load %arg9[%swap3A_3035, %swap3A_3036] : memref<256x64xf32, #tpu.memory_space<vmem>>, vector<1x64xf32>
    tpu.vector_store %arg9[%swap3A_3035, %swap3A_3036], %get3A_3034 {strides = array<i32>} : memref<256x64xf32, #tpu.memory_space<vmem>>, vector<1x64xf32>,
    %mul3A_3038 = arith.constant 4 : i32
    %mul3A_3039 = arith.muli %arg0, %mul3A_3038 : i32
    %mul3A_3040 = arith.constant 64 : i32
    %mul3A_3041 = arith.muli %mul3A_3039, %mul3A_3040 : i32
    %add3A_3042 = arith.constant 128 : i32
    %add3A_3043 = arith.addi %mul3A_3041, %add3A_3042 : i32
    %add3A_3044 = arith.constant 41 : i32
    %add3A_3045 = arith.addi %add3A_3043, %add3A_3044 : i32
    %get3A_3046 = arith.index_cast %add3A_3045 : i32 to index
    %get3A_3047 = memref.load %arg1[%get3A_3046] : memref<2048xi32, #tpu.memory_space<smem>>
    %get3A_3048 = arith.constant 2 : index
    %get3A_3049 = arith.index_cast %get3A_3047 : i32 to index
    %get3A_3050 = arith.constant 0 : index
    %get3A_3051 = vector.load %arg3[%get3A_3048, %get3A_3049, %get3A_3050] : memref<4x4096x64xf32, #tpu.memory_space<vmem>>, vector<1x1x64xf32>
    %get3A_3052 = vector.shape_cast %get3A_3051 : vector<1x1x64xf32> to vector<1x64xf32>
    %swap3A_3053 = arith.constant 169 : index
    %swap3A_3054 = arith.constant 0 : index
    %swap3A_3055 = vector.load %arg9[%swap3A_3053, %swap3A_3054] : memref<256x64xf32, #tpu.memory_space<vmem>>, vector<1x64xf32>
    tpu.vector_store %arg9[%swap3A_3053, %swap3A_3054], %get3A_3052 {strides = array<i32>} : memref<256x64xf32, #tpu.memory_space<vmem>>, vector<1x64xf32>,
    %mul3A_3056 = arith.constant 4 : i32
    %mul3A_3057 = arith.muli %arg0, %mul3A_3056 : i32
    %mul3A_3058 = arith.constant 64 : i32
    %mul3A_3059 = arith.muli %mul3A_3057, %mul3A_3058 : i32
    %add3A_3060 = arith.constant 128 : i32
    %add3A_3061 = arith.addi %mul3A_3059, %add3A_3060 : i32
    %add3A_3062 = arith.constant 42 : i32
    %add3A_3063 = arith.addi %add3A_3061, %add3A_3062 : i32
    %get3A_3064 = arith.index_cast %add3A_3063 : i32 to index
    %get3A_3065 = memref.load %arg1[%get3A_3064] : memref<2048xi32, #tpu.memory_space<smem>>
    %get3A_3066 = arith.constant 2 : index
    %get3A_3067 = arith.index_cast %get3A_3065 : i32 to index
    %get3A_3068 = arith.constant 0 : index
    %get3A_3069 = vector.load %arg3[%get3A_3066, %get3A_3067, %get3A_3068] : memref<4x4096x64xf32, #tpu.memory_space<vmem>>, vector<1x1x64xf32>
    %get3A_3070 = vector.shape_cast %get3A_3069 : vector<1x1x64xf32> to vector<1x64xf32>
    %swap3A_3071 = arith.constant 170 : index
    %swap3A_3072 = arith.constant 0 : index
    %swap3A_3073 = vector.load %arg9[%swap3A_3071, %swap3A_3072] : memref<256x64xf32, #tpu.memory_space<vmem>>, vector<1x64xf32>
    tpu.vector_store %arg9[%swap3A_3071, %swap3A_3072], %get3A_3070 {strides = array<i32>} : memref<256x64xf32, #tpu.memory_space<vmem>>, vector<1x64xf32>,
    %mul3A_3074 = arith.constant 4 : i32
    %mul3A_3075 = arith.muli %arg0, %mul3A_3074 : i32
    %mul3A_3076 = arith.constant 64 : i32
    %mul3A_3077 = arith.muli %mul3A_3075, %mul3A_3076 : i32
    %add3A_3078 = arith.constant 128 : i32
    %add3A_3079 = arith.addi %mul3A_3077, %add3A_3078 : i32
    %add3A_3080 = arith.constant 43 : i32
    %add3A_3081 = arith.addi %add3A_3079, %add3A_3080 : i32
    %get3A_3082 = arith.index_cast %add3A_3081 : i32 to index
    %get3A_3083 = memref.load %arg1[%get3A_3082] : memref<2048xi32, #tpu.memory_space<smem>>
    %get3A_3084 = arith.constant 2 : index
    %get3A_3085 = arith.index_cast %get3A_3083 : i32 to index
    %get3A_3086 = arith.constant 0 : index
    %get3A_3087 = vector.load %arg3[%get3A_3084, %get3A_3085, %get3A_3086] : memref<4x4096x64xf32, #tpu.memory_space<vmem>>, vector<1x1x64xf32>
    %get3A_3088 = vector.shape_cast %get3A_3087 : vector<1x1x64xf32> to vector<1x64xf32>
    %swap3A_3089 = arith.constant 171 : index
    %swap3A_3090 = arith.constant 0 : index
    %swap3A_3091 = vector.load %arg9[%swap3A_3089, %swap3A_3090] : memref<256x64xf32, #tpu.memory_space<vmem>>, vector<1x64xf32>
    tpu.vector_store %arg9[%swap3A_3089, %swap3A_3090], %get3A_3088 {strides = array<i32>} : memref<256x64xf32, #tpu.memory_space<vmem>>, vector<1x64xf32>,
    %mul3A_3092 = arith.constant 4 : i32
    %mul3A_3093 = arith.muli %arg0, %mul3A_3092 : i32
    %mul3A_3094 = arith.constant 64 : i32
    %mul3A_3095 = arith.muli %mul3A_3093, %mul3A_3094 : i32
    %add3A_3096 = arith.constant 128 : i32
    %add3A_3097 = arith.addi %mul3A_3095, %add3A_3096 : i32
    %add3A_3098 = arith.constant 44 : i32
    %add3A_3099 = arith.addi %add3A_3097, %add3A_3098 : i32
    %get3A_3100 = arith.index_cast %add3A_3099 : i32 to index
    %get3A_3101 = memref.load %arg1[%get3A_3100] : memref<2048xi32, #tpu.memory_space<smem>>
    %get3A_3102 = arith.constant 2 : index
    %get3A_3103 = arith.index_cast %get3A_3101 : i32 to index
    %get3A_3104 = arith.constant 0 : index
    %get3A_3105 = vector.load %arg3[%get3A_3102, %get3A_3103, %get3A_3104] : memref<4x4096x64xf32, #tpu.memory_space<vmem>>, vector<1x1x64xf32>
    %get3A_3106 = vector.shape_cast %get3A_3105 : vector<1x1x64xf32> to vector<1x64xf32>
    %swap3A_3107 = arith.constant 172 : index
    %swap3A_3108 = arith.constant 0 : index
    %swap3A_3109 = vector.load %arg9[%swap3A_3107, %swap3A_3108] : memref<256x64xf32, #tpu.memory_space<vmem>>, vector<1x64xf32>
    tpu.vector_store %arg9[%swap3A_3107, %swap3A_3108], %get3A_3106 {strides = array<i32>} : memref<256x64xf32, #tpu.memory_space<vmem>>, vector<1x64xf32>,
    %mul3A_3110 = arith.constant 4 : i32
    %mul3A_3111 = arith.muli %arg0, %mul3A_3110 : i32
    %mul3A_3112 = arith.constant 64 : i32
    %mul3A_3113 = arith.muli %mul3A_3111, %mul3A_3112 : i32
    %add3A_3114 = arith.constant 128 : i32
    %add3A_3115 = arith.addi %mul3A_3113, %add3A_3114 : i32
    %add3A_3116 = arith.constant 45 : i32
    %add3A_3117 = arith.addi %add3A_3115, %add3A_3116 : i32
    %get3A_3118 = arith.index_cast %add3A_3117 : i32 to index
    %get3A_3119 = memref.load %arg1[%get3A_3118] : memref<2048xi32, #tpu.memory_space<smem>>
    %get3A_3120 = arith.constant 2 : index
    %get3A_3121 = arith.index_cast %get3A_3119 : i32 to index
    %get3A_3122 = arith.constant 0 : index
    %get3A_3123 = vector.load %arg3[%get3A_3120, %get3A_3121, %get3A_3122] : memref<4x4096x64xf32, #tpu.memory_space<vmem>>, vector<1x1x64xf32>
    %get3A_3124 = vector.shape_cast %get3A_3123 : vector<1x1x64xf32> to vector<1x64xf32>
    %swap3A_3125 = arith.constant 173 : index
    %swap3A_3126 = arith.constant 0 : index
    %swap3A_3127 = vector.load %arg9[%swap3A_3125, %swap3A_3126] : memref<256x64xf32, #tpu.memory_space<vmem>>, vector<1x64xf32>
    tpu.vector_store %arg9[%swap3A_3125, %swap3A_3126], %get3A_3124 {strides = array<i32>} : memref<256x64xf32, #tpu.memory_space<vmem>>, vector<1x64xf32>,
    %mul3A_3128 = arith.constant 4 : i32
    %mul3A_3129 = arith.muli %arg0, %mul3A_3128 : i32
    %mul3A_3130 = arith.constant 64 : i32
    %mul3A_3131 = arith.muli %mul3A_3129, %mul3A_3130 : i32
    %add3A_3132 = arith.constant 128 : i32
    %add3A_3133 = arith.addi %mul3A_3131, %add3A_3132 : i32
    %add3A_3134 = arith.constant 46 : i32
    %add3A_3135 = arith.addi %add3A_3133, %add3A_3134 : i32
    %get3A_3136 = arith.index_cast %add3A_3135 : i32 to index
    %get3A_3137 = memref.load %arg1[%get3A_3136] : memref<2048xi32, #tpu.memory_space<smem>>
    %get3A_3138 = arith.constant 2 : index
    %get3A_3139 = arith.index_cast %get3A_3137 : i32 to index
    %get3A_3140 = arith.constant 0 : index
    %get3A_3141 = vector.load %arg3[%get3A_3138, %get3A_3139, %get3A_3140] : memref<4x4096x64xf32, #tpu.memory_space<vmem>>, vector<1x1x64xf32>
    %get3A_3142 = vector.shape_cast %get3A_3141 : vector<1x1x64xf32> to vector<1x64xf32>
    %swap3A_3143 = arith.constant 174 : index
    %swap3A_3144 = arith.constant 0 : index
    %swap3A_3145 = vector.load %arg9[%swap3A_3143, %swap3A_3144] : memref<256x64xf32, #tpu.memory_space<vmem>>, vector<1x64xf32>
    tpu.vector_store %arg9[%swap3A_3143, %swap3A_3144], %get3A_3142 {strides = array<i32>} : memref<256x64xf32, #tpu.memory_space<vmem>>, vector<1x64xf32>,
    %mul3A_3146 = arith.constant 4 : i32
    %mul3A_3147 = arith.muli %arg0, %mul3A_3146 : i32
    %mul3A_3148 = arith.constant 64 : i32
    %mul3A_3149 = arith.muli %mul3A_3147, %mul3A_3148 : i32
    %add3A_3150 = arith.constant 128 : i32
    %add3A_3151 = arith.addi %mul3A_3149, %add3A_3150 : i32
    %add3A_3152 = arith.constant 47 : i32
    %add3A_3153 = arith.addi %add3A_3151, %add3A_3152 : i32
    %get3A_3154 = arith.index_cast %add3A_3153 : i32 to index
    %get3A_3155 = memref.load %arg1[%get3A_3154] : memref<2048xi32, #tpu.memory_space<smem>>
    %get3A_3156 = arith.constant 2 : index
    %get3A_3157 = arith.index_cast %get3A_3155 : i32 to index
    %get3A_3158 = arith.constant 0 : index
    %get3A_3159 = vector.load %arg3[%get3A_3156, %get3A_3157, %get3A_3158] : memref<4x4096x64xf32, #tpu.memory_space<vmem>>, vector<1x1x64xf32>
    %get3A_3160 = vector.shape_cast %get3A_3159 : vector<1x1x64xf32> to vector<1x64xf32>
    %swap3A_3161 = arith.constant 175 : index
    %swap3A_3162 = arith.constant 0 : index
    %swap3A_3163 = vector.load %arg9[%swap3A_3161, %swap3A_3162] : memref<256x64xf32, #tpu.memory_space<vmem>>, vector<1x64xf32>
    tpu.vector_store %arg9[%swap3A_3161, %swap3A_3162], %get3A_3160 {strides = array<i32>} : memref<256x64xf32, #tpu.memory_space<vmem>>, vector<1x64xf32>,
    %mul3A_3164 = arith.constant 4 : i32
    %mul3A_3165 = arith.muli %arg0, %mul3A_3164 : i32
    %mul3A_3166 = arith.constant 64 : i32
    %mul3A_3167 = arith.muli %mul3A_3165, %mul3A_3166 : i32
    %add3A_3168 = arith.constant 128 : i32
    %add3A_3169 = arith.addi %mul3A_3167, %add3A_3168 : i32
    %add3A_3170 = arith.constant 48 : i32
    %add3A_3171 = arith.addi %add3A_3169, %add3A_3170 : i32
    %get3A_3172 = arith.index_cast %add3A_3171 : i32 to index
    %get3A_3173 = memref.load %arg1[%get3A_3172] : memref<2048xi32, #tpu.memory_space<smem>>
    %get3A_3174 = arith.constant 2 : index
    %get3A_3175 = arith.index_cast %get3A_3173 : i32 to index
    %get3A_3176 = arith.constant 0 : index
    %get3A_3177 = vector.load %arg3[%get3A_3174, %get3A_3175, %get3A_3176] : memref<4x4096x64xf32, #tpu.memory_space<vmem>>, vector<1x1x64xf32>
    %get3A_3178 = vector.shape_cast %get3A_3177 : vector<1x1x64xf32> to vector<1x64xf32>
    %swap3A_3179 = arith.constant 176 : index
    %swap3A_3180 = arith.constant 0 : index
    %swap3A_3181 = vector.load %arg9[%swap3A_3179, %swap3A_3180] : memref<256x64xf32, #tpu.memory_space<vmem>>, vector<1x64xf32>
    tpu.vector_store %arg9[%swap3A_3179, %swap3A_3180], %get3A_3178 {strides = array<i32>} : memref<256x64xf32, #tpu.memory_space<vmem>>, vector<1x64xf32>,
    %mul3A_3182 = arith.constant 4 : i32
    %mul3A_3183 = arith.muli %arg0, %mul3A_3182 : i32
    %mul3A_3184 = arith.constant 64 : i32
    %mul3A_3185 = arith.muli %mul3A_3183, %mul3A_3184 : i32
    %add3A_3186 = arith.constant 128 : i32
    %add3A_3187 = arith.addi %mul3A_3185, %add3A_3186 : i32
    %add3A_3188 = arith.constant 49 : i32
    %add3A_3189 = arith.addi %add3A_3187, %add3A_3188 : i32
    %get3A_3190 = arith.index_cast %add3A_3189 : i32 to index
    %get3A_3191 = memref.load %arg1[%get3A_3190] : memref<2048xi32, #tpu.memory_space<smem>>
    %get3A_3192 = arith.constant 2 : index
    %get3A_3193 = arith.index_cast %get3A_3191 : i32 to index
    %get3A_3194 = arith.constant 0 : index
    %get3A_3195 = vector.load %arg3[%get3A_3192, %get3A_3193, %get3A_3194] : memref<4x4096x64xf32, #tpu.memory_space<vmem>>, vector<1x1x64xf32>
    %get3A_3196 = vector.shape_cast %get3A_3195 : vector<1x1x64xf32> to vector<1x64xf32>
    %swap3A_3197 = arith.constant 177 : index
    %swap3A_3198 = arith.constant 0 : index
    %swap3A_3199 = vector.load %arg9[%swap3A_3197, %swap3A_3198] : memref<256x64xf32, #tpu.memory_space<vmem>>, vector<1x64xf32>
    tpu.vector_store %arg9[%swap3A_3197, %swap3A_3198], %get3A_3196 {strides = array<i32>} : memref<256x64xf32, #tpu.memory_space<vmem>>, vector<1x64xf32>,
    %mul3A_3200 = arith.constant 4 : i32
    %mul3A_3201 = arith.muli %arg0, %mul3A_3200 : i32
    %mul3A_3202 = arith.constant 64 : i32
    %mul3A_3203 = arith.muli %mul3A_3201, %mul3A_3202 : i32
    %add3A_3204 = arith.constant 128 : i32
    %add3A_3205 = arith.addi %mul3A_3203, %add3A_3204 : i32
    %add3A_3206 = arith.constant 50 : i32
    %add3A_3207 = arith.addi %add3A_3205, %add3A_3206 : i32
    %get3A_3208 = arith.index_cast %add3A_3207 : i32 to index
    %get3A_3209 = memref.load %arg1[%get3A_3208] : memref<2048xi32, #tpu.memory_space<smem>>
    %get3A_3210 = arith.constant 2 : index
    %get3A_3211 = arith.index_cast %get3A_3209 : i32 to index
    %get3A_3212 = arith.constant 0 : index
    %get3A_3213 = vector.load %arg3[%get3A_3210, %get3A_3211, %get3A_3212] : memref<4x4096x64xf32, #tpu.memory_space<vmem>>, vector<1x1x64xf32>
    %get3A_3214 = vector.shape_cast %get3A_3213 : vector<1x1x64xf32> to vector<1x64xf32>
    %swap3A_3215 = arith.constant 178 : index
    %swap3A_3216 = arith.constant 0 : index
    %swap3A_3217 = vector.load %arg9[%swap3A_3215, %swap3A_3216] : memref<256x64xf32, #tpu.memory_space<vmem>>, vector<1x64xf32>
    tpu.vector_store %arg9[%swap3A_3215, %swap3A_3216], %get3A_3214 {strides = array<i32>} : memref<256x64xf32, #tpu.memory_space<vmem>>, vector<1x64xf32>,
    %mul3A_3218 = arith.constant 4 : i32
    %mul3A_3219 = arith.muli %arg0, %mul3A_3218 : i32
    %mul3A_3220 = arith.constant 64 : i32
    %mul3A_3221 = arith.muli %mul3A_3219, %mul3A_3220 : i32
    %add3A_3222 = arith.constant 128 : i32
    %add3A_3223 = arith.addi %mul3A_3221, %add3A_3222 : i32
    %add3A_3224 = arith.constant 51 : i32
    %add3A_3225 = arith.addi %add3A_3223, %add3A_3224 : i32
    %get3A_3226 = arith.index_cast %add3A_3225 : i32 to index
    %get3A_3227 = memref.load %arg1[%get3A_3226] : memref<2048xi32, #tpu.memory_space<smem>>
    %get3A_3228 = arith.constant 2 : index
    %get3A_3229 = arith.index_cast %get3A_3227 : i32 to index
    %get3A_3230 = arith.constant 0 : index
    %get3A_3231 = vector.load %arg3[%get3A_3228, %get3A_3229, %get3A_3230] : memref<4x4096x64xf32, #tpu.memory_space<vmem>>, vector<1x1x64xf32>
    %get3A_3232 = vector.shape_cast %get3A_3231 : vector<1x1x64xf32> to vector<1x64xf32>
    %swap3A_3233 = arith.constant 179 : index
    %swap3A_3234 = arith.constant 0 : index
    %swap3A_3235 = vector.load %arg9[%swap3A_3233, %swap3A_3234] : memref<256x64xf32, #tpu.memory_space<vmem>>, vector<1x64xf32>
    tpu.vector_store %arg9[%swap3A_3233, %swap3A_3234], %get3A_3232 {strides = array<i32>} : memref<256x64xf32, #tpu.memory_space<vmem>>, vector<1x64xf32>,
    %mul3A_3236 = arith.constant 4 : i32
    %mul3A_3237 = arith.muli %arg0, %mul3A_3236 : i32
    %mul3A_3238 = arith.constant 64 : i32
    %mul3A_3239 = arith.muli %mul3A_3237, %mul3A_3238 : i32
    %add3A_3240 = arith.constant 128 : i32
    %add3A_3241 = arith.addi %mul3A_3239, %add3A_3240 : i32
    %add3A_3242 = arith.constant 52 : i32
    %add3A_3243 = arith.addi %add3A_3241, %add3A_3242 : i32
    %get3A_3244 = arith.index_cast %add3A_3243 : i32 to index
    %get3A_3245 = memref.load %arg1[%get3A_3244] : memref<2048xi32, #tpu.memory_space<smem>>
    %get3A_3246 = arith.constant 2 : index
    %get3A_3247 = arith.index_cast %get3A_3245 : i32 to index
    %get3A_3248 = arith.constant 0 : index
    %get3A_3249 = vector.load %arg3[%get3A_3246, %get3A_3247, %get3A_3248] : memref<4x4096x64xf32, #tpu.memory_space<vmem>>, vector<1x1x64xf32>
    %get3A_3250 = vector.shape_cast %get3A_3249 : vector<1x1x64xf32> to vector<1x64xf32>
    %swap3A_3251 = arith.constant 180 : index
    %swap3A_3252 = arith.constant 0 : index
    %swap3A_3253 = vector.load %arg9[%swap3A_3251, %swap3A_3252] : memref<256x64xf32, #tpu.memory_space<vmem>>, vector<1x64xf32>
    tpu.vector_store %arg9[%swap3A_3251, %swap3A_3252], %get3A_3250 {strides = array<i32>} : memref<256x64xf32, #tpu.memory_space<vmem>>, vector<1x64xf32>,
    %mul3A_3254 = arith.constant 4 : i32
    %mul3A_3255 = arith.muli %arg0, %mul3A_3254 : i32
    %mul3A_3256 = arith.constant 64 : i32
    %mul3A_3257 = arith.muli %mul3A_3255, %mul3A_3256 : i32
    %add3A_3258 = arith.constant 128 : i32
    %add3A_3259 = arith.addi %mul3A_3257, %add3A_3258 : i32
    %add3A_3260 = arith.constant 53 : i32
    %add3A_3261 = arith.addi %add3A_3259, %add3A_3260 : i32
    %get3A_3262 = arith.index_cast %add3A_3261 : i32 to index
    %get3A_3263 = memref.load %arg1[%get3A_3262] : memref<2048xi32, #tpu.memory_space<smem>>
    %get3A_3264 = arith.constant 2 : index
    %get3A_3265 = arith.index_cast %get3A_3263 : i32 to index
    %get3A_3266 = arith.constant 0 : index
    %get3A_3267 = vector.load %arg3[%get3A_3264, %get3A_3265, %get3A_3266] : memref<4x4096x64xf32, #tpu.memory_space<vmem>>, vector<1x1x64xf32>
    %get3A_3268 = vector.shape_cast %get3A_3267 : vector<1x1x64xf32> to vector<1x64xf32>
    %swap3A_3269 = arith.constant 181 : index
    %swap3A_3270 = arith.constant 0 : index
    %swap3A_3271 = vector.load %arg9[%swap3A_3269, %swap3A_3270] : memref<256x64xf32, #tpu.memory_space<vmem>>, vector<1x64xf32>
    tpu.vector_store %arg9[%swap3A_3269, %swap3A_3270], %get3A_3268 {strides = array<i32>} : memref<256x64xf32, #tpu.memory_space<vmem>>, vector<1x64xf32>,
    %mul3A_3272 = arith.constant 4 : i32
    %mul3A_3273 = arith.muli %arg0, %mul3A_3272 : i32
    %mul3A_3274 = arith.constant 64 : i32
    %mul3A_3275 = arith.muli %mul3A_3273, %mul3A_3274 : i32
    %add3A_3276 = arith.constant 128 : i32
    %add3A_3277 = arith.addi %mul3A_3275, %add3A_3276 : i32
    %add3A_3278 = arith.constant 54 : i32
    %add3A_3279 = arith.addi %add3A_3277, %add3A_3278 : i32
    %get3A_3280 = arith.index_cast %add3A_3279 : i32 to index
    %get3A_3281 = memref.load %arg1[%get3A_3280] : memref<2048xi32, #tpu.memory_space<smem>>
    %get3A_3282 = arith.constant 2 : index
    %get3A_3283 = arith.index_cast %get3A_3281 : i32 to index
    %get3A_3284 = arith.constant 0 : index
    %get3A_3285 = vector.load %arg3[%get3A_3282, %get3A_3283, %get3A_3284] : memref<4x4096x64xf32, #tpu.memory_space<vmem>>, vector<1x1x64xf32>
    %get3A_3286 = vector.shape_cast %get3A_3285 : vector<1x1x64xf32> to vector<1x64xf32>
    %swap3A_3287 = arith.constant 182 : index
    %swap3A_3288 = arith.constant 0 : index
    %swap3A_3289 = vector.load %arg9[%swap3A_3287, %swap3A_3288] : memref<256x64xf32, #tpu.memory_space<vmem>>, vector<1x64xf32>
    tpu.vector_store %arg9[%swap3A_3287, %swap3A_3288], %get3A_3286 {strides = array<i32>} : memref<256x64xf32, #tpu.memory_space<vmem>>, vector<1x64xf32>,
    %mul3A_3290 = arith.constant 4 : i32
    %mul3A_3291 = arith.muli %arg0, %mul3A_3290 : i32
    %mul3A_3292 = arith.constant 64 : i32
    %mul3A_3293 = arith.muli %mul3A_3291, %mul3A_3292 : i32
    %add3A_3294 = arith.constant 128 : i32
    %add3A_3295 = arith.addi %mul3A_3293, %add3A_3294 : i32
    %add3A_3296 = arith.constant 55 : i32
    %add3A_3297 = arith.addi %add3A_3295, %add3A_3296 : i32
    %get3A_3298 = arith.index_cast %add3A_3297 : i32 to index
    %get3A_3299 = memref.load %arg1[%get3A_3298] : memref<2048xi32, #tpu.memory_space<smem>>
    %get3A_3300 = arith.constant 2 : index
    %get3A_3301 = arith.index_cast %get3A_3299 : i32 to index
    %get3A_3302 = arith.constant 0 : index
    %get3A_3303 = vector.load %arg3[%get3A_3300, %get3A_3301, %get3A_3302] : memref<4x4096x64xf32, #tpu.memory_space<vmem>>, vector<1x1x64xf32>
    %get3A_3304 = vector.shape_cast %get3A_3303 : vector<1x1x64xf32> to vector<1x64xf32>
    %swap3A_3305 = arith.constant 183 : index
    %swap3A_3306 = arith.constant 0 : index
    %swap3A_3307 = vector.load %arg9[%swap3A_3305, %swap3A_3306] : memref<256x64xf32, #tpu.memory_space<vmem>>, vector<1x64xf32>
    tpu.vector_store %arg9[%swap3A_3305, %swap3A_3306], %get3A_3304 {strides = array<i32>} : memref<256x64xf32, #tpu.memory_space<vmem>>, vector<1x64xf32>,
    %mul3A_3308 = arith.constant 4 : i32
    %mul3A_3309 = arith.muli %arg0, %mul3A_3308 : i32
    %mul3A_3310 = arith.constant 64 : i32
    %mul3A_3311 = arith.muli %mul3A_3309, %mul3A_3310 : i32
    %add3A_3312 = arith.constant 128 : i32
    %add3A_3313 = arith.addi %mul3A_3311, %add3A_3312 : i32
    %add3A_3314 = arith.constant 56 : i32
    %add3A_3315 = arith.addi %add3A_3313, %add3A_3314 : i32
    %get3A_3316 = arith.index_cast %add3A_3315 : i32 to index
    %get3A_3317 = memref.load %arg1[%get3A_3316] : memref<2048xi32, #tpu.memory_space<smem>>
    %get3A_3318 = arith.constant 2 : index
    %get3A_3319 = arith.index_cast %get3A_3317 : i32 to index
    %get3A_3320 = arith.constant 0 : index
    %get3A_3321 = vector.load %arg3[%get3A_3318, %get3A_3319, %get3A_3320] : memref<4x4096x64xf32, #tpu.memory_space<vmem>>, vector<1x1x64xf32>
    %get3A_3322 = vector.shape_cast %get3A_3321 : vector<1x1x64xf32> to vector<1x64xf32>
    %swap3A_3323 = arith.constant 184 : index
    %swap3A_3324 = arith.constant 0 : index
    %swap3A_3325 = vector.load %arg9[%swap3A_3323, %swap3A_3324] : memref<256x64xf32, #tpu.memory_space<vmem>>, vector<1x64xf32>
    tpu.vector_store %arg9[%swap3A_3323, %swap3A_3324], %get3A_3322 {strides = array<i32>} : memref<256x64xf32, #tpu.memory_space<vmem>>, vector<1x64xf32>,
    %mul3A_3326 = arith.constant 4 : i32
    %mul3A_3327 = arith.muli %arg0, %mul3A_3326 : i32
    %mul3A_3328 = arith.constant 64 : i32
    %mul3A_3329 = arith.muli %mul3A_3327, %mul3A_3328 : i32
    %add3A_3330 = arith.constant 128 : i32
    %add3A_3331 = arith.addi %mul3A_3329, %add3A_3330 : i32
    %add3A_3332 = arith.constant 57 : i32
    %add3A_3333 = arith.addi %add3A_3331, %add3A_3332 : i32
    %get3A_3334 = arith.index_cast %add3A_3333 : i32 to index
    %get3A_3335 = memref.load %arg1[%get3A_3334] : memref<2048xi32, #tpu.memory_space<smem>>
    %get3A_3336 = arith.constant 2 : index
    %get3A_3337 = arith.index_cast %get3A_3335 : i32 to index
    %get3A_3338 = arith.constant 0 : index
    %get3A_3339 = vector.load %arg3[%get3A_3336, %get3A_3337, %get3A_3338] : memref<4x4096x64xf32, #tpu.memory_space<vmem>>, vector<1x1x64xf32>
    %get3A_3340 = vector.shape_cast %get3A_3339 : vector<1x1x64xf32> to vector<1x64xf32>
    %swap3A_3341 = arith.constant 185 : index
    %swap3A_3342 = arith.constant 0 : index
    %swap3A_3343 = vector.load %arg9[%swap3A_3341, %swap3A_3342] : memref<256x64xf32, #tpu.memory_space<vmem>>, vector<1x64xf32>
    tpu.vector_store %arg9[%swap3A_3341, %swap3A_3342], %get3A_3340 {strides = array<i32>} : memref<256x64xf32, #tpu.memory_space<vmem>>, vector<1x64xf32>,
    %mul3A_3344 = arith.constant 4 : i32
    %mul3A_3345 = arith.muli %arg0, %mul3A_3344 : i32
    %mul3A_3346 = arith.constant 64 : i32
    %mul3A_3347 = arith.muli %mul3A_3345, %mul3A_3346 : i32
    %add3A_3348 = arith.constant 128 : i32
    %add3A_3349 = arith.addi %mul3A_3347, %add3A_3348 : i32
    %add3A_3350 = arith.constant 58 : i32
    %add3A_3351 = arith.addi %add3A_3349, %add3A_3350 : i32
    %get3A_3352 = arith.index_cast %add3A_3351 : i32 to index
    %get3A_3353 = memref.load %arg1[%get3A_3352] : memref<2048xi32, #tpu.memory_space<smem>>
    %get3A_3354 = arith.constant 2 : index
    %get3A_3355 = arith.index_cast %get3A_3353 : i32 to index
    %get3A_3356 = arith.constant 0 : index
    %get3A_3357 = vector.load %arg3[%get3A_3354, %get3A_3355, %get3A_3356] : memref<4x4096x64xf32, #tpu.memory_space<vmem>>, vector<1x1x64xf32>
    %get3A_3358 = vector.shape_cast %get3A_3357 : vector<1x1x64xf32> to vector<1x64xf32>
    %swap3A_3359 = arith.constant 186 : index
    %swap3A_3360 = arith.constant 0 : index
    %swap3A_3361 = vector.load %arg9[%swap3A_3359, %swap3A_3360] : memref<256x64xf32, #tpu.memory_space<vmem>>, vector<1x64xf32>
    tpu.vector_store %arg9[%swap3A_3359, %swap3A_3360], %get3A_3358 {strides = array<i32>} : memref<256x64xf32, #tpu.memory_space<vmem>>, vector<1x64xf32>,
    %mul3A_3362 = arith.constant 4 : i32
    %mul3A_3363 = arith.muli %arg0, %mul3A_3362 : i32
    %mul3A_3364 = arith.constant 64 : i32
    %mul3A_3365 = arith.muli %mul3A_3363, %mul3A_3364 : i32
    %add3A_3366 = arith.constant 128 : i32
    %add3A_3367 = arith.addi %mul3A_3365, %add3A_3366 : i32
    %add3A_3368 = arith.constant 59 : i32
    %add3A_3369 = arith.addi %add3A_3367, %add3A_3368 : i32
    %get3A_3370 = arith.index_cast %add3A_3369 : i32 to index
    %get3A_3371 = memref.load %arg1[%get3A_3370] : memref<2048xi32, #tpu.memory_space<smem>>
    %get3A_3372 = arith.constant 2 : index
    %get3A_3373 = arith.index_cast %get3A_3371 : i32 to index
    %get3A_3374 = arith.constant 0 : index
    %get3A_3375 = vector.load %arg3[%get3A_3372, %get3A_3373, %get3A_3374] : memref<4x4096x64xf32, #tpu.memory_space<vmem>>, vector<1x1x64xf32>
    %get3A_3376 = vector.shape_cast %get3A_3375 : vector<1x1x64xf32> to vector<1x64xf32>
    %swap3A_3377 = arith.constant 187 : index
    %swap3A_3378 = arith.constant 0 : index
    %swap3A_3379 = vector.load %arg9[%swap3A_3377, %swap3A_3378] : memref<256x64xf32, #tpu.memory_space<vmem>>, vector<1x64xf32>
    tpu.vector_store %arg9[%swap3A_3377, %swap3A_3378], %get3A_3376 {strides = array<i32>} : memref<256x64xf32, #tpu.memory_space<vmem>>, vector<1x64xf32>,
    %mul3A_3380 = arith.constant 4 : i32
    %mul3A_3381 = arith.muli %arg0, %mul3A_3380 : i32
    %mul3A_3382 = arith.constant 64 : i32
    %mul3A_3383 = arith.muli %mul3A_3381, %mul3A_3382 : i32
    %add3A_3384 = arith.constant 128 : i32
    %add3A_3385 = arith.addi %mul3A_3383, %add3A_3384 : i32
    %add3A_3386 = arith.constant 60 : i32
    %add3A_3387 = arith.addi %add3A_3385, %add3A_3386 : i32
    %get3A_3388 = arith.index_cast %add3A_3387 : i32 to index
    %get3A_3389 = memref.load %arg1[%get3A_3388] : memref<2048xi32, #tpu.memory_space<smem>>
    %get3A_3390 = arith.constant 2 : index
    %get3A_3391 = arith.index_cast %get3A_3389 : i32 to index
    %get3A_3392 = arith.constant 0 : index
    %get3A_3393 = vector.load %arg3[%get3A_3390, %get3A_3391, %get3A_3392] : memref<4x4096x64xf32, #tpu.memory_space<vmem>>, vector<1x1x64xf32>
    %get3A_3394 = vector.shape_cast %get3A_3393 : vector<1x1x64xf32> to vector<1x64xf32>
    %swap3A_3395 = arith.constant 188 : index
    %swap3A_3396 = arith.constant 0 : index
    %swap3A_3397 = vector.load %arg9[%swap3A_3395, %swap3A_3396] : memref<256x64xf32, #tpu.memory_space<vmem>>, vector<1x64xf32>
    tpu.vector_store %arg9[%swap3A_3395, %swap3A_3396], %get3A_3394 {strides = array<i32>} : memref<256x64xf32, #tpu.memory_space<vmem>>, vector<1x64xf32>,
    %mul3A_3398 = arith.constant 4 : i32
    %mul3A_3399 = arith.muli %arg0, %mul3A_3398 : i32
    %mul3A_3400 = arith.constant 64 : i32
    %mul3A_3401 = arith.muli %mul3A_3399, %mul3A_3400 : i32
    %add3A_3402 = arith.constant 128 : i32
    %add3A_3403 = arith.addi %mul3A_3401, %add3A_3402 : i32
    %add3A_3404 = arith.constant 61 : i32
    %add3A_3405 = arith.addi %add3A_3403, %add3A_3404 : i32
    %get3A_3406 = arith.index_cast %add3A_3405 : i32 to index
    %get3A_3407 = memref.load %arg1[%get3A_3406] : memref<2048xi32, #tpu.memory_space<smem>>
    %get3A_3408 = arith.constant 2 : index
    %get3A_3409 = arith.index_cast %get3A_3407 : i32 to index
    %get3A_3410 = arith.constant 0 : index
    %get3A_3411 = vector.load %arg3[%get3A_3408, %get3A_3409, %get3A_3410] : memref<4x4096x64xf32, #tpu.memory_space<vmem>>, vector<1x1x64xf32>
    %get3A_3412 = vector.shape_cast %get3A_3411 : vector<1x1x64xf32> to vector<1x64xf32>
    %swap3A_3413 = arith.constant 189 : index
    %swap3A_3414 = arith.constant 0 : index
    %swap3A_3415 = vector.load %arg9[%swap3A_3413, %swap3A_3414] : memref<256x64xf32, #tpu.memory_space<vmem>>, vector<1x64xf32>
    tpu.vector_store %arg9[%swap3A_3413, %swap3A_3414], %get3A_3412 {strides = array<i32>} : memref<256x64xf32, #tpu.memory_space<vmem>>, vector<1x64xf32>,
    %mul3A_3416 = arith.constant 4 : i32
    %mul3A_3417 = arith.muli %arg0, %mul3A_3416 : i32
    %mul3A_3418 = arith.constant 64 : i32
    %mul3A_3419 = arith.muli %mul3A_3417, %mul3A_3418 : i32
    %add3A_3420 = arith.constant 128 : i32
    %add3A_3421 = arith.addi %mul3A_3419, %add3A_3420 : i32
    %add3A_3422 = arith.constant 62 : i32
    %add3A_3423 = arith.addi %add3A_3421, %add3A_3422 : i32
    %get3A_3424 = arith.index_cast %add3A_3423 : i32 to index
    %get3A_3425 = memref.load %arg1[%get3A_3424] : memref<2048xi32, #tpu.memory_space<smem>>
    %get3A_3426 = arith.constant 2 : index
    %get3A_3427 = arith.index_cast %get3A_3425 : i32 to index
    %get3A_3428 = arith.constant 0 : index
    %get3A_3429 = vector.load %arg3[%get3A_3426, %get3A_3427, %get3A_3428] : memref<4x4096x64xf32, #tpu.memory_space<vmem>>, vector<1x1x64xf32>
    %get3A_3430 = vector.shape_cast %get3A_3429 : vector<1x1x64xf32> to vector<1x64xf32>
    %swap3A_3431 = arith.constant 190 : index
    %swap3A_3432 = arith.constant 0 : index
    %swap3A_3433 = vector.load %arg9[%swap3A_3431, %swap3A_3432] : memref<256x64xf32, #tpu.memory_space<vmem>>, vector<1x64xf32>
    tpu.vector_store %arg9[%swap3A_3431, %swap3A_3432], %get3A_3430 {strides = array<i32>} : memref<256x64xf32, #tpu.memory_space<vmem>>, vector<1x64xf32>,
    %mul3A_3434 = arith.constant 4 : i32
    %mul3A_3435 = arith.muli %arg0, %mul3A_3434 : i32
    %mul3A_3436 = arith.constant 64 : i32
    %mul3A_3437 = arith.muli %mul3A_3435, %mul3A_3436 : i32
    %add3A_3438 = arith.constant 128 : i32
    %add3A_3439 = arith.addi %mul3A_3437, %add3A_3438 : i32
    %add3A_3440 = arith.constant 63 : i32
    %add3A_3441 = arith.addi %add3A_3439, %add3A_3440 : i32
    %get3A_3442 = arith.index_cast %add3A_3441 : i32 to index
    %get3A_3443 = memref.load %arg1[%get3A_3442] : memref<2048xi32, #tpu.memory_space<smem>>
    %get3A_3444 = arith.constant 2 : index
    %get3A_3445 = arith.index_cast %get3A_3443 : i32 to index
    %get3A_3446 = arith.constant 0 : index
    %get3A_3447 = vector.load %arg3[%get3A_3444, %get3A_3445, %get3A_3446] : memref<4x4096x64xf32, #tpu.memory_space<vmem>>, vector<1x1x64xf32>
    %get3A_3448 = vector.shape_cast %get3A_3447 : vector<1x1x64xf32> to vector<1x64xf32>
    %swap3A_3449 = arith.constant 191 : index
    %swap3A_3450 = arith.constant 0 : index
    %swap3A_3451 = vector.load %arg9[%swap3A_3449, %swap3A_3450] : memref<256x64xf32, #tpu.memory_space<vmem>>, vector<1x64xf32>
    tpu.vector_store %arg9[%swap3A_3449, %swap3A_3450], %get3A_3448 {strides = array<i32>} : memref<256x64xf32, #tpu.memory_space<vmem>>, vector<1x64xf32>,
    %mul3A_3452 = arith.constant 4 : i32
    %mul3A_3453 = arith.muli %arg0, %mul3A_3452 : i32
    %mul3A_3454 = arith.constant 64 : i32
    %mul3A_3455 = arith.muli %mul3A_3453, %mul3A_3454 : i32
    %add3A_3456 = arith.constant 192 : i32
    %add3A_3457 = arith.addi %mul3A_3455, %add3A_3456 : i32
    %add3A_3458 = arith.constant 0 : i32
    %add3A_3459 = arith.addi %add3A_3457, %add3A_3458 : i32
    %get3A_3460 = arith.index_cast %add3A_3459 : i32 to index
    %get3A_3461 = memref.load %arg1[%get3A_3460] : memref<2048xi32, #tpu.memory_space<smem>>
    %get3A_3462 = arith.constant 3 : index
    %get3A_3463 = arith.index_cast %get3A_3461 : i32 to index
    %get3A_3464 = arith.constant 0 : index
    %get3A_3465 = vector.load %arg3[%get3A_3462, %get3A_3463, %get3A_3464] : memref<4x4096x64xf32, #tpu.memory_space<vmem>>, vector<1x1x64xf32>
    %get3A_3466 = vector.shape_cast %get3A_3465 : vector<1x1x64xf32> to vector<1x64xf32>
    %swap3A_3467 = arith.constant 192 : index
    %swap3A_3468 = arith.constant 0 : index
    %swap3A_3469 = vector.load %arg9[%swap3A_3467, %swap3A_3468] : memref<256x64xf32, #tpu.memory_space<vmem>>, vector<1x64xf32>
    tpu.vector_store %arg9[%swap3A_3467, %swap3A_3468], %get3A_3466 {strides = array<i32>} : memref<256x64xf32, #tpu.memory_space<vmem>>, vector<1x64xf32>,
    %mul3A_3470 = arith.constant 4 : i32
    %mul3A_3471 = arith.muli %arg0, %mul3A_3470 : i32
    %mul3A_3472 = arith.constant 64 : i32
    %mul3A_3473 = arith.muli %mul3A_3471, %mul3A_3472 : i32
    %add3A_3474 = arith.constant 192 : i32
    %add3A_3475 = arith.addi %mul3A_3473, %add3A_3474 : i32
    %add3A_3476 = arith.constant 1 : i32
    %add3A_3477 = arith.addi %add3A_3475, %add3A_3476 : i32
    %get3A_3478 = arith.index_cast %add3A_3477 : i32 to index
    %get3A_3479 = memref.load %arg1[%get3A_3478] : memref<2048xi32, #tpu.memory_space<smem>>
    %get3A_3480 = arith.constant 3 : index
    %get3A_3481 = arith.index_cast %get3A_3479 : i32 to index
    %get3A_3482 = arith.constant 0 : index
    %get3A_3483 = vector.load %arg3[%get3A_3480, %get3A_3481, %get3A_3482] : memref<4x4096x64xf32, #tpu.memory_space<vmem>>, vector<1x1x64xf32>
    %get3A_3484 = vector.shape_cast %get3A_3483 : vector<1x1x64xf32> to vector<1x64xf32>
    %swap3A_3485 = arith.constant 193 : index
    %swap3A_3486 = arith.constant 0 : index
    %swap3A_3487 = vector.load %arg9[%swap3A_3485, %swap3A_3486] : memref<256x64xf32, #tpu.memory_space<vmem>>, vector<1x64xf32>
    tpu.vector_store %arg9[%swap3A_3485, %swap3A_3486], %get3A_3484 {strides = array<i32>} : memref<256x64xf32, #tpu.memory_space<vmem>>, vector<1x64xf32>,
    %mul3A_3488 = arith.constant 4 : i32
    %mul3A_3489 = arith.muli %arg0, %mul3A_3488 : i32
    %mul3A_3490 = arith.constant 64 : i32
    %mul3A_3491 = arith.muli %mul3A_3489, %mul3A_3490 : i32
    %add3A_3492 = arith.constant 192 : i32
    %add3A_3493 = arith.addi %mul3A_3491, %add3A_3492 : i32
    %add3A_3494 = arith.constant 2 : i32
    %add3A_3495 = arith.addi %add3A_3493, %add3A_3494 : i32
    %get3A_3496 = arith.index_cast %add3A_3495 : i32 to index
    %get3A_3497 = memref.load %arg1[%get3A_3496] : memref<2048xi32, #tpu.memory_space<smem>>
    %get3A_3498 = arith.constant 3 : index
    %get3A_3499 = arith.index_cast %get3A_3497 : i32 to index
    %get3A_3500 = arith.constant 0 : index
    %get3A_3501 = vector.load %arg3[%get3A_3498, %get3A_3499, %get3A_3500] : memref<4x4096x64xf32, #tpu.memory_space<vmem>>, vector<1x1x64xf32>
    %get3A_3502 = vector.shape_cast %get3A_3501 : vector<1x1x64xf32> to vector<1x64xf32>
    %swap3A_3503 = arith.constant 194 : index
    %swap3A_3504 = arith.constant 0 : index
    %swap3A_3505 = vector.load %arg9[%swap3A_3503, %swap3A_3504] : memref<256x64xf32, #tpu.memory_space<vmem>>, vector<1x64xf32>
    tpu.vector_store %arg9[%swap3A_3503, %swap3A_3504], %get3A_3502 {strides = array<i32>} : memref<256x64xf32, #tpu.memory_space<vmem>>, vector<1x64xf32>,
    %mul3A_3506 = arith.constant 4 : i32
    %mul3A_3507 = arith.muli %arg0, %mul3A_3506 : i32
    %mul3A_3508 = arith.constant 64 : i32
    %mul3A_3509 = arith.muli %mul3A_3507, %mul3A_3508 : i32
    %add3A_3510 = arith.constant 192 : i32
    %add3A_3511 = arith.addi %mul3A_3509, %add3A_3510 : i32
    %add3A_3512 = arith.constant 3 : i32
    %add3A_3513 = arith.addi %add3A_3511, %add3A_3512 : i32
    %get3A_3514 = arith.index_cast %add3A_3513 : i32 to index
    %get3A_3515 = memref.load %arg1[%get3A_3514] : memref<2048xi32, #tpu.memory_space<smem>>
    %get3A_3516 = arith.constant 3 : index
    %get3A_3517 = arith.index_cast %get3A_3515 : i32 to index
    %get3A_3518 = arith.constant 0 : index
    %get3A_3519 = vector.load %arg3[%get3A_3516, %get3A_3517, %get3A_3518] : memref<4x4096x64xf32, #tpu.memory_space<vmem>>, vector<1x1x64xf32>
    %get3A_3520 = vector.shape_cast %get3A_3519 : vector<1x1x64xf32> to vector<1x64xf32>
    %swap3A_3521 = arith.constant 195 : index
    %swap3A_3522 = arith.constant 0 : index
    %swap3A_3523 = vector.load %arg9[%swap3A_3521, %swap3A_3522] : memref<256x64xf32, #tpu.memory_space<vmem>>, vector<1x64xf32>
    tpu.vector_store %arg9[%swap3A_3521, %swap3A_3522], %get3A_3520 {strides = array<i32>} : memref<256x64xf32, #tpu.memory_space<vmem>>, vector<1x64xf32>,
    %mul3A_3524 = arith.constant 4 : i32
    %mul3A_3525 = arith.muli %arg0, %mul3A_3524 : i32
    %mul3A_3526 = arith.constant 64 : i32
    %mul3A_3527 = arith.muli %mul3A_3525, %mul3A_3526 : i32
    %add3A_3528 = arith.constant 192 : i32
    %add3A_3529 = arith.addi %mul3A_3527, %add3A_3528 : i32
    %add3A_3530 = arith.constant 4 : i32
    %add3A_3531 = arith.addi %add3A_3529, %add3A_3530 : i32
    %get3A_3532 = arith.index_cast %add3A_3531 : i32 to index
    %get3A_3533 = memref.load %arg1[%get3A_3532] : memref<2048xi32, #tpu.memory_space<smem>>
    %get3A_3534 = arith.constant 3 : index
    %get3A_3535 = arith.index_cast %get3A_3533 : i32 to index
    %get3A_3536 = arith.constant 0 : index
    %get3A_3537 = vector.load %arg3[%get3A_3534, %get3A_3535, %get3A_3536] : memref<4x4096x64xf32, #tpu.memory_space<vmem>>, vector<1x1x64xf32>
    %get3A_3538 = vector.shape_cast %get3A_3537 : vector<1x1x64xf32> to vector<1x64xf32>
    %swap3A_3539 = arith.constant 196 : index
    %swap3A_3540 = arith.constant 0 : index
    %swap3A_3541 = vector.load %arg9[%swap3A_3539, %swap3A_3540] : memref<256x64xf32, #tpu.memory_space<vmem>>, vector<1x64xf32>
    tpu.vector_store %arg9[%swap3A_3539, %swap3A_3540], %get3A_3538 {strides = array<i32>} : memref<256x64xf32, #tpu.memory_space<vmem>>, vector<1x64xf32>,
    %mul3A_3542 = arith.constant 4 : i32
    %mul3A_3543 = arith.muli %arg0, %mul3A_3542 : i32
    %mul3A_3544 = arith.constant 64 : i32
    %mul3A_3545 = arith.muli %mul3A_3543, %mul3A_3544 : i32
    %add3A_3546 = arith.constant 192 : i32
    %add3A_3547 = arith.addi %mul3A_3545, %add3A_3546 : i32
    %add3A_3548 = arith.constant 5 : i32
    %add3A_3549 = arith.addi %add3A_3547, %add3A_3548 : i32
    %get3A_3550 = arith.index_cast %add3A_3549 : i32 to index
    %get3A_3551 = memref.load %arg1[%get3A_3550] : memref<2048xi32, #tpu.memory_space<smem>>
    %get3A_3552 = arith.constant 3 : index
    %get3A_3553 = arith.index_cast %get3A_3551 : i32 to index
    %get3A_3554 = arith.constant 0 : index
    %get3A_3555 = vector.load %arg3[%get3A_3552, %get3A_3553, %get3A_3554] : memref<4x4096x64xf32, #tpu.memory_space<vmem>>, vector<1x1x64xf32>
    %get3A_3556 = vector.shape_cast %get3A_3555 : vector<1x1x64xf32> to vector<1x64xf32>
    %swap3A_3557 = arith.constant 197 : index
    %swap3A_3558 = arith.constant 0 : index
    %swap3A_3559 = vector.load %arg9[%swap3A_3557, %swap3A_3558] : memref<256x64xf32, #tpu.memory_space<vmem>>, vector<1x64xf32>
    tpu.vector_store %arg9[%swap3A_3557, %swap3A_3558], %get3A_3556 {strides = array<i32>} : memref<256x64xf32, #tpu.memory_space<vmem>>, vector<1x64xf32>,
    %mul3A_3560 = arith.constant 4 : i32
    %mul3A_3561 = arith.muli %arg0, %mul3A_3560 : i32
    %mul3A_3562 = arith.constant 64 : i32
    %mul3A_3563 = arith.muli %mul3A_3561, %mul3A_3562 : i32
    %add3A_3564 = arith.constant 192 : i32
    %add3A_3565 = arith.addi %mul3A_3563, %add3A_3564 : i32
    %add3A_3566 = arith.constant 6 : i32
    %add3A_3567 = arith.addi %add3A_3565, %add3A_3566 : i32
    %get3A_3568 = arith.index_cast %add3A_3567 : i32 to index
    %get3A_3569 = memref.load %arg1[%get3A_3568] : memref<2048xi32, #tpu.memory_space<smem>>
    %get3A_3570 = arith.constant 3 : index
    %get3A_3571 = arith.index_cast %get3A_3569 : i32 to index
    %get3A_3572 = arith.constant 0 : index
    %get3A_3573 = vector.load %arg3[%get3A_3570, %get3A_3571, %get3A_3572] : memref<4x4096x64xf32, #tpu.memory_space<vmem>>, vector<1x1x64xf32>
    %get3A_3574 = vector.shape_cast %get3A_3573 : vector<1x1x64xf32> to vector<1x64xf32>
    %swap3A_3575 = arith.constant 198 : index
    %swap3A_3576 = arith.constant 0 : index
    %swap3A_3577 = vector.load %arg9[%swap3A_3575, %swap3A_3576] : memref<256x64xf32, #tpu.memory_space<vmem>>, vector<1x64xf32>
    tpu.vector_store %arg9[%swap3A_3575, %swap3A_3576], %get3A_3574 {strides = array<i32>} : memref<256x64xf32, #tpu.memory_space<vmem>>, vector<1x64xf32>,
    %mul3A_3578 = arith.constant 4 : i32
    %mul3A_3579 = arith.muli %arg0, %mul3A_3578 : i32
    %mul3A_3580 = arith.constant 64 : i32
    %mul3A_3581 = arith.muli %mul3A_3579, %mul3A_3580 : i32
    %add3A_3582 = arith.constant 192 : i32
    %add3A_3583 = arith.addi %mul3A_3581, %add3A_3582 : i32
    %add3A_3584 = arith.constant 7 : i32
    %add3A_3585 = arith.addi %add3A_3583, %add3A_3584 : i32
    %get3A_3586 = arith.index_cast %add3A_3585 : i32 to index
    %get3A_3587 = memref.load %arg1[%get3A_3586] : memref<2048xi32, #tpu.memory_space<smem>>
    %get3A_3588 = arith.constant 3 : index
    %get3A_3589 = arith.index_cast %get3A_3587 : i32 to index
    %get3A_3590 = arith.constant 0 : index
    %get3A_3591 = vector.load %arg3[%get3A_3588, %get3A_3589, %get3A_3590] : memref<4x4096x64xf32, #tpu.memory_space<vmem>>, vector<1x1x64xf32>
    %get3A_3592 = vector.shape_cast %get3A_3591 : vector<1x1x64xf32> to vector<1x64xf32>
    %swap3A_3593 = arith.constant 199 : index
    %swap3A_3594 = arith.constant 0 : index
    %swap3A_3595 = vector.load %arg9[%swap3A_3593, %swap3A_3594] : memref<256x64xf32, #tpu.memory_space<vmem>>, vector<1x64xf32>
    tpu.vector_store %arg9[%swap3A_3593, %swap3A_3594], %get3A_3592 {strides = array<i32>} : memref<256x64xf32, #tpu.memory_space<vmem>>, vector<1x64xf32>,
    %mul3A_3596 = arith.constant 4 : i32
    %mul3A_3597 = arith.muli %arg0, %mul3A_3596 : i32
    %mul3A_3598 = arith.constant 64 : i32
    %mul3A_3599 = arith.muli %mul3A_3597, %mul3A_3598 : i32
    %add3A_3600 = arith.constant 192 : i32
    %add3A_3601 = arith.addi %mul3A_3599, %add3A_3600 : i32
    %add3A_3602 = arith.constant 8 : i32
    %add3A_3603 = arith.addi %add3A_3601, %add3A_3602 : i32
    %get3A_3604 = arith.index_cast %add3A_3603 : i32 to index
    %get3A_3605 = memref.load %arg1[%get3A_3604] : memref<2048xi32, #tpu.memory_space<smem>>
    %get3A_3606 = arith.constant 3 : index
    %get3A_3607 = arith.index_cast %get3A_3605 : i32 to index
    %get3A_3608 = arith.constant 0 : index
    %get3A_3609 = vector.load %arg3[%get3A_3606, %get3A_3607, %get3A_3608] : memref<4x4096x64xf32, #tpu.memory_space<vmem>>, vector<1x1x64xf32>
    %get3A_3610 = vector.shape_cast %get3A_3609 : vector<1x1x64xf32> to vector<1x64xf32>
    %swap3A_3611 = arith.constant 200 : index
    %swap3A_3612 = arith.constant 0 : index
    %swap3A_3613 = vector.load %arg9[%swap3A_3611, %swap3A_3612] : memref<256x64xf32, #tpu.memory_space<vmem>>, vector<1x64xf32>
    tpu.vector_store %arg9[%swap3A_3611, %swap3A_3612], %get3A_3610 {strides = array<i32>} : memref<256x64xf32, #tpu.memory_space<vmem>>, vector<1x64xf32>,
    %mul3A_3614 = arith.constant 4 : i32
    %mul3A_3615 = arith.muli %arg0, %mul3A_3614 : i32
    %mul3A_3616 = arith.constant 64 : i32
    %mul3A_3617 = arith.muli %mul3A_3615, %mul3A_3616 : i32
    %add3A_3618 = arith.constant 192 : i32
    %add3A_3619 = arith.addi %mul3A_3617, %add3A_3618 : i32
    %add3A_3620 = arith.constant 9 : i32
    %add3A_3621 = arith.addi %add3A_3619, %add3A_3620 : i32
    %get3A_3622 = arith.index_cast %add3A_3621 : i32 to index
    %get3A_3623 = memref.load %arg1[%get3A_3622] : memref<2048xi32, #tpu.memory_space<smem>>
    %get3A_3624 = arith.constant 3 : index
    %get3A_3625 = arith.index_cast %get3A_3623 : i32 to index
    %get3A_3626 = arith.constant 0 : index
    %get3A_3627 = vector.load %arg3[%get3A_3624, %get3A_3625, %get3A_3626] : memref<4x4096x64xf32, #tpu.memory_space<vmem>>, vector<1x1x64xf32>
    %get3A_3628 = vector.shape_cast %get3A_3627 : vector<1x1x64xf32> to vector<1x64xf32>
    %swap3A_3629 = arith.constant 201 : index
    %swap3A_3630 = arith.constant 0 : index
    %swap3A_3631 = vector.load %arg9[%swap3A_3629, %swap3A_3630] : memref<256x64xf32, #tpu.memory_space<vmem>>, vector<1x64xf32>
    tpu.vector_store %arg9[%swap3A_3629, %swap3A_3630], %get3A_3628 {strides = array<i32>} : memref<256x64xf32, #tpu.memory_space<vmem>>, vector<1x64xf32>,
    %mul3A_3632 = arith.constant 4 : i32
    %mul3A_3633 = arith.muli %arg0, %mul3A_3632 : i32
    %mul3A_3634 = arith.constant 64 : i32
    %mul3A_3635 = arith.muli %mul3A_3633, %mul3A_3634 : i32
    %add3A_3636 = arith.constant 192 : i32
    %add3A_3637 = arith.addi %mul3A_3635, %add3A_3636 : i32
    %add3A_3638 = arith.constant 10 : i32
    %add3A_3639 = arith.addi %add3A_3637, %add3A_3638 : i32
    %get3A_3640 = arith.index_cast %add3A_3639 : i32 to index
    %get3A_3641 = memref.load %arg1[%get3A_3640] : memref<2048xi32, #tpu.memory_space<smem>>
    %get3A_3642 = arith.constant 3 : index
    %get3A_3643 = arith.index_cast %get3A_3641 : i32 to index
    %get3A_3644 = arith.constant 0 : index
    %get3A_3645 = vector.load %arg3[%get3A_3642, %get3A_3643, %get3A_3644] : memref<4x4096x64xf32, #tpu.memory_space<vmem>>, vector<1x1x64xf32>
    %get3A_3646 = vector.shape_cast %get3A_3645 : vector<1x1x64xf32> to vector<1x64xf32>
    %swap3A_3647 = arith.constant 202 : index
    %swap3A_3648 = arith.constant 0 : index
    %swap3A_3649 = vector.load %arg9[%swap3A_3647, %swap3A_3648] : memref<256x64xf32, #tpu.memory_space<vmem>>, vector<1x64xf32>
    tpu.vector_store %arg9[%swap3A_3647, %swap3A_3648], %get3A_3646 {strides = array<i32>} : memref<256x64xf32, #tpu.memory_space<vmem>>, vector<1x64xf32>,
    %mul3A_3650 = arith.constant 4 : i32
    %mul3A_3651 = arith.muli %arg0, %mul3A_3650 : i32
    %mul3A_3652 = arith.constant 64 : i32
    %mul3A_3653 = arith.muli %mul3A_3651, %mul3A_3652 : i32
    %add3A_3654 = arith.constant 192 : i32
    %add3A_3655 = arith.addi %mul3A_3653, %add3A_3654 : i32
    %add3A_3656 = arith.constant 11 : i32
    %add3A_3657 = arith.addi %add3A_3655, %add3A_3656 : i32
    %get3A_3658 = arith.index_cast %add3A_3657 : i32 to index
    %get3A_3659 = memref.load %arg1[%get3A_3658] : memref<2048xi32, #tpu.memory_space<smem>>
    %get3A_3660 = arith.constant 3 : index
    %get3A_3661 = arith.index_cast %get3A_3659 : i32 to index
    %get3A_3662 = arith.constant 0 : index
    %get3A_3663 = vector.load %arg3[%get3A_3660, %get3A_3661, %get3A_3662] : memref<4x4096x64xf32, #tpu.memory_space<vmem>>, vector<1x1x64xf32>
    %get3A_3664 = vector.shape_cast %get3A_3663 : vector<1x1x64xf32> to vector<1x64xf32>
    %swap3A_3665 = arith.constant 203 : index
    %swap3A_3666 = arith.constant 0 : index
    %swap3A_3667 = vector.load %arg9[%swap3A_3665, %swap3A_3666] : memref<256x64xf32, #tpu.memory_space<vmem>>, vector<1x64xf32>
    tpu.vector_store %arg9[%swap3A_3665, %swap3A_3666], %get3A_3664 {strides = array<i32>} : memref<256x64xf32, #tpu.memory_space<vmem>>, vector<1x64xf32>,
    %mul3A_3668 = arith.constant 4 : i32
    %mul3A_3669 = arith.muli %arg0, %mul3A_3668 : i32
    %mul3A_3670 = arith.constant 64 : i32
    %mul3A_3671 = arith.muli %mul3A_3669, %mul3A_3670 : i32
    %add3A_3672 = arith.constant 192 : i32
    %add3A_3673 = arith.addi %mul3A_3671, %add3A_3672 : i32
    %add3A_3674 = arith.constant 12 : i32
    %add3A_3675 = arith.addi %add3A_3673, %add3A_3674 : i32
    %get3A_3676 = arith.index_cast %add3A_3675 : i32 to index
    %get3A_3677 = memref.load %arg1[%get3A_3676] : memref<2048xi32, #tpu.memory_space<smem>>
    %get3A_3678 = arith.constant 3 : index
    %get3A_3679 = arith.index_cast %get3A_3677 : i32 to index
    %get3A_3680 = arith.constant 0 : index
    %get3A_3681 = vector.load %arg3[%get3A_3678, %get3A_3679, %get3A_3680] : memref<4x4096x64xf32, #tpu.memory_space<vmem>>, vector<1x1x64xf32>
    %get3A_3682 = vector.shape_cast %get3A_3681 : vector<1x1x64xf32> to vector<1x64xf32>
    %swap3A_3683 = arith.constant 204 : index
    %swap3A_3684 = arith.constant 0 : index
    %swap3A_3685 = vector.load %arg9[%swap3A_3683, %swap3A_3684] : memref<256x64xf32, #tpu.memory_space<vmem>>, vector<1x64xf32>
    tpu.vector_store %arg9[%swap3A_3683, %swap3A_3684], %get3A_3682 {strides = array<i32>} : memref<256x64xf32, #tpu.memory_space<vmem>>, vector<1x64xf32>,
    %mul3A_3686 = arith.constant 4 : i32
    %mul3A_3687 = arith.muli %arg0, %mul3A_3686 : i32
    %mul3A_3688 = arith.constant 64 : i32
    %mul3A_3689 = arith.muli %mul3A_3687, %mul3A_3688 : i32
    %add3A_3690 = arith.constant 192 : i32
    %add3A_3691 = arith.addi %mul3A_3689, %add3A_3690 : i32
    %add3A_3692 = arith.constant 13 : i32
    %add3A_3693 = arith.addi %add3A_3691, %add3A_3692 : i32
    %get3A_3694 = arith.index_cast %add3A_3693 : i32 to index
    %get3A_3695 = memref.load %arg1[%get3A_3694] : memref<2048xi32, #tpu.memory_space<smem>>
    %get3A_3696 = arith.constant 3 : index
    %get3A_3697 = arith.index_cast %get3A_3695 : i32 to index
    %get3A_3698 = arith.constant 0 : index
    %get3A_3699 = vector.load %arg3[%get3A_3696, %get3A_3697, %get3A_3698] : memref<4x4096x64xf32, #tpu.memory_space<vmem>>, vector<1x1x64xf32>
    %get3A_3700 = vector.shape_cast %get3A_3699 : vector<1x1x64xf32> to vector<1x64xf32>
    %swap3A_3701 = arith.constant 205 : index
    %swap3A_3702 = arith.constant 0 : index
    %swap3A_3703 = vector.load %arg9[%swap3A_3701, %swap3A_3702] : memref<256x64xf32, #tpu.memory_space<vmem>>, vector<1x64xf32>
    tpu.vector_store %arg9[%swap3A_3701, %swap3A_3702], %get3A_3700 {strides = array<i32>} : memref<256x64xf32, #tpu.memory_space<vmem>>, vector<1x64xf32>,
    %mul3A_3704 = arith.constant 4 : i32
    %mul3A_3705 = arith.muli %arg0, %mul3A_3704 : i32
    %mul3A_3706 = arith.constant 64 : i32
    %mul3A_3707 = arith.muli %mul3A_3705, %mul3A_3706 : i32
    %add3A_3708 = arith.constant 192 : i32
    %add3A_3709 = arith.addi %mul3A_3707, %add3A_3708 : i32
    %add3A_3710 = arith.constant 14 : i32
    %add3A_3711 = arith.addi %add3A_3709, %add3A_3710 : i32
    %get3A_3712 = arith.index_cast %add3A_3711 : i32 to index
    %get3A_3713 = memref.load %arg1[%get3A_3712] : memref<2048xi32, #tpu.memory_space<smem>>
    %get3A_3714 = arith.constant 3 : index
    %get3A_3715 = arith.index_cast %get3A_3713 : i32 to index
    %get3A_3716 = arith.constant 0 : index
    %get3A_3717 = vector.load %arg3[%get3A_3714, %get3A_3715, %get3A_3716] : memref<4x4096x64xf32, #tpu.memory_space<vmem>>, vector<1x1x64xf32>
    %get3A_3718 = vector.shape_cast %get3A_3717 : vector<1x1x64xf32> to vector<1x64xf32>
    %swap3A_3719 = arith.constant 206 : index
    %swap3A_3720 = arith.constant 0 : index
    %swap3A_3721 = vector.load %arg9[%swap3A_3719, %swap3A_3720] : memref<256x64xf32, #tpu.memory_space<vmem>>, vector<1x64xf32>
    tpu.vector_store %arg9[%swap3A_3719, %swap3A_3720], %get3A_3718 {strides = array<i32>} : memref<256x64xf32, #tpu.memory_space<vmem>>, vector<1x64xf32>,
    %mul3A_3722 = arith.constant 4 : i32
    %mul3A_3723 = arith.muli %arg0, %mul3A_3722 : i32
    %mul3A_3724 = arith.constant 64 : i32
    %mul3A_3725 = arith.muli %mul3A_3723, %mul3A_3724 : i32
    %add3A_3726 = arith.constant 192 : i32
    %add3A_3727 = arith.addi %mul3A_3725, %add3A_3726 : i32
    %add3A_3728 = arith.constant 15 : i32
    %add3A_3729 = arith.addi %add3A_3727, %add3A_3728 : i32
    %get3A_3730 = arith.index_cast %add3A_3729 : i32 to index
    %get3A_3731 = memref.load %arg1[%get3A_3730] : memref<2048xi32, #tpu.memory_space<smem>>
    %get3A_3732 = arith.constant 3 : index
    %get3A_3733 = arith.index_cast %get3A_3731 : i32 to index
    %get3A_3734 = arith.constant 0 : index
    %get3A_3735 = vector.load %arg3[%get3A_3732, %get3A_3733, %get3A_3734] : memref<4x4096x64xf32, #tpu.memory_space<vmem>>, vector<1x1x64xf32>
    %get3A_3736 = vector.shape_cast %get3A_3735 : vector<1x1x64xf32> to vector<1x64xf32>
    %swap3A_3737 = arith.constant 207 : index
    %swap3A_3738 = arith.constant 0 : index
    %swap3A_3739 = vector.load %arg9[%swap3A_3737, %swap3A_3738] : memref<256x64xf32, #tpu.memory_space<vmem>>, vector<1x64xf32>
    tpu.vector_store %arg9[%swap3A_3737, %swap3A_3738], %get3A_3736 {strides = array<i32>} : memref<256x64xf32, #tpu.memory_space<vmem>>, vector<1x64xf32>,
    %mul3A_3740 = arith.constant 4 : i32
    %mul3A_3741 = arith.muli %arg0, %mul3A_3740 : i32
    %mul3A_3742 = arith.constant 64 : i32
    %mul3A_3743 = arith.muli %mul3A_3741, %mul3A_3742 : i32
    %add3A_3744 = arith.constant 192 : i32
    %add3A_3745 = arith.addi %mul3A_3743, %add3A_3744 : i32
    %add3A_3746 = arith.constant 16 : i32
    %add3A_3747 = arith.addi %add3A_3745, %add3A_3746 : i32
    %get3A_3748 = arith.index_cast %add3A_3747 : i32 to index
    %get3A_3749 = memref.load %arg1[%get3A_3748] : memref<2048xi32, #tpu.memory_space<smem>>
    %get3A_3750 = arith.constant 3 : index
    %get3A_3751 = arith.index_cast %get3A_3749 : i32 to index
    %get3A_3752 = arith.constant 0 : index
    %get3A_3753 = vector.load %arg3[%get3A_3750, %get3A_3751, %get3A_3752] : memref<4x4096x64xf32, #tpu.memory_space<vmem>>, vector<1x1x64xf32>
    %get3A_3754 = vector.shape_cast %get3A_3753 : vector<1x1x64xf32> to vector<1x64xf32>
    %swap3A_3755 = arith.constant 208 : index
    %swap3A_3756 = arith.constant 0 : index
    %swap3A_3757 = vector.load %arg9[%swap3A_3755, %swap3A_3756] : memref<256x64xf32, #tpu.memory_space<vmem>>, vector<1x64xf32>
    tpu.vector_store %arg9[%swap3A_3755, %swap3A_3756], %get3A_3754 {strides = array<i32>} : memref<256x64xf32, #tpu.memory_space<vmem>>, vector<1x64xf32>,
    %mul3A_3758 = arith.constant 4 : i32
    %mul3A_3759 = arith.muli %arg0, %mul3A_3758 : i32
    %mul3A_3760 = arith.constant 64 : i32
    %mul3A_3761 = arith.muli %mul3A_3759, %mul3A_3760 : i32
    %add3A_3762 = arith.constant 192 : i32
    %add3A_3763 = arith.addi %mul3A_3761, %add3A_3762 : i32
    %add3A_3764 = arith.constant 17 : i32
    %add3A_3765 = arith.addi %add3A_3763, %add3A_3764 : i32
    %get3A_3766 = arith.index_cast %add3A_3765 : i32 to index
    %get3A_3767 = memref.load %arg1[%get3A_3766] : memref<2048xi32, #tpu.memory_space<smem>>
    %get3A_3768 = arith.constant 3 : index
    %get3A_3769 = arith.index_cast %get3A_3767 : i32 to index
    %get3A_3770 = arith.constant 0 : index
    %get3A_3771 = vector.load %arg3[%get3A_3768, %get3A_3769, %get3A_3770] : memref<4x4096x64xf32, #tpu.memory_space<vmem>>, vector<1x1x64xf32>
    %get3A_3772 = vector.shape_cast %get3A_3771 : vector<1x1x64xf32> to vector<1x64xf32>
    %swap3A_3773 = arith.constant 209 : index
    %swap3A_3774 = arith.constant 0 : index
    %swap3A_3775 = vector.load %arg9[%swap3A_3773, %swap3A_3774] : memref<256x64xf32, #tpu.memory_space<vmem>>, vector<1x64xf32>
    tpu.vector_store %arg9[%swap3A_3773, %swap3A_3774], %get3A_3772 {strides = array<i32>} : memref<256x64xf32, #tpu.memory_space<vmem>>, vector<1x64xf32>,
    %mul3A_3776 = arith.constant 4 : i32
    %mul3A_3777 = arith.muli %arg0, %mul3A_3776 : i32
    %mul3A_3778 = arith.constant 64 : i32
    %mul3A_3779 = arith.muli %mul3A_3777, %mul3A_3778 : i32
    %add3A_3780 = arith.constant 192 : i32
    %add3A_3781 = arith.addi %mul3A_3779, %add3A_3780 : i32
    %add3A_3782 = arith.constant 18 : i32
    %add3A_3783 = arith.addi %add3A_3781, %add3A_3782 : i32
    %get3A_3784 = arith.index_cast %add3A_3783 : i32 to index
    %get3A_3785 = memref.load %arg1[%get3A_3784] : memref<2048xi32, #tpu.memory_space<smem>>
    %get3A_3786 = arith.constant 3 : index
    %get3A_3787 = arith.index_cast %get3A_3785 : i32 to index
    %get3A_3788 = arith.constant 0 : index
    %get3A_3789 = vector.load %arg3[%get3A_3786, %get3A_3787, %get3A_3788] : memref<4x4096x64xf32, #tpu.memory_space<vmem>>, vector<1x1x64xf32>
    %get3A_3790 = vector.shape_cast %get3A_3789 : vector<1x1x64xf32> to vector<1x64xf32>
    %swap3A_3791 = arith.constant 210 : index
    %swap3A_3792 = arith.constant 0 : index
    %swap3A_3793 = vector.load %arg9[%swap3A_3791, %swap3A_3792] : memref<256x64xf32, #tpu.memory_space<vmem>>, vector<1x64xf32>
    tpu.vector_store %arg9[%swap3A_3791, %swap3A_3792], %get3A_3790 {strides = array<i32>} : memref<256x64xf32, #tpu.memory_space<vmem>>, vector<1x64xf32>,
    %mul3A_3794 = arith.constant 4 : i32
    %mul3A_3795 = arith.muli %arg0, %mul3A_3794 : i32
    %mul3A_3796 = arith.constant 64 : i32
    %mul3A_3797 = arith.muli %mul3A_3795, %mul3A_3796 : i32
    %add3A_3798 = arith.constant 192 : i32
    %add3A_3799 = arith.addi %mul3A_3797, %add3A_3798 : i32
    %add3A_3800 = arith.constant 19 : i32
    %add3A_3801 = arith.addi %add3A_3799, %add3A_3800 : i32
    %get3A_3802 = arith.index_cast %add3A_3801 : i32 to index
    %get3A_3803 = memref.load %arg1[%get3A_3802] : memref<2048xi32, #tpu.memory_space<smem>>
    %get3A_3804 = arith.constant 3 : index
    %get3A_3805 = arith.index_cast %get3A_3803 : i32 to index
    %get3A_3806 = arith.constant 0 : index
    %get3A_3807 = vector.load %arg3[%get3A_3804, %get3A_3805, %get3A_3806] : memref<4x4096x64xf32, #tpu.memory_space<vmem>>, vector<1x1x64xf32>
    %get3A_3808 = vector.shape_cast %get3A_3807 : vector<1x1x64xf32> to vector<1x64xf32>
    %swap3A_3809 = arith.constant 211 : index
    %swap3A_3810 = arith.constant 0 : index
    %swap3A_3811 = vector.load %arg9[%swap3A_3809, %swap3A_3810] : memref<256x64xf32, #tpu.memory_space<vmem>>, vector<1x64xf32>
    tpu.vector_store %arg9[%swap3A_3809, %swap3A_3810], %get3A_3808 {strides = array<i32>} : memref<256x64xf32, #tpu.memory_space<vmem>>, vector<1x64xf32>,
    %mul3A_3812 = arith.constant 4 : i32
    %mul3A_3813 = arith.muli %arg0, %mul3A_3812 : i32
    %mul3A_3814 = arith.constant 64 : i32
    %mul3A_3815 = arith.muli %mul3A_3813, %mul3A_3814 : i32
    %add3A_3816 = arith.constant 192 : i32
    %add3A_3817 = arith.addi %mul3A_3815, %add3A_3816 : i32
    %add3A_3818 = arith.constant 20 : i32
    %add3A_3819 = arith.addi %add3A_3817, %add3A_3818 : i32
    %get3A_3820 = arith.index_cast %add3A_3819 : i32 to index
    %get3A_3821 = memref.load %arg1[%get3A_3820] : memref<2048xi32, #tpu.memory_space<smem>>
    %get3A_3822 = arith.constant 3 : index
    %get3A_3823 = arith.index_cast %get3A_3821 : i32 to index
    %get3A_3824 = arith.constant 0 : index
    %get3A_3825 = vector.load %arg3[%get3A_3822, %get3A_3823, %get3A_3824] : memref<4x4096x64xf32, #tpu.memory_space<vmem>>, vector<1x1x64xf32>
    %get3A_3826 = vector.shape_cast %get3A_3825 : vector<1x1x64xf32> to vector<1x64xf32>
    %swap3A_3827 = arith.constant 212 : index
    %swap3A_3828 = arith.constant 0 : index
    %swap3A_3829 = vector.load %arg9[%swap3A_3827, %swap3A_3828] : memref<256x64xf32, #tpu.memory_space<vmem>>, vector<1x64xf32>
    tpu.vector_store %arg9[%swap3A_3827, %swap3A_3828], %get3A_3826 {strides = array<i32>} : memref<256x64xf32, #tpu.memory_space<vmem>>, vector<1x64xf32>,
    %mul3A_3830 = arith.constant 4 : i32
    %mul3A_3831 = arith.muli %arg0, %mul3A_3830 : i32
    %mul3A_3832 = arith.constant 64 : i32
    %mul3A_3833 = arith.muli %mul3A_3831, %mul3A_3832 : i32
    %add3A_3834 = arith.constant 192 : i32
    %add3A_3835 = arith.addi %mul3A_3833, %add3A_3834 : i32
    %add3A_3836 = arith.constant 21 : i32
    %add3A_3837 = arith.addi %add3A_3835, %add3A_3836 : i32
    %get3A_3838 = arith.index_cast %add3A_3837 : i32 to index
    %get3A_3839 = memref.load %arg1[%get3A_3838] : memref<2048xi32, #tpu.memory_space<smem>>
    %get3A_3840 = arith.constant 3 : index
    %get3A_3841 = arith.index_cast %get3A_3839 : i32 to index
    %get3A_3842 = arith.constant 0 : index
    %get3A_3843 = vector.load %arg3[%get3A_3840, %get3A_3841, %get3A_3842] : memref<4x4096x64xf32, #tpu.memory_space<vmem>>, vector<1x1x64xf32>
    %get3A_3844 = vector.shape_cast %get3A_3843 : vector<1x1x64xf32> to vector<1x64xf32>
    %swap3A_3845 = arith.constant 213 : index
    %swap3A_3846 = arith.constant 0 : index
    %swap3A_3847 = vector.load %arg9[%swap3A_3845, %swap3A_3846] : memref<256x64xf32, #tpu.memory_space<vmem>>, vector<1x64xf32>
    tpu.vector_store %arg9[%swap3A_3845, %swap3A_3846], %get3A_3844 {strides = array<i32>} : memref<256x64xf32, #tpu.memory_space<vmem>>, vector<1x64xf32>,
    %mul3A_3848 = arith.constant 4 : i32
    %mul3A_3849 = arith.muli %arg0, %mul3A_3848 : i32
    %mul3A_3850 = arith.constant 64 : i32
    %mul3A_3851 = arith.muli %mul3A_3849, %mul3A_3850 : i32
    %add3A_3852 = arith.constant 192 : i32
    %add3A_3853 = arith.addi %mul3A_3851, %add3A_3852 : i32
    %add3A_3854 = arith.constant 22 : i32
    %add3A_3855 = arith.addi %add3A_3853, %add3A_3854 : i32
    %get3A_3856 = arith.index_cast %add3A_3855 : i32 to index
    %get3A_3857 = memref.load %arg1[%get3A_3856] : memref<2048xi32, #tpu.memory_space<smem>>
    %get3A_3858 = arith.constant 3 : index
    %get3A_3859 = arith.index_cast %get3A_3857 : i32 to index
    %get3A_3860 = arith.constant 0 : index
    %get3A_3861 = vector.load %arg3[%get3A_3858, %get3A_3859, %get3A_3860] : memref<4x4096x64xf32, #tpu.memory_space<vmem>>, vector<1x1x64xf32>
    %get3A_3862 = vector.shape_cast %get3A_3861 : vector<1x1x64xf32> to vector<1x64xf32>
    %swap3A_3863 = arith.constant 214 : index
    %swap3A_3864 = arith.constant 0 : index
    %swap3A_3865 = vector.load %arg9[%swap3A_3863, %swap3A_3864] : memref<256x64xf32, #tpu.memory_space<vmem>>, vector<1x64xf32>
    tpu.vector_store %arg9[%swap3A_3863, %swap3A_3864], %get3A_3862 {strides = array<i32>} : memref<256x64xf32, #tpu.memory_space<vmem>>, vector<1x64xf32>,
    %mul3A_3866 = arith.constant 4 : i32
    %mul3A_3867 = arith.muli %arg0, %mul3A_3866 : i32
    %mul3A_3868 = arith.constant 64 : i32
    %mul3A_3869 = arith.muli %mul3A_3867, %mul3A_3868 : i32
    %add3A_3870 = arith.constant 192 : i32
    %add3A_3871 = arith.addi %mul3A_3869, %add3A_3870 : i32
    %add3A_3872 = arith.constant 23 : i32
    %add3A_3873 = arith.addi %add3A_3871, %add3A_3872 : i32
    %get3A_3874 = arith.index_cast %add3A_3873 : i32 to index
    %get3A_3875 = memref.load %arg1[%get3A_3874] : memref<2048xi32, #tpu.memory_space<smem>>
    %get3A_3876 = arith.constant 3 : index
    %get3A_3877 = arith.index_cast %get3A_3875 : i32 to index
    %get3A_3878 = arith.constant 0 : index
    %get3A_3879 = vector.load %arg3[%get3A_3876, %get3A_3877, %get3A_3878] : memref<4x4096x64xf32, #tpu.memory_space<vmem>>, vector<1x1x64xf32>
    %get3A_3880 = vector.shape_cast %get3A_3879 : vector<1x1x64xf32> to vector<1x64xf32>
    %swap3A_3881 = arith.constant 215 : index
    %swap3A_3882 = arith.constant 0 : index
    %swap3A_3883 = vector.load %arg9[%swap3A_3881, %swap3A_3882] : memref<256x64xf32, #tpu.memory_space<vmem>>, vector<1x64xf32>
    tpu.vector_store %arg9[%swap3A_3881, %swap3A_3882], %get3A_3880 {strides = array<i32>} : memref<256x64xf32, #tpu.memory_space<vmem>>, vector<1x64xf32>,
    %mul3A_3884 = arith.constant 4 : i32
    %mul3A_3885 = arith.muli %arg0, %mul3A_3884 : i32
    %mul3A_3886 = arith.constant 64 : i32
    %mul3A_3887 = arith.muli %mul3A_3885, %mul3A_3886 : i32
    %add3A_3888 = arith.constant 192 : i32
    %add3A_3889 = arith.addi %mul3A_3887, %add3A_3888 : i32
    %add3A_3890 = arith.constant 24 : i32
    %add3A_3891 = arith.addi %add3A_3889, %add3A_3890 : i32
    %get3A_3892 = arith.index_cast %add3A_3891 : i32 to index
    %get3A_3893 = memref.load %arg1[%get3A_3892] : memref<2048xi32, #tpu.memory_space<smem>>
    %get3A_3894 = arith.constant 3 : index
    %get3A_3895 = arith.index_cast %get3A_3893 : i32 to index
    %get3A_3896 = arith.constant 0 : index
    %get3A_3897 = vector.load %arg3[%get3A_3894, %get3A_3895, %get3A_3896] : memref<4x4096x64xf32, #tpu.memory_space<vmem>>, vector<1x1x64xf32>
    %get3A_3898 = vector.shape_cast %get3A_3897 : vector<1x1x64xf32> to vector<1x64xf32>
    %swap3A_3899 = arith.constant 216 : index
    %swap3A_3900 = arith.constant 0 : index
    %swap3A_3901 = vector.load %arg9[%swap3A_3899, %swap3A_3900] : memref<256x64xf32, #tpu.memory_space<vmem>>, vector<1x64xf32>
    tpu.vector_store %arg9[%swap3A_3899, %swap3A_3900], %get3A_3898 {strides = array<i32>} : memref<256x64xf32, #tpu.memory_space<vmem>>, vector<1x64xf32>,
    %mul3A_3902 = arith.constant 4 : i32
    %mul3A_3903 = arith.muli %arg0, %mul3A_3902 : i32
    %mul3A_3904 = arith.constant 64 : i32
    %mul3A_3905 = arith.muli %mul3A_3903, %mul3A_3904 : i32
    %add3A_3906 = arith.constant 192 : i32
    %add3A_3907 = arith.addi %mul3A_3905, %add3A_3906 : i32
    %add3A_3908 = arith.constant 25 : i32
    %add3A_3909 = arith.addi %add3A_3907, %add3A_3908 : i32
    %get3A_3910 = arith.index_cast %add3A_3909 : i32 to index
    %get3A_3911 = memref.load %arg1[%get3A_3910] : memref<2048xi32, #tpu.memory_space<smem>>
    %get3A_3912 = arith.constant 3 : index
    %get3A_3913 = arith.index_cast %get3A_3911 : i32 to index
    %get3A_3914 = arith.constant 0 : index
    %get3A_3915 = vector.load %arg3[%get3A_3912, %get3A_3913, %get3A_3914] : memref<4x4096x64xf32, #tpu.memory_space<vmem>>, vector<1x1x64xf32>
    %get3A_3916 = vector.shape_cast %get3A_3915 : vector<1x1x64xf32> to vector<1x64xf32>
    %swap3A_3917 = arith.constant 217 : index
    %swap3A_3918 = arith.constant 0 : index
    %swap3A_3919 = vector.load %arg9[%swap3A_3917, %swap3A_3918] : memref<256x64xf32, #tpu.memory_space<vmem>>, vector<1x64xf32>
    tpu.vector_store %arg9[%swap3A_3917, %swap3A_3918], %get3A_3916 {strides = array<i32>} : memref<256x64xf32, #tpu.memory_space<vmem>>, vector<1x64xf32>,
    %mul3A_3920 = arith.constant 4 : i32
    %mul3A_3921 = arith.muli %arg0, %mul3A_3920 : i32
    %mul3A_3922 = arith.constant 64 : i32
    %mul3A_3923 = arith.muli %mul3A_3921, %mul3A_3922 : i32
    %add3A_3924 = arith.constant 192 : i32
    %add3A_3925 = arith.addi %mul3A_3923, %add3A_3924 : i32
    %add3A_3926 = arith.constant 26 : i32
    %add3A_3927 = arith.addi %add3A_3925, %add3A_3926 : i32
    %get3A_3928 = arith.index_cast %add3A_3927 : i32 to index
    %get3A_3929 = memref.load %arg1[%get3A_3928] : memref<2048xi32, #tpu.memory_space<smem>>
    %get3A_3930 = arith.constant 3 : index
    %get3A_3931 = arith.index_cast %get3A_3929 : i32 to index
    %get3A_3932 = arith.constant 0 : index
    %get3A_3933 = vector.load %arg3[%get3A_3930, %get3A_3931, %get3A_3932] : memref<4x4096x64xf32, #tpu.memory_space<vmem>>, vector<1x1x64xf32>
    %get3A_3934 = vector.shape_cast %get3A_3933 : vector<1x1x64xf32> to vector<1x64xf32>
    %swap3A_3935 = arith.constant 218 : index
    %swap3A_3936 = arith.constant 0 : index
    %swap3A_3937 = vector.load %arg9[%swap3A_3935, %swap3A_3936] : memref<256x64xf32, #tpu.memory_space<vmem>>, vector<1x64xf32>
    tpu.vector_store %arg9[%swap3A_3935, %swap3A_3936], %get3A_3934 {strides = array<i32>} : memref<256x64xf32, #tpu.memory_space<vmem>>, vector<1x64xf32>,
    %mul3A_3938 = arith.constant 4 : i32
    %mul3A_3939 = arith.muli %arg0, %mul3A_3938 : i32
    %mul3A_3940 = arith.constant 64 : i32
    %mul3A_3941 = arith.muli %mul3A_3939, %mul3A_3940 : i32
    %add3A_3942 = arith.constant 192 : i32
    %add3A_3943 = arith.addi %mul3A_3941, %add3A_3942 : i32
    %add3A_3944 = arith.constant 27 : i32
    %add3A_3945 = arith.addi %add3A_3943, %add3A_3944 : i32
    %get3A_3946 = arith.index_cast %add3A_3945 : i32 to index
    %get3A_3947 = memref.load %arg1[%get3A_3946] : memref<2048xi32, #tpu.memory_space<smem>>
    %get3A_3948 = arith.constant 3 : index
    %get3A_3949 = arith.index_cast %get3A_3947 : i32 to index
    %get3A_3950 = arith.constant 0 : index
    %get3A_3951 = vector.load %arg3[%get3A_3948, %get3A_3949, %get3A_3950] : memref<4x4096x64xf32, #tpu.memory_space<vmem>>, vector<1x1x64xf32>
    %get3A_3952 = vector.shape_cast %get3A_3951 : vector<1x1x64xf32> to vector<1x64xf32>
    %swap3A_3953 = arith.constant 219 : index
    %swap3A_3954 = arith.constant 0 : index
    %swap3A_3955 = vector.load %arg9[%swap3A_3953, %swap3A_3954] : memref<256x64xf32, #tpu.memory_space<vmem>>, vector<1x64xf32>
    tpu.vector_store %arg9[%swap3A_3953, %swap3A_3954], %get3A_3952 {strides = array<i32>} : memref<256x64xf32, #tpu.memory_space<vmem>>, vector<1x64xf32>,
    %mul3A_3956 = arith.constant 4 : i32
    %mul3A_3957 = arith.muli %arg0, %mul3A_3956 : i32
    %mul3A_3958 = arith.constant 64 : i32
    %mul3A_3959 = arith.muli %mul3A_3957, %mul3A_3958 : i32
    %add3A_3960 = arith.constant 192 : i32
    %add3A_3961 = arith.addi %mul3A_3959, %add3A_3960 : i32
    %add3A_3962 = arith.constant 28 : i32
    %add3A_3963 = arith.addi %add3A_3961, %add3A_3962 : i32
    %get3A_3964 = arith.index_cast %add3A_3963 : i32 to index
    %get3A_3965 = memref.load %arg1[%get3A_3964] : memref<2048xi32, #tpu.memory_space<smem>>
    %get3A_3966 = arith.constant 3 : index
    %get3A_3967 = arith.index_cast %get3A_3965 : i32 to index
    %get3A_3968 = arith.constant 0 : index
    %get3A_3969 = vector.load %arg3[%get3A_3966, %get3A_3967, %get3A_3968] : memref<4x4096x64xf32, #tpu.memory_space<vmem>>, vector<1x1x64xf32>
    %get3A_3970 = vector.shape_cast %get3A_3969 : vector<1x1x64xf32> to vector<1x64xf32>
    %swap3A_3971 = arith.constant 220 : index
    %swap3A_3972 = arith.constant 0 : index
    %swap3A_3973 = vector.load %arg9[%swap3A_3971, %swap3A_3972] : memref<256x64xf32, #tpu.memory_space<vmem>>, vector<1x64xf32>
    tpu.vector_store %arg9[%swap3A_3971, %swap3A_3972], %get3A_3970 {strides = array<i32>} : memref<256x64xf32, #tpu.memory_space<vmem>>, vector<1x64xf32>,
    %mul3A_3974 = arith.constant 4 : i32
    %mul3A_3975 = arith.muli %arg0, %mul3A_3974 : i32
    %mul3A_3976 = arith.constant 64 : i32
    %mul3A_3977 = arith.muli %mul3A_3975, %mul3A_3976 : i32
    %add3A_3978 = arith.constant 192 : i32
    %add3A_3979 = arith.addi %mul3A_3977, %add3A_3978 : i32
    %add3A_3980 = arith.constant 29 : i32
    %add3A_3981 = arith.addi %add3A_3979, %add3A_3980 : i32
    %get3A_3982 = arith.index_cast %add3A_3981 : i32 to index
    %get3A_3983 = memref.load %arg1[%get3A_3982] : memref<2048xi32, #tpu.memory_space<smem>>
    %get3A_3984 = arith.constant 3 : index
    %get3A_3985 = arith.index_cast %get3A_3983 : i32 to index
    %get3A_3986 = arith.constant 0 : index
    %get3A_3987 = vector.load %arg3[%get3A_3984, %get3A_3985, %get3A_3986] : memref<4x4096x64xf32, #tpu.memory_space<vmem>>, vector<1x1x64xf32>
    %get3A_3988 = vector.shape_cast %get3A_3987 : vector<1x1x64xf32> to vector<1x64xf32>
    %swap3A_3989 = arith.constant 221 : index
    %swap3A_3990 = arith.constant 0 : index
    %swap3A_3991 = vector.load %arg9[%swap3A_3989, %swap3A_3990] : memref<256x64xf32, #tpu.memory_space<vmem>>, vector<1x64xf32>
    tpu.vector_store %arg9[%swap3A_3989, %swap3A_3990], %get3A_3988 {strides = array<i32>} : memref<256x64xf32, #tpu.memory_space<vmem>>, vector<1x64xf32>,
    %mul3A_3992 = arith.constant 4 : i32
    %mul3A_3993 = arith.muli %arg0, %mul3A_3992 : i32
    %mul3A_3994 = arith.constant 64 : i32
    %mul3A_3995 = arith.muli %mul3A_3993, %mul3A_3994 : i32
    %add3A_3996 = arith.constant 192 : i32
    %add3A_3997 = arith.addi %mul3A_3995, %add3A_3996 : i32
    %add3A_3998 = arith.constant 30 : i32
    %add3A_3999 = arith.addi %add3A_3997, %add3A_3998 : i32
    %get3A_4000 = arith.index_cast %add3A_3999 : i32 to index
    %get3A_4001 = memref.load %arg1[%get3A_4000] : memref<2048xi32, #tpu.memory_space<smem>>
    %get3A_4002 = arith.constant 3 : index
    %get3A_4003 = arith.index_cast %get3A_4001 : i32 to index
    %get3A_4004 = arith.constant 0 : index
    %get3A_4005 = vector.load %arg3[%get3A_4002, %get3A_4003, %get3A_4004] : memref<4x4096x64xf32, #tpu.memory_space<vmem>>, vector<1x1x64xf32>
    %get3A_4006 = vector.shape_cast %get3A_4005 : vector<1x1x64xf32> to vector<1x64xf32>
    %swap3A_4007 = arith.constant 222 : index
    %swap3A_4008 = arith.constant 0 : index
    %swap3A_4009 = vector.load %arg9[%swap3A_4007, %swap3A_4008] : memref<256x64xf32, #tpu.memory_space<vmem>>, vector<1x64xf32>
    tpu.vector_store %arg9[%swap3A_4007, %swap3A_4008], %get3A_4006 {strides = array<i32>} : memref<256x64xf32, #tpu.memory_space<vmem>>, vector<1x64xf32>,
    %mul3A_4010 = arith.constant 4 : i32
    %mul3A_4011 = arith.muli %arg0, %mul3A_4010 : i32
    %mul3A_4012 = arith.constant 64 : i32
    %mul3A_4013 = arith.muli %mul3A_4011, %mul3A_4012 : i32
    %add3A_4014 = arith.constant 192 : i32
    %add3A_4015 = arith.addi %mul3A_4013, %add3A_4014 : i32
    %add3A_4016 = arith.constant 31 : i32
    %add3A_4017 = arith.addi %add3A_4015, %add3A_4016 : i32
    %get3A_4018 = arith.index_cast %add3A_4017 : i32 to index
    %get3A_4019 = memref.load %arg1[%get3A_4018] : memref<2048xi32, #tpu.memory_space<smem>>
    %get3A_4020 = arith.constant 3 : index
    %get3A_4021 = arith.index_cast %get3A_4019 : i32 to index
    %get3A_4022 = arith.constant 0 : index
    %get3A_4023 = vector.load %arg3[%get3A_4020, %get3A_4021, %get3A_4022] : memref<4x4096x64xf32, #tpu.memory_space<vmem>>, vector<1x1x64xf32>
    %get3A_4024 = vector.shape_cast %get3A_4023 : vector<1x1x64xf32> to vector<1x64xf32>
    %swap3A_4025 = arith.constant 223 : index
    %swap3A_4026 = arith.constant 0 : index
    %swap3A_4027 = vector.load %arg9[%swap3A_4025, %swap3A_4026] : memref<256x64xf32, #tpu.memory_space<vmem>>, vector<1x64xf32>
    tpu.vector_store %arg9[%swap3A_4025, %swap3A_4026], %get3A_4024 {strides = array<i32>} : memref<256x64xf32, #tpu.memory_space<vmem>>, vector<1x64xf32>,
    %mul3A_4028 = arith.constant 4 : i32
    %mul3A_4029 = arith.muli %arg0, %mul3A_4028 : i32
    %mul3A_4030 = arith.constant 64 : i32
    %mul3A_4031 = arith.muli %mul3A_4029, %mul3A_4030 : i32
    %add3A_4032 = arith.constant 192 : i32
    %add3A_4033 = arith.addi %mul3A_4031, %add3A_4032 : i32
    %add3A_4034 = arith.constant 32 : i32
    %add3A_4035 = arith.addi %add3A_4033, %add3A_4034 : i32
    %get3A_4036 = arith.index_cast %add3A_4035 : i32 to index
    %get3A_4037 = memref.load %arg1[%get3A_4036] : memref<2048xi32, #tpu.memory_space<smem>>
    %get3A_4038 = arith.constant 3 : index
    %get3A_4039 = arith.index_cast %get3A_4037 : i32 to index
    %get3A_4040 = arith.constant 0 : index
    %get3A_4041 = vector.load %arg3[%get3A_4038, %get3A_4039, %get3A_4040] : memref<4x4096x64xf32, #tpu.memory_space<vmem>>, vector<1x1x64xf32>
    %get3A_4042 = vector.shape_cast %get3A_4041 : vector<1x1x64xf32> to vector<1x64xf32>
    %swap3A_4043 = arith.constant 224 : index
    %swap3A_4044 = arith.constant 0 : index
    %swap3A_4045 = vector.load %arg9[%swap3A_4043, %swap3A_4044] : memref<256x64xf32, #tpu.memory_space<vmem>>, vector<1x64xf32>
    tpu.vector_store %arg9[%swap3A_4043, %swap3A_4044], %get3A_4042 {strides = array<i32>} : memref<256x64xf32, #tpu.memory_space<vmem>>, vector<1x64xf32>,
    %mul3A_4046 = arith.constant 4 : i32
    %mul3A_4047 = arith.muli %arg0, %mul3A_4046 : i32
    %mul3A_4048 = arith.constant 64 : i32
    %mul3A_4049 = arith.muli %mul3A_4047, %mul3A_4048 : i32
    %add3A_4050 = arith.constant 192 : i32
    %add3A_4051 = arith.addi %mul3A_4049, %add3A_4050 : i32
    %add3A_4052 = arith.constant 33 : i32
    %add3A_4053 = arith.addi %add3A_4051, %add3A_4052 : i32
    %get3A_4054 = arith.index_cast %add3A_4053 : i32 to index
    %get3A_4055 = memref.load %arg1[%get3A_4054] : memref<2048xi32, #tpu.memory_space<smem>>
    %get3A_4056 = arith.constant 3 : index
    %get3A_4057 = arith.index_cast %get3A_4055 : i32 to index
    %get3A_4058 = arith.constant 0 : index
    %get3A_4059 = vector.load %arg3[%get3A_4056, %get3A_4057, %get3A_4058] : memref<4x4096x64xf32, #tpu.memory_space<vmem>>, vector<1x1x64xf32>
    %get3A_4060 = vector.shape_cast %get3A_4059 : vector<1x1x64xf32> to vector<1x64xf32>
    %swap3A_4061 = arith.constant 225 : index
    %swap3A_4062 = arith.constant 0 : index
    %swap3A_4063 = vector.load %arg9[%swap3A_4061, %swap3A_4062] : memref<256x64xf32, #tpu.memory_space<vmem>>, vector<1x64xf32>
    tpu.vector_store %arg9[%swap3A_4061, %swap3A_4062], %get3A_4060 {strides = array<i32>} : memref<256x64xf32, #tpu.memory_space<vmem>>, vector<1x64xf32>,
    %mul3A_4064 = arith.constant 4 : i32
    %mul3A_4065 = arith.muli %arg0, %mul3A_4064 : i32
    %mul3A_4066 = arith.constant 64 : i32
    %mul3A_4067 = arith.muli %mul3A_4065, %mul3A_4066 : i32
    %add3A_4068 = arith.constant 192 : i32
    %add3A_4069 = arith.addi %mul3A_4067, %add3A_4068 : i32
    %add3A_4070 = arith.constant 34 : i32
    %add3A_4071 = arith.addi %add3A_4069, %add3A_4070 : i32
    %get3A_4072 = arith.index_cast %add3A_4071 : i32 to index
    %get3A_4073 = memref.load %arg1[%get3A_4072] : memref<2048xi32, #tpu.memory_space<smem>>
    %get3A_4074 = arith.constant 3 : index
    %get3A_4075 = arith.index_cast %get3A_4073 : i32 to index
    %get3A_4076 = arith.constant 0 : index
    %get3A_4077 = vector.load %arg3[%get3A_4074, %get3A_4075, %get3A_4076] : memref<4x4096x64xf32, #tpu.memory_space<vmem>>, vector<1x1x64xf32>
    %get3A_4078 = vector.shape_cast %get3A_4077 : vector<1x1x64xf32> to vector<1x64xf32>
    %swap3A_4079 = arith.constant 226 : index
    %swap3A_4080 = arith.constant 0 : index
    %swap3A_4081 = vector.load %arg9[%swap3A_4079, %swap3A_4080] : memref<256x64xf32, #tpu.memory_space<vmem>>, vector<1x64xf32>
    tpu.vector_store %arg9[%swap3A_4079, %swap3A_4080], %get3A_4078 {strides = array<i32>} : memref<256x64xf32, #tpu.memory_space<vmem>>, vector<1x64xf32>,
    %mul3A_4082 = arith.constant 4 : i32
    %mul3A_4083 = arith.muli %arg0, %mul3A_4082 : i32
    %mul3A_4084 = arith.constant 64 : i32
    %mul3A_4085 = arith.muli %mul3A_4083, %mul3A_4084 : i32
    %add3A_4086 = arith.constant 192 : i32
    %add3A_4087 = arith.addi %mul3A_4085, %add3A_4086 : i32
    %add3A_4088 = arith.constant 35 : i32
    %add3A_4089 = arith.addi %add3A_4087, %add3A_4088 : i32
    %get3A_4090 = arith.index_cast %add3A_4089 : i32 to index
    %get3A_4091 = memref.load %arg1[%get3A_4090] : memref<2048xi32, #tpu.memory_space<smem>>
    %get3A_4092 = arith.constant 3 : index
    %get3A_4093 = arith.index_cast %get3A_4091 : i32 to index
    %get3A_4094 = arith.constant 0 : index
    %get3A_4095 = vector.load %arg3[%get3A_4092, %get3A_4093, %get3A_4094] : memref<4x4096x64xf32, #tpu.memory_space<vmem>>, vector<1x1x64xf32>
    %get3A_4096 = vector.shape_cast %get3A_4095 : vector<1x1x64xf32> to vector<1x64xf32>
    %swap3A_4097 = arith.constant 227 : index
    %swap3A_4098 = arith.constant 0 : index
    %swap3A_4099 = vector.load %arg9[%swap3A_4097, %swap3A_4098] : memref<256x64xf32, #tpu.memory_space<vmem>>, vector<1x64xf32>
    tpu.vector_store %arg9[%swap3A_4097, %swap3A_4098], %get3A_4096 {strides = array<i32>} : memref<256x64xf32, #tpu.memory_space<vmem>>, vector<1x64xf32>,
    %mul3A_4100 = arith.constant 4 : i32
    %mul3A_4101 = arith.muli %arg0, %mul3A_4100 : i32
    %mul3A_4102 = arith.constant 64 : i32
    %mul3A_4103 = arith.muli %mul3A_4101, %mul3A_4102 : i32
    %add3A_4104 = arith.constant 192 : i32
    %add3A_4105 = arith.addi %mul3A_4103, %add3A_4104 : i32
    %add3A_4106 = arith.constant 36 : i32
    %add3A_4107 = arith.addi %add3A_4105, %add3A_4106 : i32
    %get3A_4108 = arith.index_cast %add3A_4107 : i32 to index
    %get3A_4109 = memref.load %arg1[%get3A_4108] : memref<2048xi32, #tpu.memory_space<smem>>
    %get3A_4110 = arith.constant 3 : index
    %get3A_4111 = arith.index_cast %get3A_4109 : i32 to index
    %get3A_4112 = arith.constant 0 : index
    %get3A_4113 = vector.load %arg3[%get3A_4110, %get3A_4111, %get3A_4112] : memref<4x4096x64xf32, #tpu.memory_space<vmem>>, vector<1x1x64xf32>
    %get3A_4114 = vector.shape_cast %get3A_4113 : vector<1x1x64xf32> to vector<1x64xf32>
    %swap3A_4115 = arith.constant 228 : index
    %swap3A_4116 = arith.constant 0 : index
    %swap3A_4117 = vector.load %arg9[%swap3A_4115, %swap3A_4116] : memref<256x64xf32, #tpu.memory_space<vmem>>, vector<1x64xf32>
    tpu.vector_store %arg9[%swap3A_4115, %swap3A_4116], %get3A_4114 {strides = array<i32>} : memref<256x64xf32, #tpu.memory_space<vmem>>, vector<1x64xf32>,
    %mul3A_4118 = arith.constant 4 : i32
    %mul3A_4119 = arith.muli %arg0, %mul3A_4118 : i32
    %mul3A_4120 = arith.constant 64 : i32
    %mul3A_4121 = arith.muli %mul3A_4119, %mul3A_4120 : i32
    %add3A_4122 = arith.constant 192 : i32
    %add3A_4123 = arith.addi %mul3A_4121, %add3A_4122 : i32
    %add3A_4124 = arith.constant 37 : i32
    %add3A_4125 = arith.addi %add3A_4123, %add3A_4124 : i32
    %get3A_4126 = arith.index_cast %add3A_4125 : i32 to index
    %get3A_4127 = memref.load %arg1[%get3A_4126] : memref<2048xi32, #tpu.memory_space<smem>>
    %get3A_4128 = arith.constant 3 : index
    %get3A_4129 = arith.index_cast %get3A_4127 : i32 to index
    %get3A_4130 = arith.constant 0 : index
    %get3A_4131 = vector.load %arg3[%get3A_4128, %get3A_4129, %get3A_4130] : memref<4x4096x64xf32, #tpu.memory_space<vmem>>, vector<1x1x64xf32>
    %get3A_4132 = vector.shape_cast %get3A_4131 : vector<1x1x64xf32> to vector<1x64xf32>
    %swap3A_4133 = arith.constant 229 : index
    %swap3A_4134 = arith.constant 0 : index
    %swap3A_4135 = vector.load %arg9[%swap3A_4133, %swap3A_4134] : memref<256x64xf32, #tpu.memory_space<vmem>>, vector<1x64xf32>
    tpu.vector_store %arg9[%swap3A_4133, %swap3A_4134], %get3A_4132 {strides = array<i32>} : memref<256x64xf32, #tpu.memory_space<vmem>>, vector<1x64xf32>,
    %mul3A_4136 = arith.constant 4 : i32
    %mul3A_4137 = arith.muli %arg0, %mul3A_4136 : i32
    %mul3A_4138 = arith.constant 64 : i32
    %mul3A_4139 = arith.muli %mul3A_4137, %mul3A_4138 : i32
    %add3A_4140 = arith.constant 192 : i32
    %add3A_4141 = arith.addi %mul3A_4139, %add3A_4140 : i32
    %add3A_4142 = arith.constant 38 : i32
    %add3A_4143 = arith.addi %add3A_4141, %add3A_4142 : i32
    %get3A_4144 = arith.index_cast %add3A_4143 : i32 to index
    %get3A_4145 = memref.load %arg1[%get3A_4144] : memref<2048xi32, #tpu.memory_space<smem>>
    %get3A_4146 = arith.constant 3 : index
    %get3A_4147 = arith.index_cast %get3A_4145 : i32 to index
    %get3A_4148 = arith.constant 0 : index
    %get3A_4149 = vector.load %arg3[%get3A_4146, %get3A_4147, %get3A_4148] : memref<4x4096x64xf32, #tpu.memory_space<vmem>>, vector<1x1x64xf32>
    %get3A_4150 = vector.shape_cast %get3A_4149 : vector<1x1x64xf32> to vector<1x64xf32>
    %swap3A_4151 = arith.constant 230 : index
    %swap3A_4152 = arith.constant 0 : index
    %swap3A_4153 = vector.load %arg9[%swap3A_4151, %swap3A_4152] : memref<256x64xf32, #tpu.memory_space<vmem>>, vector<1x64xf32>
    tpu.vector_store %arg9[%swap3A_4151, %swap3A_4152], %get3A_4150 {strides = array<i32>} : memref<256x64xf32, #tpu.memory_space<vmem>>, vector<1x64xf32>,
    %mul3A_4154 = arith.constant 4 : i32
    %mul3A_4155 = arith.muli %arg0, %mul3A_4154 : i32
    %mul3A_4156 = arith.constant 64 : i32
    %mul3A_4157 = arith.muli %mul3A_4155, %mul3A_4156 : i32
    %add3A_4158 = arith.constant 192 : i32
    %add3A_4159 = arith.addi %mul3A_4157, %add3A_4158 : i32
    %add3A_4160 = arith.constant 39 : i32
    %add3A_4161 = arith.addi %add3A_4159, %add3A_4160 : i32
    %get3A_4162 = arith.index_cast %add3A_4161 : i32 to index
    %get3A_4163 = memref.load %arg1[%get3A_4162] : memref<2048xi32, #tpu.memory_space<smem>>
    %get3A_4164 = arith.constant 3 : index
    %get3A_4165 = arith.index_cast %get3A_4163 : i32 to index
    %get3A_4166 = arith.constant 0 : index
    %get3A_4167 = vector.load %arg3[%get3A_4164, %get3A_4165, %get3A_4166] : memref<4x4096x64xf32, #tpu.memory_space<vmem>>, vector<1x1x64xf32>
    %get3A_4168 = vector.shape_cast %get3A_4167 : vector<1x1x64xf32> to vector<1x64xf32>
    %swap3A_4169 = arith.constant 231 : index
    %swap3A_4170 = arith.constant 0 : index
    %swap3A_4171 = vector.load %arg9[%swap3A_4169, %swap3A_4170] : memref<256x64xf32, #tpu.memory_space<vmem>>, vector<1x64xf32>
    tpu.vector_store %arg9[%swap3A_4169, %swap3A_4170], %get3A_4168 {strides = array<i32>} : memref<256x64xf32, #tpu.memory_space<vmem>>, vector<1x64xf32>,
    %mul3A_4172 = arith.constant 4 : i32
    %mul3A_4173 = arith.muli %arg0, %mul3A_4172 : i32
    %mul3A_4174 = arith.constant 64 : i32
    %mul3A_4175 = arith.muli %mul3A_4173, %mul3A_4174 : i32
    %add3A_4176 = arith.constant 192 : i32
    %add3A_4177 = arith.addi %mul3A_4175, %add3A_4176 : i32
    %add3A_4178 = arith.constant 40 : i32
    %add3A_4179 = arith.addi %add3A_4177, %add3A_4178 : i32
    %get3A_4180 = arith.index_cast %add3A_4179 : i32 to index
    %get3A_4181 = memref.load %arg1[%get3A_4180] : memref<2048xi32, #tpu.memory_space<smem>>
    %get3A_4182 = arith.constant 3 : index
    %get3A_4183 = arith.index_cast %get3A_4181 : i32 to index
    %get3A_4184 = arith.constant 0 : index
    %get3A_4185 = vector.load %arg3[%get3A_4182, %get3A_4183, %get3A_4184] : memref<4x4096x64xf32, #tpu.memory_space<vmem>>, vector<1x1x64xf32>
    %get3A_4186 = vector.shape_cast %get3A_4185 : vector<1x1x64xf32> to vector<1x64xf32>
    %swap3A_4187 = arith.constant 232 : index
    %swap3A_4188 = arith.constant 0 : index
    %swap3A_4189 = vector.load %arg9[%swap3A_4187, %swap3A_4188] : memref<256x64xf32, #tpu.memory_space<vmem>>, vector<1x64xf32>
    tpu.vector_store %arg9[%swap3A_4187, %swap3A_4188], %get3A_4186 {strides = array<i32>} : memref<256x64xf32, #tpu.memory_space<vmem>>, vector<1x64xf32>,
    %mul3A_4190 = arith.constant 4 : i32
    %mul3A_4191 = arith.muli %arg0, %mul3A_4190 : i32
    %mul3A_4192 = arith.constant 64 : i32
    %mul3A_4193 = arith.muli %mul3A_4191, %mul3A_4192 : i32
    %add3A_4194 = arith.constant 192 : i32
    %add3A_4195 = arith.addi %mul3A_4193, %add3A_4194 : i32
    %add3A_4196 = arith.constant 41 : i32
    %add3A_4197 = arith.addi %add3A_4195, %add3A_4196 : i32
    %get3A_4198 = arith.index_cast %add3A_4197 : i32 to index
    %get3A_4199 = memref.load %arg1[%get3A_4198] : memref<2048xi32, #tpu.memory_space<smem>>
    %get3A_4200 = arith.constant 3 : index
    %get3A_4201 = arith.index_cast %get3A_4199 : i32 to index
    %get3A_4202 = arith.constant 0 : index
    %get3A_4203 = vector.load %arg3[%get3A_4200, %get3A_4201, %get3A_4202] : memref<4x4096x64xf32, #tpu.memory_space<vmem>>, vector<1x1x64xf32>
    %get3A_4204 = vector.shape_cast %get3A_4203 : vector<1x1x64xf32> to vector<1x64xf32>
    %swap3A_4205 = arith.constant 233 : index
    %swap3A_4206 = arith.constant 0 : index
    %swap3A_4207 = vector.load %arg9[%swap3A_4205, %swap3A_4206] : memref<256x64xf32, #tpu.memory_space<vmem>>, vector<1x64xf32>
    tpu.vector_store %arg9[%swap3A_4205, %swap3A_4206], %get3A_4204 {strides = array<i32>} : memref<256x64xf32, #tpu.memory_space<vmem>>, vector<1x64xf32>,
    %mul3A_4208 = arith.constant 4 : i32
    %mul3A_4209 = arith.muli %arg0, %mul3A_4208 : i32
    %mul3A_4210 = arith.constant 64 : i32
    %mul3A_4211 = arith.muli %mul3A_4209, %mul3A_4210 : i32
    %add3A_4212 = arith.constant 192 : i32
    %add3A_4213 = arith.addi %mul3A_4211, %add3A_4212 : i32
    %add3A_4214 = arith.constant 42 : i32
    %add3A_4215 = arith.addi %add3A_4213, %add3A_4214 : i32
    %get3A_4216 = arith.index_cast %add3A_4215 : i32 to index
    %get3A_4217 = memref.load %arg1[%get3A_4216] : memref<2048xi32, #tpu.memory_space<smem>>
    %get3A_4218 = arith.constant 3 : index
    %get3A_4219 = arith.index_cast %get3A_4217 : i32 to index
    %get3A_4220 = arith.constant 0 : index
    %get3A_4221 = vector.load %arg3[%get3A_4218, %get3A_4219, %get3A_4220] : memref<4x4096x64xf32, #tpu.memory_space<vmem>>, vector<1x1x64xf32>
    %get3A_4222 = vector.shape_cast %get3A_4221 : vector<1x1x64xf32> to vector<1x64xf32>
    %swap3A_4223 = arith.constant 234 : index
    %swap3A_4224 = arith.constant 0 : index
    %swap3A_4225 = vector.load %arg9[%swap3A_4223, %swap3A_4224] : memref<256x64xf32, #tpu.memory_space<vmem>>, vector<1x64xf32>
    tpu.vector_store %arg9[%swap3A_4223, %swap3A_4224], %get3A_4222 {strides = array<i32>} : memref<256x64xf32, #tpu.memory_space<vmem>>, vector<1x64xf32>,
    %mul3A_4226 = arith.constant 4 : i32
    %mul3A_4227 = arith.muli %arg0, %mul3A_4226 : i32
    %mul3A_4228 = arith.constant 64 : i32
    %mul3A_4229 = arith.muli %mul3A_4227, %mul3A_4228 : i32
    %add3A_4230 = arith.constant 192 : i32
    %add3A_4231 = arith.addi %mul3A_4229, %add3A_4230 : i32
    %add3A_4232 = arith.constant 43 : i32
    %add3A_4233 = arith.addi %add3A_4231, %add3A_4232 : i32
    %get3A_4234 = arith.index_cast %add3A_4233 : i32 to index
    %get3A_4235 = memref.load %arg1[%get3A_4234] : memref<2048xi32, #tpu.memory_space<smem>>
    %get3A_4236 = arith.constant 3 : index
    %get3A_4237 = arith.index_cast %get3A_4235 : i32 to index
    %get3A_4238 = arith.constant 0 : index
    %get3A_4239 = vector.load %arg3[%get3A_4236, %get3A_4237, %get3A_4238] : memref<4x4096x64xf32, #tpu.memory_space<vmem>>, vector<1x1x64xf32>
    %get3A_4240 = vector.shape_cast %get3A_4239 : vector<1x1x64xf32> to vector<1x64xf32>
    %swap3A_4241 = arith.constant 235 : index
    %swap3A_4242 = arith.constant 0 : index
    %swap3A_4243 = vector.load %arg9[%swap3A_4241, %swap3A_4242] : memref<256x64xf32, #tpu.memory_space<vmem>>, vector<1x64xf32>
    tpu.vector_store %arg9[%swap3A_4241, %swap3A_4242], %get3A_4240 {strides = array<i32>} : memref<256x64xf32, #tpu.memory_space<vmem>>, vector<1x64xf32>,
    %mul3A_4244 = arith.constant 4 : i32
    %mul3A_4245 = arith.muli %arg0, %mul3A_4244 : i32
    %mul3A_4246 = arith.constant 64 : i32
    %mul3A_4247 = arith.muli %mul3A_4245, %mul3A_4246 : i32
    %add3A_4248 = arith.constant 192 : i32
    %add3A_4249 = arith.addi %mul3A_4247, %add3A_4248 : i32
    %add3A_4250 = arith.constant 44 : i32
    %add3A_4251 = arith.addi %add3A_4249, %add3A_4250 : i32
    %get3A_4252 = arith.index_cast %add3A_4251 : i32 to index
    %get3A_4253 = memref.load %arg1[%get3A_4252] : memref<2048xi32, #tpu.memory_space<smem>>
    %get3A_4254 = arith.constant 3 : index
    %get3A_4255 = arith.index_cast %get3A_4253 : i32 to index
    %get3A_4256 = arith.constant 0 : index
    %get3A_4257 = vector.load %arg3[%get3A_4254, %get3A_4255, %get3A_4256] : memref<4x4096x64xf32, #tpu.memory_space<vmem>>, vector<1x1x64xf32>
    %get3A_4258 = vector.shape_cast %get3A_4257 : vector<1x1x64xf32> to vector<1x64xf32>
    %swap3A_4259 = arith.constant 236 : index
    %swap3A_4260 = arith.constant 0 : index
    %swap3A_4261 = vector.load %arg9[%swap3A_4259, %swap3A_4260] : memref<256x64xf32, #tpu.memory_space<vmem>>, vector<1x64xf32>
    tpu.vector_store %arg9[%swap3A_4259, %swap3A_4260], %get3A_4258 {strides = array<i32>} : memref<256x64xf32, #tpu.memory_space<vmem>>, vector<1x64xf32>,
    %mul3A_4262 = arith.constant 4 : i32
    %mul3A_4263 = arith.muli %arg0, %mul3A_4262 : i32
    %mul3A_4264 = arith.constant 64 : i32
    %mul3A_4265 = arith.muli %mul3A_4263, %mul3A_4264 : i32
    %add3A_4266 = arith.constant 192 : i32
    %add3A_4267 = arith.addi %mul3A_4265, %add3A_4266 : i32
    %add3A_4268 = arith.constant 45 : i32
    %add3A_4269 = arith.addi %add3A_4267, %add3A_4268 : i32
    %get3A_4270 = arith.index_cast %add3A_4269 : i32 to index
    %get3A_4271 = memref.load %arg1[%get3A_4270] : memref<2048xi32, #tpu.memory_space<smem>>
    %get3A_4272 = arith.constant 3 : index
    %get3A_4273 = arith.index_cast %get3A_4271 : i32 to index
    %get3A_4274 = arith.constant 0 : index
    %get3A_4275 = vector.load %arg3[%get3A_4272, %get3A_4273, %get3A_4274] : memref<4x4096x64xf32, #tpu.memory_space<vmem>>, vector<1x1x64xf32>
    %get3A_4276 = vector.shape_cast %get3A_4275 : vector<1x1x64xf32> to vector<1x64xf32>
    %swap3A_4277 = arith.constant 237 : index
    %swap3A_4278 = arith.constant 0 : index
    %swap3A_4279 = vector.load %arg9[%swap3A_4277, %swap3A_4278] : memref<256x64xf32, #tpu.memory_space<vmem>>, vector<1x64xf32>
    tpu.vector_store %arg9[%swap3A_4277, %swap3A_4278], %get3A_4276 {strides = array<i32>} : memref<256x64xf32, #tpu.memory_space<vmem>>, vector<1x64xf32>,
    %mul3A_4280 = arith.constant 4 : i32
    %mul3A_4281 = arith.muli %arg0, %mul3A_4280 : i32
    %mul3A_4282 = arith.constant 64 : i32
    %mul3A_4283 = arith.muli %mul3A_4281, %mul3A_4282 : i32
    %add3A_4284 = arith.constant 192 : i32
    %add3A_4285 = arith.addi %mul3A_4283, %add3A_4284 : i32
    %add3A_4286 = arith.constant 46 : i32
    %add3A_4287 = arith.addi %add3A_4285, %add3A_4286 : i32
    %get3A_4288 = arith.index_cast %add3A_4287 : i32 to index
    %get3A_4289 = memref.load %arg1[%get3A_4288] : memref<2048xi32, #tpu.memory_space<smem>>
    %get3A_4290 = arith.constant 3 : index
    %get3A_4291 = arith.index_cast %get3A_4289 : i32 to index
    %get3A_4292 = arith.constant 0 : index
    %get3A_4293 = vector.load %arg3[%get3A_4290, %get3A_4291, %get3A_4292] : memref<4x4096x64xf32, #tpu.memory_space<vmem>>, vector<1x1x64xf32>
    %get3A_4294 = vector.shape_cast %get3A_4293 : vector<1x1x64xf32> to vector<1x64xf32>
    %swap3A_4295 = arith.constant 238 : index
    %swap3A_4296 = arith.constant 0 : index
    %swap3A_4297 = vector.load %arg9[%swap3A_4295, %swap3A_4296] : memref<256x64xf32, #tpu.memory_space<vmem>>, vector<1x64xf32>
    tpu.vector_store %arg9[%swap3A_4295, %swap3A_4296], %get3A_4294 {strides = array<i32>} : memref<256x64xf32, #tpu.memory_space<vmem>>, vector<1x64xf32>,
    %mul3A_4298 = arith.constant 4 : i32
    %mul3A_4299 = arith.muli %arg0, %mul3A_4298 : i32
    %mul3A_4300 = arith.constant 64 : i32
    %mul3A_4301 = arith.muli %mul3A_4299, %mul3A_4300 : i32
    %add3A_4302 = arith.constant 192 : i32
    %add3A_4303 = arith.addi %mul3A_4301, %add3A_4302 : i32
    %add3A_4304 = arith.constant 47 : i32
    %add3A_4305 = arith.addi %add3A_4303, %add3A_4304 : i32
    %get3A_4306 = arith.index_cast %add3A_4305 : i32 to index
    %get3A_4307 = memref.load %arg1[%get3A_4306] : memref<2048xi32, #tpu.memory_space<smem>>
    %get3A_4308 = arith.constant 3 : index
    %get3A_4309 = arith.index_cast %get3A_4307 : i32 to index
    %get3A_4310 = arith.constant 0 : index
    %get3A_4311 = vector.load %arg3[%get3A_4308, %get3A_4309, %get3A_4310] : memref<4x4096x64xf32, #tpu.memory_space<vmem>>, vector<1x1x64xf32>
    %get3A_4312 = vector.shape_cast %get3A_4311 : vector<1x1x64xf32> to vector<1x64xf32>
    %swap3A_4313 = arith.constant 239 : index
    %swap3A_4314 = arith.constant 0 : index
    %swap3A_4315 = vector.load %arg9[%swap3A_4313, %swap3A_4314] : memref<256x64xf32, #tpu.memory_space<vmem>>, vector<1x64xf32>
    tpu.vector_store %arg9[%swap3A_4313, %swap3A_4314], %get3A_4312 {strides = array<i32>} : memref<256x64xf32, #tpu.memory_space<vmem>>, vector<1x64xf32>,
    %mul3A_4316 = arith.constant 4 : i32
    %mul3A_4317 = arith.muli %arg0, %mul3A_4316 : i32
    %mul3A_4318 = arith.constant 64 : i32
    %mul3A_4319 = arith.muli %mul3A_4317, %mul3A_4318 : i32
    %add3A_4320 = arith.constant 192 : i32
    %add3A_4321 = arith.addi %mul3A_4319, %add3A_4320 : i32
    %add3A_4322 = arith.constant 48 : i32
    %add3A_4323 = arith.addi %add3A_4321, %add3A_4322 : i32
    %get3A_4324 = arith.index_cast %add3A_4323 : i32 to index
    %get3A_4325 = memref.load %arg1[%get3A_4324] : memref<2048xi32, #tpu.memory_space<smem>>
    %get3A_4326 = arith.constant 3 : index
    %get3A_4327 = arith.index_cast %get3A_4325 : i32 to index
    %get3A_4328 = arith.constant 0 : index
    %get3A_4329 = vector.load %arg3[%get3A_4326, %get3A_4327, %get3A_4328] : memref<4x4096x64xf32, #tpu.memory_space<vmem>>, vector<1x1x64xf32>
    %get3A_4330 = vector.shape_cast %get3A_4329 : vector<1x1x64xf32> to vector<1x64xf32>
    %swap3A_4331 = arith.constant 240 : index
    %swap3A_4332 = arith.constant 0 : index
    %swap3A_4333 = vector.load %arg9[%swap3A_4331, %swap3A_4332] : memref<256x64xf32, #tpu.memory_space<vmem>>, vector<1x64xf32>
    tpu.vector_store %arg9[%swap3A_4331, %swap3A_4332], %get3A_4330 {strides = array<i32>} : memref<256x64xf32, #tpu.memory_space<vmem>>, vector<1x64xf32>,
    %mul3A_4334 = arith.constant 4 : i32
    %mul3A_4335 = arith.muli %arg0, %mul3A_4334 : i32
    %mul3A_4336 = arith.constant 64 : i32
    %mul3A_4337 = arith.muli %mul3A_4335, %mul3A_4336 : i32
    %add3A_4338 = arith.constant 192 : i32
    %add3A_4339 = arith.addi %mul3A_4337, %add3A_4338 : i32
    %add3A_4340 = arith.constant 49 : i32
    %add3A_4341 = arith.addi %add3A_4339, %add3A_4340 : i32
    %get3A_4342 = arith.index_cast %add3A_4341 : i32 to index
    %get3A_4343 = memref.load %arg1[%get3A_4342] : memref<2048xi32, #tpu.memory_space<smem>>
    %get3A_4344 = arith.constant 3 : index
    %get3A_4345 = arith.index_cast %get3A_4343 : i32 to index
    %get3A_4346 = arith.constant 0 : index
    %get3A_4347 = vector.load %arg3[%get3A_4344, %get3A_4345, %get3A_4346] : memref<4x4096x64xf32, #tpu.memory_space<vmem>>, vector<1x1x64xf32>
    %get3A_4348 = vector.shape_cast %get3A_4347 : vector<1x1x64xf32> to vector<1x64xf32>
    %swap3A_4349 = arith.constant 241 : index
    %swap3A_4350 = arith.constant 0 : index
    %swap3A_4351 = vector.load %arg9[%swap3A_4349, %swap3A_4350] : memref<256x64xf32, #tpu.memory_space<vmem>>, vector<1x64xf32>
    tpu.vector_store %arg9[%swap3A_4349, %swap3A_4350], %get3A_4348 {strides = array<i32>} : memref<256x64xf32, #tpu.memory_space<vmem>>, vector<1x64xf32>,
    %mul3A_4352 = arith.constant 4 : i32
    %mul3A_4353 = arith.muli %arg0, %mul3A_4352 : i32
    %mul3A_4354 = arith.constant 64 : i32
    %mul3A_4355 = arith.muli %mul3A_4353, %mul3A_4354 : i32
    %add3A_4356 = arith.constant 192 : i32
    %add3A_4357 = arith.addi %mul3A_4355, %add3A_4356 : i32
    %add3A_4358 = arith.constant 50 : i32
    %add3A_4359 = arith.addi %add3A_4357, %add3A_4358 : i32
    %get3A_4360 = arith.index_cast %add3A_4359 : i32 to index
    %get3A_4361 = memref.load %arg1[%get3A_4360] : memref<2048xi32, #tpu.memory_space<smem>>
    %get3A_4362 = arith.constant 3 : index
    %get3A_4363 = arith.index_cast %get3A_4361 : i32 to index
    %get3A_4364 = arith.constant 0 : index
    %get3A_4365 = vector.load %arg3[%get3A_4362, %get3A_4363, %get3A_4364] : memref<4x4096x64xf32, #tpu.memory_space<vmem>>, vector<1x1x64xf32>
    %get3A_4366 = vector.shape_cast %get3A_4365 : vector<1x1x64xf32> to vector<1x64xf32>
    %swap3A_4367 = arith.constant 242 : index
    %swap3A_4368 = arith.constant 0 : index
    %swap3A_4369 = vector.load %arg9[%swap3A_4367, %swap3A_4368] : memref<256x64xf32, #tpu.memory_space<vmem>>, vector<1x64xf32>
    tpu.vector_store %arg9[%swap3A_4367, %swap3A_4368], %get3A_4366 {strides = array<i32>} : memref<256x64xf32, #tpu.memory_space<vmem>>, vector<1x64xf32>,
    %mul3A_4370 = arith.constant 4 : i32
    %mul3A_4371 = arith.muli %arg0, %mul3A_4370 : i32
    %mul3A_4372 = arith.constant 64 : i32
    %mul3A_4373 = arith.muli %mul3A_4371, %mul3A_4372 : i32
    %add3A_4374 = arith.constant 192 : i32
    %add3A_4375 = arith.addi %mul3A_4373, %add3A_4374 : i32
    %add3A_4376 = arith.constant 51 : i32
    %add3A_4377 = arith.addi %add3A_4375, %add3A_4376 : i32
    %get3A_4378 = arith.index_cast %add3A_4377 : i32 to index
    %get3A_4379 = memref.load %arg1[%get3A_4378] : memref<2048xi32, #tpu.memory_space<smem>>
    %get3A_4380 = arith.constant 3 : index
    %get3A_4381 = arith.index_cast %get3A_4379 : i32 to index
    %get3A_4382 = arith.constant 0 : index
    %get3A_4383 = vector.load %arg3[%get3A_4380, %get3A_4381, %get3A_4382] : memref<4x4096x64xf32, #tpu.memory_space<vmem>>, vector<1x1x64xf32>
    %get3A_4384 = vector.shape_cast %get3A_4383 : vector<1x1x64xf32> to vector<1x64xf32>
    %swap3A_4385 = arith.constant 243 : index
    %swap3A_4386 = arith.constant 0 : index
    %swap3A_4387 = vector.load %arg9[%swap3A_4385, %swap3A_4386] : memref<256x64xf32, #tpu.memory_space<vmem>>, vector<1x64xf32>
    tpu.vector_store %arg9[%swap3A_4385, %swap3A_4386], %get3A_4384 {strides = array<i32>} : memref<256x64xf32, #tpu.memory_space<vmem>>, vector<1x64xf32>,
    %mul3A_4388 = arith.constant 4 : i32
    %mul3A_4389 = arith.muli %arg0, %mul3A_4388 : i32
    %mul3A_4390 = arith.constant 64 : i32
    %mul3A_4391 = arith.muli %mul3A_4389, %mul3A_4390 : i32
    %add3A_4392 = arith.constant 192 : i32
    %add3A_4393 = arith.addi %mul3A_4391, %add3A_4392 : i32
    %add3A_4394 = arith.constant 52 : i32
    %add3A_4395 = arith.addi %add3A_4393, %add3A_4394 : i32
    %get3A_4396 = arith.index_cast %add3A_4395 : i32 to index
    %get3A_4397 = memref.load %arg1[%get3A_4396] : memref<2048xi32, #tpu.memory_space<smem>>
    %get3A_4398 = arith.constant 3 : index
    %get3A_4399 = arith.index_cast %get3A_4397 : i32 to index
    %get3A_4400 = arith.constant 0 : index
    %get3A_4401 = vector.load %arg3[%get3A_4398, %get3A_4399, %get3A_4400] : memref<4x4096x64xf32, #tpu.memory_space<vmem>>, vector<1x1x64xf32>
    %get3A_4402 = vector.shape_cast %get3A_4401 : vector<1x1x64xf32> to vector<1x64xf32>
    %swap3A_4403 = arith.constant 244 : index
    %swap3A_4404 = arith.constant 0 : index
    %swap3A_4405 = vector.load %arg9[%swap3A_4403, %swap3A_4404] : memref<256x64xf32, #tpu.memory_space<vmem>>, vector<1x64xf32>
    tpu.vector_store %arg9[%swap3A_4403, %swap3A_4404], %get3A_4402 {strides = array<i32>} : memref<256x64xf32, #tpu.memory_space<vmem>>, vector<1x64xf32>,
    %mul3A_4406 = arith.constant 4 : i32
    %mul3A_4407 = arith.muli %arg0, %mul3A_4406 : i32
    %mul3A_4408 = arith.constant 64 : i32
    %mul3A_4409 = arith.muli %mul3A_4407, %mul3A_4408 : i32
    %add3A_4410 = arith.constant 192 : i32
    %add3A_4411 = arith.addi %mul3A_4409, %add3A_4410 : i32
    %add3A_4412 = arith.constant 53 : i32
    %add3A_4413 = arith.addi %add3A_4411, %add3A_4412 : i32
    %get3A_4414 = arith.index_cast %add3A_4413 : i32 to index
    %get3A_4415 = memref.load %arg1[%get3A_4414] : memref<2048xi32, #tpu.memory_space<smem>>
    %get3A_4416 = arith.constant 3 : index
    %get3A_4417 = arith.index_cast %get3A_4415 : i32 to index
    %get3A_4418 = arith.constant 0 : index
    %get3A_4419 = vector.load %arg3[%get3A_4416, %get3A_4417, %get3A_4418] : memref<4x4096x64xf32, #tpu.memory_space<vmem>>, vector<1x1x64xf32>
    %get3A_4420 = vector.shape_cast %get3A_4419 : vector<1x1x64xf32> to vector<1x64xf32>
    %swap3A_4421 = arith.constant 245 : index
    %swap3A_4422 = arith.constant 0 : index
    %swap3A_4423 = vector.load %arg9[%swap3A_4421, %swap3A_4422] : memref<256x64xf32, #tpu.memory_space<vmem>>, vector<1x64xf32>
    tpu.vector_store %arg9[%swap3A_4421, %swap3A_4422], %get3A_4420 {strides = array<i32>} : memref<256x64xf32, #tpu.memory_space<vmem>>, vector<1x64xf32>,
    %mul3A_4424 = arith.constant 4 : i32
    %mul3A_4425 = arith.muli %arg0, %mul3A_4424 : i32
    %mul3A_4426 = arith.constant 64 : i32
    %mul3A_4427 = arith.muli %mul3A_4425, %mul3A_4426 : i32
    %add3A_4428 = arith.constant 192 : i32
    %add3A_4429 = arith.addi %mul3A_4427, %add3A_4428 : i32
    %add3A_4430 = arith.constant 54 : i32
    %add3A_4431 = arith.addi %add3A_4429, %add3A_4430 : i32
    %get3A_4432 = arith.index_cast %add3A_4431 : i32 to index
    %get3A_4433 = memref.load %arg1[%get3A_4432] : memref<2048xi32, #tpu.memory_space<smem>>
    %get3A_4434 = arith.constant 3 : index
    %get3A_4435 = arith.index_cast %get3A_4433 : i32 to index
    %get3A_4436 = arith.constant 0 : index
    %get3A_4437 = vector.load %arg3[%get3A_4434, %get3A_4435, %get3A_4436] : memref<4x4096x64xf32, #tpu.memory_space<vmem>>, vector<1x1x64xf32>
    %get3A_4438 = vector.shape_cast %get3A_4437 : vector<1x1x64xf32> to vector<1x64xf32>
    %swap3A_4439 = arith.constant 246 : index
    %swap3A_4440 = arith.constant 0 : index
    %swap3A_4441 = vector.load %arg9[%swap3A_4439, %swap3A_4440] : memref<256x64xf32, #tpu.memory_space<vmem>>, vector<1x64xf32>
    tpu.vector_store %arg9[%swap3A_4439, %swap3A_4440], %get3A_4438 {strides = array<i32>} : memref<256x64xf32, #tpu.memory_space<vmem>>, vector<1x64xf32>,
    %mul3A_4442 = arith.constant 4 : i32
    %mul3A_4443 = arith.muli %arg0, %mul3A_4442 : i32
    %mul3A_4444 = arith.constant 64 : i32
    %mul3A_4445 = arith.muli %mul3A_4443, %mul3A_4444 : i32
    %add3A_4446 = arith.constant 192 : i32
    %add3A_4447 = arith.addi %mul3A_4445, %add3A_4446 : i32
    %add3A_4448 = arith.constant 55 : i32
    %add3A_4449 = arith.addi %add3A_4447, %add3A_4448 : i32
    %get3A_4450 = arith.index_cast %add3A_4449 : i32 to index
    %get3A_4451 = memref.load %arg1[%get3A_4450] : memref<2048xi32, #tpu.memory_space<smem>>
    %get3A_4452 = arith.constant 3 : index
    %get3A_4453 = arith.index_cast %get3A_4451 : i32 to index
    %get3A_4454 = arith.constant 0 : index
    %get3A_4455 = vector.load %arg3[%get3A_4452, %get3A_4453, %get3A_4454] : memref<4x4096x64xf32, #tpu.memory_space<vmem>>, vector<1x1x64xf32>
    %get3A_4456 = vector.shape_cast %get3A_4455 : vector<1x1x64xf32> to vector<1x64xf32>
    %swap3A_4457 = arith.constant 247 : index
    %swap3A_4458 = arith.constant 0 : index
    %swap3A_4459 = vector.load %arg9[%swap3A_4457, %swap3A_4458] : memref<256x64xf32, #tpu.memory_space<vmem>>, vector<1x64xf32>
    tpu.vector_store %arg9[%swap3A_4457, %swap3A_4458], %get3A_4456 {strides = array<i32>} : memref<256x64xf32, #tpu.memory_space<vmem>>, vector<1x64xf32>,
    %mul3A_4460 = arith.constant 4 : i32
    %mul3A_4461 = arith.muli %arg0, %mul3A_4460 : i32
    %mul3A_4462 = arith.constant 64 : i32
    %mul3A_4463 = arith.muli %mul3A_4461, %mul3A_4462 : i32
    %add3A_4464 = arith.constant 192 : i32
    %add3A_4465 = arith.addi %mul3A_4463, %add3A_4464 : i32
    %add3A_4466 = arith.constant 56 : i32
    %add3A_4467 = arith.addi %add3A_4465, %add3A_4466 : i32
    %get3A_4468 = arith.index_cast %add3A_4467 : i32 to index
    %get3A_4469 = memref.load %arg1[%get3A_4468] : memref<2048xi32, #tpu.memory_space<smem>>
    %get3A_4470 = arith.constant 3 : index
    %get3A_4471 = arith.index_cast %get3A_4469 : i32 to index
    %get3A_4472 = arith.constant 0 : index
    %get3A_4473 = vector.load %arg3[%get3A_4470, %get3A_4471, %get3A_4472] : memref<4x4096x64xf32, #tpu.memory_space<vmem>>, vector<1x1x64xf32>
    %get3A_4474 = vector.shape_cast %get3A_4473 : vector<1x1x64xf32> to vector<1x64xf32>
    %swap3A_4475 = arith.constant 248 : index
    %swap3A_4476 = arith.constant 0 : index
    %swap3A_4477 = vector.load %arg9[%swap3A_4475, %swap3A_4476] : memref<256x64xf32, #tpu.memory_space<vmem>>, vector<1x64xf32>
    tpu.vector_store %arg9[%swap3A_4475, %swap3A_4476], %get3A_4474 {strides = array<i32>} : memref<256x64xf32, #tpu.memory_space<vmem>>, vector<1x64xf32>,
    %mul3A_4478 = arith.constant 4 : i32
    %mul3A_4479 = arith.muli %arg0, %mul3A_4478 : i32
    %mul3A_4480 = arith.constant 64 : i32
    %mul3A_4481 = arith.muli %mul3A_4479, %mul3A_4480 : i32
    %add3A_4482 = arith.constant 192 : i32
    %add3A_4483 = arith.addi %mul3A_4481, %add3A_4482 : i32
    %add3A_4484 = arith.constant 57 : i32
    %add3A_4485 = arith.addi %add3A_4483, %add3A_4484 : i32
    %get3A_4486 = arith.index_cast %add3A_4485 : i32 to index
    %get3A_4487 = memref.load %arg1[%get3A_4486] : memref<2048xi32, #tpu.memory_space<smem>>
    %get3A_4488 = arith.constant 3 : index
    %get3A_4489 = arith.index_cast %get3A_4487 : i32 to index
    %get3A_4490 = arith.constant 0 : index
    %get3A_4491 = vector.load %arg3[%get3A_4488, %get3A_4489, %get3A_4490] : memref<4x4096x64xf32, #tpu.memory_space<vmem>>, vector<1x1x64xf32>
    %get3A_4492 = vector.shape_cast %get3A_4491 : vector<1x1x64xf32> to vector<1x64xf32>
    %swap3A_4493 = arith.constant 249 : index
    %swap3A_4494 = arith.constant 0 : index
    %swap3A_4495 = vector.load %arg9[%swap3A_4493, %swap3A_4494] : memref<256x64xf32, #tpu.memory_space<vmem>>, vector<1x64xf32>
    tpu.vector_store %arg9[%swap3A_4493, %swap3A_4494], %get3A_4492 {strides = array<i32>} : memref<256x64xf32, #tpu.memory_space<vmem>>, vector<1x64xf32>,
    %mul3A_4496 = arith.constant 4 : i32
    %mul3A_4497 = arith.muli %arg0, %mul3A_4496 : i32
    %mul3A_4498 = arith.constant 64 : i32
    %mul3A_4499 = arith.muli %mul3A_4497, %mul3A_4498 : i32
    %add3A_4500 = arith.constant 192 : i32
    %add3A_4501 = arith.addi %mul3A_4499, %add3A_4500 : i32
    %add3A_4502 = arith.constant 58 : i32
    %add3A_4503 = arith.addi %add3A_4501, %add3A_4502 : i32
    %get3A_4504 = arith.index_cast %add3A_4503 : i32 to index
    %get3A_4505 = memref.load %arg1[%get3A_4504] : memref<2048xi32, #tpu.memory_space<smem>>
    %get3A_4506 = arith.constant 3 : index
    %get3A_4507 = arith.index_cast %get3A_4505 : i32 to index
    %get3A_4508 = arith.constant 0 : index
    %get3A_4509 = vector.load %arg3[%get3A_4506, %get3A_4507, %get3A_4508] : memref<4x4096x64xf32, #tpu.memory_space<vmem>>, vector<1x1x64xf32>
    %get3A_4510 = vector.shape_cast %get3A_4509 : vector<1x1x64xf32> to vector<1x64xf32>
    %swap3A_4511 = arith.constant 250 : index
    %swap3A_4512 = arith.constant 0 : index
    %swap3A_4513 = vector.load %arg9[%swap3A_4511, %swap3A_4512] : memref<256x64xf32, #tpu.memory_space<vmem>>, vector<1x64xf32>
    tpu.vector_store %arg9[%swap3A_4511, %swap3A_4512], %get3A_4510 {strides = array<i32>} : memref<256x64xf32, #tpu.memory_space<vmem>>, vector<1x64xf32>,
    %mul3A_4514 = arith.constant 4 : i32
    %mul3A_4515 = arith.muli %arg0, %mul3A_4514 : i32
    %mul3A_4516 = arith.constant 64 : i32
    %mul3A_4517 = arith.muli %mul3A_4515, %mul3A_4516 : i32
    %add3A_4518 = arith.constant 192 : i32
    %add3A_4519 = arith.addi %mul3A_4517, %add3A_4518 : i32
    %add3A_4520 = arith.constant 59 : i32
    %add3A_4521 = arith.addi %add3A_4519, %add3A_4520 : i32
    %get3A_4522 = arith.index_cast %add3A_4521 : i32 to index
    %get3A_4523 = memref.load %arg1[%get3A_4522] : memref<2048xi32, #tpu.memory_space<smem>>
    %get3A_4524 = arith.constant 3 : index
    %get3A_4525 = arith.index_cast %get3A_4523 : i32 to index
    %get3A_4526 = arith.constant 0 : index
    %get3A_4527 = vector.load %arg3[%get3A_4524, %get3A_4525, %get3A_4526] : memref<4x4096x64xf32, #tpu.memory_space<vmem>>, vector<1x1x64xf32>
    %get3A_4528 = vector.shape_cast %get3A_4527 : vector<1x1x64xf32> to vector<1x64xf32>
    %swap3A_4529 = arith.constant 251 : index
    %swap3A_4530 = arith.constant 0 : index
    %swap3A_4531 = vector.load %arg9[%swap3A_4529, %swap3A_4530] : memref<256x64xf32, #tpu.memory_space<vmem>>, vector<1x64xf32>
    tpu.vector_store %arg9[%swap3A_4529, %swap3A_4530], %get3A_4528 {strides = array<i32>} : memref<256x64xf32, #tpu.memory_space<vmem>>, vector<1x64xf32>,
    %mul3A_4532 = arith.constant 4 : i32
    %mul3A_4533 = arith.muli %arg0, %mul3A_4532 : i32
    %mul3A_4534 = arith.constant 64 : i32
    %mul3A_4535 = arith.muli %mul3A_4533, %mul3A_4534 : i32
    %add3A_4536 = arith.constant 192 : i32
    %add3A_4537 = arith.addi %mul3A_4535, %add3A_4536 : i32
    %add3A_4538 = arith.constant 60 : i32
    %add3A_4539 = arith.addi %add3A_4537, %add3A_4538 : i32
    %get3A_4540 = arith.index_cast %add3A_4539 : i32 to index
    %get3A_4541 = memref.load %arg1[%get3A_4540] : memref<2048xi32, #tpu.memory_space<smem>>
    %get3A_4542 = arith.constant 3 : index
    %get3A_4543 = arith.index_cast %get3A_4541 : i32 to index
    %get3A_4544 = arith.constant 0 : index
    %get3A_4545 = vector.load %arg3[%get3A_4542, %get3A_4543, %get3A_4544] : memref<4x4096x64xf32, #tpu.memory_space<vmem>>, vector<1x1x64xf32>
    %get3A_4546 = vector.shape_cast %get3A_4545 : vector<1x1x64xf32> to vector<1x64xf32>
    %swap3A_4547 = arith.constant 252 : index
    %swap3A_4548 = arith.constant 0 : index
    %swap3A_4549 = vector.load %arg9[%swap3A_4547, %swap3A_4548] : memref<256x64xf32, #tpu.memory_space<vmem>>, vector<1x64xf32>
    tpu.vector_store %arg9[%swap3A_4547, %swap3A_4548], %get3A_4546 {strides = array<i32>} : memref<256x64xf32, #tpu.memory_space<vmem>>, vector<1x64xf32>,
    %mul3A_4550 = arith.constant 4 : i32
    %mul3A_4551 = arith.muli %arg0, %mul3A_4550 : i32
    %mul3A_4552 = arith.constant 64 : i32
    %mul3A_4553 = arith.muli %mul3A_4551, %mul3A_4552 : i32
    %add3A_4554 = arith.constant 192 : i32
    %add3A_4555 = arith.addi %mul3A_4553, %add3A_4554 : i32
    %add3A_4556 = arith.constant 61 : i32
    %add3A_4557 = arith.addi %add3A_4555, %add3A_4556 : i32
    %get3A_4558 = arith.index_cast %add3A_4557 : i32 to index
    %get3A_4559 = memref.load %arg1[%get3A_4558] : memref<2048xi32, #tpu.memory_space<smem>>
    %get3A_4560 = arith.constant 3 : index
    %get3A_4561 = arith.index_cast %get3A_4559 : i32 to index
    %get3A_4562 = arith.constant 0 : index
    %get3A_4563 = vector.load %arg3[%get3A_4560, %get3A_4561, %get3A_4562] : memref<4x4096x64xf32, #tpu.memory_space<vmem>>, vector<1x1x64xf32>
    %get3A_4564 = vector.shape_cast %get3A_4563 : vector<1x1x64xf32> to vector<1x64xf32>
    %swap3A_4565 = arith.constant 253 : index
    %swap3A_4566 = arith.constant 0 : index
    %swap3A_4567 = vector.load %arg9[%swap3A_4565, %swap3A_4566] : memref<256x64xf32, #tpu.memory_space<vmem>>, vector<1x64xf32>
    tpu.vector_store %arg9[%swap3A_4565, %swap3A_4566], %get3A_4564 {strides = array<i32>} : memref<256x64xf32, #tpu.memory_space<vmem>>, vector<1x64xf32>,
    %mul3A_4568 = arith.constant 4 : i32
    %mul3A_4569 = arith.muli %arg0, %mul3A_4568 : i32
    %mul3A_4570 = arith.constant 64 : i32
    %mul3A_4571 = arith.muli %mul3A_4569, %mul3A_4570 : i32
    %add3A_4572 = arith.constant 192 : i32
    %add3A_4573 = arith.addi %mul3A_4571, %add3A_4572 : i32
    %add3A_4574 = arith.constant 62 : i32
    %add3A_4575 = arith.addi %add3A_4573, %add3A_4574 : i32
    %get3A_4576 = arith.index_cast %add3A_4575 : i32 to index
    %get3A_4577 = memref.load %arg1[%get3A_4576] : memref<2048xi32, #tpu.memory_space<smem>>
    %get3A_4578 = arith.constant 3 : index
    %get3A_4579 = arith.index_cast %get3A_4577 : i32 to index
    %get3A_4580 = arith.constant 0 : index
    %get3A_4581 = vector.load %arg3[%get3A_4578, %get3A_4579, %get3A_4580] : memref<4x4096x64xf32, #tpu.memory_space<vmem>>, vector<1x1x64xf32>
    %get3A_4582 = vector.shape_cast %get3A_4581 : vector<1x1x64xf32> to vector<1x64xf32>
    %swap3A_4583 = arith.constant 254 : index
    %swap3A_4584 = arith.constant 0 : index
    %swap3A_4585 = vector.load %arg9[%swap3A_4583, %swap3A_4584] : memref<256x64xf32, #tpu.memory_space<vmem>>, vector<1x64xf32>
    tpu.vector_store %arg9[%swap3A_4583, %swap3A_4584], %get3A_4582 {strides = array<i32>} : memref<256x64xf32, #tpu.memory_space<vmem>>, vector<1x64xf32>,
    %mul3A_4586 = arith.constant 4 : i32
    %mul3A_4587 = arith.muli %arg0, %mul3A_4586 : i32
    %mul3A_4588 = arith.constant 64 : i32
    %mul3A_4589 = arith.muli %mul3A_4587, %mul3A_4588 : i32
    %add3A_4590 = arith.constant 192 : i32
    %add3A_4591 = arith.addi %mul3A_4589, %add3A_4590 : i32
    %add3A_4592 = arith.constant 63 : i32
    %add3A_4593 = arith.addi %add3A_4591, %add3A_4592 : i32
    %get3A_4594 = arith.index_cast %add3A_4593 : i32 to index
    %get3A_4595 = memref.load %arg1[%get3A_4594] : memref<2048xi32, #tpu.memory_space<smem>>
    %get3A_4596 = arith.constant 3 : index
    %get3A_4597 = arith.index_cast %get3A_4595 : i32 to index
    %get3A_4598 = arith.constant 0 : index
    %get3A_4599 = vector.load %arg3[%get3A_4596, %get3A_4597, %get3A_4598] : memref<4x4096x64xf32, #tpu.memory_space<vmem>>, vector<1x1x64xf32>
    %get3A_4600 = vector.shape_cast %get3A_4599 : vector<1x1x64xf32> to vector<1x64xf32>
    %swap3A_4601 = arith.constant 255 : index
    %swap3A_4602 = arith.constant 0 : index
    %swap3A_4603 = vector.load %arg9[%swap3A_4601, %swap3A_4602] : memref<256x64xf32, #tpu.memory_space<vmem>>, vector<1x64xf32>
    tpu.vector_store %arg9[%swap3A_4601, %swap3A_4602], %get3A_4600 {strides = array<i32>} : memref<256x64xf32, #tpu.memory_space<vmem>>, vector<1x64xf32>,
    %get3A_4604 = arith.constant 0 : index
    %get3A_4605 = arith.constant 0 : index
    %get3A_4606 = vector.load %arg9[%get3A_4604, %get3A_4605] : memref<256x64xf32, #tpu.memory_space<vmem>>, vector<256x64xf32>
    %reshape3A = vector.shape_cast %get3A_4606 : vector<256x64xf32> to vector<4x64x64xf32>
    %swap3A_4607 = arith.constant 0 : index
    %swap3A_4608 = arith.constant 0 : index
    %swap3A_4609 = arith.constant 0 : index
    %swap3A_4610 = vector.load %arg8[%swap3A_4607, %swap3A_4608, %swap3A_4609] : memref<4x64x64xf32, #tpu.memory_space<vmem>>, vector<4x64x64xf32>
    tpu.vector_store %arg8[%swap3A_4607, %swap3A_4608, %swap3A_4609], %reshape3A {strides = array<i32>} : memref<4x64x64xf32, #tpu.memory_space<vmem>>, vector<4x64x64xf32>,
    %reduce_max3A = arith.constant dense<0xFF800000> : vector<256xf32>
    %reduce_max3A_4611 = vector.multi_reduction <maximumf>, %get3A_4606, %reduce_max3A [1] : vector<256x64xf32> to vector<256xf32>
    %broadcast_in_dim3A = vector.shape_cast %reduce_max3A_4611 : vector<256xf32> to vector<256x1xf32>
    %sub3A = vector.broadcast %broadcast_in_dim3A : vector<256x1xf32> to vector<256x64xf32>
    %sub3A_4612 = arith.subf %get3A_4606, %sub3A : vector<256x64xf32>
    %exp3A = math.exp %sub3A_4612 : vector<256x64xf32>
    %reduce_sum3A = arith.constant dense<0.000000e+00> : vector<256xf32>
    %reduce_sum3A_4613 = vector.multi_reduction <add>, %exp3A, %reduce_sum3A [1] : vector<256x64xf32> to vector<256xf32>
    %broadcast_in_dim3A_4614 = vector.shape_cast %reduce_sum3A_4613 : vector<256xf32> to vector<256x1xf32>
    %div3A = vector.broadcast %broadcast_in_dim3A_4614 : vector<256x1xf32> to vector<256x64xf32>
    %div3A_4615 = arith.divf %exp3A, %div3A : vector<256x64xf32>
    %get3A_4616 = arith.constant 0 : index
    %get3A_4617 = arith.constant 0 : index
    %get3A_4618 = arith.constant 0 : index
    %get3A_4619 = vector.load %arg2[%get3A_4616, %get3A_4617, %get3A_4618] : memref<4x64x768xf32, #tpu.memory_space<vmem>>, vector<4x64x768xf32>
    %reshape3A_4620 = vector.shape_cast %get3A_4619 : vector<4x64x768xf32> to vector<256x768xf32>
    %get3A_4621 = arith.constant 0 : index
    %get3A_4622 = arith.constant 0 : index
    %get3A_4623 = vector.load %arg5[%get3A_4621, %get3A_4622] : memref<832x768xf32, #tpu.memory_space<vmem>>, vector<768x768xf32>
    %dot_general3A = arith.constant dense<0.000000e+00> : vector<256x768xf32>
    %dot_general3A_4624 = tpu.matmul %reshape3A_4620, %get3A_4623, %dot_general3A {dimension_numbers = #tpu.dot_dimension_numbers<[1], [0], [0], [1], [0, 0, 1, 1], [], []>, transpose_lhs_hint = false} : vector<256x768xf32>, vector<768x768xf32>, vector<256x768xf32> -> vector<256x768xf32>
    %get3A_4625 = arith.constant 768 : index
    %get3A_4626 = arith.constant 0 : index
    %get3A_4627 = vector.load %arg5[%get3A_4625, %get3A_4626] : memref<832x768xf32, #tpu.memory_space<vmem>>, vector<64x768xf32>
    %dot_general3A_4628 = arith.constant dense<0.000000e+00> : vector<256x768xf32>
    %dot_general3A_4629 = tpu.matmul %div3A_4615, %get3A_4627, %dot_general3A_4628 {dimension_numbers = #tpu.dot_dimension_numbers<[1], [0], [0], [1], [0, 0, 1, 1], [], []>, transpose_lhs_hint = false} : vector<256x64xf32>, vector<64x768xf32>, vector<256x768xf32> -> vector<256x768xf32>
    %add3A_4630 = arith.addf %dot_general3A_4624, %dot_general3A_4629 : vector<256x768xf32>
    %get3A_4631 = arith.constant 0 : index
    %get3A_4632 = arith.constant 0 : index
    %get3A_4633 = vector.load %arg6[%get3A_4631, %get3A_4632] : memref<1x768xf32, #tpu.memory_space<vmem>>, vector<1x768xf32>
    %add3A_4634 = vector.broadcast %get3A_4633 : vector<1x768xf32> to vector<256x768xf32>
    %add3A_4635 = arith.addf %add3A_4630, %add3A_4634 : vector<256x768xf32>
    %get3A_4636 = arith.constant 0 : index
    %get3A_4637 = arith.constant 0 : index
    %get3A_4638 = arith.constant 0 : index
    %get3A_4639 = vector.load %arg4[%get3A_4636, %get3A_4637, %get3A_4638] : memref<4x64x768xf32, #tpu.memory_space<vmem>>, vector<4x64x768xf32>
    %reshape3A_4640 = vector.shape_cast %get3A_4639 : vector<4x64x768xf32> to vector<256x768xf32>
    %add3A_4641 = arith.addf %add3A_4635, %reshape3A_4640 : vector<256x768xf32>
    %reshape3A_4642 = vector.shape_cast %add3A_4641 : vector<256x768xf32> to vector<4x64x768xf32>
    %swap3A_4643 = arith.constant 0 : index
    %swap3A_4644 = arith.constant 0 : index
    %swap3A_4645 = arith.constant 0 : index
    %swap3A_4646 = vector.load %arg7[%swap3A_4643, %swap3A_4644, %swap3A_4645] : memref<4x64x768xf32, #tpu.memory_space<vmem>>, vector<4x64x768xf32>
    tpu.vector_store %arg7[%swap3A_4643, %swap3A_4644, %swap3A_4645], %reshape3A_4642 {strides = array<i32>} : memref<4x64x768xf32, #tpu.memory_space<vmem>>, vector<4x64x768xf32>,
    return
  }
  func.func @transform_0(%arg0: i32) -> i32 {
    %c0_i32 = arith.constant 0 : i32
    %c0_i32_0 = arith.constant 0 : i32
    return %c0_i32 : i32
  }
  func.func @transform_1(%arg0: i32) -> (i32, i32, i32) {
    %c0_i32 = arith.constant 0 : i32
    %c0_i32_0 = arith.constant 0 : i32
    %c0_i32_1 = arith.constant 0 : i32
    return %arg0, %c0_i32, %c0_i32_0 : i32, i32, i32
  }
  func.func @transform_2(%arg0: i32) -> (i32, i32, i32) {
    %c0_i32 = arith.constant 0 : i32
    %c0_i32_0 = arith.constant 0 : i32
    %c0_i32_1 = arith.constant 0 : i32
    return %arg0, %c0_i32, %c0_i32_0 : i32, i32, i32
  }
  func.func @transform_3(%arg0: i32) -> (i32, i32, i32) {
    %c0_i32 = arith.constant 0 : i32
    %c0_i32_0 = arith.constant 0 : i32
    %c0_i32_1 = arith.constant 0 : i32
    return %arg0, %c0_i32, %c0_i32_0 : i32, i32, i32
  }
  func.func @transform_4(%arg0: i32) -> (i32, i32) {
    %c0_i32 = arith.constant 0 : i32
    %c0_i32_0 = arith.constant 0 : i32
    %c0_i32_1 = arith.constant 0 : i32
    return %c0_i32, %c0_i32_0 : i32, i32
  }
  func.func @transform_5(%arg0: i32) -> (i32, i32) {
    %c0_i32 = arith.constant 0 : i32
    %c0_i32_0 = arith.constant 0 : i32
    %c0_i32_1 = arith.constant 0 : i32
    return %c0_i32, %c0_i32_0 : i32, i32
  }
  func.func @transform_6(%arg0: i32) -> (i32, i32, i32) {
    %c0_i32 = arith.constant 0 : i32
    %c0_i32_0 = arith.constant 0 : i32
    %c0_i32_1 = arith.constant 0 : i32
    return %arg0, %c0_i32, %c0_i32_0 : i32, i32, i32
  }
  func.func @transform_7(%arg0: i32) -> (i32, i32, i32) {
    %c0_i32 = arith.constant 0 : i32
    %c0_i32_0 = arith.constant 0 : i32
    %c0_i32_1 = arith.constant 0 : i32
    return %arg0, %c0_i32, %c0_i32_0 : i32, i32, i32
  }
}

</mosaic_0001>

<sc_bundles>
// kernel: kernel.4.cloned.1.call-start
scs
__scs_entry_jumppad:
0x0: {  	(pc) =	sbr.rel $0x88, $3  }
0x1: {  	(tag) =	ssettag $0x0;
	lr =	simm.s32 $0x1  }
0x2: {  	[smem:$0x3F9B] =	sst lr;
	_ =	strace $0xD0000000  }
0x3: {  	_ = 	snop  }
0x4: {  	_ = 	snop  }
0x5: {  	_ = 	snop  }
0x6: {  	_ = 	snop  }
0x7: {  	_ = 	snop  }
__scs_overlays_trampoline_lowered:
0x8: {  	[smem:$0x3FAA] =	sst s0  }
0x9: {  	[smem:$0x3FAB] =	sst s1  }
0xa: {  	[smem:$0x3FAC] =	sst s2  }
0xb: {  	[smem:$0x3FAD] =	sst s3  }
0xc: {  	[smem:$0x3FAE] =	sst s4  }
0xd: {  	[smem:$0x3FAF] =	sst s5  }
0xe: {  	[smem:$0x3FB0] =	sst s6  }
0xf: {  	[smem:$0x3FB1] =	sst s7  }
0x10: {  	[smem:$0x3FB2] =	sst s8  }
0x11: {  	[smem:$0x3FB3] =	sst s9;
	s0 =	simm.s32 @!p0 $0x0  }
0x12: {  	s1 =	sld [smem:$0x3F99];
	s0 =	simm.s32 @p0 $0x1  }
0x13: {  	[smem:$0x3FB4] =	sst s0;
	s0 =	simm.s32 @!p1 $0x0  }
0x14: {  	s2 =	sld [smem:$0x3F98];
	s0 =	simm.s32 @p1 $0x1  }
0x15: {  	[smem:$0x3FB5] =	sst s0;
	s0 =	simm.s32 @!p2 $0x0  }
0x16: {  	s3 =	sld [smem:$0x3FDB];
	s0 =	simm.s32 @p2 $0x1  }
0x17: {  	s4 =	simm.s32 $0x1BF5;
	[smem:$0x3FB7] =	sst s0  }
0x18: {  	s0 =	sld [smem:$0x3F9A];
	_ =	swait.ge [sflag:s4], $0x0  }
0x19: {  	s7 =	sld [smem:$0x3F9B]  }
0x1a: {  	s8 =	sadd.s32 $0xFFFFE003, lr  }
0x1b: {  	s9 =	sadd.s32 $0xFFFFFEF7, lr;
	s5 =	simm.s32 $0xFFFFFFFF;
	p2 =	slt.u32 s8, $0xFFFFF086  }
0x1c: {  	p1 =	slt.u32 s9, $0xF7A;
	s5 =	simm.s32 @!p2 $0x0  }
0x1d: {  	s5 =	simm.s32 @p1 $0x1;
	p0 =	seq.s32 s7, s2  }
0x1e: {  	s7 =	smul.u32 @!p0 $0xF7A, s2;
	p2 =	seq.s32 @!p0 s5, $0x0  }
0x1f: {  	s9 =	smul.u32 $0xF7A, s1;
	s8 =	simm.s32 @!p0 $0x1BF5;
	p2 =	por !p2, p0  }
0x20: {  	[sflag:s8] =	ssyncset.s32 @!p0 $0xFFFFF086;
	s6 =	sadd.s32 @!p0 s3, s7;
	s7 =	simm.s32 @!p0 $0x108  }
0x21: {  	s3 =	sadd.s32 s3, s9;
	s6 =	sadd.s32 @!p0 $0x88, s6;
	s7 =	simm.s32 @p2 $0x1082  }
0x22: {  	[simem:s7], [sflag:s8] =	dma.local @!p0 [hbm:s6], $0xF7A  }
0x23: {  	s9 =	sor.u32 $0xD0000000, s2;
	s6 =	simm.s32 $0x108;
	_ =	swait.ge @!p0 [sflag:s8], $0x0  }
0x24: {  	s3 =	sadd.s32 $0x88, s3;
	s6 =	simm.s32 @!p1 $0x1082;
	[sflag:s4] =	ssyncset.s32 $0xFFFFF086  }
0x25: {  	[simem:s6], [sflag:s4] =	dma.local [hbm:s3], $0xF7A  }
0x26: {  	[smem:$0x3F9B] =	sst s1;
	(tag) =	ssettag s2;
	_ =	strace s9  }
0x27: {  	s1 =	sld [smem:$0x3FAB]  }
0x28: {  	s2 =	sld [smem:$0x3FAC]  }
0x29: {  	s4 =	sld [smem:$0x3FAE]  }
0x2a: {  	p0 =	seq.s32 s5, $0x0;
	s5 =	sld [smem:$0x3FAF]  }
0x2b: {  	s6 =	sld [smem:$0x3FB0]  }
0x2c: {  	s7 =	sld [smem:$0x3FB1]  }
0x2d: {  	s3 =	simm.s32 $0x108;
	s8 =	sld [smem:$0x3FB2]  }
0x2e: {  	s3 =	simm.s32 @!p0 $0x1082;
	s9 =	sld [smem:$0x3FB3]  }
0x2f: {  	lr =	sadd.s32 s0, s3;
	s0 =	sld [smem:$0x3FAA]  }
0x30: {  	s3 =	sld [smem:$0x3FAD]  }
0x31: {  	[smem:$0x3FB6] =	sst s10  }
0x32: {  	s10 =	sld [smem:$0x3FB4];
	_ =	sdelay $0x3  }
0x33: {  	p0 =	seq.s32 s10, $0x1;
	s10 =	sld [smem:$0x3FB6];
	_ =	sdelay $0x3  }
0x34: {  	[smem:$0x3FB6] =	sst s10  }
0x35: {  	s10 =	sld [smem:$0x3FB5];
	_ =	sdelay $0x3  }
0x36: {  	p1 =	seq.s32 s10, $0x1;
	s10 =	sld [smem:$0x3FB6];
	_ =	sdelay $0x3  }
0x37: {  	[smem:$0x3FB6] =	sst s10  }
0x38: {  	s10 =	sld [smem:$0x3FB7]  }
0x39: {  	_ = 	snop;
	(pc) =	sbr.ind lr, $3  }
0x3a: {  	_ = 	snop  }
0x3b: {  	_ = 	snop  }
0x3c: {  	p2 =	seq.s32 s10, $0x1;
	s10 =	sld [smem:$0x3FB6]  }
0x3d: {  	_ =	shalt  }
0x3e: {  	_ =	shalt  }
0x3f: {  	_ =	shalt  }
0x40: {  	_ =	shalt  }
0x41: {  	_ =	shalt  }
0x42: {  	_ =	shalt  }
0x43: {  	_ =	shalt  }
0x44: {  	_ =	shalt  }
0x45: {  	_ =	shalt  }
0x46: {  	_ =	shalt  }
0x47: {  	_ =	shalt  }
0x48: {  	_ =	shalt  }
0x49: {  	_ =	shalt  }
0x4a: {  	_ =	shalt  }
0x4b: {  	_ =	shalt  }
0x4c: {  	_ =	shalt  }
0x4d: {  	_ =	shalt  }
0x4e: {  	_ =	shalt  }
0x4f: {  	_ =	shalt  }
0x50: {  	_ =	shalt  }
0x51: {  	_ =	shalt  }
0x52: {  	_ =	shalt  }
0x53: {  	_ =	shalt  }
0x54: {  	_ =	shalt  }
0x55: {  	_ =	shalt  }
0x56: {  	_ =	shalt  }
0x57: {  	_ =	shalt  }
0x58: {  	_ =	shalt  }
0x59: {  	_ =	shalt  }
0x5a: {  	_ =	shalt  }
0x5b: {  	_ =	shalt  }
0x5c: {  	_ =	shalt  }
0x5d: {  	_ =	shalt  }
0x5e: {  	_ =	shalt  }
0x5f: {  	_ =	shalt  }
0x60: {  	_ =	shalt  }
0x61: {  	_ =	shalt  }
0x62: {  	_ =	shalt  }
0x63: {  	_ =	shalt  }
0x64: {  	_ =	shalt  }
0x65: {  	_ =	shalt  }
0x66: {  	_ =	shalt  }
0x67: {  	_ =	shalt  }
0x68: {  	_ =	shalt  }
0x69: {  	_ =	shalt  }
0x6a: {  	_ =	shalt  }
0x6b: {  	_ =	shalt  }
0x6c: {  	_ =	shalt  }
0x6d: {  	_ =	shalt  }
0x6e: {  	_ =	shalt  }
0x6f: {  	_ =	shalt  }
0x70: {  	_ =	shalt  }
0x71: {  	_ =	shalt  }
0x72: {  	_ =	shalt  }
0x73: {  	_ =	shalt  }
0x74: {  	_ =	shalt  }
0x75: {  	_ =	shalt  }
0x76: {  	_ =	shalt  }
0x77: {  	_ =	shalt  }
0x78: {  	_ =	shalt  }
0x79: {  	_ =	shalt  }
0x7a: {  	_ =	shalt  }
0x7b: {  	_ =	shalt  }
0x7c: {  	_ =	shalt  }
0x7d: {  	_ =	shalt  }
0x7e: {  	_ =	shalt  }
0x7f: {  	_ =	shalt  }
0x80: {  	_ =	shalt  }
0x81: {  	_ =	shalt  }
0x82: {  	_ =	shalt  }
0x83: {  	_ =	shalt  }
0x84: {  	_ =	shalt  }
0x85: {  	_ =	shalt  }
0x86: {  	_ =	shalt  }
0x87: {  	_ =	shalt  }
.Lfunc_end0:
.L_simem_size_0:
called_computation_lowered:
.L_overlay_start_0:
0x88: {  	s2 =	sld [smem:$0x3FD9]  }
0x89: {  	s3 =	sld [smem:$0x3FFE];
	_ =	sdelay $0x1  }
0x8a: {  	s1 =	srdreg.scid  }
0x8b: {  	s0 =	sand.u32 $0x1, s1  }
0x8c: {  	s14 =	sshll.u32 s0, $0xA;
	s2 =	sadd.s32 s3, s2  }
0x8d: {  	s2 =	sadd.s32 s2, s14  }
0x8e: {  	[smem:$0x3FC2] =	sst s2  }
0x8f: {  	_ = 	snop  }
0x90: {  	s2 =	sld [smem:$0x3FD0]  }
0x91: {  	s15 =	sld [smem:$0x3FC9]  }
0x92: {  	s4 =	sld [smem:$0x3FC7]  }
0x93: {  	s6 =	simm.s32 $0xA;
	s7 =	simm.s32 $0x10;
	s5 =	sld [smem:$0x3FC4]  }
0x94: {  	[smem:s7], [sflag:s6] =	dma.local [hbm:s2], $0x1  }
0x95: {  	_ =	swait.eq [sflag:s6], $0x1  }
0x96: {  	[sflag:s6] =	ssyncset.done $0x0  }
0x97: {  	s16 =	sld [smem:$0x10];
	[sflag:s6] =	ssyncadd.s32 $0xFFFFFFFF  }
0x98: {  	s17 =	sld [smem:$0x13];
	(tm) =	ssettm $0x1  }
0x99: {  	s18 =	sld [smem:$0x3FFB];
	_ =	sdelay $0x3  }
0x9a: {  	_ =	strace s18  }
0x9b: {  	s7 =	sld [smem:$0x3FFC];
	_ =	sdelay $0x3  }
0x9c: {  	_ =	strace s7  }
0x9d: {  	s7 =	sld [smem:$0x3FFD];
	_ =	sdelay $0x3  }
0x9e: {  	_ =	strace s7  }
0x9f: {  	_ =	strace $0x8FFFFFFF  }
0xa0: {  	s19 =	sld [smem:$0x3FDB];
	_ =	sdelay $0x1  }
0xa1: {  	s8 =	simm.s32 $_scs_section_size  }
0xa2: {  	s9 =	simm.s32 $_size__tile_overlayer_lowered;
	s10 =	simm.s32 $_tile_overlayer_lowered  }
0xa3: {  	s22 =	simm.s32 $0x1BFF;
	s21 =	sshll.u32 s10, $0x1;
	s7 =	sadd.s32 s8, s19  }
0xa4: {  	s11 =	simm.s32 $0x0;
	s20 =	sshll.u32 s9, $0x1;
	s9 =	sadd.s32 s21, s7  }
0xa5: {  	[timem:s11], [sflag:s22] =	dma.local [hbm:s9], s20  }
0xa6: {  	_ =	swait.ge [sflag:s22], s20  }
0xa7: {  	s8 =	ssub.s32 $0x0, s20;
	[sflag:s22] =	ssyncset.done $0x0  }
0xa8: {  	[sflag:s22] =	ssyncadd.s32 s8;
	_ =	sdelay $0x1  }
0xa9: {  	s23 =	simm.s32 $0x1B8B  }
0xaa: {  	_ =	swait.ge [sflag:s23], $0x1  }
0xab: {  	[sflag:s23] =	ssyncset.done $0x0  }
0xac: {  	s25 =	simm.s32 $0x1B8E;
	s24 =	sld [smem:$0x3FFE];
	[sflag:s23] =	ssyncadd.s32 $0xFFFFFFFF  }
0xad: {  	s26 =	simm.s32 $execute0_lowered;
	[smem:$0x3FD2] =	sst s25  }
0xae: {  	s9 =	sshll.u32 s26, $0x1;
	_ =	strace $0x80000046;
	[dreg:$0x1] =	wrdreg $0xFFFFFFFF  }
0xaf: {  	s28 =	simm.s32 $_size_execute0_lowered;
	s7 =	sadd.s32 s7, s9;
	[dreg:$0x0] =	wrdreg $0x0  }
0xb0: {  	s9 =	sshll.u32 s28, $0x1;
	[dreg:$0x2] =	wrdreg s7  }
0xb1: {  	[dreg:$0x3] =	wrdreg s9  }
0xb2: {  	[dreg:$0x4] =	wrdreg $0xC0  }
0xb3: {  	_ =	task [dreg:s11], $0x5FFFF  }
0xb4: {  	[dreg:$0x1] =	wrdreg $0xFFFFFFFF  }
0xb5: {  	[dreg:$0x0] =	wrdreg $0x60  }
0xb6: {  	[dreg:$0x2] =	wrdreg s4  }
0xb7: {  	[dreg:$0x3] =	wrdreg s15  }
0xb8: {  	[dreg:$0x4] =	wrdreg s5  }
0xb9: {  	[dreg:$0x5] =	wrdreg s17  }
0xba: {  	[dreg:$0x6] =	wrdreg s16  }
0xbb: {  	[dreg:$0x7] =	wrdreg s24  }
0xbc: {  	[dreg:$0x8] =	wrdreg $0x9  }
0xbd: {  	_ =	task.clear_ibuf [dreg:s11], $0x9FFFF;
	_ =	strace $0x90000046  }
0xbe: {  	s29 =	simm.s32 $0x9;
	_ =	strace $0x80000048  }
0xbf: {  	_ =	swait.ge [sflag:s29], $0x1  }
0xc0: {  	[sflag:s29] =	ssyncadd.s32 $0xFFFFFFFF  }
0xc1: {  	_ =	strace $0x90000048  }
0xc2: {  	_ =	sfence  }
0xc3: {  	s30 =	sld [smem:$0x0];
	_ =	sdelay $0x2  }
0xc4: {  	s31 =	sshll.u32 s1, $0xD;
	s1 =	sshrl.u32 s1, $0x2  }
0xc5: {  	s3 =	sand.u32 $0x4000, s31;
	s1 =	sadd.s32 s1, s30  }
0xc6: {  	s0 =	sor.u32 s3, s0;
	s1 =	sshll.u32 s1, $0x11  }
0xc7: {  	s0 =	sor.u32 s1, s0  }
0xc8: {  	s0 =	sadd.s32 $0x8F2B, s0  }
0xc9: {  	[sflag:s0] =	ssyncadd.remote.s32 $0x1  }
0xca: {  	_ =	sfence.sel $0xFFFF  }
0xcb: {  	[dreg:$0x0] =	wrdreg $0xFFFFFFFF;
	(pc) =	sbr.abs _section_cstart, $3  }
0xcc: {  	[dreg:$0x1] =	wrdreg $0xFFFFFFFF  }
0xcd: {  	_ =	task.clear_ibuf [dreg:s11], $0x2FFFF;
	_ =	strace $0x9FFFFFFF  }
0xce: {  	(tm) =	ssettm $0x7FFFFFFF  }
0xcf: {  	_ =	shalt  }
tec
execute0_lowered:
.L_overlay_start_1:
0x0: {  	(tag) =	ssettag $0x1  }
0x1: {  	s1 =	rddreg [dreg:$0x0]  }
0x2: {  	s0 =	rddreg [dreg:$0x1]  }
0x3: {  	s2 =	rddreg [dreg:$0x2]  }
0x4: {  	s6 =	rddreg [dreg:$0x3]  }
0x5: {  	s11 =	rddreg [dreg:$0x4]  }
0x6: {  	s3 =	srdreg.scid;
	s4 =	stileid.u32  }
0x7: {  	s5 =	rddreg [dreg:$0x5];
	s16 =	simm.s32 $0x4;
	s17 =	simm.s32 $0x2000  }
0x8: {  	s18 =	simm.s32 $0x1;
	s19 =	simm.s32 $0x80000000;
	s20 =	simm.s32 $0x3000  }
0x9: {  	s21 =	simm.s32 $0x3100;
	s30 =	simm.s32 $0x1A100;
	s31 =	simm.s32 $0x1A900  }
0xa: {  	s15 =	simm.s32 $0x0;
	s7 =	sand.u32 $0x1, s3;
	s26 =	sshll.u32 s4, $0x1  }
0xb: {  	s4 =	simm.s32 $0x0;
	s10 =	sadd.s32 $0x200, s2;
	s8 =	sor.u32 s7, s26  }
0xc: {  	[smem:$0x7FF] =	sst s4;
	s7 =	ssub.s32 $0x2, s7;
	s3 =	sshll.u32 s8, $0xC  }
0xd: {  	s9 =	sshll.u32 s8, $0x7;
	s12 =	smul.u32 $0x1800, s8;
	_ =	strace $0x80000047  }
0xe: {  	s28 =	sshrl.u32 s7, $0x1;
	s29 =	sshll.u32 s8, $0x3;
	s8 =	sadd.s32 $0x200, s0  }
0xf: {  	s9 =	sor.u32 s9, s3;
	s14 =	ssub.s32 s7, s28;
	s6 =	sadd.s32 s6, s29  }
0x10: {  	s7 =	sadd.s32 $0x100, s0;
	v0 =	vmov s3;
	s3 =	simm.s32 $0x2;
	s9 =	sand.u32 $0x18380, s9  }
0x11: {  	s13 =	sadd.s32 s12, s5;
	s11 =	sadd.s32 s11, s12;
	s9 =	sshrl.u32 s9, $0x3  }
0x12: {  	s12 =	sadd.s32 $0x1400, s13;
	s13 =	smax.u32 s14, $0x1;
	s14 =	simm.s32 $0x3  }
0x13: {  	v1 =	vimm.s32 $0x0;
	v2 =	vlaneseq.u32;
	s5 =	sadd.s32 s1, s9;
	s9 =	sadd.s32 $0x100, s2;
	s1 =	simm.s32 $0xF100  }
.LBB2_1:
0x14: {  	s22 =	simm.s32 $0x80;
	s23 =	simm.s32 $0x400  }
0x15: {  	[tilespmem:s4], [sflag:$0x4] =	stream.strided.gather [hbm4b:s5+s22], $0x1000, s23, s22, $0x38;
	[tilespmem:$0x1B100] =	vst v63  }
0x16: {  	_ =	swait.ge [sflag:s16], $0x1000  }
0x17: {  	[sflag:s16] =	ssyncset.done $0x0  }
0x18: {  	s29 =	simm.s32 $0x0;
	[sflag:s16] =	ssyncadd.s32 $0xFFFFF000  }
0x19: {  	v3 =	vld [tilespmem:s29+$0x10]  }
0x1a: {  	v4 =	vld [tilespmem:s29+$0x0]  }
0x1b: {  	v5 =	vld [tilespmem:s29+$0x80]  }
0x1c: {  	v6 =	vld [tilespmem:s29+$0xC0]  }
0x1d: {  	v7 =	vld [tilespmem:s29+$0x50]  }
0x1e: {  	v8 =	vld [tilespmem:s29+$0x30];
	v9 =	vxor.u32 $0x7FFFFFFF, v3;
	vm0 =	vlt.s32 v3, $0x0  }
0x1f: {  	v10 =	vld [tilespmem:s29+$0x40];
	v9 =	vsel vm0, v9, v3;
	v3 =	vxor.u32 $0x7FFFFFFF, v4;
	vm0 =	vlt.s32 v4, $0x0  }
0x20: {  	v11 =	vld [tilespmem:s29+$0xA0];
	vm1 =	vlt.s32 v5, $0x0;
	v12 =	vsel vm0, v3, v4;
	v3 =	vxor.u32 $0x7FFFFFFF, v5  }
0x21: {  	v13 =	vxor.u32 $0x7FFFFFFF, v6;
	vm0 =	vlt.s32 v6, $0x0;
	v19 =	vsel vm1, v3, v5  }
0x22: {  	v3 =	vxor.u32 $0x7FFFFFFF, v7;
	v16 =	vsel vm0, v13, v6;
	vm0 =	vlt.s32 v7, $0x0  }
0x23: {  	v4 =	vld [tilespmem:s29+$0xB0];
	vm1 =	vlt.s32 v8, $0x0;
	v6 =	vxor.u32 $0x7FFFFFFF, v8;
	v13 =	vsel vm0, v3, v7  }
0x24: {  	v5 =	vld [tilespmem:s29+$0xD0];
	v3 =	vxor.u32 $0x7FFFFFFF, v10;
	vm0 =	vlt.s32 v10, $0x0;
	v14 =	vsel vm1, v6, v8  }
0x25: {  	[tilespmem:s29+$0x1010] =	vst v9;
	v6 =	vld [tilespmem:s29+$0x90];
	v7 =	vxor.u32 $0x7FFFFFFF, v11;
	v10 =	vsel vm0, v3, v10;
	vm0 =	vlt.s32 v11, $0x0  }
0x26: {  	[tilespmem:s29+$0x1000] =	vst v12;
	v26 =	vsel vm0, v7, v11;
	v7 =	vld [tilespmem:s29+$0xE0]  }
0x27: {  	[tilespmem:s29+$0x1080] =	vst v19;
	v11 =	vld [tilespmem:s29+$0xF0]  }
0x28: {  	[tilespmem:s29+$0x10C0] =	vst v16;
	v8 =	vld [tilespmem:s29+$0x20];
	v3 =	vxor.u32 $0x7FFFFFFF, v4;
	vm1 =	vlt.s32 v4, $0x0  }
0x29: {  	[tilespmem:s29+$0x1050] =	vst v13;
	v24 =	vsel vm1, v3, v4;
	v3 =	vxor.u32 $0x7FFFFFFF, v5;
	vm0 =	vlt.s32 v5, $0x0  }
0x2a: {  	[tilespmem:s29+$0x1030] =	vst v14;
	v17 =	vsel vm0, v3, v5;
	v4 =	vxor.u32 $0x7FFFFFFF, v6;
	vm0 =	vlt.s32 v6, $0x0  }
0x2b: {  	v15 =	vimm.s32 $0x80000000;
	v18 =	vld [tilespmem:s29+$0x70];
	[tilespmem:s29+$0x1040] =	vst v10;
	v27 =	vsel vm0, v4, v6  }
0x2c: {  	[tilespmem:s29+$0x10A0] =	vst v26;
	v6 =	vld [tilespmem:s29+$0x60];
	v5 =	vxor.u32 $0x7FFFFFFF, v7;
	vm0 =	vlt.s32 v7, $0x0;
	vm1 =	vlt.s32 v11, $0x0  }
0x2d: {  	s22 =	simm.s32 $0x100;
	[tilespmem:s29+$0x10B0] =	vst v24;
	v22 =	vsel vm0, v5, v7;
	vm0 =	vlt.s32 v8, $0x0;
	v7 =	vxor.u32 $0x7FFFFFFF, v8  }
0x2e: {  	v3 =	vld [tilespmem:s22+$0xF0];
	[tilespmem:s29+$0x10D0] =	vst v17;
	v7 =	vsel vm0, v7, v8;
	v8 =	vxor.u32 $0x7FFFFFFF, v11;
	vm0 =	vlt.s32 v15, v12  }
0x2f: {  	v4 =	vld [tilespmem:s22+$0xE0];
	[tilespmem:s29+$0x1090] =	vst v27;
	v20 =	vsel vm0, v12, v15;
	v23 =	vsel vm1, v8, v11  }
0x30: {  	v5 =	vld [tilespmem:s22+$0xD0];
	[tilespmem:s29+$0x10E0] =	vst v22;
	v11 =	vxor.u32 $0x7FFFFFFF, v18;
	vm1 =	vlt.s32 v18, $0x0;
	v12 =	vsel vm0, v15, v12  }
0x31: {  	v28 =	vld [tilespmem:s22+$0x80];
	vm2 =	vlt.s32 v20, v9;
	v8 =	vxor.u32 $0x7FFFFFFF, v6;
	vm3 =	vlt.s32 v6, $0x0  }
0x32: {  	[tilespmem:s29+$0x1020] =	vst v7;
	v11 =	vsel vm1, v11, v18;
	v21 =	vsel vm2, v9, v20;
	v29 =	vsel vm3, v8, v6  }
0x33: {  	v25 =	vld [tilespmem:s22+$0xB0];
	[tilespmem:s29+$0x10F0] =	vst v23;
	v20 =	vsel vm2, v20, v9;
	vm2 =	vgt.s32 v15, v12;
	vm0 =	vlt.s32 v21, v7  }
0x34: {  	v30 =	vld [tilespmem:s22+$0xA0];
	v12 =	vsel vm2, v15, v12;
	v31 =	vsel vm0, v7, v21;
	v21 =	vsel vm0, v21, v7  }
0x35: {  	v6 =	vld [tilespmem:s22+$0x70];
	[tilespmem:s29+$0x1060] =	vst v29;
	v7 =	vxor.u32 $0x7FFFFFFF, v5;
	vm2 =	vgt.s32 v12, v20;
	vm0 =	vlt.s32 v31, v14  }
0x36: {  	v15 =	vld [tilespmem:s22+$0x20];
	v12 =	vsel vm2, v12, v20;
	vm5 =	vlt.s32 v28, $0x0;
	v59 =	vxor.u32 $0x7FFFFFFF, v28  }
0x37: {  	v9 =	vld [tilespmem:s22+$0x90];
	v32 =	vsel vm0, v14, v31;
	v14 =	vsel vm0, v31, v14;
	vm2 =	vgt.s32 v12, v21  }
0x38: {  	v8 =	vld [tilespmem:s22+$0x60];
	v35 =	vxor.u32 $0x7FFFFFFF, v25;
	vm4 =	vlt.s32 v25, $0x0;
	vm0 =	vlt.s32 v32, v10  }
0x39: {  	v31 =	vld [tilespmem:s22+$0x30];
	[tilespmem:s29+$0x1070] =	vst v11;
	v12 =	vsel vm2, v12, v21;
	v56 =	vxor.u32 $0x7FFFFFFF, v30;
	v20 =	vsel vm0, v10, v32  }
0x3a: {  	v21 =	vld [tilespmem:s22+$0x10];
	v18 =	vsel vm0, v32, v10;
	v10 =	vxor.u32 $0x7FFFFFFF, v6;
	vm1 =	vgt.s32 v12, v14  }
0x3b: {  	v34 =	vld [tilespmem:s22+$0x50];
	vm0 =	vlt.s32 v20, v13;
	v12 =	vsel vm1, v12, v14;
	vm2 =	vlt.s32 v15, $0x0  }
0x3c: {  	v37 =	vld [tilespmem:s22+$0xC0];
	v14 =	vxor.u32 $0x7FFFFFFF, v4;
	v33 =	vsel vm0, v13, v20;
	v20 =	vsel vm0, v20, v13  }
0x3d: {  	v60 =	vld [tilespmem:s22+$0x40];
	vm0 =	vlt.s32 v5, $0x0;
	vm1 =	vgt.s32 v12, v18;
	v13 =	vxor.u32 $0x7FFFFFFF, v3  }
0x3e: {  	v36 =	vld [tilespmem:s22+$0x0];
	vm6 =	vlt.s32 v33, v29;
	vm3 =	vlt.s32 v31, $0x0;
	v12 =	vsel vm1, v12, v18  }
0x3f: {  	v40 =	vxor.u32 $0x7FFFFFFF, v31;
	v38 =	vsel vm6, v29, v33;
	v39 =	vxor.u32 $0x7FFFFFFF, v21  }
0x40: {  	vm1 =	vlt.s32 v21, $0x0;
	vm7 =	vgt.s32 v12, v20;
	v57 =	vxor.u32 $0x7FFFFFFF, v34  }
0x41: {  	vm8 =	vlt.s32 v37, $0x0;
	v29 =	vsel vm6, v33, v29;
	v41 =	vxor.u32 $0x7FFFFFFF, v37  }
0x42: {  	v61 =	vxor.u32 $0x7FFFFFFF, v60;
	v18 =	vsel vm1, v39, v21;
	v12 =	vsel vm7, v12, v20  }
0x43: {  	v20 =	vxor.u32 $0x7FFFFFFF, v36;
	vm7 =	vlt.s32 v38, v11;
	v21 =	vxor.u32 $0x7FFFFFFF, v15  }
0x44: {  	vm1 =	vlt.s32 v36, $0x0;
	vm6 =	vgt.s32 v12, v29;
	v58 =	vsel vm7, v11, v38  }
0x45: {  	v11 =	vsel vm7, v38, v11;
	v12 =	vsel vm6, v12, v29;
	vm6 =	vlt.s32 v58, v19  }
0x46: {  	v20 =	vsel vm1, v20, v36;
	v29 =	vsel vm6, v19, v58;
	vm7 =	vgt.s32 v12, v11  }
0x47: {  	vm1 =	vlt.s32 v6, $0x0;
	vm9 =	vlt.s32 v29, v27;
	v42 =	vsel vm7, v12, v11  }
0x48: {  	v12 =	vsel vm5, v59, v28;
	vm5 =	vlt.s32 v34, $0x0;
	v28 =	vsel vm6, v58, v19  }
0x49: {  	v43 =	vsel vm9, v27, v29;
	v19 =	vsel vm5, v57, v34;
	vm5 =	vgt.s32 v42, v28  }
0x4a: {  	v27 =	vsel vm9, v29, v27;
	vm6 =	vlt.s32 v43, v26;
	v28 =	vsel vm5, v42, v28  }
0x4b: {  	v29 =	vsel vm6, v26, v43;
	v26 =	vsel vm6, v43, v26;
	vm6 =	vgt.s32 v28, v27  }
0x4c: {  	v11 =	vsel vm8, v41, v37;
	vm5 =	vlt.s32 v29, v24;
	v27 =	vsel vm6, v28, v27  }
0x4d: {  	vm6 =	vlt.s32 v60, $0x0;
	v28 =	vsel vm3, v40, v31;
	vm3 =	vlt.s32 v4, $0x0  }
0x4e: {  	v62 =	vsel vm5, v24, v29;
	v24 =	vsel vm5, v29, v24;
	vm7 =	vgt.s32 v27, v26  }
0x4f: {  	[tilespmem:s22+$0x1010] =	vst v18;
	v29 =	vxor.u32 $0x7FFFFFFF, v8;
	vm5 =	vlt.s32 v62, v16;
	v27 =	vsel vm7, v27, v26  }
0x50: {  	[tilespmem:s22+$0x1000] =	vst v20;
	v26 =	vsel vm6, v61, v60;
	v63 =	vsel vm5, v16, v62;
	vm6 =	vgt.s32 v27, v24  }
0x51: {  	[tilespmem:s22+$0x1080] =	vst v12;
	vm7 =	vlt.s32 v63, v17;
	v24 =	vsel vm6, v27, v24;
	v27 =	vsel vm5, v62, v16  }
0x52: {  	[tilespmem:s22+$0x10C0] =	vst v11;
	vm5 =	vlt.s32 v30, $0x0;
	vm6 =	vgt.s32 v24, v27;
	v31 =	vsel vm7, v17, v63  }
0x53: {  	[tilespmem:s22+$0x1050] =	vst v19;
	v16 =	vsel vm5, v56, v30;
	v24 =	vsel vm6, v24, v27;
	vm5 =	vlt.s32 v31, v22  }
0x54: {  	[tilespmem:s22+$0x1030] =	vst v28;
	v27 =	vsel vm7, v63, v17;
	v17 =	vsel vm4, v35, v25;
	v25 =	vxor.u32 $0x7FFFFFFF, v9  }
0x55: {  	[tilespmem:s22+$0x1040] =	vst v26;
	v30 =	vsel vm5, v22, v31;
	v31 =	vsel vm5, v31, v22;
	vm6 =	vgt.s32 v24, v27  }
0x56: {  	[tilespmem:s22+$0x10A0] =	vst v16;
	vm5 =	vlt.s32 v8, $0x0;
	vm7 =	vlt.s32 v30, v23;
	v33 =	vsel vm6, v24, v27  }
0x57: {  	s23 =	simm.s32 $0x800;
	[tilespmem:s22+$0x10B0] =	vst v17;
	v27 =	vsel vm7, v23, v30;
	vm4 =	vgt.s32 v33, v31;
	v32 =	vsel vm7, v30, v23  }
.LBB2_2:
0x58: {  	s24 =	sshra.s32 s23, $0x2;
	p0 =	sne.s32 s23, $0x3C00;
	s23 =	sadd.s32 $0x400, s23;
	vm6 =	vlt.s32 v9, $0x0;
	v22 =	vsel vm0, v7, v5  }
0x59: {  	vm0 =	vlt.s32 v27, v20;
	v15 =	vsel vm2, v21, v15;
	v7 =	vld [tilespmem:s24+$0xF0];
	v30 =	vsel vm6, v25, v9;
	[tilespmem:s22+$0x10D0] =	vst v22  }
0x5a: {  	v23 =	vsel vm3, v14, v4;
	v14 =	vsel vm4, v33, v31;
	v9 =	vsel vm0, v20, v27;
	[tilespmem:s22+$0x1090] =	vst v30;
	v4 =	vld [tilespmem:s24+$0xE0]  }
0x5b: {  	vm3 =	vlt.s32 v3, $0x0;
	vm4 =	vgt.s32 v14, v32;
	vm2 =	vlt.s32 v9, v18;
	v5 =	vld [tilespmem:s24+$0xD0];
	[tilespmem:s22+$0x10E0] =	vst v23  }
0x5c: {  	v24 =	vsel vm3, v13, v3;
	v13 =	vsel vm4, v14, v32;
	v21 =	vsel vm2, v18, v9;
	v31 =	vld [tilespmem:s24+$0x80];
	[tilespmem:s22+$0x1020] =	vst v15  }
0x5d: {  	v14 =	vsel vm0, v27, v20;
	v18 =	vsel vm2, v9, v18;
	vm0 =	vlt.s32 v21, v15;
	v25 =	vld [tilespmem:s24+$0xB0];
	[tilespmem:s22+$0x10F0] =	vst v24  }
0x5e: {  	v29 =	vsel vm5, v29, v8;
	vm2 =	vgt.s32 v13, v14;
	v20 =	vsel vm0, v15, v21;
	v27 =	vld [tilespmem:s24+$0xA0];
	v3 =	vmovc v7  }
0x5f: {  	v13 =	vsel vm2, v13, v14;
	v14 =	vsel vm0, v21, v15;
	vm0 =	vlt.s32 v20, v28;
	v32 =	vld [tilespmem:s24+$0x70];
	[tilespmem:s22+$0x1060] =	vst v29  }
0x60: {  	vm2 =	vgt.s32 v13, v18;
	v21 =	vsel vm0, v28, v20;
	v9 =	vld [tilespmem:s24+$0x90];
	v7 =	vxor.u32 $0x7FFFFFFF, v5  }
0x61: {  	v13 =	vsel vm2, v13, v18;
	v18 =	vsel vm0, v20, v28;
	vm0 =	vlt.s32 v21, v26;
	v8 =	vld [tilespmem:s24+$0x60]  }
0x62: {  	vm2 =	vgt.s32 v13, v14;
	v28 =	vsel vm1, v10, v6;
	v20 =	vsel vm0, v26, v21;
	v15 =	vld [tilespmem:s24+$0x20]  }
0x63: {  	v13 =	vsel vm2, v13, v14;
	v21 =	vsel vm0, v21, v26;
	vm0 =	vlt.s32 v20, v19;
	v33 =	vld [tilespmem:s24+$0x30];
	[tilespmem:s22+$0x1070] =	vst v28;
	s22 =	smov.u32 s24  }
0x64: {  	vm1 =	vgt.s32 v13, v18;
	v34 =	vxor.u32 $0x7FFFFFFF, v27;
	v26 =	vld [tilespmem:s22+$0x10];
	v10 =	vxor.u32 $0x7FFFFFFF, v32;
	v6 =	vmovc v32  }
0x65: {  	v13 =	vsel vm1, v13, v18;
	v35 =	vsel vm0, v19, v20;
	v19 =	vsel vm0, v20, v19;
	v32 =	vld [tilespmem:s22+$0x0]  }
0x66: {  	v37 =	vxor.u32 $0x7FFFFFFF, v25;
	vm0 =	vlt.s32 v5, $0x0;
	vm1 =	vgt.s32 v13, v21;
	v36 =	vld [tilespmem:s22+$0x50]  }
0x67: {  	vm5 =	vlt.s32 v31, $0x0;
	vm6 =	vlt.s32 v35, v29;
	vm2 =	vlt.s32 v15, $0x0  }
0x68: {  	v14 =	vxor.u32 $0x7FFFFFFF, v4;
	v39 =	vsel vm6, v29, v35;
	vm3 =	vlt.s32 v33, $0x0;
	v38 =	vld [tilespmem:s22+$0xC0]  }
0x69: {  	vm4 =	vlt.s32 v25, $0x0;
	v20 =	vsel vm1, v13, v21;
	v18 =	vxor.u32 $0x7FFFFFFF, v26  }
0x6a: {  	v13 =	vxor.u32 $0x7FFFFFFF, v3;
	vm7 =	vgt.s32 v20, v19;
	vm1 =	vlt.s32 v26, $0x0  }
0x6b: {  	v19 =	vsel vm7, v20, v19;
	v18 =	vsel vm1, v18, v26;
	v26 =	vxor.u32 $0x7FFFFFFF, v36  }
0x6c: {  	vm7 =	vlt.s32 v39, v28;
	v40 =	vxor.u32 $0x7FFFFFFF, v33;
	v20 =	vxor.u32 $0x7FFFFFFF, v32;
	[tilespmem:s22+$0x1010] =	vst v18  }
0x6d: {  	v29 =	vsel vm6, v35, v29;
	v21 =	vxor.u32 $0x7FFFFFFF, v15;
	vm8 =	vlt.s32 v38, $0x0  }
0x6e: {  	vm6 =	vgt.s32 v19, v29;
	v35 =	vsel vm7, v28, v39;
	vm1 =	vlt.s32 v32, $0x0  }
0x6f: {  	v19 =	vsel vm6, v19, v29;
	vm6 =	vlt.s32 v35, v12;
	v20 =	vsel vm1, v20, v32  }
0x70: {  	v28 =	vsel vm7, v39, v28;
	v29 =	vsel vm6, v12, v35;
	vm1 =	vlt.s32 v6, $0x0;
	[tilespmem:s22+$0x1000] =	vst v20  }
0x71: {  	vm7 =	vgt.s32 v19, v28;
	vm9 =	vlt.s32 v29, v30;
	v32 =	vxor.u32 $0x7FFFFFFF, v31  }
0x72: {  	v28 =	vsel vm7, v19, v28;
	v42 =	vsel vm9, v30, v29;
	v41 =	vxor.u32 $0x7FFFFFFF, v38;
	v39 =	vld [tilespmem:s22+$0x40]  }
0x73: {  	v29 =	vsel vm9, v29, v30;
	v19 =	vsel vm5, v32, v31;
	v31 =	vsel vm8, v41, v38  }
0x74: {  	v30 =	vsel vm6, v35, v12;
	vm5 =	vlt.s32 v36, $0x0;
	vm6 =	vlt.s32 v42, v16;
	v12 =	vmovc v19;
	[tilespmem:s22+$0x1080] =	vst v19  }
0x75: {  	v19 =	vsel vm5, v26, v36;
	vm5 =	vgt.s32 v28, v30;
	v26 =	vsel vm6, v16, v42;
	[tilespmem:s22+$0x10C0] =	vst v31  }
0x76: {  	v16 =	vsel vm6, v42, v16;
	v28 =	vsel vm5, v28, v30;
	vm5 =	vlt.s32 v26, v17;
	[tilespmem:s22+$0x1050] =	vst v19  }
0x77: {  	vm6 =	vgt.s32 v28, v29;
	v32 =	vsel vm5, v17, v26;
	v30 =	vxor.u32 $0x7FFFFFFF, v39  }
0x78: {  	v17 =	vsel vm5, v26, v17;
	v28 =	vsel vm6, v28, v29;
	vm5 =	vlt.s32 v32, v11  }
0x79: {  	vm6 =	vlt.s32 v39, $0x0;
	vm7 =	vgt.s32 v28, v16;
	v35 =	vsel vm5, v11, v32  }
0x7a: {  	v29 =	vxor.u32 $0x7FFFFFFF, v8;
	v16 =	vsel vm7, v28, v16;
	vm7 =	vlt.s32 v35, v22  }
0x7b: {  	v26 =	vsel vm6, v30, v39;
	v28 =	vsel vm3, v40, v33;
	vm6 =	vgt.s32 v16, v17  }
0x7c: {  	v30 =	vsel vm5, v32, v11;
	v11 =	vmovc v31;
	vm3 =	vlt.s32 v4, $0x0;
	v17 =	vsel vm6, v16, v17;
	[tilespmem:s22+$0x1030] =	vst v28  }
0x7d: {  	vm5 =	vlt.s32 v27, $0x0;
	v31 =	vsel vm7, v22, v35;
	vm6 =	vgt.s32 v17, v30;
	[tilespmem:s22+$0x1040] =	vst v26  }
.Ltmp0:
0x7e: {  	v16 =	vsel vm5, v34, v27;
	vm5 =	vlt.s32 v31, v23;
	v27 =	vsel vm6, v17, v30;
	(pc) =	sbr.rel @p0 .LBB2_2-.Ltmp0, $4  }
0x7f: {  	v22 =	vsel vm7, v35, v22;
	v30 =	vsel vm5, v23, v31;
	v31 =	vsel vm5, v31, v23;
	[tilespmem:s22+$0x10A0] =	vst v16  }
0x80: {  	vm5 =	vlt.s32 v8, $0x0;
	vm6 =	vgt.s32 v27, v22;
	vm7 =	vlt.s32 v30, v24  }
0x81: {  	v17 =	vsel vm4, v37, v25;
	v33 =	vsel vm6, v27, v22;
	v27 =	vsel vm7, v24, v30  }
0x82: {  	v25 =	vxor.u32 $0x7FFFFFFF, v9;
	v32 =	vsel vm7, v30, v24;
	vm4 =	vgt.s32 v33, v31;
	[tilespmem:s22+$0x10B0] =	vst v17  }
0x83: {  	v22 =	vsel vm4, v33, v31  }
0x84: {  	vm14 =	vlt.s32 v27, v20;
	vm6 =	vgt.s32 v22, v32  }
0x85: {  	v23 =	vsel vm14, v20, v27;
	v43 =	vsel vm14, v27, v20;
	v22 =	vsel vm6, v22, v32  }
0x86: {  	v15 =	vsel vm2, v21, v15;
	vm15 =	vlt.s32 v23, v18;
	vm4 =	vgt.s32 v22, v43  }
0x87: {  	v44 =	vsel vm15, v18, v23;
	v45 =	vsel vm15, v23, v18;
	v20 =	vsel vm4, v22, v43  }
0x88: {  	vm8 =	vlt.s32 v44, v15;
	vm4 =	vgt.s32 v20, v45  }
0x89: {  	v46 =	vsel vm8, v15, v44;
	v21 =	vsel vm8, v44, v15;
	v18 =	vsel vm4, v20, v45  }
0x8a: {  	vm9 =	vlt.s32 v46, v28;
	vm4 =	vgt.s32 v18, v21  }
0x8b: {  	v47 =	vsel vm9, v28, v46;
	v22 =	vsel vm9, v46, v28;
	v18 =	vsel vm4, v18, v21  }
0x8c: {  	vm10 =	vlt.s32 v47, v26;
	vm4 =	vgt.s32 v18, v22  }
0x8d: {  	v48 =	vsel vm10, v26, v47;
	v20 =	vsel vm10, v47, v26;
	v18 =	vsel vm4, v18, v22  }
0x8e: {  	v8 =	vsel vm5, v29, v8;
	vm11 =	vlt.s32 v48, v19;
	vm4 =	vgt.s32 v18, v20  }
0x8f: {  	v49 =	vsel vm11, v19, v48;
	v50 =	vsel vm11, v48, v19;
	v18 =	vsel vm4, v18, v20  }
0x90: {  	v6 =	vsel vm1, v10, v6;
	vm12 =	vlt.s32 v49, v8;
	vm2 =	vgt.s32 v18, v50  }
0x91: {  	v51 =	vsel vm12, v8, v49;
	v52 =	vsel vm12, v49, v8;
	v18 =	vsel vm2, v18, v50  }
0x92: {  	vm13 =	vlt.s32 v9, $0x0;
	vm14 =	vlt.s32 v51, v6;
	vm15 =	vgt.s32 v18, v52  }
0x93: {  	v53 =	vsel vm14, v6, v51;
	v10 =	vsel vm14, v51, v6;
	v18 =	vsel vm15, v18, v52  }
0x94: {  	v9 =	vsel vm13, v25, v9;
	vm6 =	vlt.s32 v53, v12;
	vm2 =	vgt.s32 v18, v10  }
0x95: {  	v54 =	vsel vm6, v12, v53;
	v55 =	vsel vm6, v53, v12;
	v10 =	vsel vm2, v18, v10  }
0x96: {  	vm7 =	vlt.s32 v54, v9;
	vm2 =	vgt.s32 v10, v55  }
0x97: {  	v56 =	vsel vm7, v9, v54;
	v19 =	vsel vm7, v54, v9;
	v10 =	vsel vm2, v10, v55  }
0x98: {  	vm8 =	vlt.s32 v56, v16;
	vm2 =	vgt.s32 v10, v19  }
0x99: {  	v57 =	vsel vm8, v16, v56;
	v58 =	vsel vm8, v56, v16;
	v10 =	vsel vm2, v10, v19  }
0x9a: {  	v5 =	vsel vm0, v7, v5;
	vm9 =	vlt.s32 v57, v17;
	vm1 =	vgt.s32 v10, v58  }
0x9b: {  	v7 =	vsel vm9, v17, v57;
	v12 =	vsel vm9, v57, v17;
	v10 =	vsel vm1, v10, v58  }
0x9c: {  	v4 =	vsel vm3, v14, v4;
	vm10 =	vlt.s32 v7, v11;
	vm1 =	vgt.s32 v10, v12  }
0x9d: {  	v59 =	vsel vm10, v11, v7;
	v7 =	vsel vm10, v7, v11;
	v10 =	vsel vm1, v10, v12  }
0x9e: {  	vm11 =	vlt.s32 v3, $0x0;
	vm12 =	vlt.s32 v59, v5;
	vm13 =	vgt.s32 v10, v7  }
0x9f: {  	v60 =	vsel vm12, v5, v59;
	v61 =	vsel vm12, v59, v5;
	v7 =	vsel vm13, v10, v7  }
0xa0: {  	v3 =	vsel vm11, v13, v3;
	vm14 =	vlt.s32 v60, v4;
	vm1 =	vgt.s32 v7, v61  }
0xa1: {  	v62 =	vsel vm14, v4, v60;
	v11 =	vsel vm14, v60, v4;
	v7 =	vsel vm1, v7, v61  }
0xa2: {  	vm15 =	vlt.s32 v62, v3;
	vm1 =	vgt.s32 v7, v11  }
0xa3: {  	v63 =	vsel vm15, v62, v3;
	v7 =	vsel vm1, v7, v11  }
0xa4: {  	vm0 =	vgt.s32 v7, v63  }
0xa5: {  	v7 =	vsel vm0, v7, v63  }
0xa6: {  	v7 =	vxor.u32 $0x80000000, v7  }
0xa7: {  	(xrf0) =	vmin.scan.msk.u32 $0xffff, v7;
	_ =	sdelay $0x5  }
0xa8: {  	v7, _, _ =	vpop (xrf0)  }
0xa9: {  	(v2sf) =	vpush v7, $0xF;
	_ =	sdelay $0xa  }
0xaa: {  	[tilespmem:s22+$0x10D0] =	vst v5  }
0xab: {  	[tilespmem:s22+$0x10E0] =	vst v4  }
0xac: {  	[tilespmem:s22+$0x1020] =	vst v15  }
0xad: {  	[tilespmem:s22+$0x1060] =	vst v8  }
0xae: {  	[tilespmem:s22+$0x1070] =	vst v6;
	s23 =	spop (v2sf)  }
0xaf: {  	[tilespmem:s22+$0x1090] =	vst v9;
	s23 =	sxor.u32 $0x80000000, s23  }
0xb0: {  	[tilespmem:s22+$0x10F0] =	vst v3;
	s22 =	simm.s32 $0x0;
	v4 =	vimm.s32 $0x0;
	v3 =	vmov s23  }
.LBB2_4:
0xb1: {  	s23 =	sshra.s32 s22, $0x2  }
0xb2: {  	v5 =	vld [tilespmem:s23+$0x1000];
	_ =	sdelay $0x4  }
0xb3: {  	vm0 =	vge.s32 v5, v3  }
0xb4: {  	v6 =	vsel vm0, $0x1, v1  }
0xb5: {  	(xrf0) =	vadd.scan.msk.s32 $0xffff, v6;
	_ =	sdelay $0x4  }
0xb6: {  	v6 =	vsel vm0, $0xFFFFFFFF, v1  }
0xb7: {  	v6 =	vadd.s32 v6, v4;
	v7, _, _ =	vpop (xrf0)  }
0xb8: {  	v6 =	vadd.s32 v7, v6;
	_ =	sdelay $0x4  }
0xb9: {  	[tilespmem:v6+s17+$0x0] =	vst.idx.msk vm0, v5  }
0xba: {  	v5 =	vld [tilespmem:s23+$0x1010];
	_ =	sdelay $0x4  }
0xbb: {  	vm1 =	vge.s32 v5, v3  }
0xbc: {  	v6 =	vsel vm1, $0x1, v1  }
0xbd: {  	(xrf0) =	vadd.scan.msk.s32 $0xffff, v6;
	_ =	sdelay $0x2  }
0xbe: {  	v6 =	vmpcnt.ones.xlane vm0;
	_ =	sdelay $0x1  }
0xbf: {  	v4 =	vadd.s32 v4, v6;
	v6 =	vsel vm1, $0xFFFFFFFF, v1  }
0xc0: {  	v6 =	vadd.s32 v6, v4;
	v7, _, _ =	vpop (xrf0)  }
0xc1: {  	v6 =	vadd.s32 v7, v6;
	_ =	sdelay $0x4  }
0xc2: {  	[tilespmem:v6+s17+$0x0] =	vst.idx.msk vm1, v5  }
0xc3: {  	v5 =	vld [tilespmem:s23+$0x1020];
	_ =	sdelay $0x4  }
0xc4: {  	vm10 =	vge.s32 v5, v3  }
0xc5: {  	v6 =	vsel vm10, $0x1, v1  }
0xc6: {  	(xrf0) =	vadd.scan.msk.s32 $0xffff, v6;
	_ =	sdelay $0x2  }
0xc7: {  	v6 =	vmpcnt.ones.xlane vm1;
	_ =	sdelay $0x1  }
0xc8: {  	v4 =	vadd.s32 v4, v6;
	v6 =	vsel vm10, $0xFFFFFFFF, v1  }
0xc9: {  	v6 =	vadd.s32 v6, v4;
	v7, _, _ =	vpop (xrf0)  }
0xca: {  	v6 =	vadd.s32 v7, v6;
	_ =	sdelay $0x4  }
0xcb: {  	[tilespmem:v6+s17+$0x0] =	vst.idx.msk vm10, v5  }
0xcc: {  	v5 =	vld [tilespmem:s23+$0x1030];
	_ =	sdelay $0x4  }
0xcd: {  	vm11 =	vge.s32 v5, v3  }
0xce: {  	v6 =	vsel vm11, $0x1, v1  }
0xcf: {  	(xrf0) =	vadd.scan.msk.s32 $0xffff, v6;
	_ =	sdelay $0x2  }
0xd0: {  	v6 =	vmpcnt.ones.xlane vm10;
	_ =	sdelay $0x1  }
0xd1: {  	v4 =	vadd.s32 v4, v6;
	v6 =	vsel vm11, $0xFFFFFFFF, v1  }
0xd2: {  	v6 =	vadd.s32 v6, v4;
	v7, _, _ =	vpop (xrf0)  }
0xd3: {  	v6 =	vadd.s32 v7, v6;
	_ =	sdelay $0x4  }
0xd4: {  	[tilespmem:v6+s17+$0x0] =	vst.idx.msk vm11, v5  }
0xd5: {  	v5 =	vld [tilespmem:s23+$0x1040];
	_ =	sdelay $0x4  }
0xd6: {  	vm12 =	vge.s32 v5, v3  }
0xd7: {  	v6 =	vsel vm12, $0x1, v1  }
0xd8: {  	(xrf0) =	vadd.scan.msk.s32 $0xffff, v6;
	_ =	sdelay $0x2  }
0xd9: {  	v6 =	vmpcnt.ones.xlane vm11;
	_ =	sdelay $0x1  }
0xda: {  	v4 =	vadd.s32 v4, v6;
	v6 =	vsel vm12, $0xFFFFFFFF, v1  }
0xdb: {  	v6 =	vadd.s32 v6, v4;
	v7, _, _ =	vpop (xrf0)  }
0xdc: {  	v6 =	vadd.s32 v7, v6;
	_ =	sdelay $0x4  }
0xdd: {  	[tilespmem:v6+s17+$0x0] =	vst.idx.msk vm12, v5  }
0xde: {  	v5 =	vld [tilespmem:s23+$0x1050];
	_ =	sdelay $0x4  }
0xdf: {  	vm13 =	vge.s32 v5, v3  }
0xe0: {  	v6 =	vsel vm13, $0x1, v1  }
0xe1: {  	(xrf0) =	vadd.scan.msk.s32 $0xffff, v6;
	_ =	sdelay $0x2  }
0xe2: {  	v6 =	vmpcnt.ones.xlane vm12;
	_ =	sdelay $0x1  }
0xe3: {  	v4 =	vadd.s32 v4, v6;
	v6 =	vsel vm13, $0xFFFFFFFF, v1  }
0xe4: {  	v6 =	vadd.s32 v6, v4;
	v7, _, _ =	vpop (xrf0)  }
0xe5: {  	v6 =	vadd.s32 v7, v6;
	_ =	sdelay $0x4  }
0xe6: {  	[tilespmem:v6+s17+$0x0] =	vst.idx.msk vm13, v5  }
0xe7: {  	v5 =	vld [tilespmem:s23+$0x1060];
	_ =	sdelay $0x4  }
0xe8: {  	vm14 =	vge.s32 v5, v3  }
0xe9: {  	v6 =	vsel vm14, $0x1, v1  }
0xea: {  	(xrf0) =	vadd.scan.msk.s32 $0xffff, v6;
	_ =	sdelay $0x2  }
0xeb: {  	v6 =	vmpcnt.ones.xlane vm13;
	_ =	sdelay $0x1  }
0xec: {  	v4 =	vadd.s32 v4, v6;
	v6 =	vsel vm14, $0xFFFFFFFF, v1  }
0xed: {  	v6 =	vadd.s32 v6, v4;
	v7, _, _ =	vpop (xrf0)  }
0xee: {  	v6 =	vadd.s32 v7, v6;
	_ =	sdelay $0x4  }
0xef: {  	[tilespmem:v6+s17+$0x0] =	vst.idx.msk vm14, v5  }
0xf0: {  	v5 =	vld [tilespmem:s23+$0x1070];
	_ =	sdelay $0x4  }
0xf1: {  	vm15 =	vge.s32 v5, v3  }
0xf2: {  	v6 =	vsel vm15, $0x1, v1  }
0xf3: {  	(xrf0) =	vadd.scan.msk.s32 $0xffff, v6;
	_ =	sdelay $0x2  }
0xf4: {  	v6 =	vmpcnt.ones.xlane vm14;
	_ =	sdelay $0x1  }
0xf5: {  	v4 =	vadd.s32 v4, v6;
	v6 =	vsel vm15, $0xFFFFFFFF, v1  }
0xf6: {  	v6 =	vadd.s32 v6, v4;
	v7, _, _ =	vpop (xrf0)  }
0xf7: {  	p0 =	sne.s32 s22, $0x3E00;
	v6 =	vadd.s32 v7, v6  }
.Ltmp1:
0xf8: {  	_ = 	snop;
	(pc) =	sbr.rel @p0 .LBB2_4-.Ltmp1, $3  }
0xf9: {  	_ = 	snop  }
0xfa: {  	v7 =	vmpcnt.ones.xlane vm15;
	_ =	sdelay $0x1  }
0xfb: {  	s22 =	sadd.s32 $0x200, s22;
	v4 =	vadd.s32 v4, v7;
	[tilespmem:v6+s17+$0x0] =	vst.idx.msk vm15, v5  }
0xfc: {  	v3 =	vxor.u32 $0x80000000, v4  }
0xfd: {  	(xrf0) =	vmax.scan.msk.u32 $0xffff, v3;
	_ =	sdelay $0x5  }
0xfe: {  	v3, _, _ =	vpop (xrf0)  }
0xff: {  	(v2sf) =	vpush v3, $0xF;
	_ =	sdelay $0xe  }
0x100: {  	s22 =	spop (v2sf)  }
0x101: {  	s23 =	sadd.s32 $0x8000000F, s22  }
0x102: {  	s24 =	sand.u32 $0xF, s23  }
0x103: {  	s29 =	sshra.s32 s23, $0x1F;
	p1 =	slt.s32 s23, $0x1;
	p0 =	sne.s32 s24, $0x0  }
.Ltmp2:
0x104: {  	s24 =	sshrl.u32 s29, $0x1C;
	p0 =	por !p1, !p0;
	(pc) =	sbr.rel .LBB2_6-.Ltmp2, $4  }
0x105: {  	s23 =	sadd.s32 s24, s23;
	s24 =	simm.s32 $0x1;
	p0 =	por !p0, !p0  }
0x106: {  	s23 =	sshra.s32 s23, $0x4;
	s24 =	simm.s32 @!p0 $0x0  }
0x107: {  	s25 =	sxor.u32 $0x80000000, s22;
	s22 =	ssub.s32 s23, s24  }
0x108: {  	v4 =	vmov s25;
	s23 =	simm.s32 $0x0;
	s24 =	simm.s32 $0x0;
	p0 =	slt.s32 s22, $0x1  }
.LBB2_7:
0x109: {  	v3 =	vimm.s32 $0x0  }
.LBB2_11:
0x10a: {  	(xrf0) =	vadd.scan.msk.s32 $0xffff, v3;
	_ =	sdelay $0x5  }
0x10b: {  	v3, _, _ =	vpop (xrf0)  }
0x10c: {  	(v2sf) =	vpush v3, $0xF;
	_ =	sdelay $0xa  }
0x10d: {  	s24 =	sadd.s32 $0x1, s24  }
0x10e: {  	p2 =	sne.s32 s24, $0x20  }
.Ltmp3:
0x10f: {  	_ = 	snop;
	(pc) =	sbr.rel @!p2 .LBB2_12-.Ltmp3, $4  }
0x110: {  	_ = 	snop  }
0x111: {  	s26 =	spop (v2sf)  }
0x112: {  	p1 =	sgt.s32 s26, $0x1F  }
0x113: {  	s23 =	smov.u32 @p1 s25  }
.LBB2_6:
.Ltmp4:
0x114: {  	(pc) =	sbr.rel @p0 .LBB2_7-.Ltmp4, $3  }
0x115: {  	_ =	sdelay $0x1  }
0x116: {  	s25 =	sshrl.u32 s19, s24  }
0x117: {  	s25 =	sor.u32 s25, s23  }
0x118: {  	s26 =	simm.s32 $0x2000  }
0x119: {  	p1 =	sne.s32 s22, $0x1;
	v6 =	vld [tilespmem:s26+$0x0]  }
.Ltmp5:
0x11a: {  	_ = 	snop;
	(pc) =	sbr.rel @!p1 .LBB2_10-.Ltmp5, $4  }
0x11b: {  	_ = 	snop  }
0x11c: {  	s28 =	sxor.u32 $0x80000000, s25;
	s26 =	simm.s32 $0x0  }
0x11d: {  	v5 =	vmov s28;
	v7 =	vor.u32 s26, v2  }
0x11e: {  	v3 =	vimm.s32 $0x0;
	s29 =	simm.s32 $0x2010;
	s28 =	sadd.s32 $0xFFFFFFFF, s22;
	vm0 =	vlt.s32 v7, v4;
	vm1 =	vge.s32 v6, v5  }
.LBB2_9:
0x11f: {  	v6 =	vld [tilespmem:s29+$0x0];
	p1 =	sne.s32 s28, $0x1;
	s28 =	sadd.s32 $0xFFFFFFFF, s28;
	vm0 =	vmand vm0, vm1  }
.Ltmp6:
0x120: {  	v7 =	vsel vm0, $0x1, v1;
	(pc) =	sbr.rel @p1 .LBB2_9-.Ltmp6, $4  }
0x121: {  	v3 =	vadd.s32 v7, v3  }
0x122: {  	s26 =	sadd.s32 $0x10, s26  }
0x123: {  	v7 =	vor.u32 s26, v2  }
0x124: {  	s29 =	sadd.s32 $0x10, s29;
	vm0 =	vlt.s32 v7, v4;
	vm1 =	vge.s32 v6, v5  }
.LBB2_10:
.Ltmp7:
0x125: {  	(pc) =	sbr.rel .LBB2_11-.Ltmp7, $4  }
0x126: {  	_ = 	snop  }
0x127: {  	vm0 =	vmand vm0, vm1  }
0x128: {  	v5 =	vsel vm0, $0x1, v1  }
0x129: {  	v3 =	vadd.s32 v5, v3  }
.LBB2_12:
.Ltmp8:
0x12a: {  	(pc) =	sbr.rel @p0 .LBB2_16-.Ltmp8, $3  }
0x12b: {  	_ =	sdelay $0x1  }
0x12c: {  	s23 =	sxor.u32 $0x80000000, s23  }
0x12d: {  	v5 =	vimm.s32 $0x0;
	v6 =	vimm.s32 $0x0;
	v3 =	vmov s23  }
0x12e: {  	s23 =	simm.s32 $0x2000  }
0x12f: {  	p0 =	sne.s32 s22, $0x1;
	v6 =	vld [tilespmem:s23+$0x0]  }
.Ltmp9:
0x130: {  	_ = 	snop;
	(pc) =	sbr.rel @!p0 .LBB2_15-.Ltmp9, $4  }
0x131: {  	_ = 	snop  }
0x132: {  	s23 =	simm.s32 $0x0  }
0x133: {  	v7 =	vor.u32 s23, v2  }
0x134: {  	s22 =	sadd.s32 $0xFFFFFFFF, s22;
	s24 =	simm.s32 $0x2010;
	vm0 =	vlt.s32 v7, v4;
	vm1 =	vgt.s32 v6, v3;
	v6 =	vimm.s32 $0x0  }
.LBB2_14:
0x135: {  	v7 =	vld [tilespmem:s24+$0x0];
	p0 =	sne.s32 s22, $0x1;
	s22 =	sadd.s32 $0xFFFFFFFF, s22;
	vm0 =	vmand vm0, vm1  }
.Ltmp10:
0x136: {  	v8 =	vsel vm0, $0x1, v1;
	(pc) =	sbr.rel @p0 .LBB2_14-.Ltmp10, $4  }
0x137: {  	v6 =	vadd.s32 v8, v6  }
0x138: {  	s23 =	sadd.s32 $0x10, s23  }
0x139: {  	v8 =	vor.u32 s23, v2  }
0x13a: {  	s24 =	sadd.s32 $0x10, s24;
	vm0 =	vlt.s32 v8, v4;
	vm1 =	vgt.s32 v7, v3  }
.LBB2_15:
0x13b: {  	vm0 =	vmand vm0, vm1  }
0x13c: {  	v4 =	vsel vm0, $0x1, v1  }
0x13d: {  	v6 =	vadd.s32 v4, v6  }
.LBB2_16:
0x13e: {  	(xrf0) =	vadd.scan.msk.s32 $0xffff, v6;
	_ =	sdelay $0x5  }
0x13f: {  	v4, _, _ =	vpop (xrf0)  }
0x140: {  	(v2sf) =	vpush v4, $0xF;
	_ =	sdelay $0xe  }
0x141: {  	s22 =	spop (v2sf)  }
0x142: {  	s22 =	ssub.s32 $0x20, s22  }
0x143: {  	s23 =	simm.s32 $0x1040;
	v6 =	vimm.s32 $0x0;
	v4 =	vmov s22;
	s22 =	simm.s32 $0x70  }
.LBB2_17:
0x144: {  	v7 =	vld [tilespmem:s23+$0xFFFFFFC0];
	_ =	sdelay $0x4  }
0x145: {  	vm1 =	veq.s32 v7, v3  }
0x146: {  	v8 =	vsel vm1, $0x1, v1  }
0x147: {  	(xrf0) =	vadd.scan.msk.s32 $0xffff, v8;
	_ =	sdelay $0x4  }
0x148: {  	v8 =	vsel vm1, $0xFFFFFFFF, v1  }
0x149: {  	s24 =	sadd.s32 $0xFFFFFF90, s22;
	v8 =	vadd.s32 v8, v5;
	v9, _, _ =	vpop (xrf0)  }
0x14a: {  	v10 =	vor.u32 s24, v2;
	v8 =	vadd.s32 v9, v8  }
0x14b: {  	vm0 =	vlt.s32 v8, v4;
	v8 =	vmul.u32 $0xC0FC0FC1, v10  }
0x14c: {  	vm2 =	vgt.s32 v7, v3;
	vm0 =	vmand vm1, vm0  }
0x14d: {  	vm0 =	vmor vm2, vm0;
	vm11 =	vle.u32 v8, $0x3F03F03  }
0x14e: {  	vm2 =	vmor vm11, vm0  }
0x14f: {  	v7 =	vsel vm2, $0x1, v1  }
0x150: {  	(xrf0) =	vadd.scan.msk.s32 $0xffff, v7;
	_ =	sdelay $0x4  }
0x151: {  	v7 =	vsel vm2, $0xFFFFFFFF, v1  }
0x152: {  	v7 =	vadd.s32 v7, v6;
	v8, _, _ =	vpop (xrf0)  }
0x153: {  	v7 =	vadd.s32 v8, v7  }
0x154: {  	vm12 =	vlt.s32 v7, $0x40  }
0x155: {  	vm0 =	vmand vm2, vm12;
	_ =	sdelay $0x5  }
0x156: {  	[tilespmem:v7+s20+$0x0] =	vst.idx.msk vm0, v10  }
0x157: {  	v7 =	vld [tilespmem:s23+$0xFFFFFFD0];
	_ =	sdelay $0x4  }
0x158: {  	vm13 =	veq.s32 v7, v3  }
0x159: {  	v8 =	vsel vm13, $0x1, v1  }
0x15a: {  	(xrf0) =	vadd.scan.msk.s32 $0xffff, v8;
	_ =	sdelay $0x2  }
0x15b: {  	v8 =	vmpcnt.ones.xlane vm1;
	_ =	sdelay $0x1  }
0x15c: {  	v5 =	vadd.s32 v5, v8;
	v8 =	vsel vm13, $0xFFFFFFFF, v1  }
0x15d: {  	s28 =	sadd.s32 $0xFFFFFFA0, s22;
	v8 =	vadd.s32 v8, v5;
	v49, _, _ =	vpop (xrf0)  }
0x15e: {  	v50 =	vor.u32 s28, v2;
	v8 =	vadd.s32 v49, v8  }
0x15f: {  	vm14 =	vlt.s32 v8, v4;
	v8 =	vmul.u32 $0xC0FC0FC1, v50  }
0x160: {  	vm3 =	vgt.s32 v7, v3;
	vm1 =	vmand vm13, vm14  }
0x161: {  	vm1 =	vmor vm3, vm1;
	vm15 =	vle.u32 v8, $0x3F03F03  }
0x162: {  	vm1 =	vmor vm15, vm1  }
0x163: {  	v7 =	vsel vm1, $0x1, v1  }
0x164: {  	(xrf0) =	vadd.scan.msk.s32 $0xffff, v7;
	_ =	sdelay $0x2  }
0x165: {  	v7 =	vmpcnt.ones.xlane vm2;
	_ =	sdelay $0x1  }
0x166: {  	v6 =	vadd.s32 v6, v7;
	v7 =	vsel vm1, $0xFFFFFFFF, v1  }
0x167: {  	v7 =	vadd.s32 v7, v6;
	v8, _, _ =	vpop (xrf0)  }
0x168: {  	v7 =	vadd.s32 v8, v7  }
0x169: {  	vm6 =	vlt.s32 v7, $0x40  }
0x16a: {  	vm2 =	vmand vm1, vm6;
	_ =	sdelay $0x5  }
0x16b: {  	[tilespmem:v7+s20+$0x0] =	vst.idx.msk vm2, v50  }
0x16c: {  	v7 =	vld [tilespmem:s23+$0xFFFFFFE0];
	_ =	sdelay $0x4  }
0x16d: {  	vm7 =	veq.s32 v7, v3  }
0x16e: {  	v8 =	vsel vm7, $0x1, v1  }
0x16f: {  	(xrf0) =	vadd.scan.msk.s32 $0xffff, v8;
	_ =	sdelay $0x2  }
0x170: {  	v8 =	vmpcnt.ones.xlane vm13;
	_ =	sdelay $0x1  }
0x171: {  	v5 =	vadd.s32 v5, v8;
	v8 =	vsel vm7, $0xFFFFFFFF, v1  }
0x172: {  	s29 =	sadd.s32 $0xFFFFFFB0, s22;
	v8 =	vadd.s32 v8, v5;
	v51, _, _ =	vpop (xrf0)  }
0x173: {  	v52 =	vor.u32 s29, v2;
	v8 =	vadd.s32 v51, v8  }
0x174: {  	vm8 =	vlt.s32 v8, v4;
	v8 =	vmul.u32 $0xC0FC0FC1, v52  }
0x175: {  	vm9 =	vgt.s32 v7, v3;
	vm0 =	vmand vm7, vm8  }
0x176: {  	vm0 =	vmor vm9, vm0;
	vm10 =	vle.u32 v8, $0x3F03F03  }
0x177: {  	vm0 =	vmor vm10, vm0  }
0x178: {  	v7 =	vsel vm0, $0x1, v1  }
0x179: {  	(xrf0) =	vadd.scan.msk.s32 $0xffff, v7;
	_ =	sdelay $0x2  }
0x17a: {  	v7 =	vmpcnt.ones.xlane vm1;
	_ =	sdelay $0x1  }
0x17b: {  	v6 =	vadd.s32 v6, v7;
	v7 =	vsel vm0, $0xFFFFFFFF, v1  }
0x17c: {  	v7 =	vadd.s32 v7, v6;
	v8, _, _ =	vpop (xrf0)  }
0x17d: {  	v7 =	vadd.s32 v8, v7  }
0x17e: {  	vm11 =	vlt.s32 v7, $0x40  }
0x17f: {  	vm1 =	vmand vm0, vm11;
	_ =	sdelay $0x5  }
0x180: {  	[tilespmem:v7+s20+$0x0] =	vst.idx.msk vm1, v52  }
0x181: {  	v7 =	vld [tilespmem:s23+$0xFFFFFFF0];
	_ =	sdelay $0x4  }
0x182: {  	vm12 =	veq.s32 v7, v3  }
0x183: {  	v8 =	vsel vm12, $0x1, v1  }
0x184: {  	(xrf0) =	vadd.scan.msk.s32 $0xffff, v8;
	_ =	sdelay $0x2  }
0x185: {  	v8 =	vmpcnt.ones.xlane vm7;
	_ =	sdelay $0x1  }
0x186: {  	v5 =	vadd.s32 v5, v8;
	v8 =	vsel vm12, $0xFFFFFFFF, v1  }
0x187: {  	s25 =	sadd.s32 $0xFFFFFFC0, s22;
	v8 =	vadd.s32 v8, v5;
	v53, _, _ =	vpop (xrf0)  }
0x188: {  	v54 =	vor.u32 s25, v2;
	v8 =	vadd.s32 v53, v8  }
0x189: {  	vm13 =	vlt.s32 v8, v4;
	v8 =	vmul.u32 $0xC0FC0FC1, v54  }
0x18a: {  	vm14 =	vgt.s32 v7, v3;
	vm2 =	vmand vm12, vm13  }
0x18b: {  	vm2 =	vmor vm14, vm2;
	vm15 =	vle.u32 v8, $0x3F03F03  }
0x18c: {  	vm2 =	vmor vm15, vm2  }
0x18d: {  	v7 =	vsel vm2, $0x1, v1  }
0x18e: {  	(xrf0) =	vadd.scan.msk.s32 $0xffff, v7;
	_ =	sdelay $0x2  }
0x18f: {  	v7 =	vmpcnt.ones.xlane vm0;
	_ =	sdelay $0x1  }
0x190: {  	v6 =	vadd.s32 v6, v7;
	v7 =	vsel vm2, $0xFFFFFFFF, v1  }
0x191: {  	v7 =	vadd.s32 v7, v6;
	v8, _, _ =	vpop (xrf0)  }
0x192: {  	v7 =	vadd.s32 v8, v7  }
0x193: {  	vm6 =	vlt.s32 v7, $0x40  }
0x194: {  	vm0 =	vmand vm2, vm6;
	_ =	sdelay $0x5  }
0x195: {  	[tilespmem:v7+s20+$0x0] =	vst.idx.msk vm0, v54  }
0x196: {  	v7 =	vld [tilespmem:s23+$0x0];
	_ =	sdelay $0x4  }
0x197: {  	vm7 =	veq.s32 v7, v3  }
0x198: {  	v8 =	vsel vm7, $0x1, v1  }
0x199: {  	(xrf0) =	vadd.scan.msk.s32 $0xffff, v8;
	_ =	sdelay $0x2  }
0x19a: {  	v8 =	vmpcnt.ones.xlane vm12;
	_ =	sdelay $0x1  }
0x19b: {  	v5 =	vadd.s32 v5, v8;
	v8 =	vsel vm7, $0xFFFFFFFF, v1  }
0x19c: {  	s26 =	sadd.s32 $0xFFFFFFD0, s22;
	v8 =	vadd.s32 v8, v5;
	v55, _, _ =	vpop (xrf0)  }
0x19d: {  	v56 =	vor.u32 s26, v2;
	v8 =	vadd.s32 v55, v8  }
0x19e: {  	vm8 =	vlt.s32 v8, v4;
	v8 =	vmul.u32 $0xC0FC0FC1, v56  }
0x19f: {  	vm9 =	vgt.s32 v7, v3;
	vm1 =	vmand vm7, vm8  }
0x1a0: {  	vm1 =	vmor vm9, vm1;
	vm10 =	vle.u32 v8, $0x3F03F03  }
0x1a1: {  	vm1 =	vmor vm10, vm1  }
0x1a2: {  	v7 =	vsel vm1, $0x1, v1  }
0x1a3: {  	(xrf0) =	vadd.scan.msk.s32 $0xffff, v7;
	_ =	sdelay $0x2  }
0x1a4: {  	v7 =	vmpcnt.ones.xlane vm2;
	_ =	sdelay $0x1  }
0x1a5: {  	v6 =	vadd.s32 v6, v7;
	v7 =	vsel vm1, $0xFFFFFFFF, v1  }
0x1a6: {  	v7 =	vadd.s32 v7, v6;
	v8, _, _ =	vpop (xrf0)  }
0x1a7: {  	v7 =	vadd.s32 v8, v7  }
0x1a8: {  	vm11 =	vlt.s32 v7, $0x40  }
0x1a9: {  	vm2 =	vmand vm1, vm11;
	_ =	sdelay $0x5  }
0x1aa: {  	[tilespmem:v7+s20+$0x0] =	vst.idx.msk vm2, v56  }
0x1ab: {  	v7 =	vld [tilespmem:s23+$0x10];
	_ =	sdelay $0x4  }
0x1ac: {  	vm12 =	veq.s32 v7, v3  }
0x1ad: {  	v8 =	vsel vm12, $0x1, v1  }
0x1ae: {  	(xrf0) =	vadd.scan.msk.s32 $0xffff, v8;
	_ =	sdelay $0x2  }
0x1af: {  	v8 =	vmpcnt.ones.xlane vm7;
	_ =	sdelay $0x1  }
0x1b0: {  	v5 =	vadd.s32 v5, v8;
	v8 =	vsel vm12, $0xFFFFFFFF, v1  }
0x1b1: {  	s28 =	sadd.s32 $0xFFFFFFE0, s22;
	v8 =	vadd.s32 v8, v5;
	v57, _, _ =	vpop (xrf0)  }
0x1b2: {  	v58 =	vor.u32 s28, v2;
	v8 =	vadd.s32 v57, v8  }
0x1b3: {  	vm13 =	vlt.s32 v8, v4;
	v8 =	vmul.u32 $0xC0FC0FC1, v58  }
0x1b4: {  	vm14 =	vgt.s32 v7, v3;
	vm0 =	vmand vm12, vm13  }
0x1b5: {  	vm0 =	vmor vm14, vm0;
	vm15 =	vle.u32 v8, $0x3F03F03  }
0x1b6: {  	vm0 =	vmor vm15, vm0  }
0x1b7: {  	v7 =	vsel vm0, $0x1, v1  }
0x1b8: {  	(xrf0) =	vadd.scan.msk.s32 $0xffff, v7;
	_ =	sdelay $0x2  }
0x1b9: {  	v7 =	vmpcnt.ones.xlane vm1;
	_ =	sdelay $0x1  }
0x1ba: {  	v6 =	vadd.s32 v6, v7;
	v7 =	vsel vm0, $0xFFFFFFFF, v1  }
0x1bb: {  	v7 =	vadd.s32 v7, v6;
	v8, _, _ =	vpop (xrf0)  }
0x1bc: {  	v7 =	vadd.s32 v8, v7  }
0x1bd: {  	vm5 =	vlt.s32 v7, $0x40  }
0x1be: {  	vm1 =	vmand vm0, vm5;
	_ =	sdelay $0x5  }
0x1bf: {  	[tilespmem:v7+s20+$0x0] =	vst.idx.msk vm1, v58  }
0x1c0: {  	v7 =	vld [tilespmem:s23+$0x20];
	_ =	sdelay $0x4  }
0x1c1: {  	vm6 =	veq.s32 v7, v3  }
0x1c2: {  	v8 =	vsel vm6, $0x1, v1  }
0x1c3: {  	(xrf0) =	vadd.scan.msk.s32 $0xffff, v8;
	_ =	sdelay $0x2  }
0x1c4: {  	v8 =	vmpcnt.ones.xlane vm12;
	_ =	sdelay $0x1  }
0x1c5: {  	v5 =	vadd.s32 v5, v8;
	v8 =	vsel vm6, $0xFFFFFFFF, v1  }
0x1c6: {  	s29 =	sadd.s32 $0xFFFFFFF0, s22;
	v8 =	vadd.s32 v8, v5;
	v59, _, _ =	vpop (xrf0)  }
0x1c7: {  	v60 =	vor.u32 s29, v2;
	v8 =	vadd.s32 v59, v8  }
0x1c8: {  	vm7 =	vlt.s32 v8, v4;
	v8 =	vmul.u32 $0xC0FC0FC1, v60  }
0x1c9: {  	vm8 =	vgt.s32 v7, v3;
	vm2 =	vmand vm6, vm7  }
0x1ca: {  	vm2 =	vmor vm8, vm2;
	vm9 =	vle.u32 v8, $0x3F03F03  }
0x1cb: {  	vm2 =	vmor vm9, vm2  }
0x1cc: {  	v7 =	vsel vm2, $0x1, v1  }
0x1cd: {  	(xrf0) =	vadd.scan.msk.s32 $0xffff, v7;
	_ =	sdelay $0x2  }
0x1ce: {  	v7 =	vmpcnt.ones.xlane vm0;
	_ =	sdelay $0x1  }
0x1cf: {  	v6 =	vadd.s32 v6, v7;
	v7 =	vsel vm2, $0xFFFFFFFF, v1  }
0x1d0: {  	v7 =	vadd.s32 v7, v6;
	v8, _, _ =	vpop (xrf0)  }
0x1d1: {  	v7 =	vadd.s32 v8, v7  }
0x1d2: {  	vm10 =	vlt.s32 v7, $0x40  }
0x1d3: {  	vm0 =	vmand vm2, vm10;
	_ =	sdelay $0x5  }
0x1d4: {  	[tilespmem:v7+s20+$0x0] =	vst.idx.msk vm0, v60  }
0x1d5: {  	v7 =	vld [tilespmem:s23+$0x30];
	_ =	sdelay $0x4  }
0x1d6: {  	vm11 =	veq.s32 v7, v3  }
0x1d7: {  	v8 =	vsel vm11, $0x1, v1  }
0x1d8: {  	(xrf0) =	vadd.scan.msk.s32 $0xffff, v8;
	_ =	sdelay $0x2  }
0x1d9: {  	v8 =	vmpcnt.ones.xlane vm6;
	_ =	sdelay $0x1  }
0x1da: {  	v5 =	vadd.s32 v5, v8;
	v8 =	vsel vm11, $0xFFFFFFFF, v1  }
0x1db: {  	v8 =	vadd.s32 v8, v5;
	v61, _, _ =	vpop (xrf0)  }
0x1dc: {  	v62 =	vor.u32 s22, v2;
	v8 =	vadd.s32 v61, v8  }
0x1dd: {  	vm12 =	vlt.s32 v8, v4;
	v8 =	vmul.u32 $0xC0FC0FC1, v62  }
0x1de: {  	vm13 =	vgt.s32 v7, v3;
	vm1 =	vmand vm11, vm12  }
0x1df: {  	vm1 =	vmor vm13, vm1;
	vm14 =	vle.u32 v8, $0x3F03F03  }
0x1e0: {  	vm1 =	vmor vm14, vm1  }
0x1e1: {  	v7 =	vsel vm1, $0x1, v1  }
0x1e2: {  	(xrf0) =	vadd.scan.msk.s32 $0xffff, v7;
	_ =	sdelay $0x2  }
0x1e3: {  	v7 =	vmpcnt.ones.xlane vm2;
	_ =	sdelay $0x1  }
0x1e4: {  	v6 =	vadd.s32 v6, v7;
	v7 =	vsel vm1, $0xFFFFFFFF, v1  }
0x1e5: {  	v7 =	vadd.s32 v7, v6;
	v8, _, _ =	vpop (xrf0)  }
0x1e6: {  	v7 =	vadd.s32 v8, v7  }
0x1e7: {  	vm15 =	vlt.s32 v7, $0x40  }
0x1e8: {  	vm2 =	vmand vm1, vm15  }
0x1e9: {  	p0 =	sne.s32 s22, $0xFF0  }
.Ltmp11:
0x1ea: {  	_ = 	snop;
	(pc) =	sbr.rel @p0 .LBB2_17-.Ltmp11, $3  }
0x1eb: {  	_ = 	snop  }
0x1ec: {  	v63 =	vmpcnt.ones.xlane vm11;
	v8 =	vmpcnt.ones.xlane vm1;
	_ =	sdelay $0x1  }
0x1ed: {  	s22 =	sadd.s32 $0x80, s22;
	s23 =	sadd.s32 $0x80, s23;
	v5 =	vadd.s32 v5, v63;
	v6 =	vadd.s32 v6, v8;
	[tilespmem:v7+s20+$0x0] =	vst.idx.msk vm2, v62  }
0x1ee: {  	[hbm4b:s6+s4] =	stream.linear.scatter [tilespmem:s20], [sflag:$0x4], $0x40, $0x38;
	[tilespmem:$0x1B100] =	vst v63  }
0x1ef: {  	_ =	swait.ge [sflag:s16], $0x40  }
0x1f0: {  	[sflag:s16] =	ssyncset.done $0x0  }
0x1f1: {  	[sflag:s16] =	ssyncadd.s32 $0xFFFFFFC0  }
0x1f2: {  	v3 =	vld [tilespmem:$0x3000];
	_ =	sdelay $0x4  }
0x1f3: {  	v4 =	vadd.s32 v0, v3  }
0x1f4: {  	v5 =	vshrl.u32 v4, $0x3  }
0x1f5: {  	v5 =	vmul.u32 $0x30, v5  }
0x1f6: {  	v6 =	vld [tilespmem:$0x3010];
	v3 =	vand.u32 $0x7, v3  }
0x1f7: {  	v52 =	vand.u32 $0x7, v2;
	v8 =	vshrl.u32 v2, $0x3;
	v7 =	vld [tilespmem:$0x3020];
	v3 =	vor.u32 v3, v5  }
0x1f8: {  	v8 =	vmul.u32 $0x8, v8;
	v9 =	vld [tilespmem:$0x3030];
	v10 =	vperm.xlane v3, v52;
	_ =	sdelay $0x1  }
0x1f9: {  	v10 =	vadd.s32 v8, v10  }
0x1fa: {  	v53 =	vadd.s32 v0, v6;
	[tilespmem:$0x3080] =	vst v4  }
0x1fb: {  	v54 =	vadd.s32 v0, v7;
	[tilespmem:$0x3090] =	vst v53  }
0x1fc: {  	v56 =	vor.u32 $0x8, v2;
	v55 =	vadd.s32 v0, v9;
	[tilespmem:$0x30A0] =	vst v54  }
0x1fd: {  	vm0 =	vmmov $0xffff;
	[tilespmem:$0x30B0] =	vst v55;
	v3 =	vperm.xlane v3, v56  }
0x1fe: {  	[tilespmem:s21], [sflag:$0x1] =	stream.indirect_vreg.gather [hbm4b:s0+s4], $0x80, v10, vm0, $0xb8;
	[tilespmem:$0x1B100] =	vst v63  }
0x1ff: {  	s22 =	simm.s32 $0x3900;
	v3 =	vadd.s32 v8, v3  }
0x200: {  	[tilespmem:s22], [sflag:$0x1] =	stream.indirect_vreg.gather [hbm4b:s7+s4], $0x80, v10, vm0, $0xb8;
	[tilespmem:$0x1B100] =	vst v63  }
0x201: {  	s29 =	simm.s32 $0x4100  }
0x202: {  	[tilespmem:s29], [sflag:$0x1] =	stream.indirect_vreg.gather [hbm4b:s8+s4], $0x80, v10, vm0, $0xb8;
	[tilespmem:$0x1B100] =	vst v63  }
0x203: {  	s23 =	simm.s32 $0x4900  }
0x204: {  	[tilespmem:s23], [sflag:$0x1] =	stream.indirect_vreg.gather [hbm4b:s0+s4], $0x80, v3, vm0, $0xb8;
	[tilespmem:$0x1B100] =	vst v63  }
0x205: {  	s24 =	simm.s32 $0x5100  }
0x206: {  	[tilespmem:s24], [sflag:$0x1] =	stream.indirect_vreg.gather [hbm4b:s7+s4], $0x80, v3, vm0, $0xb8;
	[tilespmem:$0x1B100] =	vst v63  }
0x207: {  	s25 =	simm.s32 $0x5900  }
0x208: {  	[tilespmem:s25], [sflag:$0x1] =	stream.indirect_vreg.gather [hbm4b:s8+s4], $0x80, v3, vm0, $0xb8;
	[tilespmem:$0x1B100] =	vst v63  }
0x209: {  	v3 =	vld [tilespmem:$0x3090];
	_ =	sdelay $0x4  }
0x20a: {  	v57 =	vshrl.u32 v3, $0x3  }
0x20b: {  	v4 =	vmul.u32 $0x30, v57  }
0x20c: {  	v3 =	vand.u32 $0x7, v3  }
0x20d: {  	v3 =	vor.u32 v3, v4  }
0x20e: {  	v4 =	vperm.xlane v3, v52;
	_ =	sdelay $0x1  }
0x20f: {  	v4 =	vadd.s32 v8, v4;
	_ =	sdelay $0x3  }
0x210: {  	s26 =	simm.s32 $0x6100;
	v3 =	vperm.xlane v3, v56  }
0x211: {  	[tilespmem:s26], [sflag:$0x1] =	stream.indirect_vreg.gather [hbm4b:s0+s4], $0x80, v4, vm0, $0xb8;
	[tilespmem:$0x1B100] =	vst v63  }
0x212: {  	s28 =	simm.s32 $0x6900;
	v3 =	vadd.s32 v8, v3  }
0x213: {  	[tilespmem:s28], [sflag:$0x1] =	stream.indirect_vreg.gather [hbm4b:s7+s4], $0x80, v4, vm0, $0xb8;
	[tilespmem:$0x1B100] =	vst v63  }
0x214: {  	s29 =	simm.s32 $0x7100  }
0x215: {  	[tilespmem:s29], [sflag:$0x1] =	stream.indirect_vreg.gather [hbm4b:s8+s4], $0x80, v4, vm0, $0xb8;
	[tilespmem:$0x1B100] =	vst v63  }
0x216: {  	s23 =	simm.s32 $0x7900  }
0x217: {  	[tilespmem:s23], [sflag:$0x1] =	stream.indirect_vreg.gather [hbm4b:s0+s4], $0x80, v3, vm0, $0xb8;
	[tilespmem:$0x1B100] =	vst v63  }
0x218: {  	s24 =	simm.s32 $0x8100  }
0x219: {  	[tilespmem:s24], [sflag:$0x1] =	stream.indirect_vreg.gather [hbm4b:s7+s4], $0x80, v3, vm0, $0xb8;
	[tilespmem:$0x1B100] =	vst v63  }
0x21a: {  	s25 =	simm.s32 $0x8900  }
0x21b: {  	[tilespmem:s25], [sflag:$0x1] =	stream.indirect_vreg.gather [hbm4b:s8+s4], $0x80, v3, vm0, $0xb8;
	[tilespmem:$0x1B100] =	vst v63  }
0x21c: {  	v3 =	vld [tilespmem:$0x30A0];
	_ =	sdelay $0x4  }
0x21d: {  	v58 =	vshrl.u32 v3, $0x3  }
0x21e: {  	v4 =	vmul.u32 $0x30, v58  }
0x21f: {  	v3 =	vand.u32 $0x7, v3  }
0x220: {  	v3 =	vor.u32 v3, v4  }
0x221: {  	v4 =	vperm.xlane v3, v52;
	_ =	sdelay $0x1  }
0x222: {  	v4 =	vadd.s32 v8, v4;
	_ =	sdelay $0x3  }
0x223: {  	s26 =	simm.s32 $0x9100;
	v3 =	vperm.xlane v3, v56  }
0x224: {  	[tilespmem:s26], [sflag:$0x1] =	stream.indirect_vreg.gather [hbm4b:s0+s4], $0x80, v4, vm0, $0xb8;
	[tilespmem:$0x1B100] =	vst v63  }
0x225: {  	s28 =	simm.s32 $0x9900;
	v3 =	vadd.s32 v8, v3  }
0x226: {  	[tilespmem:s28], [sflag:$0x1] =	stream.indirect_vreg.gather [hbm4b:s7+s4], $0x80, v4, vm0, $0xb8;
	[tilespmem:$0x1B100] =	vst v63  }
0x227: {  	s29 =	simm.s32 $0xA100  }
0x228: {  	[tilespmem:s29], [sflag:$0x1] =	stream.indirect_vreg.gather [hbm4b:s8+s4], $0x80, v4, vm0, $0xb8;
	[tilespmem:$0x1B100] =	vst v63  }
0x229: {  	s23 =	simm.s32 $0xA900  }
0x22a: {  	[tilespmem:s23], [sflag:$0x1] =	stream.indirect_vreg.gather [hbm4b:s0+s4], $0x80, v3, vm0, $0xb8;
	[tilespmem:$0x1B100] =	vst v63  }
0x22b: {  	s24 =	simm.s32 $0xB100  }
0x22c: {  	[tilespmem:s24], [sflag:$0x1] =	stream.indirect_vreg.gather [hbm4b:s7+s4], $0x80, v3, vm0, $0xb8;
	[tilespmem:$0x1B100] =	vst v63  }
0x22d: {  	s25 =	simm.s32 $0xB900  }
0x22e: {  	[tilespmem:s25], [sflag:$0x1] =	stream.indirect_vreg.gather [hbm4b:s8+s4], $0x80, v3, vm0, $0xb8;
	[tilespmem:$0x1B100] =	vst v63  }
0x22f: {  	v3 =	vld [tilespmem:$0x30B0];
	_ =	sdelay $0x4  }
0x230: {  	v59 =	vshrl.u32 v3, $0x3  }
0x231: {  	v4 =	vmul.u32 $0x30, v59  }
0x232: {  	v3 =	vand.u32 $0x7, v3  }
0x233: {  	v3 =	vor.u32 v3, v4  }
0x234: {  	v4 =	vperm.xlane v3, v52;
	_ =	sdelay $0x1  }
0x235: {  	v4 =	vadd.s32 v8, v4;
	_ =	sdelay $0x3  }
0x236: {  	s26 =	simm.s32 $0xC100;
	v3 =	vperm.xlane v3, v56  }
0x237: {  	[tilespmem:s26], [sflag:$0x1] =	stream.indirect_vreg.gather [hbm4b:s0+s4], $0x80, v4, vm0, $0xb8;
	[tilespmem:$0x1B100] =	vst v63  }
0x238: {  	s28 =	simm.s32 $0xC900;
	v3 =	vadd.s32 v8, v3  }
0x239: {  	[tilespmem:s28], [sflag:$0x1] =	stream.indirect_vreg.gather [hbm4b:s7+s4], $0x80, v4, vm0, $0xb8;
	[tilespmem:$0x1B100] =	vst v63  }
0x23a: {  	s29 =	simm.s32 $0xD100  }
0x23b: {  	[tilespmem:s29], [sflag:$0x1] =	stream.indirect_vreg.gather [hbm4b:s8+s4], $0x80, v4, vm0, $0xb8;
	[tilespmem:$0x1B100] =	vst v63  }
0x23c: {  	s23 =	simm.s32 $0xD900  }
0x23d: {  	[tilespmem:s23], [sflag:$0x1] =	stream.indirect_vreg.gather [hbm4b:s0+s4], $0x80, v3, vm0, $0xb8;
	[tilespmem:$0x1B100] =	vst v63  }
0x23e: {  	s24 =	simm.s32 $0xE100  }
0x23f: {  	[tilespmem:s24], [sflag:$0x1] =	stream.indirect_vreg.gather [hbm4b:s7+s4], $0x80, v3, vm0, $0xb8;
	[tilespmem:$0x1B100] =	vst v63  }
0x240: {  	s25 =	simm.s32 $0xE900  }
0x241: {  	[tilespmem:s25], [sflag:$0x1] =	stream.indirect_vreg.gather [hbm4b:s8+s4], $0x80, v3, vm0, $0xb8;
	[tilespmem:$0x1B100] =	vst v63  }
0x242: {  	v3 =	vld [tilespmem:$0x3000];
	_ =	sdelay $0x4  }
0x243: {  	v60 =	vshrl.u32 v3, $0x3  }
0x244: {  	v4 =	vmul.u32 $0x30, v60  }
0x245: {  	v3 =	vand.u32 $0x7, v3  }
0x246: {  	v3 =	vor.u32 v3, v4  }
0x247: {  	v4 =	vperm.xlane v3, v52;
	_ =	sdelay $0x1  }
0x248: {  	v4 =	vadd.s32 v8, v4;
	_ =	sdelay $0x3  }
0x249: {  	v3 =	vperm.xlane v3, v56  }
0x24a: {  	[tilespmem:s1], [sflag:$0x2] =	stream.indirect_vreg.gather [hbm4b:s2+s4], $0x80, v4, vm0, $0xb8;
	[tilespmem:$0x1B100] =	vst v63  }
0x24b: {  	s26 =	simm.s32 $0xF900;
	v3 =	vadd.s32 v8, v3  }
0x24c: {  	[tilespmem:s26], [sflag:$0x2] =	stream.indirect_vreg.gather [hbm4b:s9+s4], $0x80, v4, vm0, $0xb8;
	[tilespmem:$0x1B100] =	vst v63  }
0x24d: {  	s28 =	simm.s32 $0x10100  }
0x24e: {  	[tilespmem:s28], [sflag:$0x2] =	stream.indirect_vreg.gather [hbm4b:s10+s4], $0x80, v4, vm0, $0xb8;
	[tilespmem:$0x1B100] =	vst v63  }
0x24f: {  	s29 =	simm.s32 $0x10900  }
0x250: {  	[tilespmem:s29], [sflag:$0x2] =	stream.indirect_vreg.gather [hbm4b:s2+s4], $0x80, v3, vm0, $0xb8;
	[tilespmem:$0x1B100] =	vst v63  }
0x251: {  	s23 =	simm.s32 $0x11100  }
0x252: {  	[tilespmem:s23], [sflag:$0x2] =	stream.indirect_vreg.gather [hbm4b:s9+s4], $0x80, v3, vm0, $0xb8;
	[tilespmem:$0x1B100] =	vst v63  }
0x253: {  	s24 =	simm.s32 $0x11900  }
0x254: {  	[tilespmem:s24], [sflag:$0x2] =	stream.indirect_vreg.gather [hbm4b:s10+s4], $0x80, v3, vm0, $0xb8;
	[tilespmem:$0x1B100] =	vst v63  }
0x255: {  	v3 =	vld [tilespmem:$0x3010];
	_ =	sdelay $0x4  }
0x256: {  	v61 =	vshrl.u32 v3, $0x3  }
0x257: {  	v4 =	vmul.u32 $0x30, v61  }
0x258: {  	v3 =	vand.u32 $0x7, v3  }
0x259: {  	v3 =	vor.u32 v3, v4  }
0x25a: {  	v4 =	vperm.xlane v3, v52;
	_ =	sdelay $0x1  }
0x25b: {  	v4 =	vadd.s32 v8, v4;
	_ =	sdelay $0x3  }
0x25c: {  	s25 =	simm.s32 $0x12100;
	v3 =	vperm.xlane v3, v56  }
0x25d: {  	[tilespmem:s25], [sflag:$0x2] =	stream.indirect_vreg.gather [hbm4b:s2+s4], $0x80, v4, vm0, $0xb8;
	[tilespmem:$0x1B100] =	vst v63  }
0x25e: {  	s26 =	simm.s32 $0x12900;
	v3 =	vadd.s32 v8, v3  }
0x25f: {  	[tilespmem:s26], [sflag:$0x2] =	stream.indirect_vreg.gather [hbm4b:s9+s4], $0x80, v4, vm0, $0xb8;
	[tilespmem:$0x1B100] =	vst v63  }
0x260: {  	s28 =	simm.s32 $0x13100  }
0x261: {  	[tilespmem:s28], [sflag:$0x2] =	stream.indirect_vreg.gather [hbm4b:s10+s4], $0x80, v4, vm0, $0xb8;
	[tilespmem:$0x1B100] =	vst v63  }
0x262: {  	s29 =	simm.s32 $0x13900  }
0x263: {  	[tilespmem:s29], [sflag:$0x2] =	stream.indirect_vreg.gather [hbm4b:s2+s4], $0x80, v3, vm0, $0xb8;
	[tilespmem:$0x1B100] =	vst v63  }
0x264: {  	s23 =	simm.s32 $0x14100  }
0x265: {  	[tilespmem:s23], [sflag:$0x2] =	stream.indirect_vreg.gather [hbm4b:s9+s4], $0x80, v3, vm0, $0xb8;
	[tilespmem:$0x1B100] =	vst v63  }
0x266: {  	s24 =	simm.s32 $0x14900  }
0x267: {  	[tilespmem:s24], [sflag:$0x2] =	stream.indirect_vreg.gather [hbm4b:s10+s4], $0x80, v3, vm0, $0xb8;
	[tilespmem:$0x1B100] =	vst v63  }
0x268: {  	v3 =	vld [tilespmem:$0x3020];
	_ =	sdelay $0x4  }
0x269: {  	v62 =	vshrl.u32 v3, $0x3  }
0x26a: {  	v4 =	vmul.u32 $0x30, v62  }
0x26b: {  	v3 =	vand.u32 $0x7, v3  }
0x26c: {  	v3 =	vor.u32 v3, v4  }
0x26d: {  	v4 =	vperm.xlane v3, v52;
	_ =	sdelay $0x1  }
0x26e: {  	v4 =	vadd.s32 v8, v4;
	_ =	sdelay $0x3  }
0x26f: {  	s25 =	simm.s32 $0x15100;
	v3 =	vperm.xlane v3, v56  }
0x270: {  	[tilespmem:s25], [sflag:$0x2] =	stream.indirect_vreg.gather [hbm4b:s2+s4], $0x80, v4, vm0, $0xb8;
	[tilespmem:$0x1B100] =	vst v63  }
0x271: {  	s26 =	simm.s32 $0x15900;
	v3 =	vadd.s32 v8, v3  }
0x272: {  	[tilespmem:s26], [sflag:$0x2] =	stream.indirect_vreg.gather [hbm4b:s9+s4], $0x80, v4, vm0, $0xb8;
	[tilespmem:$0x1B100] =	vst v63  }
0x273: {  	s28 =	simm.s32 $0x16100  }
0x274: {  	[tilespmem:s28], [sflag:$0x2] =	stream.indirect_vreg.gather [hbm4b:s10+s4], $0x80, v4, vm0, $0xb8;
	[tilespmem:$0x1B100] =	vst v63  }
0x275: {  	s29 =	simm.s32 $0x16900  }
0x276: {  	[tilespmem:s29], [sflag:$0x2] =	stream.indirect_vreg.gather [hbm4b:s2+s4], $0x80, v3, vm0, $0xb8;
	[tilespmem:$0x1B100] =	vst v63  }
0x277: {  	s23 =	simm.s32 $0x17100  }
0x278: {  	[tilespmem:s23], [sflag:$0x2] =	stream.indirect_vreg.gather [hbm4b:s9+s4], $0x80, v3, vm0, $0xb8;
	[tilespmem:$0x1B100] =	vst v63  }
0x279: {  	s24 =	simm.s32 $0x17900  }
0x27a: {  	[tilespmem:s24], [sflag:$0x2] =	stream.indirect_vreg.gather [hbm4b:s10+s4], $0x80, v3, vm0, $0xb8;
	[tilespmem:$0x1B100] =	vst v63  }
0x27b: {  	v3 =	vld [tilespmem:$0x3030];
	_ =	sdelay $0x4  }
0x27c: {  	v63 =	vshrl.u32 v3, $0x3  }
0x27d: {  	v4 =	vmul.u32 $0x30, v63  }
0x27e: {  	v3 =	vand.u32 $0x7, v3  }
0x27f: {  	v3 =	vor.u32 v3, v4  }
0x280: {  	v4 =	vperm.xlane v3, v52;
	_ =	sdelay $0x1  }
0x281: {  	v4 =	vadd.s32 v8, v4;
	_ =	sdelay $0x3  }
0x282: {  	s25 =	simm.s32 $0x18100;
	v3 =	vperm.xlane v3, v56  }
0x283: {  	[tilespmem:s25], [sflag:$0x2] =	stream.indirect_vreg.gather [hbm4b:s2+s4], $0x80, v4, vm0, $0xb8;
	[tilespmem:$0x1B100] =	vst v63  }
0x284: {  	s26 =	simm.s32 $0x18900;
	v3 =	vadd.s32 v8, v3  }
0x285: {  	[tilespmem:s26], [sflag:$0x2] =	stream.indirect_vreg.gather [hbm4b:s9+s4], $0x80, v4, vm0, $0xb8;
	[tilespmem:$0x1B100] =	vst v63  }
0x286: {  	s28 =	simm.s32 $0x19100  }
0x287: {  	[tilespmem:s28], [sflag:$0x2] =	stream.indirect_vreg.gather [hbm4b:s10+s4], $0x80, v4, vm0, $0xb8;
	[tilespmem:$0x1B100] =	vst v63  }
0x288: {  	s29 =	simm.s32 $0x19900  }
0x289: {  	[tilespmem:s29], [sflag:$0x2] =	stream.indirect_vreg.gather [hbm4b:s2+s4], $0x80, v3, vm0, $0xb8;
	[tilespmem:$0x1B100] =	vst v63  }
0x28a: {  	_ = 	snop  }
0x28b: {  	[tilespmem:s30], [sflag:$0x2] =	stream.indirect_vreg.gather [hbm4b:s9+s4], $0x80, v3, vm0, $0xb8;
	[tilespmem:$0x1B100] =	vst v63  }
0x28c: {  	_ = 	snop  }
0x28d: {  	[tilespmem:s31], [sflag:$0x2] =	stream.indirect_vreg.gather [hbm4b:s10+s4], $0x80, v3, vm0, $0xb8;
	[tilespmem:$0x1B100] =	vst v63  }
0x28e: {  	_ =	swait.ge [sflag:s18], $0xC000  }
0x28f: {  	[sflag:s18] =	ssyncset.done $0x0  }
0x290: {  	[sflag:s18] =	ssyncadd.s32 $0xFFFF4000  }
0x291: {  	[hbm4b:s11+s4] =	stream.linear.scatter [tilespmem:s21], [sflag:$0x3], $0xC000, $0x38;
	[tilespmem:$0x1B100] =	vst v63  }
0x292: {  	_ =	swait.ge [sflag:s3], $0xC000  }
0x293: {  	[sflag:s3] =	ssyncset.done $0x0  }
0x294: {  	s15 =	sadd.s32 $0x1, s15;
	[sflag:s3] =	ssyncadd.s32 $0xFFFF4000  }
0x295: {  	[hbm4b:s12+s4] =	stream.linear.scatter [tilespmem:s1], [sflag:$0x1], $0xC000, $0x38;
	[tilespmem:$0x1B100] =	vst v63  }
0x296: {  	p0 =	sne.s32 s15, s13;
	_ =	swait.ge [sflag:s14], $0xC000  }
.Ltmp12:
0x297: {  	[sflag:s14] =	ssyncset.done $0x0;
	(pc) =	sbr.rel @p0 .LBB2_1-.Ltmp12, $4  }
0x298: {  	[sflag:s14] =	ssyncadd.s32 $0xFFFF4000  }
0x299: {  	_ =	swait.ge [sflag:s18], $0xC000  }
0x29a: {  	[sflag:s18] =	ssyncset.done $0x0  }
0x29b: {  	[sflag:s18] =	ssyncadd.s32 $0xFFFF4000  }
0x29c: {  	_ =	sfence.sel $0x180000  }
0x29d: {  	[bflag:$0x0] =	sbarrier.arrive $0xFFFF  }
0x29e: {  	_ =	strace $0x90000047  }
0x29f: {  	s0 =	stileid.u32;
	[bflag:$0x2] =	sbarrier.arrive $0xFFFF  }
0x2a0: {  	p0 =	sne.s32 s0, $0x0;
	s0 =	rddreg [dreg:$0x6]  }
0x2a1: {  	s0 =	sadd.s32 @!p0 $0x100000, s0  }
0x2a2: {  	[sflag:s0] =	ssyncadd.tile.s32 @!p0 $0x1;
	_ =	shalt  }
.Lfunc_end2:
_tile_overlayer_lowered:
.L_overlay_start_2:
0x2a3: {  	(tag) =	ssettag $0x2  }
0x2a4: {  	s0 =	rddreg [dreg:$0x0];
	s2 =	stileid.u32  }
0x2a5: {  	s1 =	rddreg [dreg:$0x1];
	p0 =	sne.s32 s2, $0x0  }
0x2a6: {  	s3 =	rddreg [dreg:$0x2];
	[bflag:$0x3] =	sbarrier.arrive $0xFFFF;
	s2 =	simm.s32 @!p0 $0x1C04  }
0x2a7: {  	[timem:s3], [sflag:s2] =	dma.local @!p0 [hbm:s0], s1  }
0x2a8: {  	s0 =	simm.s32 @!p0 $0x4  }
0x2a9: {  	_ =	swait.ge @!p0 [sflag:s0], s1  }
0x2aa: {  	s1 =	ssub.s32 @!p0 $0x0, s1;
	[sflag:s0] =	ssyncset.done @!p0 $0x0  }
0x2ab: {  	[sflag:s0] =	ssyncadd.s32 @!p0 s1  }
0x2ac: {  	[bflag:$0x3] =	sbarrier.arrive $0xFFFF  }
0x2ad: {  	_ =	shalt  }

</sc_bundles>
